<compile_context>
chip_gen: v7x
topology: tpu7x:2x2x1
jax: 0.10.2.dev20260603
libtpu: 0.0.44.dev20260713+nightly
codegen_flags: <defaults>
</compile_context>

<pallas_src>
import functools

import jax
import jax.numpy as jnp
from jax import lax
from jax.experimental import pallas as pl
from jax.experimental.pallas import tpu as pltpu
from jax.experimental.pallas import tpu_sc as plsc

N = 10000
E = 320000
D = 128
H = 64
C = 40
CP = 64

NC = 2
NS = 16
NW = NC * NS
EPT = E // NW
CH = 125
NCHUNK = EPT // CH
RPT = N // NS
RING = 8
LAG = 6

_SC_MESH = dict(core_axis_name="c", subcore_axis_name="s", num_cores=NC,
                num_subcores=NS)


NP = 10240
_DROWS = NP // 16
_DPT = _DROWS // NS


def _sc_degree(col_d):
    def body(col_hbm, deg_hbm, colidx_v, hist_v, idx_v, acc_sh):
        cid = lax.axis_index("c")
        sid = lax.axis_index("s")
        wid = cid * NS + sid

        zero16 = jnp.zeros((16,), jnp.float32)

        def zrow(i, _):
            hist_v[i, :] = zero16
            return 0
        lax.fori_loop(0, _DROWS, zrow, 0, unroll=8)

        iota = lax.iota(jnp.int32, 16)

        def irow(c, _):
            def icol(i, _):
                idx_v[c, pl.ds(i * 16, 16)] = iota + (c * 128 + i * 16)
                return 0
            return lax.fori_loop(0, 8, icol, 0)
        lax.fori_loop(0, 5, irow, 0)

        pltpu.sync_copy(hist_v.at[pl.ds(0, _DPT)],
                        acc_sh.at[pl.ds(sid * _DPT, _DPT)])

        pltpu.sync_copy(col_hbm.at[wid], colidx_v)
        plsc.subcore_barrier()

        ones = jnp.ones((16,), jnp.float32)

        def vec(j, _):
            idx = colidx_v[j, :]
            plsc.addupdate_scatter(hist_v, [idx >> 4, idx & 15], ones)
            return 0
        lax.fori_loop(0, EPT // 16, vec, 0, unroll=8)

        for c in range(5):
            pltpu.sync_copy(hist_v.at[pl.ds(c * 128, 128)],
                            acc_sh.at[idx_v.at[c]], add=True)
        plsc.subcore_barrier()
        pltpu.sync_copy(acc_sh.at[pl.ds(sid * _DPT, _DPT)],
                        deg_hbm.at[cid, sid])

    return pl.kernel(
        body,
        out_type=jax.ShapeDtypeStruct((NC, NS, _DPT, 16), jnp.float32),
        mesh=plsc.VectorSubcoreMesh(**_SC_MESH),
        compiler_params=pltpu.CompilerParams(needs_layout_passes=False,
                                             use_tc_tiling_on_sc=False),
        scratch_types=[
            pltpu.VMEM((EPT // 16, 16), jnp.int32),
            pltpu.VMEM((_DROWS, 16), jnp.float32),
            pltpu.VMEM((5, 128), jnp.int32),
            pltpu.VMEM_SHARED((_DROWS, 16), jnp.float32),
        ],
    )(col_d)


def _sc_propagate(z, row_r, col_r, feat):
    def body(z_hbm, row_hbm, col_hbm, out_hbm, rowidx_v, colidx_v, rows_v,
             zbuf_v, acc_sh, gsem, ssem):
        cid = lax.axis_index("c")
        sid = lax.axis_index("s")
        wid = cid * NS + sid

        rowcp = pltpu.async_copy(row_hbm.at[wid], rowidx_v, gsem.at[0])
        colcp = pltpu.async_copy(col_hbm.at[wid], colidx_v, gsem.at[1])

        def zrow(i, _):
            def zcol(j, _):
                zbuf_v[i, pl.ds(j * 32, 32)] = jnp.zeros((32,), jnp.bfloat16)
                return 0
            return lax.fori_loop(0, feat // 32, zcol, 0)
        lax.fori_loop(0, 25, zrow, 0)

        def zcopy(k, _):
            pltpu.sync_copy(zbuf_v, acc_sh.at[pl.ds(sid * RPT + k * 25, 25)])
            return 0
        lax.fori_loop(0, RPT // 25, zcopy, 0)

        rowcp.wait()
        colcp.wait()
        plsc.subcore_barrier()

        def issue_gather(j, b):
            pltpu.async_copy(z_hbm.at[rowidx_v.at[j]], rows_v.at[b],
                             gsem.at[b])

        def wait_gather(j, b):
            pltpu.make_async_copy(z_hbm.at[rowidx_v.at[j]], rows_v.at[b],
                                  gsem.at[b]).wait()

        def issue_scatter(j, b):
            pltpu.async_copy(rows_v.at[b], acc_sh.at[colidx_v.at[j]],
                             ssem.at[b], add=True)

        def wait_scatter(j, b):
            pltpu.make_async_copy(rows_v.at[b], acc_sh.at[colidx_v.at[j]],
                                  ssem.at[b]).wait()

        for j in range(LAG):
            issue_gather(j, j % RING)

        def outer(g, _):
            for b in range(RING):
                j = g * RING + b
                wait_gather(j, b)
                issue_scatter(j, b)
                jg = j + LAG
                bg = (b + LAG) % RING

                @pl.when(jg >= RING)
                def _():
                    wait_scatter(jg - RING, bg)

                @pl.when(jg < NCHUNK)
                def _():
                    issue_gather(jg, bg)
            return 0
        lax.fori_loop(0, NCHUNK // RING, outer, 0)

        for j in range(NCHUNK - (RING - LAG), NCHUNK):
            wait_scatter(j, j % RING)

        plsc.subcore_barrier()
        pltpu.sync_copy(acc_sh.at[pl.ds(sid * RPT, RPT)],
                        out_hbm.at[cid, sid])

    return pl.kernel(
        body,
        out_type=jax.ShapeDtypeStruct((NC, NS, RPT, feat), jnp.bfloat16),
        mesh=plsc.VectorSubcoreMesh(**_SC_MESH),
        compiler_params=pltpu.CompilerParams(needs_layout_passes=False,
                                             use_tc_tiling_on_sc=False),
        scratch_types=[
            pltpu.VMEM((NCHUNK, CH), jnp.int32),
            pltpu.VMEM((NCHUNK, CH), jnp.int32),
            pltpu.VMEM((RING, CH, feat), jnp.bfloat16),
            pltpu.VMEM((25, feat), jnp.bfloat16),
            pltpu.VMEM_SHARED((N, feat), jnp.bfloat16),
            pltpu.SemaphoreType.DMA((RING,)),
            pltpu.SemaphoreType.DMA((RING,)),
        ],
    )(z, row_r, col_r)


_BLK = 1000
_GRID = N // _BLK


def _tc_stage1(x, W1, degp):
    def body(x_ref, w1_ref, p_ref, z1p_ref, dinv_ref):
        deg = 1.0 + p_ref[0] + p_ref[1]
        dinv = lax.rsqrt(deg)
        z = jnp.dot(x_ref[...], w1_ref[...],
                    preferred_element_type=jnp.float32)
        z1p_ref[...] = (z * dinv).astype(jnp.bfloat16)
        dinv_ref[...] = dinv

    return pl.pallas_call(
        body,
        grid=(_GRID,),
        in_specs=[
            pl.BlockSpec((_BLK, D), lambda i: (i, 0)),
            pl.BlockSpec((D, H), lambda i: (0, 0)),
            pl.BlockSpec((NC, _BLK, 1), lambda i: (0, i, 0)),
        ],
        out_specs=[
            pl.BlockSpec((_BLK, H), lambda i: (i, 0)),
            pl.BlockSpec((_BLK, 1), lambda i: (i, 0)),
        ],
        out_shape=[
            jax.ShapeDtypeStruct((N, H), jnp.bfloat16),
            jax.ShapeDtypeStruct((N, 1), jnp.float32),
        ],
    )(x, W1, degp)


def _tc_stage2(out1, z1p, dinv, b1, W2p):
    def body(p_ref, z1p_ref, dinv_ref, b1_ref, w2_ref, z2p_ref):
        dinv = dinv_ref[...]
        s = (p_ref[0].astype(jnp.float32) + p_ref[1].astype(jnp.float32)
             + z1p_ref[...].astype(jnp.float32))
        h = jnp.maximum(s * dinv + b1_ref[...], 0.0)
        z2 = jnp.dot(h, w2_ref[...], preferred_element_type=jnp.float32)
        z2p_ref[...] = (z2 * dinv).astype(jnp.bfloat16)

    return pl.pallas_call(
        body,
        grid=(_GRID,),
        in_specs=[
            pl.BlockSpec((NC, _BLK, H), lambda i: (0, i, 0)),
            pl.BlockSpec((_BLK, H), lambda i: (i, 0)),
            pl.BlockSpec((_BLK, 1), lambda i: (i, 0)),
            pl.BlockSpec((1, H), lambda i: (0, 0)),
            pl.BlockSpec((H, CP), lambda i: (0, 0)),
        ],
        out_specs=pl.BlockSpec((_BLK, CP), lambda i: (i, 0)),
        out_shape=jax.ShapeDtypeStruct((N, CP), jnp.bfloat16),
    )(out1, z1p, dinv, b1, W2p)


def _tc_stage3(out2, z2p, dinv, b2p):
    def body(p_ref, z2p_ref, dinv_ref, b2_ref, out_ref):
        s = (p_ref[0].astype(jnp.float32) + p_ref[1].astype(jnp.float32)
             + z2p_ref[...].astype(jnp.float32))
        full = s * dinv_ref[...] + b2_ref[...]
        out_ref[...] = full[:, :C]

    return pl.pallas_call(
        body,
        grid=(_GRID,),
        in_specs=[
            pl.BlockSpec((NC, _BLK, CP), lambda i: (0, i, 0)),
            pl.BlockSpec((_BLK, CP), lambda i: (i, 0)),
            pl.BlockSpec((_BLK, 1), lambda i: (i, 0)),
            pl.BlockSpec((1, CP), lambda i: (0, 0)),
        ],
        out_specs=pl.BlockSpec((_BLK, C), lambda i: (i, 0)),
        out_shape=jax.ShapeDtypeStruct((N, C), jnp.float32),
    )(out2, z2p, dinv, b2p)


def kernel(x, edge_index, W1, b1, W2, b2):
    ei = edge_index.astype(jnp.int32)
    row_r = ei[0].reshape(NW, NCHUNK, CH)
    col_r = ei[1].reshape(NW, NCHUNK, CH)
    col_d = ei[1].reshape(NW, EPT // 16, 16)

    degp = _sc_degree(col_d).reshape(NC, NP, 1)

    z1p, dinv = _tc_stage1(x, W1, degp)
    out1 = _sc_propagate(z1p, row_r, col_r, H).reshape(NC, N, H)

    W2p = jnp.pad(W2, ((0, 0), (0, CP - C)))
    b2p = jnp.pad(b2, (0, CP - C)).reshape(1, CP)
    z2p = _tc_stage2(out1, z1p, dinv, b1.reshape(1, H), W2p)

    out2 = _sc_propagate(z2p, row_r, col_r, CP).reshape(NC, N, CP)
    logits = _tc_stage3(out2, z2p, dinv, b2p)
    return logits

# --- scband reference (transcript-rebuilt; emitter-appended) ---
"""Pipeline reference for scband-gnnsafe-14602888806541 (READ-ONLY COPY).

The authoritative reference and input builder live on the scoring server;
editing this copy changes nothing except your own understanding.
"""

import jax, jax.numpy as jnp
import numpy as np

N = 10000
E = 320000
D = 128
H = 64
C = 40


def setup_inputs(seed: int = 0) -> dict:
    key = jax.random.key(seed)
    k1, k2, k3, k4, k5, k6 = jax.random.split(key, 6)
    x = jax.random.normal(k1, (N, D), dtype=jnp.float32)
    edge_index = jax.random.randint(k2, (2, E), 0, N)
    W1 = jax.random.normal(k3, (D, H), dtype=jnp.float32) * (1.0 / np.sqrt(D))
    b1 = jnp.zeros((H,), dtype=jnp.float32)
    W2 = jax.random.normal(k4, (H, C), dtype=jnp.float32) * (1.0 / np.sqrt(H))
    b2 = jnp.zeros((C,), dtype=jnp.float32)
    return {"x": x, "edge_index": edge_index, "W1": W1, "b1": b1, "W2": W2, "b2": b2}


def reference(x, edge_index, W1, b1, W2, b2):
    # GNNSafe.forward -> self.encoder(x, edge_index) with a 2-layer GCN backbone
    # (use_bn=False, dropout=0.0, eval mode). Each GCNConv (PyG-style):
    #   h = x @ W; add self-loops; symmetric normalization D^-1/2 (A+I) D^-1/2;
    #   scatter-add messages to destination nodes; add bias.
    loops = jnp.arange(N, dtype=edge_index.dtype)
    row = jnp.concatenate([edge_index[0], loops])
    col = jnp.concatenate([edge_index[1], loops])
    deg = jax.ops.segment_sum(jnp.ones(row.shape[0], dtype=x.dtype), col, num_segments=N)
    dinv = jnp.where(deg > 0, 1.0 / jnp.sqrt(deg), 0.0)
    norm = dinv[row] * dinv[col]

    def gcn_conv(h, W, b):
        h = h @ W
        msg = h[row] * norm[:, None]
        out = jax.ops.segment_sum(msg, col, num_segments=N)
        return out + b

    h = jax.nn.relu(gcn_conv(x, W1, b1))
    logits = gcn_conv(h, W2, b2)
    return logits

if __name__ == "__main__":
    import jax
    _d = setup_inputs()
    print(jax.jit(kernel)(*tuple(_d.values())))

</pallas_src>

<mosaic_0001>
#map = affine_map<(d0, d1) -> (0, 0)>
#map1 = affine_map<(d0, d1) -> (0, 0, 0)>
#map2 = affine_map<(d0, d1) -> (0, 0, 0, 0)>
module attributes {stable_mosaic.version = 14 : i64} {
  func.func @body(%arg0: i32, %arg1: i32, %arg2: memref<10000x64xbf16, #tpu.memory_space<hbm>>, %arg3: memref<32x80x125xi32, #tpu.memory_space<hbm>>, %arg4: memref<32x80x125xi32, #tpu.memory_space<hbm>>, %arg5: memref<2x16x625x64xbf16, #tpu.memory_space<hbm>>, %arg6: memref<80x125xi32, #tpu.memory_space<vmem>>, %arg7: memref<80x125xi32, #tpu.memory_space<vmem>>, %arg8: memref<8x125x64xbf16, #tpu.memory_space<vmem>>, %arg9: memref<25x64xbf16, #tpu.memory_space<vmem>>, %arg10: memref<10000x64xbf16, #tpu.memory_space<vmem_shared>>, %arg11: memref<8x!tpu.dma_semaphore, #tpu.memory_space<semaphore_mem>>, %arg12: memref<8x!tpu.dma_semaphore, #tpu.memory_space<semaphore_mem>>) attributes {dimension_semantics = [#tpu.dimension_semantics<core_parallel>, #tpu.dimension_semantics<subcore_parallel>], iteration_bounds = array<i64: 2, 16>, scalar_prefetch = 0 : i64, scratch_operands = 7 : i64, tpu.core_type = #tpu.core_type<sc_vector_subcore>, window_params = [{transform_indices = #map}, {transform_indices = #map1}, {transform_indices = #map1}, {transform_indices = #map2}]} {
    %mul3A = arith.constant 16 : i32
    %mul3A_0 = arith.muli %arg0, %mul3A : i32
    %add3A = arith.addi %mul3A_0, %arg1 : i32
    %dma_start3A = arith.constant 0 : i32
    %dma_start3A_1 = arith.constant 0 : i32
    %dma_start3A_2 = arith.constant 0 : i32
    %dma_start3A_3 = tpu.memref_slice %arg3[%add3A, %dma_start3A_1, %dma_start3A_2] : memref<32x80x125xi32, #tpu.memory_space<hbm>> -> memref<1x80x125xi32, #tpu.memory_space<hbm>>
    %dma_start3A_4 = tpu.memref_squeeze %dma_start3A_3 : memref<1x80x125xi32, #tpu.memory_space<hbm>> -> memref<80x125xi32, #tpu.memory_space<hbm>>
    %dma_start3A_5 = tpu.memref_slice %arg11[%dma_start3A] : memref<8x!tpu.dma_semaphore, #tpu.memory_space<semaphore_mem>> -> memref<1x!tpu.dma_semaphore, #tpu.memory_space<semaphore_mem>>
    %dma_start3A_6 = tpu.memref_squeeze %dma_start3A_5 : memref<1x!tpu.dma_semaphore, #tpu.memory_space<semaphore_mem>> -> memref<!tpu.dma_semaphore, #tpu.memory_space<semaphore_mem>>
    %dma_start3A_7 = arith.constant 0 : i32
    %dma_start3A_8 = arith.constant 0 : i32
    %dma_start3A_9 = tpu.memref_slice %arg3[%add3A, %dma_start3A_7, %dma_start3A_8] : memref<32x80x125xi32, #tpu.memory_space<hbm>> -> memref<1x80x125xi32, #tpu.memory_space<hbm>>
    %dma_start3A_10 = tpu.memref_squeeze %dma_start3A_9 : memref<1x80x125xi32, #tpu.memory_space<hbm>> -> memref<80x125xi32, #tpu.memory_space<hbm>>
    tpu.enqueue_dma source(%dma_start3A_10 : memref<80x125xi32, #tpu.memory_space<hbm>>) target(%arg6 : memref<80x125xi32, #tpu.memory_space<vmem>>) target_semaphore(%dma_start3A_6 : memref<!tpu.dma_semaphore, #tpu.memory_space<semaphore_mem>>)
    %dma_start3A_11 = arith.constant 1 : i32
    %dma_start3A_12 = arith.constant 0 : i32
    %dma_start3A_13 = arith.constant 0 : i32
    %dma_start3A_14 = tpu.memref_slice %arg4[%add3A, %dma_start3A_12, %dma_start3A_13] : memref<32x80x125xi32, #tpu.memory_space<hbm>> -> memref<1x80x125xi32, #tpu.memory_space<hbm>>
    %dma_start3A_15 = tpu.memref_squeeze %dma_start3A_14 : memref<1x80x125xi32, #tpu.memory_space<hbm>> -> memref<80x125xi32, #tpu.memory_space<hbm>>
    %dma_start3A_16 = tpu.memref_slice %arg11[%dma_start3A_11] : memref<8x!tpu.dma_semaphore, #tpu.memory_space<semaphore_mem>> -> memref<1x!tpu.dma_semaphore, #tpu.memory_space<semaphore_mem>>
    %dma_start3A_17 = tpu.memref_squeeze %dma_start3A_16 : memref<1x!tpu.dma_semaphore, #tpu.memory_space<semaphore_mem>> -> memref<!tpu.dma_semaphore, #tpu.memory_space<semaphore_mem>>
    %dma_start3A_18 = arith.constant 0 : i32
    %dma_start3A_19 = arith.constant 0 : i32
    %dma_start3A_20 = tpu.memref_slice %arg4[%add3A, %dma_start3A_18, %dma_start3A_19] : memref<32x80x125xi32, #tpu.memory_space<hbm>> -> memref<1x80x125xi32, #tpu.memory_space<hbm>>
    %dma_start3A_21 = tpu.memref_squeeze %dma_start3A_20 : memref<1x80x125xi32, #tpu.memory_space<hbm>> -> memref<80x125xi32, #tpu.memory_space<hbm>>
    tpu.enqueue_dma source(%dma_start3A_21 : memref<80x125xi32, #tpu.memory_space<hbm>>) target(%arg7 : memref<80x125xi32, #tpu.memory_space<vmem>>) target_semaphore(%dma_start3A_17 : memref<!tpu.dma_semaphore, #tpu.memory_space<semaphore_mem>>)
    %scan3A = arith.constant 0 : i32
    %scan3A_22 = arith.constant 0 : i32
    %scan3A_23 = arith.constant 25 : i32
    %scan3A_24 = arith.addi %scan3A_22, %scan3A_23 : i32
    %scan3A_25 = arith.constant 1 : i32
    %scan3A_26 = scf.for %scan3A_186 = %scan3A_22 to %scan3A_24 step %scan3A_25 iter_args(%scan3A_187 = %scan3A) -> (i32)  : i32 {
      %scan3A_188 = arith.constant 0 : i32
      %scan3A_189 = arith.constant 0 : i32
      %scan3A_190 = arith.constant 2 : i32
      %scan3A_191 = arith.addi %scan3A_189, %scan3A_190 : i32
      %scan3A_192 = arith.constant 1 : i32
      %scan3A_193 = scf.for %scan3A_195 = %scan3A_189 to %scan3A_191 step %scan3A_192 iter_args(%scan3A_196 = %scan3A_188) -> (i32)  : i32 {
        %broadcast_in_dim3A = arith.constant 0.000000e+00 : bf16
        %broadcast_in_dim3A_197 = vector.broadcast %broadcast_in_dim3A : bf16 to vector<32xbf16>
        %mul3A_198 = arith.constant 32 : i32
        %mul3A_199 = arith.muli %scan3A_195, %mul3A_198 : i32
        %swap3A = arith.index_cast %scan3A_186 : i32 to index
        %swap3A_200 = arith.index_cast %mul3A_199 : i32 to index
        %swap3A_201 = tpu.vector_load %arg9[%swap3A, %swap3A_200] {strides = array<i32>} : memref<25x64xbf16, #tpu.memory_space<vmem>>, vector<32xbf16>,
        tpu.vector_store %arg9[%swap3A, %swap3A_200], %broadcast_in_dim3A_197 {strides = array<i32>} : memref<25x64xbf16, #tpu.memory_space<vmem>>, vector<32xbf16>,
        %scan3A_202 = arith.constant 0 : i32
        scf.yield %scan3A_202 : i32
      }
      %scan3A_194 = arith.constant 2 : i32
      scf.yield %scan3A_193 : i32
    }
    %scan3A_27 = arith.constant 25 : i32
    %scan3A_28 = arith.constant 0 : i32
    %scan3A_29 = arith.constant 0 : i32
    %scan3A_30 = arith.constant 25 : i32
    %scan3A_31 = arith.addi %scan3A_29, %scan3A_30 : i32
    %scan3A_32 = arith.constant 1 : i32
    %scan3A_33 = scf.for %scan3A_186 = %scan3A_29 to %scan3A_31 step %scan3A_32 iter_args(%scan3A_187 = %scan3A_28) -> (i32)  : i32 {
      %mul3A_188 = arith.constant 625 : i32
      %mul3A_189 = arith.muli %arg1, %mul3A_188 : i32
      %mul3A_190 = arith.constant 25 : i32
      %mul3A_191 = arith.muli %scan3A_186, %mul3A_190 : i32
      %add3A_192 = arith.addi %mul3A_189, %mul3A_191 : i32
      "tpu.region"() ({
        %run_scoped3A = tpu.sem_alloc : memref<!tpu.dma_semaphore, #tpu.memory_space<semaphore_mem>>
        %dma_start3A_194 = arith.constant 0 : i32
        %dma_start3A_195 = tpu.memref_slice %arg10[%add3A_192, %dma_start3A_194] : memref<10000x64xbf16, #tpu.memory_space<vmem_shared>> -> memref<25x64xbf16, #tpu.memory_space<vmem_shared>>
        %dma_start3A_196 = arith.constant 0 : i32
        %dma_start3A_197 = tpu.memref_slice %arg10[%add3A_192, %dma_start3A_196] : memref<10000x64xbf16, #tpu.memory_space<vmem_shared>> -> memref<25x64xbf16, #tpu.memory_space<vmem_shared>>
        tpu.enqueue_dma source(%arg9 : memref<25x64xbf16, #tpu.memory_space<vmem>>) target(%dma_start3A_197 : memref<25x64xbf16, #tpu.memory_space<vmem_shared>>) target_semaphore(%run_scoped3A : memref<!tpu.dma_semaphore, #tpu.memory_space<semaphore_mem>>)
        %dma_wait3A_198 = arith.constant 0 : i32
        %dma_wait3A_199 = tpu.memref_slice %arg10[%add3A_192, %dma_wait3A_198] : memref<10000x64xbf16, #tpu.memory_space<vmem_shared>> -> memref<25x64xbf16, #tpu.memory_space<vmem_shared>>
        %dma_wait3A_200 = arith.constant 0 : i32
        %dma_wait3A_201 = tpu.memref_slice %arg10[%add3A_192, %dma_wait3A_200] : memref<10000x64xbf16, #tpu.memory_space<vmem_shared>> -> memref<25x64xbf16, #tpu.memory_space<vmem_shared>>
        tpu.wait_dma2 semaphore(%run_scoped3A : memref<!tpu.dma_semaphore, #tpu.memory_space<semaphore_mem>>) src(%arg9 : memref<25x64xbf16, #tpu.memory_space<vmem>>) dst(%dma_wait3A_201 : memref<25x64xbf16, #tpu.memory_space<vmem_shared>>)
        tpu.yield
      }) : () -> ()
      %scan3A_193 = arith.constant 0 : i32
      scf.yield %scan3A_193 : i32
    }
    %scan3A_34 = arith.constant 25 : i32
    %dma_wait3A = arith.constant 0 : i32
    %dma_wait3A_35 = arith.constant 0 : i32
    %dma_wait3A_36 = arith.constant 0 : i32
    %dma_wait3A_37 = tpu.memref_slice %arg3[%add3A, %dma_wait3A_35, %dma_wait3A_36] : memref<32x80x125xi32, #tpu.memory_space<hbm>> -> memref<1x80x125xi32, #tpu.memory_space<hbm>>
    %dma_wait3A_38 = tpu.memref_squeeze %dma_wait3A_37 : memref<1x80x125xi32, #tpu.memory_space<hbm>> -> memref<80x125xi32, #tpu.memory_space<hbm>>
    %dma_wait3A_39 = tpu.memref_slice %arg11[%dma_wait3A] : memref<8x!tpu.dma_semaphore, #tpu.memory_space<semaphore_mem>> -> memref<1x!tpu.dma_semaphore, #tpu.memory_space<semaphore_mem>>
    %dma_wait3A_40 = tpu.memref_squeeze %dma_wait3A_39 : memref<1x!tpu.dma_semaphore, #tpu.memory_space<semaphore_mem>> -> memref<!tpu.dma_semaphore, #tpu.memory_space<semaphore_mem>>
    %dma_wait3A_41 = arith.constant 0 : i32
    %dma_wait3A_42 = arith.constant 0 : i32
    %dma_wait3A_43 = tpu.memref_slice %arg3[%add3A, %dma_wait3A_41, %dma_wait3A_42] : memref<32x80x125xi32, #tpu.memory_space<hbm>> -> memref<1x80x125xi32, #tpu.memory_space<hbm>>
    %dma_wait3A_44 = tpu.memref_squeeze %dma_wait3A_43 : memref<1x80x125xi32, #tpu.memory_space<hbm>> -> memref<80x125xi32, #tpu.memory_space<hbm>>
    tpu.wait_dma2 semaphore(%dma_wait3A_40 : memref<!tpu.dma_semaphore, #tpu.memory_space<semaphore_mem>>) src(%dma_wait3A_44 : memref<80x125xi32, #tpu.memory_space<hbm>>) dst(%arg6 : memref<80x125xi32, #tpu.memory_space<vmem>>)
    %dma_wait3A_45 = arith.constant 1 : i32
    %dma_wait3A_46 = arith.constant 0 : i32
    %dma_wait3A_47 = arith.constant 0 : i32
    %dma_wait3A_48 = tpu.memref_slice %arg4[%add3A, %dma_wait3A_46, %dma_wait3A_47] : memref<32x80x125xi32, #tpu.memory_space<hbm>> -> memref<1x80x125xi32, #tpu.memory_space<hbm>>
    %dma_wait3A_49 = tpu.memref_squeeze %dma_wait3A_48 : memref<1x80x125xi32, #tpu.memory_space<hbm>> -> memref<80x125xi32, #tpu.memory_space<hbm>>
    %dma_wait3A_50 = tpu.memref_slice %arg11[%dma_wait3A_45] : memref<8x!tpu.dma_semaphore, #tpu.memory_space<semaphore_mem>> -> memref<1x!tpu.dma_semaphore, #tpu.memory_space<semaphore_mem>>
    %dma_wait3A_51 = tpu.memref_squeeze %dma_wait3A_50 : memref<1x!tpu.dma_semaphore, #tpu.memory_space<semaphore_mem>> -> memref<!tpu.dma_semaphore, #tpu.memory_space<semaphore_mem>>
    %dma_wait3A_52 = arith.constant 0 : i32
    %dma_wait3A_53 = arith.constant 0 : i32
    %dma_wait3A_54 = tpu.memref_slice %arg4[%add3A, %dma_wait3A_52, %dma_wait3A_53] : memref<32x80x125xi32, #tpu.memory_space<hbm>> -> memref<1x80x125xi32, #tpu.memory_space<hbm>>
    %dma_wait3A_55 = tpu.memref_squeeze %dma_wait3A_54 : memref<1x80x125xi32, #tpu.memory_space<hbm>> -> memref<80x125xi32, #tpu.memory_space<hbm>>
    tpu.wait_dma2 semaphore(%dma_wait3A_51 : memref<!tpu.dma_semaphore, #tpu.memory_space<semaphore_mem>>) src(%dma_wait3A_55 : memref<80x125xi32, #tpu.memory_space<hbm>>) dst(%arg7 : memref<80x125xi32, #tpu.memory_space<vmem>>)
    %barrier3A = arith.constant 0 : index
    tpu.barrier barrier_id(%barrier3A)
    %dma_start3A_56 = arith.constant 0 : i32
    %dma_start3A_57 = arith.constant 0 : i32
    %dma_start3A_58 = arith.constant 0 : i32
    %dma_start3A_59 = arith.constant 0 : i32
    %dma_start3A_60 = arith.constant 0 : i32
    %dma_start3A_61 = tpu.memref_slice %arg8[%dma_start3A_57, %dma_start3A_59, %dma_start3A_60] : memref<8x125x64xbf16, #tpu.memory_space<vmem>> -> memref<1x125x64xbf16, #tpu.memory_space<vmem>>
    %dma_start3A_62 = tpu.memref_squeeze %dma_start3A_61 : memref<1x125x64xbf16, #tpu.memory_space<vmem>> -> memref<125x64xbf16, #tpu.memory_space<vmem>>
    %dma_start3A_63 = arith.constant 0 : i32
    %dma_start3A_64 = tpu.memref_slice %arg6[%dma_start3A_56, %dma_start3A_63] : memref<80x125xi32, #tpu.memory_space<vmem>> -> memref<1x125xi32, #tpu.memory_space<vmem>>
    %dma_start3A_65 = tpu.memref_squeeze %dma_start3A_64 : memref<1x125xi32, #tpu.memory_space<vmem>> -> memref<125xi32, #tpu.memory_space<vmem>>
    %dma_start3A_66 = arith.constant 0 : i32
    %dma_start3A_67 = arith.constant 0 : i32
    %dma_start3A_68 = tpu.memref_slice %arg2[%dma_start3A_66, %dma_start3A_67] : memref<10000x64xbf16, #tpu.memory_space<hbm>> -> memref<10000x64xbf16, #tpu.memory_space<hbm>>
    %dma_start3A_69 = tpu.memref_slice %arg11[%dma_start3A_58] : memref<8x!tpu.dma_semaphore, #tpu.memory_space<semaphore_mem>> -> memref<1x!tpu.dma_semaphore, #tpu.memory_space<semaphore_mem>>
    %dma_start3A_70 = tpu.memref_squeeze %dma_start3A_69 : memref<1x!tpu.dma_semaphore, #tpu.memory_space<semaphore_mem>> -> memref<!tpu.dma_semaphore, #tpu.memory_space<semaphore_mem>>
    tpu.enqueue_indirect_dma source(%dma_start3A_68 : memref<10000x64xbf16, #tpu.memory_space<hbm>>) target(%dma_start3A_62 : memref<125x64xbf16, #tpu.memory_space<vmem>>) offsets(%dma_start3A_65 : memref<125xi32, #tpu.memory_space<vmem>>) semaphore(%dma_start3A_70 : memref<!tpu.dma_semaphore, #tpu.memory_space<semaphore_mem>>)
    %dma_start3A_71 = arith.constant 1 : i32
    %dma_start3A_72 = arith.constant 1 : i32
    %dma_start3A_73 = arith.constant 1 : i32
    %dma_start3A_74 = arith.constant 0 : i32
    %dma_start3A_75 = arith.constant 0 : i32
    %dma_start3A_76 = tpu.memref_slice %arg8[%dma_start3A_72, %dma_start3A_74, %dma_start3A_75] : memref<8x125x64xbf16, #tpu.memory_space<vmem>> -> memref<1x125x64xbf16, #tpu.memory_space<vmem>>
    %dma_start3A_77 = tpu.memref_squeeze %dma_start3A_76 : memref<1x125x64xbf16, #tpu.memory_space<vmem>> -> memref<125x64xbf16, #tpu.memory_space<vmem>>
    %dma_start3A_78 = arith.constant 0 : i32
    %dma_start3A_79 = tpu.memref_slice %arg6[%dma_start3A_71, %dma_start3A_78] : memref<80x125xi32, #tpu.memory_space<vmem>> -> memref<1x125xi32, #tpu.memory_space<vmem>>
    %dma_start3A_80 = tpu.memref_squeeze %dma_start3A_79 : memref<1x125xi32, #tpu.memory_space<vmem>> -> memref<125xi32, #tpu.memory_space<vmem>>
    %dma_start3A_81 = arith.constant 0 : i32
    %dma_start3A_82 = arith.constant 0 : i32
    %dma_start3A_83 = tpu.memref_slice %arg2[%dma_start3A_81, %dma_start3A_82] : memref<10000x64xbf16, #tpu.memory_space<hbm>> -> memref<10000x64xbf16, #tpu.memory_space<hbm>>
    %dma_start3A_84 = tpu.memref_slice %arg11[%dma_start3A_73] : memref<8x!tpu.dma_semaphore, #tpu.memory_space<semaphore_mem>> -> memref<1x!tpu.dma_semaphore, #tpu.memory_space<semaphore_mem>>
    %dma_start3A_85 = tpu.memref_squeeze %dma_start3A_84 : memref<1x!tpu.dma_semaphore, #tpu.memory_space<semaphore_mem>> -> memref<!tpu.dma_semaphore, #tpu.memory_space<semaphore_mem>>
    tpu.enqueue_indirect_dma source(%dma_start3A_83 : memref<10000x64xbf16, #tpu.memory_space<hbm>>) target(%dma_start3A_77 : memref<125x64xbf16, #tpu.memory_space<vmem>>) offsets(%dma_start3A_80 : memref<125xi32, #tpu.memory_space<vmem>>) semaphore(%dma_start3A_85 : memref<!tpu.dma_semaphore, #tpu.memory_space<semaphore_mem>>)
    %dma_start3A_86 = arith.constant 2 : i32
    %dma_start3A_87 = arith.constant 2 : i32
    %dma_start3A_88 = arith.constant 2 : i32
    %dma_start3A_89 = arith.constant 0 : i32
    %dma_start3A_90 = arith.constant 0 : i32
    %dma_start3A_91 = tpu.memref_slice %arg8[%dma_start3A_87, %dma_start3A_89, %dma_start3A_90] : memref<8x125x64xbf16, #tpu.memory_space<vmem>> -> memref<1x125x64xbf16, #tpu.memory_space<vmem>>
    %dma_start3A_92 = tpu.memref_squeeze %dma_start3A_91 : memref<1x125x64xbf16, #tpu.memory_space<vmem>> -> memref<125x64xbf16, #tpu.memory_space<vmem>>
    %dma_start3A_93 = arith.constant 0 : i32
    %dma_start3A_94 = tpu.memref_slice %arg6[%dma_start3A_86, %dma_start3A_93] : memref<80x125xi32, #tpu.memory_space<vmem>> -> memref<1x125xi32, #tpu.memory_space<vmem>>
    %dma_start3A_95 = tpu.memref_squeeze %dma_start3A_94 : memref<1x125xi32, #tpu.memory_space<vmem>> -> memref<125xi32, #tpu.memory_space<vmem>>
    %dma_start3A_96 = arith.constant 0 : i32
    %dma_start3A_97 = arith.constant 0 : i32
    %dma_start3A_98 = tpu.memref_slice %arg2[%dma_start3A_96, %dma_start3A_97] : memref<10000x64xbf16, #tpu.memory_space<hbm>> -> memref<10000x64xbf16, #tpu.memory_space<hbm>>
    %dma_start3A_99 = tpu.memref_slice %arg11[%dma_start3A_88] : memref<8x!tpu.dma_semaphore, #tpu.memory_space<semaphore_mem>> -> memref<1x!tpu.dma_semaphore, #tpu.memory_space<semaphore_mem>>
    %dma_start3A_100 = tpu.memref_squeeze %dma_start3A_99 : memref<1x!tpu.dma_semaphore, #tpu.memory_space<semaphore_mem>> -> memref<!tpu.dma_semaphore, #tpu.memory_space<semaphore_mem>>
    tpu.enqueue_indirect_dma source(%dma_start3A_98 : memref<10000x64xbf16, #tpu.memory_space<hbm>>) target(%dma_start3A_92 : memref<125x64xbf16, #tpu.memory_space<vmem>>) offsets(%dma_start3A_95 : memref<125xi32, #tpu.memory_space<vmem>>) semaphore(%dma_start3A_100 : memref<!tpu.dma_semaphore, #tpu.memory_space<semaphore_mem>>)
    %dma_start3A_101 = arith.constant 3 : i32
    %dma_start3A_102 = arith.constant 3 : i32
    %dma_start3A_103 = arith.constant 3 : i32
    %dma_start3A_104 = arith.constant 0 : i32
    %dma_start3A_105 = arith.constant 0 : i32
    %dma_start3A_106 = tpu.memref_slice %arg8[%dma_start3A_102, %dma_start3A_104, %dma_start3A_105] : memref<8x125x64xbf16, #tpu.memory_space<vmem>> -> memref<1x125x64xbf16, #tpu.memory_space<vmem>>
    %dma_start3A_107 = tpu.memref_squeeze %dma_start3A_106 : memref<1x125x64xbf16, #tpu.memory_space<vmem>> -> memref<125x64xbf16, #tpu.memory_space<vmem>>
    %dma_start3A_108 = arith.constant 0 : i32
    %dma_start3A_109 = tpu.memref_slice %arg6[%dma_start3A_101, %dma_start3A_108] : memref<80x125xi32, #tpu.memory_space<vmem>> -> memref<1x125xi32, #tpu.memory_space<vmem>>
    %dma_start3A_110 = tpu.memref_squeeze %dma_start3A_109 : memref<1x125xi32, #tpu.memory_space<vmem>> -> memref<125xi32, #tpu.memory_space<vmem>>
    %dma_start3A_111 = arith.constant 0 : i32
    %dma_start3A_112 = arith.constant 0 : i32
    %dma_start3A_113 = tpu.memref_slice %arg2[%dma_start3A_111, %dma_start3A_112] : memref<10000x64xbf16, #tpu.memory_space<hbm>> -> memref<10000x64xbf16, #tpu.memory_space<hbm>>
    %dma_start3A_114 = tpu.memref_slice %arg11[%dma_start3A_103] : memref<8x!tpu.dma_semaphore, #tpu.memory_space<semaphore_mem>> -> memref<1x!tpu.dma_semaphore, #tpu.memory_space<semaphore_mem>>
    %dma_start3A_115 = tpu.memref_squeeze %dma_start3A_114 : memref<1x!tpu.dma_semaphore, #tpu.memory_space<semaphore_mem>> -> memref<!tpu.dma_semaphore, #tpu.memory_space<semaphore_mem>>
    tpu.enqueue_indirect_dma source(%dma_start3A_113 : memref<10000x64xbf16, #tpu.memory_space<hbm>>) target(%dma_start3A_107 : memref<125x64xbf16, #tpu.memory_space<vmem>>) offsets(%dma_start3A_110 : memref<125xi32, #tpu.memory_space<vmem>>) semaphore(%dma_start3A_115 : memref<!tpu.dma_semaphore, #tpu.memory_space<semaphore_mem>>)
    %dma_start3A_116 = arith.constant 4 : i32
    %dma_start3A_117 = arith.constant 4 : i32
    %dma_start3A_118 = arith.constant 4 : i32
    %dma_start3A_119 = arith.constant 0 : i32
    %dma_start3A_120 = arith.constant 0 : i32
    %dma_start3A_121 = tpu.memref_slice %arg8[%dma_start3A_117, %dma_start3A_119, %dma_start3A_120] : memref<8x125x64xbf16, #tpu.memory_space<vmem>> -> memref<1x125x64xbf16, #tpu.memory_space<vmem>>
    %dma_start3A_122 = tpu.memref_squeeze %dma_start3A_121 : memref<1x125x64xbf16, #tpu.memory_space<vmem>> -> memref<125x64xbf16, #tpu.memory_space<vmem>>
    %dma_start3A_123 = arith.constant 0 : i32
    %dma_start3A_124 = tpu.memref_slice %arg6[%dma_start3A_116, %dma_start3A_123] : memref<80x125xi32, #tpu.memory_space<vmem>> -> memref<1x125xi32, #tpu.memory_space<vmem>>
    %dma_start3A_125 = tpu.memref_squeeze %dma_start3A_124 : memref<1x125xi32, #tpu.memory_space<vmem>> -> memref<125xi32, #tpu.memory_space<vmem>>
    %dma_start3A_126 = arith.constant 0 : i32
    %dma_start3A_127 = arith.constant 0 : i32
    %dma_start3A_128 = tpu.memref_slice %arg2[%dma_start3A_126, %dma_start3A_127] : memref<10000x64xbf16, #tpu.memory_space<hbm>> -> memref<10000x64xbf16, #tpu.memory_space<hbm>>
    %dma_start3A_129 = tpu.memref_slice %arg11[%dma_start3A_118] : memref<8x!tpu.dma_semaphore, #tpu.memory_space<semaphore_mem>> -> memref<1x!tpu.dma_semaphore, #tpu.memory_space<semaphore_mem>>
    %dma_start3A_130 = tpu.memref_squeeze %dma_start3A_129 : memref<1x!tpu.dma_semaphore, #tpu.memory_space<semaphore_mem>> -> memref<!tpu.dma_semaphore, #tpu.memory_space<semaphore_mem>>
    tpu.enqueue_indirect_dma source(%dma_start3A_128 : memref<10000x64xbf16, #tpu.memory_space<hbm>>) target(%dma_start3A_122 : memref<125x64xbf16, #tpu.memory_space<vmem>>) offsets(%dma_start3A_125 : memref<125xi32, #tpu.memory_space<vmem>>) semaphore(%dma_start3A_130 : memref<!tpu.dma_semaphore, #tpu.memory_space<semaphore_mem>>)
    %dma_start3A_131 = arith.constant 5 : i32
    %dma_start3A_132 = arith.constant 5 : i32
    %dma_start3A_133 = arith.constant 5 : i32
    %dma_start3A_134 = arith.constant 0 : i32
    %dma_start3A_135 = arith.constant 0 : i32
    %dma_start3A_136 = tpu.memref_slice %arg8[%dma_start3A_132, %dma_start3A_134, %dma_start3A_135] : memref<8x125x64xbf16, #tpu.memory_space<vmem>> -> memref<1x125x64xbf16, #tpu.memory_space<vmem>>
    %dma_start3A_137 = tpu.memref_squeeze %dma_start3A_136 : memref<1x125x64xbf16, #tpu.memory_space<vmem>> -> memref<125x64xbf16, #tpu.memory_space<vmem>>
    %dma_start3A_138 = arith.constant 0 : i32
    %dma_start3A_139 = tpu.memref_slice %arg6[%dma_start3A_131, %dma_start3A_138] : memref<80x125xi32, #tpu.memory_space<vmem>> -> memref<1x125xi32, #tpu.memory_space<vmem>>
    %dma_start3A_140 = tpu.memref_squeeze %dma_start3A_139 : memref<1x125xi32, #tpu.memory_space<vmem>> -> memref<125xi32, #tpu.memory_space<vmem>>
    %dma_start3A_141 = arith.constant 0 : i32
    %dma_start3A_142 = arith.constant 0 : i32
    %dma_start3A_143 = tpu.memref_slice %arg2[%dma_start3A_141, %dma_start3A_142] : memref<10000x64xbf16, #tpu.memory_space<hbm>> -> memref<10000x64xbf16, #tpu.memory_space<hbm>>
    %dma_start3A_144 = tpu.memref_slice %arg11[%dma_start3A_133] : memref<8x!tpu.dma_semaphore, #tpu.memory_space<semaphore_mem>> -> memref<1x!tpu.dma_semaphore, #tpu.memory_space<semaphore_mem>>
    %dma_start3A_145 = tpu.memref_squeeze %dma_start3A_144 : memref<1x!tpu.dma_semaphore, #tpu.memory_space<semaphore_mem>> -> memref<!tpu.dma_semaphore, #tpu.memory_space<semaphore_mem>>
    tpu.enqueue_indirect_dma source(%dma_start3A_143 : memref<10000x64xbf16, #tpu.memory_space<hbm>>) target(%dma_start3A_137 : memref<125x64xbf16, #tpu.memory_space<vmem>>) offsets(%dma_start3A_140 : memref<125xi32, #tpu.memory_space<vmem>>) semaphore(%dma_start3A_145 : memref<!tpu.dma_semaphore, #tpu.memory_space<semaphore_mem>>)
    %scan3A_146 = arith.constant 0 : i32
    %scan3A_147 = arith.constant 0 : i32
    %scan3A_148 = arith.constant 10 : i32
    %scan3A_149 = arith.addi %scan3A_147, %scan3A_148 : i32
    %scan3A_150 = arith.constant 1 : i32
    %scan3A_151 = scf.for %scan3A_186 = %scan3A_147 to %scan3A_149 step %scan3A_150 iter_args(%scan3A_187 = %scan3A_146) -> (i32)  : i32 {
      %mul3A_188 = arith.constant 8 : i32
      %mul3A_189 = arith.muli %scan3A_186, %mul3A_188 : i32
      %add3A_190 = arith.constant 0 : i32
      %add3A_191 = arith.addi %mul3A_189, %add3A_190 : i32
      %dma_wait3A_192 = arith.constant 0 : i32
      %dma_wait3A_193 = arith.constant 0 : i32
      %dma_wait3A_194 = arith.constant 0 : i32
      %dma_wait3A_195 = arith.constant 0 : i32
      %dma_wait3A_196 = tpu.memref_slice %arg8[%dma_wait3A_192, %dma_wait3A_194, %dma_wait3A_195] : memref<8x125x64xbf16, #tpu.memory_space<vmem>> -> memref<1x125x64xbf16, #tpu.memory_space<vmem>>
      %dma_wait3A_197 = tpu.memref_squeeze %dma_wait3A_196 : memref<1x125x64xbf16, #tpu.memory_space<vmem>> -> memref<125x64xbf16, #tpu.memory_space<vmem>>
      %dma_wait3A_198 = arith.constant 0 : i32
      %dma_wait3A_199 = tpu.memref_slice %arg6[%add3A_191, %dma_wait3A_198] : memref<80x125xi32, #tpu.memory_space<vmem>> -> memref<1x125xi32, #tpu.memory_space<vmem>>
      %dma_wait3A_200 = tpu.memref_squeeze %dma_wait3A_199 : memref<1x125xi32, #tpu.memory_space<vmem>> -> memref<125xi32, #tpu.memory_space<vmem>>
      %dma_wait3A_201 = arith.constant 0 : i32
      %dma_wait3A_202 = arith.constant 0 : i32
      %dma_wait3A_203 = tpu.memref_slice %arg2[%dma_wait3A_201, %dma_wait3A_202] : memref<10000x64xbf16, #tpu.memory_space<hbm>> -> memref<10000x64xbf16, #tpu.memory_space<hbm>>
      %dma_wait3A_204 = tpu.memref_slice %arg11[%dma_wait3A_193] : memref<8x!tpu.dma_semaphore, #tpu.memory_space<semaphore_mem>> -> memref<1x!tpu.dma_semaphore, #tpu.memory_space<semaphore_mem>>
      %dma_wait3A_205 = tpu.memref_squeeze %dma_wait3A_204 : memref<1x!tpu.dma_semaphore, #tpu.memory_space<semaphore_mem>> -> memref<!tpu.dma_semaphore, #tpu.memory_space<semaphore_mem>>
      tpu.wait_indirect_dma semaphore(%dma_wait3A_205 : memref<!tpu.dma_semaphore, #tpu.memory_space<semaphore_mem>>) src(%dma_wait3A_203 : memref<10000x64xbf16, #tpu.memory_space<hbm>>) dst(%dma_wait3A_197 : memref<125x64xbf16, #tpu.memory_space<vmem>>)
      %dma_start3A_206 = arith.constant 0 : i32
      %dma_start3A_207 = arith.constant 0 : i32
      %dma_start3A_208 = arith.constant 0 : i32
      %dma_start3A_209 = arith.constant 0 : i32
      %dma_start3A_210 = tpu.memref_slice %arg8[%dma_start3A_206, %dma_start3A_208, %dma_start3A_209] : memref<8x125x64xbf16, #tpu.memory_space<vmem>> -> memref<1x125x64xbf16, #tpu.memory_space<vmem>>
      %dma_start3A_211 = tpu.memref_squeeze %dma_start3A_210 : memref<1x125x64xbf16, #tpu.memory_space<vmem>> -> memref<125x64xbf16, #tpu.memory_space<vmem>>
      %dma_start3A_212 = arith.constant 0 : i32
      %dma_start3A_213 = tpu.memref_slice %arg7[%add3A_191, %dma_start3A_212] : memref<80x125xi32, #tpu.memory_space<vmem>> -> memref<1x125xi32, #tpu.memory_space<vmem>>
      %dma_start3A_214 = tpu.memref_squeeze %dma_start3A_213 : memref<1x125xi32, #tpu.memory_space<vmem>> -> memref<125xi32, #tpu.memory_space<vmem>>
      %dma_start3A_215 = arith.constant 0 : i32
      %dma_start3A_216 = arith.constant 0 : i32
      %dma_start3A_217 = tpu.memref_slice %arg10[%dma_start3A_215, %dma_start3A_216] : memref<10000x64xbf16, #tpu.memory_space<vmem_shared>> -> memref<10000x64xbf16, #tpu.memory_space<vmem_shared>>
      %dma_start3A_218 = tpu.memref_slice %arg12[%dma_start3A_207] : memref<8x!tpu.dma_semaphore, #tpu.memory_space<semaphore_mem>> -> memref<1x!tpu.dma_semaphore, #tpu.memory_space<semaphore_mem>>
      %dma_start3A_219 = tpu.memref_squeeze %dma_start3A_218 : memref<1x!tpu.dma_semaphore, #tpu.memory_space<semaphore_mem>> -> memref<!tpu.dma_semaphore, #tpu.memory_space<semaphore_mem>>
      tpu.enqueue_indirect_dma source(%dma_start3A_211 : memref<125x64xbf16, #tpu.memory_space<vmem>>) target(%dma_start3A_217 : memref<10000x64xbf16, #tpu.memory_space<vmem_shared>>) offsets(%dma_start3A_214 : memref<125xi32, #tpu.memory_space<vmem>>) semaphore(%dma_start3A_219 : memref<!tpu.dma_semaphore, #tpu.memory_space<semaphore_mem>>) {add = true}
      %add3A_220 = arith.constant 6 : i32
      %add3A_221 = arith.addi %add3A_191, %add3A_220 : i32
      %ge3A = arith.constant 8 : i32
      %ge3A_222 = arith.cmpi sge, %add3A_221, %ge3A : i32
      %convert_element_type3A = arith.extui %ge3A_222 : i1 to i32
      %cond3A = arith.constant 0 : i32
      %cond3A_223 = arith.cmpi ne, %convert_element_type3A, %cond3A : i32
      scf.if %cond3A_223 {
        %sub3A = arith.constant 8 : i32
        %sub3A_537 = arith.subi %add3A_221, %sub3A : i32
        %dma_wait3A_538 = arith.constant 6 : i32
        %dma_wait3A_539 = arith.constant 6 : i32
        %dma_wait3A_540 = arith.constant 0 : i32
        %dma_wait3A_541 = arith.constant 0 : i32
        %dma_wait3A_542 = tpu.memref_slice %arg8[%dma_wait3A_538, %dma_wait3A_540, %dma_wait3A_541] : memref<8x125x64xbf16, #tpu.memory_space<vmem>> -> memref<1x125x64xbf16, #tpu.memory_space<vmem>>
        %dma_wait3A_543 = tpu.memref_squeeze %dma_wait3A_542 : memref<1x125x64xbf16, #tpu.memory_space<vmem>> -> memref<125x64xbf16, #tpu.memory_space<vmem>>
        %dma_wait3A_544 = arith.constant 0 : i32
        %dma_wait3A_545 = tpu.memref_slice %arg7[%sub3A_537, %dma_wait3A_544] : memref<80x125xi32, #tpu.memory_space<vmem>> -> memref<1x125xi32, #tpu.memory_space<vmem>>
        %dma_wait3A_546 = tpu.memref_squeeze %dma_wait3A_545 : memref<1x125xi32, #tpu.memory_space<vmem>> -> memref<125xi32, #tpu.memory_space<vmem>>
        %dma_wait3A_547 = arith.constant 0 : i32
        %dma_wait3A_548 = arith.constant 0 : i32
        %dma_wait3A_549 = tpu.memref_slice %arg10[%dma_wait3A_547, %dma_wait3A_548] : memref<10000x64xbf16, #tpu.memory_space<vmem_shared>> -> memref<10000x64xbf16, #tpu.memory_space<vmem_shared>>
        %dma_wait3A_550 = tpu.memref_slice %arg12[%dma_wait3A_539] : memref<8x!tpu.dma_semaphore, #tpu.memory_space<semaphore_mem>> -> memref<1x!tpu.dma_semaphore, #tpu.memory_space<semaphore_mem>>
        %dma_wait3A_551 = tpu.memref_squeeze %dma_wait3A_550 : memref<1x!tpu.dma_semaphore, #tpu.memory_space<semaphore_mem>> -> memref<!tpu.dma_semaphore, #tpu.memory_space<semaphore_mem>>
        tpu.wait_indirect_dma semaphore(%dma_wait3A_551 : memref<!tpu.dma_semaphore, #tpu.memory_space<semaphore_mem>>) src(%dma_wait3A_543 : memref<125x64xbf16, #tpu.memory_space<vmem>>) dst(%dma_wait3A_549 : memref<10000x64xbf16, #tpu.memory_space<vmem_shared>>)
      } else {
      }
      %lt3A = arith.constant 80 : i32
      %lt3A_224 = arith.cmpi slt, %add3A_221, %lt3A : i32
      %convert_element_type3A_225 = arith.extui %lt3A_224 : i1 to i32
      %cond3A_226 = arith.constant 0 : i32
      %cond3A_227 = arith.cmpi ne, %convert_element_type3A_225, %cond3A_226 : i32
      scf.if %cond3A_227 {
        %dma_start3A_537 = arith.constant 6 : i32
        %dma_start3A_538 = arith.constant 6 : i32
        %dma_start3A_539 = arith.constant 0 : i32
        %dma_start3A_540 = arith.constant 0 : i32
        %dma_start3A_541 = tpu.memref_slice %arg8[%dma_start3A_537, %dma_start3A_539, %dma_start3A_540] : memref<8x125x64xbf16, #tpu.memory_space<vmem>> -> memref<1x125x64xbf16, #tpu.memory_space<vmem>>
        %dma_start3A_542 = tpu.memref_squeeze %dma_start3A_541 : memref<1x125x64xbf16, #tpu.memory_space<vmem>> -> memref<125x64xbf16, #tpu.memory_space<vmem>>
        %dma_start3A_543 = arith.constant 0 : i32
        %dma_start3A_544 = tpu.memref_slice %arg6[%add3A_221, %dma_start3A_543] : memref<80x125xi32, #tpu.memory_space<vmem>> -> memref<1x125xi32, #tpu.memory_space<vmem>>
        %dma_start3A_545 = tpu.memref_squeeze %dma_start3A_544 : memref<1x125xi32, #tpu.memory_space<vmem>> -> memref<125xi32, #tpu.memory_space<vmem>>
        %dma_start3A_546 = arith.constant 0 : i32
        %dma_start3A_547 = arith.constant 0 : i32
        %dma_start3A_548 = tpu.memref_slice %arg2[%dma_start3A_546, %dma_start3A_547] : memref<10000x64xbf16, #tpu.memory_space<hbm>> -> memref<10000x64xbf16, #tpu.memory_space<hbm>>
        %dma_start3A_549 = tpu.memref_slice %arg11[%dma_start3A_538] : memref<8x!tpu.dma_semaphore, #tpu.memory_space<semaphore_mem>> -> memref<1x!tpu.dma_semaphore, #tpu.memory_space<semaphore_mem>>
        %dma_start3A_550 = tpu.memref_squeeze %dma_start3A_549 : memref<1x!tpu.dma_semaphore, #tpu.memory_space<semaphore_mem>> -> memref<!tpu.dma_semaphore, #tpu.memory_space<semaphore_mem>>
        tpu.enqueue_indirect_dma source(%dma_start3A_548 : memref<10000x64xbf16, #tpu.memory_space<hbm>>) target(%dma_start3A_542 : memref<125x64xbf16, #tpu.memory_space<vmem>>) offsets(%dma_start3A_545 : memref<125xi32, #tpu.memory_space<vmem>>) semaphore(%dma_start3A_550 : memref<!tpu.dma_semaphore, #tpu.memory_space<semaphore_mem>>)
      } else {
      }
      %mul3A_228 = arith.constant 8 : i32
      %mul3A_229 = arith.muli %scan3A_186, %mul3A_228 : i32
      %add3A_230 = arith.constant 1 : i32
      %add3A_231 = arith.addi %mul3A_229, %add3A_230 : i32
      %dma_wait3A_232 = arith.constant 1 : i32
      %dma_wait3A_233 = arith.constant 1 : i32
      %dma_wait3A_234 = arith.constant 0 : i32
      %dma_wait3A_235 = arith.constant 0 : i32
      %dma_wait3A_236 = tpu.memref_slice %arg8[%dma_wait3A_232, %dma_wait3A_234, %dma_wait3A_235] : memref<8x125x64xbf16, #tpu.memory_space<vmem>> -> memref<1x125x64xbf16, #tpu.memory_space<vmem>>
      %dma_wait3A_237 = tpu.memref_squeeze %dma_wait3A_236 : memref<1x125x64xbf16, #tpu.memory_space<vmem>> -> memref<125x64xbf16, #tpu.memory_space<vmem>>
      %dma_wait3A_238 = arith.constant 0 : i32
      %dma_wait3A_239 = tpu.memref_slice %arg6[%add3A_231, %dma_wait3A_238] : memref<80x125xi32, #tpu.memory_space<vmem>> -> memref<1x125xi32, #tpu.memory_space<vmem>>
      %dma_wait3A_240 = tpu.memref_squeeze %dma_wait3A_239 : memref<1x125xi32, #tpu.memory_space<vmem>> -> memref<125xi32, #tpu.memory_space<vmem>>
      %dma_wait3A_241 = arith.constant 0 : i32
      %dma_wait3A_242 = arith.constant 0 : i32
      %dma_wait3A_243 = tpu.memref_slice %arg2[%dma_wait3A_241, %dma_wait3A_242] : memref<10000x64xbf16, #tpu.memory_space<hbm>> -> memref<10000x64xbf16, #tpu.memory_space<hbm>>
      %dma_wait3A_244 = tpu.memref_slice %arg11[%dma_wait3A_233] : memref<8x!tpu.dma_semaphore, #tpu.memory_space<semaphore_mem>> -> memref<1x!tpu.dma_semaphore, #tpu.memory_space<semaphore_mem>>
      %dma_wait3A_245 = tpu.memref_squeeze %dma_wait3A_244 : memref<1x!tpu.dma_semaphore, #tpu.memory_space<semaphore_mem>> -> memref<!tpu.dma_semaphore, #tpu.memory_space<semaphore_mem>>
      tpu.wait_indirect_dma semaphore(%dma_wait3A_245 : memref<!tpu.dma_semaphore, #tpu.memory_space<semaphore_mem>>) src(%dma_wait3A_243 : memref<10000x64xbf16, #tpu.memory_space<hbm>>) dst(%dma_wait3A_237 : memref<125x64xbf16, #tpu.memory_space<vmem>>)
      %dma_start3A_246 = arith.constant 1 : i32
      %dma_start3A_247 = arith.constant 1 : i32
      %dma_start3A_248 = arith.constant 0 : i32
      %dma_start3A_249 = arith.constant 0 : i32
      %dma_start3A_250 = tpu.memref_slice %arg8[%dma_start3A_246, %dma_start3A_248, %dma_start3A_249] : memref<8x125x64xbf16, #tpu.memory_space<vmem>> -> memref<1x125x64xbf16, #tpu.memory_space<vmem>>
      %dma_start3A_251 = tpu.memref_squeeze %dma_start3A_250 : memref<1x125x64xbf16, #tpu.memory_space<vmem>> -> memref<125x64xbf16, #tpu.memory_space<vmem>>
      %dma_start3A_252 = arith.constant 0 : i32
      %dma_start3A_253 = tpu.memref_slice %arg7[%add3A_231, %dma_start3A_252] : memref<80x125xi32, #tpu.memory_space<vmem>> -> memref<1x125xi32, #tpu.memory_space<vmem>>
      %dma_start3A_254 = tpu.memref_squeeze %dma_start3A_253 : memref<1x125xi32, #tpu.memory_space<vmem>> -> memref<125xi32, #tpu.memory_space<vmem>>
      %dma_start3A_255 = arith.constant 0 : i32
      %dma_start3A_256 = arith.constant 0 : i32
      %dma_start3A_257 = tpu.memref_slice %arg10[%dma_start3A_255, %dma_start3A_256] : memref<10000x64xbf16, #tpu.memory_space<vmem_shared>> -> memref<10000x64xbf16, #tpu.memory_space<vmem_shared>>
      %dma_start3A_258 = tpu.memref_slice %arg12[%dma_start3A_247] : memref<8x!tpu.dma_semaphore, #tpu.memory_space<semaphore_mem>> -> memref<1x!tpu.dma_semaphore, #tpu.memory_space<semaphore_mem>>
      %dma_start3A_259 = tpu.memref_squeeze %dma_start3A_258 : memref<1x!tpu.dma_semaphore, #tpu.memory_space<semaphore_mem>> -> memref<!tpu.dma_semaphore, #tpu.memory_space<semaphore_mem>>
      tpu.enqueue_indirect_dma source(%dma_start3A_251 : memref<125x64xbf16, #tpu.memory_space<vmem>>) target(%dma_start3A_257 : memref<10000x64xbf16, #tpu.memory_space<vmem_shared>>) offsets(%dma_start3A_254 : memref<125xi32, #tpu.memory_space<vmem>>) semaphore(%dma_start3A_259 : memref<!tpu.dma_semaphore, #tpu.memory_space<semaphore_mem>>) {add = true}
      %add3A_260 = arith.constant 6 : i32
      %add3A_261 = arith.addi %add3A_231, %add3A_260 : i32
      %ge3A_262 = arith.constant 8 : i32
      %ge3A_263 = arith.cmpi sge, %add3A_261, %ge3A_262 : i32
      %convert_element_type3A_264 = arith.extui %ge3A_263 : i1 to i32
      %cond3A_265 = arith.constant 0 : i32
      %cond3A_266 = arith.cmpi ne, %convert_element_type3A_264, %cond3A_265 : i32
      scf.if %cond3A_266 {
        %sub3A = arith.constant 8 : i32
        %sub3A_537 = arith.subi %add3A_261, %sub3A : i32
        %dma_wait3A_538 = arith.constant 7 : i32
        %dma_wait3A_539 = arith.constant 7 : i32
        %dma_wait3A_540 = arith.constant 0 : i32
        %dma_wait3A_541 = arith.constant 0 : i32
        %dma_wait3A_542 = tpu.memref_slice %arg8[%dma_wait3A_538, %dma_wait3A_540, %dma_wait3A_541] : memref<8x125x64xbf16, #tpu.memory_space<vmem>> -> memref<1x125x64xbf16, #tpu.memory_space<vmem>>
        %dma_wait3A_543 = tpu.memref_squeeze %dma_wait3A_542 : memref<1x125x64xbf16, #tpu.memory_space<vmem>> -> memref<125x64xbf16, #tpu.memory_space<vmem>>
        %dma_wait3A_544 = arith.constant 0 : i32
        %dma_wait3A_545 = tpu.memref_slice %arg7[%sub3A_537, %dma_wait3A_544] : memref<80x125xi32, #tpu.memory_space<vmem>> -> memref<1x125xi32, #tpu.memory_space<vmem>>
        %dma_wait3A_546 = tpu.memref_squeeze %dma_wait3A_545 : memref<1x125xi32, #tpu.memory_space<vmem>> -> memref<125xi32, #tpu.memory_space<vmem>>
        %dma_wait3A_547 = arith.constant 0 : i32
        %dma_wait3A_548 = arith.constant 0 : i32
        %dma_wait3A_549 = tpu.memref_slice %arg10[%dma_wait3A_547, %dma_wait3A_548] : memref<10000x64xbf16, #tpu.memory_space<vmem_shared>> -> memref<10000x64xbf16, #tpu.memory_space<vmem_shared>>
        %dma_wait3A_550 = tpu.memref_slice %arg12[%dma_wait3A_539] : memref<8x!tpu.dma_semaphore, #tpu.memory_space<semaphore_mem>> -> memref<1x!tpu.dma_semaphore, #tpu.memory_space<semaphore_mem>>
        %dma_wait3A_551 = tpu.memref_squeeze %dma_wait3A_550 : memref<1x!tpu.dma_semaphore, #tpu.memory_space<semaphore_mem>> -> memref<!tpu.dma_semaphore, #tpu.memory_space<semaphore_mem>>
        tpu.wait_indirect_dma semaphore(%dma_wait3A_551 : memref<!tpu.dma_semaphore, #tpu.memory_space<semaphore_mem>>) src(%dma_wait3A_543 : memref<125x64xbf16, #tpu.memory_space<vmem>>) dst(%dma_wait3A_549 : memref<10000x64xbf16, #tpu.memory_space<vmem_shared>>)
      } else {
      }
      %lt3A_267 = arith.constant 80 : i32
      %lt3A_268 = arith.cmpi slt, %add3A_261, %lt3A_267 : i32
      %convert_element_type3A_269 = arith.extui %lt3A_268 : i1 to i32
      %cond3A_270 = arith.constant 0 : i32
      %cond3A_271 = arith.cmpi ne, %convert_element_type3A_269, %cond3A_270 : i32
      scf.if %cond3A_271 {
        %dma_start3A_537 = arith.constant 7 : i32
        %dma_start3A_538 = arith.constant 7 : i32
        %dma_start3A_539 = arith.constant 0 : i32
        %dma_start3A_540 = arith.constant 0 : i32
        %dma_start3A_541 = tpu.memref_slice %arg8[%dma_start3A_537, %dma_start3A_539, %dma_start3A_540] : memref<8x125x64xbf16, #tpu.memory_space<vmem>> -> memref<1x125x64xbf16, #tpu.memory_space<vmem>>
        %dma_start3A_542 = tpu.memref_squeeze %dma_start3A_541 : memref<1x125x64xbf16, #tpu.memory_space<vmem>> -> memref<125x64xbf16, #tpu.memory_space<vmem>>
        %dma_start3A_543 = arith.constant 0 : i32
        %dma_start3A_544 = tpu.memref_slice %arg6[%add3A_261, %dma_start3A_543] : memref<80x125xi32, #tpu.memory_space<vmem>> -> memref<1x125xi32, #tpu.memory_space<vmem>>
        %dma_start3A_545 = tpu.memref_squeeze %dma_start3A_544 : memref<1x125xi32, #tpu.memory_space<vmem>> -> memref<125xi32, #tpu.memory_space<vmem>>
        %dma_start3A_546 = arith.constant 0 : i32
        %dma_start3A_547 = arith.constant 0 : i32
        %dma_start3A_548 = tpu.memref_slice %arg2[%dma_start3A_546, %dma_start3A_547] : memref<10000x64xbf16, #tpu.memory_space<hbm>> -> memref<10000x64xbf16, #tpu.memory_space<hbm>>
        %dma_start3A_549 = tpu.memref_slice %arg11[%dma_start3A_538] : memref<8x!tpu.dma_semaphore, #tpu.memory_space<semaphore_mem>> -> memref<1x!tpu.dma_semaphore, #tpu.memory_space<semaphore_mem>>
        %dma_start3A_550 = tpu.memref_squeeze %dma_start3A_549 : memref<1x!tpu.dma_semaphore, #tpu.memory_space<semaphore_mem>> -> memref<!tpu.dma_semaphore, #tpu.memory_space<semaphore_mem>>
        tpu.enqueue_indirect_dma source(%dma_start3A_548 : memref<10000x64xbf16, #tpu.memory_space<hbm>>) target(%dma_start3A_542 : memref<125x64xbf16, #tpu.memory_space<vmem>>) offsets(%dma_start3A_545 : memref<125xi32, #tpu.memory_space<vmem>>) semaphore(%dma_start3A_550 : memref<!tpu.dma_semaphore, #tpu.memory_space<semaphore_mem>>)
      } else {
      }
      %mul3A_272 = arith.constant 8 : i32
      %mul3A_273 = arith.muli %scan3A_186, %mul3A_272 : i32
      %add3A_274 = arith.constant 2 : i32
      %add3A_275 = arith.addi %mul3A_273, %add3A_274 : i32
      %dma_wait3A_276 = arith.constant 2 : i32
      %dma_wait3A_277 = arith.constant 2 : i32
      %dma_wait3A_278 = arith.constant 0 : i32
      %dma_wait3A_279 = arith.constant 0 : i32
      %dma_wait3A_280 = tpu.memref_slice %arg8[%dma_wait3A_276, %dma_wait3A_278, %dma_wait3A_279] : memref<8x125x64xbf16, #tpu.memory_space<vmem>> -> memref<1x125x64xbf16, #tpu.memory_space<vmem>>
      %dma_wait3A_281 = tpu.memref_squeeze %dma_wait3A_280 : memref<1x125x64xbf16, #tpu.memory_space<vmem>> -> memref<125x64xbf16, #tpu.memory_space<vmem>>
      %dma_wait3A_282 = arith.constant 0 : i32
      %dma_wait3A_283 = tpu.memref_slice %arg6[%add3A_275, %dma_wait3A_282] : memref<80x125xi32, #tpu.memory_space<vmem>> -> memref<1x125xi32, #tpu.memory_space<vmem>>
      %dma_wait3A_284 = tpu.memref_squeeze %dma_wait3A_283 : memref<1x125xi32, #tpu.memory_space<vmem>> -> memref<125xi32, #tpu.memory_space<vmem>>
      %dma_wait3A_285 = arith.constant 0 : i32
      %dma_wait3A_286 = arith.constant 0 : i32
      %dma_wait3A_287 = tpu.memref_slice %arg2[%dma_wait3A_285, %dma_wait3A_286] : memref<10000x64xbf16, #tpu.memory_space<hbm>> -> memref<10000x64xbf16, #tpu.memory_space<hbm>>
      %dma_wait3A_288 = tpu.memref_slice %arg11[%dma_wait3A_277] : memref<8x!tpu.dma_semaphore, #tpu.memory_space<semaphore_mem>> -> memref<1x!tpu.dma_semaphore, #tpu.memory_space<semaphore_mem>>
      %dma_wait3A_289 = tpu.memref_squeeze %dma_wait3A_288 : memref<1x!tpu.dma_semaphore, #tpu.memory_space<semaphore_mem>> -> memref<!tpu.dma_semaphore, #tpu.memory_space<semaphore_mem>>
      tpu.wait_indirect_dma semaphore(%dma_wait3A_289 : memref<!tpu.dma_semaphore, #tpu.memory_space<semaphore_mem>>) src(%dma_wait3A_287 : memref<10000x64xbf16, #tpu.memory_space<hbm>>) dst(%dma_wait3A_281 : memref<125x64xbf16, #tpu.memory_space<vmem>>)
      %dma_start3A_290 = arith.constant 2 : i32
      %dma_start3A_291 = arith.constant 2 : i32
      %dma_start3A_292 = arith.constant 0 : i32
      %dma_start3A_293 = arith.constant 0 : i32
      %dma_start3A_294 = tpu.memref_slice %arg8[%dma_start3A_290, %dma_start3A_292, %dma_start3A_293] : memref<8x125x64xbf16, #tpu.memory_space<vmem>> -> memref<1x125x64xbf16, #tpu.memory_space<vmem>>
      %dma_start3A_295 = tpu.memref_squeeze %dma_start3A_294 : memref<1x125x64xbf16, #tpu.memory_space<vmem>> -> memref<125x64xbf16, #tpu.memory_space<vmem>>
      %dma_start3A_296 = arith.constant 0 : i32
      %dma_start3A_297 = tpu.memref_slice %arg7[%add3A_275, %dma_start3A_296] : memref<80x125xi32, #tpu.memory_space<vmem>> -> memref<1x125xi32, #tpu.memory_space<vmem>>
      %dma_start3A_298 = tpu.memref_squeeze %dma_start3A_297 : memref<1x125xi32, #tpu.memory_space<vmem>> -> memref<125xi32, #tpu.memory_space<vmem>>
      %dma_start3A_299 = arith.constant 0 : i32
      %dma_start3A_300 = arith.constant 0 : i32
      %dma_start3A_301 = tpu.memref_slice %arg10[%dma_start3A_299, %dma_start3A_300] : memref<10000x64xbf16, #tpu.memory_space<vmem_shared>> -> memref<10000x64xbf16, #tpu.memory_space<vmem_shared>>
      %dma_start3A_302 = tpu.memref_slice %arg12[%dma_start3A_291] : memref<8x!tpu.dma_semaphore, #tpu.memory_space<semaphore_mem>> -> memref<1x!tpu.dma_semaphore, #tpu.memory_space<semaphore_mem>>
      %dma_start3A_303 = tpu.memref_squeeze %dma_start3A_302 : memref<1x!tpu.dma_semaphore, #tpu.memory_space<semaphore_mem>> -> memref<!tpu.dma_semaphore, #tpu.memory_space<semaphore_mem>>
      tpu.enqueue_indirect_dma source(%dma_start3A_295 : memref<125x64xbf16, #tpu.memory_space<vmem>>) target(%dma_start3A_301 : memref<10000x64xbf16, #tpu.memory_space<vmem_shared>>) offsets(%dma_start3A_298 : memref<125xi32, #tpu.memory_space<vmem>>) semaphore(%dma_start3A_303 : memref<!tpu.dma_semaphore, #tpu.memory_space<semaphore_mem>>) {add = true}
      %add3A_304 = arith.constant 6 : i32
      %add3A_305 = arith.addi %add3A_275, %add3A_304 : i32
      %ge3A_306 = arith.constant 8 : i32
      %ge3A_307 = arith.cmpi sge, %add3A_305, %ge3A_306 : i32
      %convert_element_type3A_308 = arith.extui %ge3A_307 : i1 to i32
      %cond3A_309 = arith.constant 0 : i32
      %cond3A_310 = arith.cmpi ne, %convert_element_type3A_308, %cond3A_309 : i32
      scf.if %cond3A_310 {
        %sub3A = arith.constant 8 : i32
        %sub3A_537 = arith.subi %add3A_305, %sub3A : i32
        %dma_wait3A_538 = arith.constant 0 : i32
        %dma_wait3A_539 = arith.constant 0 : i32
        %dma_wait3A_540 = arith.constant 0 : i32
        %dma_wait3A_541 = arith.constant 0 : i32
        %dma_wait3A_542 = tpu.memref_slice %arg8[%dma_wait3A_538, %dma_wait3A_540, %dma_wait3A_541] : memref<8x125x64xbf16, #tpu.memory_space<vmem>> -> memref<1x125x64xbf16, #tpu.memory_space<vmem>>
        %dma_wait3A_543 = tpu.memref_squeeze %dma_wait3A_542 : memref<1x125x64xbf16, #tpu.memory_space<vmem>> -> memref<125x64xbf16, #tpu.memory_space<vmem>>
        %dma_wait3A_544 = arith.constant 0 : i32
        %dma_wait3A_545 = tpu.memref_slice %arg7[%sub3A_537, %dma_wait3A_544] : memref<80x125xi32, #tpu.memory_space<vmem>> -> memref<1x125xi32, #tpu.memory_space<vmem>>
        %dma_wait3A_546 = tpu.memref_squeeze %dma_wait3A_545 : memref<1x125xi32, #tpu.memory_space<vmem>> -> memref<125xi32, #tpu.memory_space<vmem>>
        %dma_wait3A_547 = arith.constant 0 : i32
        %dma_wait3A_548 = arith.constant 0 : i32
        %dma_wait3A_549 = tpu.memref_slice %arg10[%dma_wait3A_547, %dma_wait3A_548] : memref<10000x64xbf16, #tpu.memory_space<vmem_shared>> -> memref<10000x64xbf16, #tpu.memory_space<vmem_shared>>
        %dma_wait3A_550 = tpu.memref_slice %arg12[%dma_wait3A_539] : memref<8x!tpu.dma_semaphore, #tpu.memory_space<semaphore_mem>> -> memref<1x!tpu.dma_semaphore, #tpu.memory_space<semaphore_mem>>
        %dma_wait3A_551 = tpu.memref_squeeze %dma_wait3A_550 : memref<1x!tpu.dma_semaphore, #tpu.memory_space<semaphore_mem>> -> memref<!tpu.dma_semaphore, #tpu.memory_space<semaphore_mem>>
        tpu.wait_indirect_dma semaphore(%dma_wait3A_551 : memref<!tpu.dma_semaphore, #tpu.memory_space<semaphore_mem>>) src(%dma_wait3A_543 : memref<125x64xbf16, #tpu.memory_space<vmem>>) dst(%dma_wait3A_549 : memref<10000x64xbf16, #tpu.memory_space<vmem_shared>>)
      } else {
      }
      %lt3A_311 = arith.constant 80 : i32
      %lt3A_312 = arith.cmpi slt, %add3A_305, %lt3A_311 : i32
      %convert_element_type3A_313 = arith.extui %lt3A_312 : i1 to i32
      %cond3A_314 = arith.constant 0 : i32
      %cond3A_315 = arith.cmpi ne, %convert_element_type3A_313, %cond3A_314 : i32
      scf.if %cond3A_315 {
        %dma_start3A_537 = arith.constant 0 : i32
        %dma_start3A_538 = arith.constant 0 : i32
        %dma_start3A_539 = arith.constant 0 : i32
        %dma_start3A_540 = arith.constant 0 : i32
        %dma_start3A_541 = tpu.memref_slice %arg8[%dma_start3A_537, %dma_start3A_539, %dma_start3A_540] : memref<8x125x64xbf16, #tpu.memory_space<vmem>> -> memref<1x125x64xbf16, #tpu.memory_space<vmem>>
        %dma_start3A_542 = tpu.memref_squeeze %dma_start3A_541 : memref<1x125x64xbf16, #tpu.memory_space<vmem>> -> memref<125x64xbf16, #tpu.memory_space<vmem>>
        %dma_start3A_543 = arith.constant 0 : i32
        %dma_start3A_544 = tpu.memref_slice %arg6[%add3A_305, %dma_start3A_543] : memref<80x125xi32, #tpu.memory_space<vmem>> -> memref<1x125xi32, #tpu.memory_space<vmem>>
        %dma_start3A_545 = tpu.memref_squeeze %dma_start3A_544 : memref<1x125xi32, #tpu.memory_space<vmem>> -> memref<125xi32, #tpu.memory_space<vmem>>
        %dma_start3A_546 = arith.constant 0 : i32
        %dma_start3A_547 = arith.constant 0 : i32
        %dma_start3A_548 = tpu.memref_slice %arg2[%dma_start3A_546, %dma_start3A_547] : memref<10000x64xbf16, #tpu.memory_space<hbm>> -> memref<10000x64xbf16, #tpu.memory_space<hbm>>
        %dma_start3A_549 = tpu.memref_slice %arg11[%dma_start3A_538] : memref<8x!tpu.dma_semaphore, #tpu.memory_space<semaphore_mem>> -> memref<1x!tpu.dma_semaphore, #tpu.memory_space<semaphore_mem>>
        %dma_start3A_550 = tpu.memref_squeeze %dma_start3A_549 : memref<1x!tpu.dma_semaphore, #tpu.memory_space<semaphore_mem>> -> memref<!tpu.dma_semaphore, #tpu.memory_space<semaphore_mem>>
        tpu.enqueue_indirect_dma source(%dma_start3A_548 : memref<10000x64xbf16, #tpu.memory_space<hbm>>) target(%dma_start3A_542 : memref<125x64xbf16, #tpu.memory_space<vmem>>) offsets(%dma_start3A_545 : memref<125xi32, #tpu.memory_space<vmem>>) semaphore(%dma_start3A_550 : memref<!tpu.dma_semaphore, #tpu.memory_space<semaphore_mem>>)
      } else {
      }
      %mul3A_316 = arith.constant 8 : i32
      %mul3A_317 = arith.muli %scan3A_186, %mul3A_316 : i32
      %add3A_318 = arith.constant 3 : i32
      %add3A_319 = arith.addi %mul3A_317, %add3A_318 : i32
      %dma_wait3A_320 = arith.constant 3 : i32
      %dma_wait3A_321 = arith.constant 3 : i32
      %dma_wait3A_322 = arith.constant 0 : i32
      %dma_wait3A_323 = arith.constant 0 : i32
      %dma_wait3A_324 = tpu.memref_slice %arg8[%dma_wait3A_320, %dma_wait3A_322, %dma_wait3A_323] : memref<8x125x64xbf16, #tpu.memory_space<vmem>> -> memref<1x125x64xbf16, #tpu.memory_space<vmem>>
      %dma_wait3A_325 = tpu.memref_squeeze %dma_wait3A_324 : memref<1x125x64xbf16, #tpu.memory_space<vmem>> -> memref<125x64xbf16, #tpu.memory_space<vmem>>
      %dma_wait3A_326 = arith.constant 0 : i32
      %dma_wait3A_327 = tpu.memref_slice %arg6[%add3A_319, %dma_wait3A_326] : memref<80x125xi32, #tpu.memory_space<vmem>> -> memref<1x125xi32, #tpu.memory_space<vmem>>
      %dma_wait3A_328 = tpu.memref_squeeze %dma_wait3A_327 : memref<1x125xi32, #tpu.memory_space<vmem>> -> memref<125xi32, #tpu.memory_space<vmem>>
      %dma_wait3A_329 = arith.constant 0 : i32
      %dma_wait3A_330 = arith.constant 0 : i32
      %dma_wait3A_331 = tpu.memref_slice %arg2[%dma_wait3A_329, %dma_wait3A_330] : memref<10000x64xbf16, #tpu.memory_space<hbm>> -> memref<10000x64xbf16, #tpu.memory_space<hbm>>
      %dma_wait3A_332 = tpu.memref_slice %arg11[%dma_wait3A_321] : memref<8x!tpu.dma_semaphore, #tpu.memory_space<semaphore_mem>> -> memref<1x!tpu.dma_semaphore, #tpu.memory_space<semaphore_mem>>
      %dma_wait3A_333 = tpu.memref_squeeze %dma_wait3A_332 : memref<1x!tpu.dma_semaphore, #tpu.memory_space<semaphore_mem>> -> memref<!tpu.dma_semaphore, #tpu.memory_space<semaphore_mem>>
      tpu.wait_indirect_dma semaphore(%dma_wait3A_333 : memref<!tpu.dma_semaphore, #tpu.memory_space<semaphore_mem>>) src(%dma_wait3A_331 : memref<10000x64xbf16, #tpu.memory_space<hbm>>) dst(%dma_wait3A_325 : memref<125x64xbf16, #tpu.memory_space<vmem>>)
      %dma_start3A_334 = arith.constant 3 : i32
      %dma_start3A_335 = arith.constant 3 : i32
      %dma_start3A_336 = arith.constant 0 : i32
      %dma_start3A_337 = arith.constant 0 : i32
      %dma_start3A_338 = tpu.memref_slice %arg8[%dma_start3A_334, %dma_start3A_336, %dma_start3A_337] : memref<8x125x64xbf16, #tpu.memory_space<vmem>> -> memref<1x125x64xbf16, #tpu.memory_space<vmem>>
      %dma_start3A_339 = tpu.memref_squeeze %dma_start3A_338 : memref<1x125x64xbf16, #tpu.memory_space<vmem>> -> memref<125x64xbf16, #tpu.memory_space<vmem>>
      %dma_start3A_340 = arith.constant 0 : i32
      %dma_start3A_341 = tpu.memref_slice %arg7[%add3A_319, %dma_start3A_340] : memref<80x125xi32, #tpu.memory_space<vmem>> -> memref<1x125xi32, #tpu.memory_space<vmem>>
      %dma_start3A_342 = tpu.memref_squeeze %dma_start3A_341 : memref<1x125xi32, #tpu.memory_space<vmem>> -> memref<125xi32, #tpu.memory_space<vmem>>
      %dma_start3A_343 = arith.constant 0 : i32
      %dma_start3A_344 = arith.constant 0 : i32
      %dma_start3A_345 = tpu.memref_slice %arg10[%dma_start3A_343, %dma_start3A_344] : memref<10000x64xbf16, #tpu.memory_space<vmem_shared>> -> memref<10000x64xbf16, #tpu.memory_space<vmem_shared>>
      %dma_start3A_346 = tpu.memref_slice %arg12[%dma_start3A_335] : memref<8x!tpu.dma_semaphore, #tpu.memory_space<semaphore_mem>> -> memref<1x!tpu.dma_semaphore, #tpu.memory_space<semaphore_mem>>
      %dma_start3A_347 = tpu.memref_squeeze %dma_start3A_346 : memref<1x!tpu.dma_semaphore, #tpu.memory_space<semaphore_mem>> -> memref<!tpu.dma_semaphore, #tpu.memory_space<semaphore_mem>>
      tpu.enqueue_indirect_dma source(%dma_start3A_339 : memref<125x64xbf16, #tpu.memory_space<vmem>>) target(%dma_start3A_345 : memref<10000x64xbf16, #tpu.memory_space<vmem_shared>>) offsets(%dma_start3A_342 : memref<125xi32, #tpu.memory_space<vmem>>) semaphore(%dma_start3A_347 : memref<!tpu.dma_semaphore, #tpu.memory_space<semaphore_mem>>) {add = true}
      %add3A_348 = arith.constant 6 : i32
      %add3A_349 = arith.addi %add3A_319, %add3A_348 : i32
      %ge3A_350 = arith.constant 8 : i32
      %ge3A_351 = arith.cmpi sge, %add3A_349, %ge3A_350 : i32
      %convert_element_type3A_352 = arith.extui %ge3A_351 : i1 to i32
      %cond3A_353 = arith.constant 0 : i32
      %cond3A_354 = arith.cmpi ne, %convert_element_type3A_352, %cond3A_353 : i32
      scf.if %cond3A_354 {
        %sub3A = arith.constant 8 : i32
        %sub3A_537 = arith.subi %add3A_349, %sub3A : i32
        %dma_wait3A_538 = arith.constant 1 : i32
        %dma_wait3A_539 = arith.constant 1 : i32
        %dma_wait3A_540 = arith.constant 0 : i32
        %dma_wait3A_541 = arith.constant 0 : i32
        %dma_wait3A_542 = tpu.memref_slice %arg8[%dma_wait3A_538, %dma_wait3A_540, %dma_wait3A_541] : memref<8x125x64xbf16, #tpu.memory_space<vmem>> -> memref<1x125x64xbf16, #tpu.memory_space<vmem>>
        %dma_wait3A_543 = tpu.memref_squeeze %dma_wait3A_542 : memref<1x125x64xbf16, #tpu.memory_space<vmem>> -> memref<125x64xbf16, #tpu.memory_space<vmem>>
        %dma_wait3A_544 = arith.constant 0 : i32
        %dma_wait3A_545 = tpu.memref_slice %arg7[%sub3A_537, %dma_wait3A_544] : memref<80x125xi32, #tpu.memory_space<vmem>> -> memref<1x125xi32, #tpu.memory_space<vmem>>
        %dma_wait3A_546 = tpu.memref_squeeze %dma_wait3A_545 : memref<1x125xi32, #tpu.memory_space<vmem>> -> memref<125xi32, #tpu.memory_space<vmem>>
        %dma_wait3A_547 = arith.constant 0 : i32
        %dma_wait3A_548 = arith.constant 0 : i32
        %dma_wait3A_549 = tpu.memref_slice %arg10[%dma_wait3A_547, %dma_wait3A_548] : memref<10000x64xbf16, #tpu.memory_space<vmem_shared>> -> memref<10000x64xbf16, #tpu.memory_space<vmem_shared>>
        %dma_wait3A_550 = tpu.memref_slice %arg12[%dma_wait3A_539] : memref<8x!tpu.dma_semaphore, #tpu.memory_space<semaphore_mem>> -> memref<1x!tpu.dma_semaphore, #tpu.memory_space<semaphore_mem>>
        %dma_wait3A_551 = tpu.memref_squeeze %dma_wait3A_550 : memref<1x!tpu.dma_semaphore, #tpu.memory_space<semaphore_mem>> -> memref<!tpu.dma_semaphore, #tpu.memory_space<semaphore_mem>>
        tpu.wait_indirect_dma semaphore(%dma_wait3A_551 : memref<!tpu.dma_semaphore, #tpu.memory_space<semaphore_mem>>) src(%dma_wait3A_543 : memref<125x64xbf16, #tpu.memory_space<vmem>>) dst(%dma_wait3A_549 : memref<10000x64xbf16, #tpu.memory_space<vmem_shared>>)
      } else {
      }
      %lt3A_355 = arith.constant 80 : i32
      %lt3A_356 = arith.cmpi slt, %add3A_349, %lt3A_355 : i32
      %convert_element_type3A_357 = arith.extui %lt3A_356 : i1 to i32
      %cond3A_358 = arith.constant 0 : i32
      %cond3A_359 = arith.cmpi ne, %convert_element_type3A_357, %cond3A_358 : i32
      scf.if %cond3A_359 {
        %dma_start3A_537 = arith.constant 1 : i32
        %dma_start3A_538 = arith.constant 1 : i32
        %dma_start3A_539 = arith.constant 0 : i32
        %dma_start3A_540 = arith.constant 0 : i32
        %dma_start3A_541 = tpu.memref_slice %arg8[%dma_start3A_537, %dma_start3A_539, %dma_start3A_540] : memref<8x125x64xbf16, #tpu.memory_space<vmem>> -> memref<1x125x64xbf16, #tpu.memory_space<vmem>>
        %dma_start3A_542 = tpu.memref_squeeze %dma_start3A_541 : memref<1x125x64xbf16, #tpu.memory_space<vmem>> -> memref<125x64xbf16, #tpu.memory_space<vmem>>
        %dma_start3A_543 = arith.constant 0 : i32
        %dma_start3A_544 = tpu.memref_slice %arg6[%add3A_349, %dma_start3A_543] : memref<80x125xi32, #tpu.memory_space<vmem>> -> memref<1x125xi32, #tpu.memory_space<vmem>>
        %dma_start3A_545 = tpu.memref_squeeze %dma_start3A_544 : memref<1x125xi32, #tpu.memory_space<vmem>> -> memref<125xi32, #tpu.memory_space<vmem>>
        %dma_start3A_546 = arith.constant 0 : i32
        %dma_start3A_547 = arith.constant 0 : i32
        %dma_start3A_548 = tpu.memref_slice %arg2[%dma_start3A_546, %dma_start3A_547] : memref<10000x64xbf16, #tpu.memory_space<hbm>> -> memref<10000x64xbf16, #tpu.memory_space<hbm>>
        %dma_start3A_549 = tpu.memref_slice %arg11[%dma_start3A_538] : memref<8x!tpu.dma_semaphore, #tpu.memory_space<semaphore_mem>> -> memref<1x!tpu.dma_semaphore, #tpu.memory_space<semaphore_mem>>
        %dma_start3A_550 = tpu.memref_squeeze %dma_start3A_549 : memref<1x!tpu.dma_semaphore, #tpu.memory_space<semaphore_mem>> -> memref<!tpu.dma_semaphore, #tpu.memory_space<semaphore_mem>>
        tpu.enqueue_indirect_dma source(%dma_start3A_548 : memref<10000x64xbf16, #tpu.memory_space<hbm>>) target(%dma_start3A_542 : memref<125x64xbf16, #tpu.memory_space<vmem>>) offsets(%dma_start3A_545 : memref<125xi32, #tpu.memory_space<vmem>>) semaphore(%dma_start3A_550 : memref<!tpu.dma_semaphore, #tpu.memory_space<semaphore_mem>>)
      } else {
      }
      %mul3A_360 = arith.constant 8 : i32
      %mul3A_361 = arith.muli %scan3A_186, %mul3A_360 : i32
      %add3A_362 = arith.constant 4 : i32
      %add3A_363 = arith.addi %mul3A_361, %add3A_362 : i32
      %dma_wait3A_364 = arith.constant 4 : i32
      %dma_wait3A_365 = arith.constant 4 : i32
      %dma_wait3A_366 = arith.constant 0 : i32
      %dma_wait3A_367 = arith.constant 0 : i32
      %dma_wait3A_368 = tpu.memref_slice %arg8[%dma_wait3A_364, %dma_wait3A_366, %dma_wait3A_367] : memref<8x125x64xbf16, #tpu.memory_space<vmem>> -> memref<1x125x64xbf16, #tpu.memory_space<vmem>>
      %dma_wait3A_369 = tpu.memref_squeeze %dma_wait3A_368 : memref<1x125x64xbf16, #tpu.memory_space<vmem>> -> memref<125x64xbf16, #tpu.memory_space<vmem>>
      %dma_wait3A_370 = arith.constant 0 : i32
      %dma_wait3A_371 = tpu.memref_slice %arg6[%add3A_363, %dma_wait3A_370] : memref<80x125xi32, #tpu.memory_space<vmem>> -> memref<1x125xi32, #tpu.memory_space<vmem>>
      %dma_wait3A_372 = tpu.memref_squeeze %dma_wait3A_371 : memref<1x125xi32, #tpu.memory_space<vmem>> -> memref<125xi32, #tpu.memory_space<vmem>>
      %dma_wait3A_373 = arith.constant 0 : i32
      %dma_wait3A_374 = arith.constant 0 : i32
      %dma_wait3A_375 = tpu.memref_slice %arg2[%dma_wait3A_373, %dma_wait3A_374] : memref<10000x64xbf16, #tpu.memory_space<hbm>> -> memref<10000x64xbf16, #tpu.memory_space<hbm>>
      %dma_wait3A_376 = tpu.memref_slice %arg11[%dma_wait3A_365] : memref<8x!tpu.dma_semaphore, #tpu.memory_space<semaphore_mem>> -> memref<1x!tpu.dma_semaphore, #tpu.memory_space<semaphore_mem>>
      %dma_wait3A_377 = tpu.memref_squeeze %dma_wait3A_376 : memref<1x!tpu.dma_semaphore, #tpu.memory_space<semaphore_mem>> -> memref<!tpu.dma_semaphore, #tpu.memory_space<semaphore_mem>>
      tpu.wait_indirect_dma semaphore(%dma_wait3A_377 : memref<!tpu.dma_semaphore, #tpu.memory_space<semaphore_mem>>) src(%dma_wait3A_375 : memref<10000x64xbf16, #tpu.memory_space<hbm>>) dst(%dma_wait3A_369 : memref<125x64xbf16, #tpu.memory_space<vmem>>)
      %dma_start3A_378 = arith.constant 4 : i32
      %dma_start3A_379 = arith.constant 4 : i32
      %dma_start3A_380 = arith.constant 0 : i32
      %dma_start3A_381 = arith.constant 0 : i32
      %dma_start3A_382 = tpu.memref_slice %arg8[%dma_start3A_378, %dma_start3A_380, %dma_start3A_381] : memref<8x125x64xbf16, #tpu.memory_space<vmem>> -> memref<1x125x64xbf16, #tpu.memory_space<vmem>>
      %dma_start3A_383 = tpu.memref_squeeze %dma_start3A_382 : memref<1x125x64xbf16, #tpu.memory_space<vmem>> -> memref<125x64xbf16, #tpu.memory_space<vmem>>
      %dma_start3A_384 = arith.constant 0 : i32
      %dma_start3A_385 = tpu.memref_slice %arg7[%add3A_363, %dma_start3A_384] : memref<80x125xi32, #tpu.memory_space<vmem>> -> memref<1x125xi32, #tpu.memory_space<vmem>>
      %dma_start3A_386 = tpu.memref_squeeze %dma_start3A_385 : memref<1x125xi32, #tpu.memory_space<vmem>> -> memref<125xi32, #tpu.memory_space<vmem>>
      %dma_start3A_387 = arith.constant 0 : i32
      %dma_start3A_388 = arith.constant 0 : i32
      %dma_start3A_389 = tpu.memref_slice %arg10[%dma_start3A_387, %dma_start3A_388] : memref<10000x64xbf16, #tpu.memory_space<vmem_shared>> -> memref<10000x64xbf16, #tpu.memory_space<vmem_shared>>
      %dma_start3A_390 = tpu.memref_slice %arg12[%dma_start3A_379] : memref<8x!tpu.dma_semaphore, #tpu.memory_space<semaphore_mem>> -> memref<1x!tpu.dma_semaphore, #tpu.memory_space<semaphore_mem>>
      %dma_start3A_391 = tpu.memref_squeeze %dma_start3A_390 : memref<1x!tpu.dma_semaphore, #tpu.memory_space<semaphore_mem>> -> memref<!tpu.dma_semaphore, #tpu.memory_space<semaphore_mem>>
      tpu.enqueue_indirect_dma source(%dma_start3A_383 : memref<125x64xbf16, #tpu.memory_space<vmem>>) target(%dma_start3A_389 : memref<10000x64xbf16, #tpu.memory_space<vmem_shared>>) offsets(%dma_start3A_386 : memref<125xi32, #tpu.memory_space<vmem>>) semaphore(%dma_start3A_391 : memref<!tpu.dma_semaphore, #tpu.memory_space<semaphore_mem>>) {add = true}
      %add3A_392 = arith.constant 6 : i32
      %add3A_393 = arith.addi %add3A_363, %add3A_392 : i32
      %ge3A_394 = arith.constant 8 : i32
      %ge3A_395 = arith.cmpi sge, %add3A_393, %ge3A_394 : i32
      %convert_element_type3A_396 = arith.extui %ge3A_395 : i1 to i32
      %cond3A_397 = arith.constant 0 : i32
      %cond3A_398 = arith.cmpi ne, %convert_element_type3A_396, %cond3A_397 : i32
      scf.if %cond3A_398 {
        %sub3A = arith.constant 8 : i32
        %sub3A_537 = arith.subi %add3A_393, %sub3A : i32
        %dma_wait3A_538 = arith.constant 2 : i32
        %dma_wait3A_539 = arith.constant 2 : i32
        %dma_wait3A_540 = arith.constant 0 : i32
        %dma_wait3A_541 = arith.constant 0 : i32
        %dma_wait3A_542 = tpu.memref_slice %arg8[%dma_wait3A_538, %dma_wait3A_540, %dma_wait3A_541] : memref<8x125x64xbf16, #tpu.memory_space<vmem>> -> memref<1x125x64xbf16, #tpu.memory_space<vmem>>
        %dma_wait3A_543 = tpu.memref_squeeze %dma_wait3A_542 : memref<1x125x64xbf16, #tpu.memory_space<vmem>> -> memref<125x64xbf16, #tpu.memory_space<vmem>>
        %dma_wait3A_544 = arith.constant 0 : i32
        %dma_wait3A_545 = tpu.memref_slice %arg7[%sub3A_537, %dma_wait3A_544] : memref<80x125xi32, #tpu.memory_space<vmem>> -> memref<1x125xi32, #tpu.memory_space<vmem>>
        %dma_wait3A_546 = tpu.memref_squeeze %dma_wait3A_545 : memref<1x125xi32, #tpu.memory_space<vmem>> -> memref<125xi32, #tpu.memory_space<vmem>>
        %dma_wait3A_547 = arith.constant 0 : i32
        %dma_wait3A_548 = arith.constant 0 : i32
        %dma_wait3A_549 = tpu.memref_slice %arg10[%dma_wait3A_547, %dma_wait3A_548] : memref<10000x64xbf16, #tpu.memory_space<vmem_shared>> -> memref<10000x64xbf16, #tpu.memory_space<vmem_shared>>
        %dma_wait3A_550 = tpu.memref_slice %arg12[%dma_wait3A_539] : memref<8x!tpu.dma_semaphore, #tpu.memory_space<semaphore_mem>> -> memref<1x!tpu.dma_semaphore, #tpu.memory_space<semaphore_mem>>
        %dma_wait3A_551 = tpu.memref_squeeze %dma_wait3A_550 : memref<1x!tpu.dma_semaphore, #tpu.memory_space<semaphore_mem>> -> memref<!tpu.dma_semaphore, #tpu.memory_space<semaphore_mem>>
        tpu.wait_indirect_dma semaphore(%dma_wait3A_551 : memref<!tpu.dma_semaphore, #tpu.memory_space<semaphore_mem>>) src(%dma_wait3A_543 : memref<125x64xbf16, #tpu.memory_space<vmem>>) dst(%dma_wait3A_549 : memref<10000x64xbf16, #tpu.memory_space<vmem_shared>>)
      } else {
      }
      %lt3A_399 = arith.constant 80 : i32
      %lt3A_400 = arith.cmpi slt, %add3A_393, %lt3A_399 : i32
      %convert_element_type3A_401 = arith.extui %lt3A_400 : i1 to i32
      %cond3A_402 = arith.constant 0 : i32
      %cond3A_403 = arith.cmpi ne, %convert_element_type3A_401, %cond3A_402 : i32
      scf.if %cond3A_403 {
        %dma_start3A_537 = arith.constant 2 : i32
        %dma_start3A_538 = arith.constant 2 : i32
        %dma_start3A_539 = arith.constant 0 : i32
        %dma_start3A_540 = arith.constant 0 : i32
        %dma_start3A_541 = tpu.memref_slice %arg8[%dma_start3A_537, %dma_start3A_539, %dma_start3A_540] : memref<8x125x64xbf16, #tpu.memory_space<vmem>> -> memref<1x125x64xbf16, #tpu.memory_space<vmem>>
        %dma_start3A_542 = tpu.memref_squeeze %dma_start3A_541 : memref<1x125x64xbf16, #tpu.memory_space<vmem>> -> memref<125x64xbf16, #tpu.memory_space<vmem>>
        %dma_start3A_543 = arith.constant 0 : i32
        %dma_start3A_544 = tpu.memref_slice %arg6[%add3A_393, %dma_start3A_543] : memref<80x125xi32, #tpu.memory_space<vmem>> -> memref<1x125xi32, #tpu.memory_space<vmem>>
        %dma_start3A_545 = tpu.memref_squeeze %dma_start3A_544 : memref<1x125xi32, #tpu.memory_space<vmem>> -> memref<125xi32, #tpu.memory_space<vmem>>
        %dma_start3A_546 = arith.constant 0 : i32
        %dma_start3A_547 = arith.constant 0 : i32
        %dma_start3A_548 = tpu.memref_slice %arg2[%dma_start3A_546, %dma_start3A_547] : memref<10000x64xbf16, #tpu.memory_space<hbm>> -> memref<10000x64xbf16, #tpu.memory_space<hbm>>
        %dma_start3A_549 = tpu.memref_slice %arg11[%dma_start3A_538] : memref<8x!tpu.dma_semaphore, #tpu.memory_space<semaphore_mem>> -> memref<1x!tpu.dma_semaphore, #tpu.memory_space<semaphore_mem>>
        %dma_start3A_550 = tpu.memref_squeeze %dma_start3A_549 : memref<1x!tpu.dma_semaphore, #tpu.memory_space<semaphore_mem>> -> memref<!tpu.dma_semaphore, #tpu.memory_space<semaphore_mem>>
        tpu.enqueue_indirect_dma source(%dma_start3A_548 : memref<10000x64xbf16, #tpu.memory_space<hbm>>) target(%dma_start3A_542 : memref<125x64xbf16, #tpu.memory_space<vmem>>) offsets(%dma_start3A_545 : memref<125xi32, #tpu.memory_space<vmem>>) semaphore(%dma_start3A_550 : memref<!tpu.dma_semaphore, #tpu.memory_space<semaphore_mem>>)
      } else {
      }
      %mul3A_404 = arith.constant 8 : i32
      %mul3A_405 = arith.muli %scan3A_186, %mul3A_404 : i32
      %add3A_406 = arith.constant 5 : i32
      %add3A_407 = arith.addi %mul3A_405, %add3A_406 : i32
      %dma_wait3A_408 = arith.constant 5 : i32
      %dma_wait3A_409 = arith.constant 5 : i32
      %dma_wait3A_410 = arith.constant 0 : i32
      %dma_wait3A_411 = arith.constant 0 : i32
      %dma_wait3A_412 = tpu.memref_slice %arg8[%dma_wait3A_408, %dma_wait3A_410, %dma_wait3A_411] : memref<8x125x64xbf16, #tpu.memory_space<vmem>> -> memref<1x125x64xbf16, #tpu.memory_space<vmem>>
      %dma_wait3A_413 = tpu.memref_squeeze %dma_wait3A_412 : memref<1x125x64xbf16, #tpu.memory_space<vmem>> -> memref<125x64xbf16, #tpu.memory_space<vmem>>
      %dma_wait3A_414 = arith.constant 0 : i32
      %dma_wait3A_415 = tpu.memref_slice %arg6[%add3A_407, %dma_wait3A_414] : memref<80x125xi32, #tpu.memory_space<vmem>> -> memref<1x125xi32, #tpu.memory_space<vmem>>
      %dma_wait3A_416 = tpu.memref_squeeze %dma_wait3A_415 : memref<1x125xi32, #tpu.memory_space<vmem>> -> memref<125xi32, #tpu.memory_space<vmem>>
      %dma_wait3A_417 = arith.constant 0 : i32
      %dma_wait3A_418 = arith.constant 0 : i32
      %dma_wait3A_419 = tpu.memref_slice %arg2[%dma_wait3A_417, %dma_wait3A_418] : memref<10000x64xbf16, #tpu.memory_space<hbm>> -> memref<10000x64xbf16, #tpu.memory_space<hbm>>
      %dma_wait3A_420 = tpu.memref_slice %arg11[%dma_wait3A_409] : memref<8x!tpu.dma_semaphore, #tpu.memory_space<semaphore_mem>> -> memref<1x!tpu.dma_semaphore, #tpu.memory_space<semaphore_mem>>
      %dma_wait3A_421 = tpu.memref_squeeze %dma_wait3A_420 : memref<1x!tpu.dma_semaphore, #tpu.memory_space<semaphore_mem>> -> memref<!tpu.dma_semaphore, #tpu.memory_space<semaphore_mem>>
      tpu.wait_indirect_dma semaphore(%dma_wait3A_421 : memref<!tpu.dma_semaphore, #tpu.memory_space<semaphore_mem>>) src(%dma_wait3A_419 : memref<10000x64xbf16, #tpu.memory_space<hbm>>) dst(%dma_wait3A_413 : memref<125x64xbf16, #tpu.memory_space<vmem>>)
      %dma_start3A_422 = arith.constant 5 : i32
      %dma_start3A_423 = arith.constant 5 : i32
      %dma_start3A_424 = arith.constant 0 : i32
      %dma_start3A_425 = arith.constant 0 : i32
      %dma_start3A_426 = tpu.memref_slice %arg8[%dma_start3A_422, %dma_start3A_424, %dma_start3A_425] : memref<8x125x64xbf16, #tpu.memory_space<vmem>> -> memref<1x125x64xbf16, #tpu.memory_space<vmem>>
      %dma_start3A_427 = tpu.memref_squeeze %dma_start3A_426 : memref<1x125x64xbf16, #tpu.memory_space<vmem>> -> memref<125x64xbf16, #tpu.memory_space<vmem>>
      %dma_start3A_428 = arith.constant 0 : i32
      %dma_start3A_429 = tpu.memref_slice %arg7[%add3A_407, %dma_start3A_428] : memref<80x125xi32, #tpu.memory_space<vmem>> -> memref<1x125xi32, #tpu.memory_space<vmem>>
      %dma_start3A_430 = tpu.memref_squeeze %dma_start3A_429 : memref<1x125xi32, #tpu.memory_space<vmem>> -> memref<125xi32, #tpu.memory_space<vmem>>
      %dma_start3A_431 = arith.constant 0 : i32
      %dma_start3A_432 = arith.constant 0 : i32
      %dma_start3A_433 = tpu.memref_slice %arg10[%dma_start3A_431, %dma_start3A_432] : memref<10000x64xbf16, #tpu.memory_space<vmem_shared>> -> memref<10000x64xbf16, #tpu.memory_space<vmem_shared>>
      %dma_start3A_434 = tpu.memref_slice %arg12[%dma_start3A_423] : memref<8x!tpu.dma_semaphore, #tpu.memory_space<semaphore_mem>> -> memref<1x!tpu.dma_semaphore, #tpu.memory_space<semaphore_mem>>
      %dma_start3A_435 = tpu.memref_squeeze %dma_start3A_434 : memref<1x!tpu.dma_semaphore, #tpu.memory_space<semaphore_mem>> -> memref<!tpu.dma_semaphore, #tpu.memory_space<semaphore_mem>>
      tpu.enqueue_indirect_dma source(%dma_start3A_427 : memref<125x64xbf16, #tpu.memory_space<vmem>>) target(%dma_start3A_433 : memref<10000x64xbf16, #tpu.memory_space<vmem_shared>>) offsets(%dma_start3A_430 : memref<125xi32, #tpu.memory_space<vmem>>) semaphore(%dma_start3A_435 : memref<!tpu.dma_semaphore, #tpu.memory_space<semaphore_mem>>) {add = true}
      %add3A_436 = arith.constant 6 : i32
      %add3A_437 = arith.addi %add3A_407, %add3A_436 : i32
      %ge3A_438 = arith.constant 8 : i32
      %ge3A_439 = arith.cmpi sge, %add3A_437, %ge3A_438 : i32
      %convert_element_type3A_440 = arith.extui %ge3A_439 : i1 to i32
      %cond3A_441 = arith.constant 0 : i32
      %cond3A_442 = arith.cmpi ne, %convert_element_type3A_440, %cond3A_441 : i32
      scf.if %cond3A_442 {
        %sub3A = arith.constant 8 : i32
        %sub3A_537 = arith.subi %add3A_437, %sub3A : i32
        %dma_wait3A_538 = arith.constant 3 : i32
        %dma_wait3A_539 = arith.constant 3 : i32
        %dma_wait3A_540 = arith.constant 0 : i32
        %dma_wait3A_541 = arith.constant 0 : i32
        %dma_wait3A_542 = tpu.memref_slice %arg8[%dma_wait3A_538, %dma_wait3A_540, %dma_wait3A_541] : memref<8x125x64xbf16, #tpu.memory_space<vmem>> -> memref<1x125x64xbf16, #tpu.memory_space<vmem>>
        %dma_wait3A_543 = tpu.memref_squeeze %dma_wait3A_542 : memref<1x125x64xbf16, #tpu.memory_space<vmem>> -> memref<125x64xbf16, #tpu.memory_space<vmem>>
        %dma_wait3A_544 = arith.constant 0 : i32
        %dma_wait3A_545 = tpu.memref_slice %arg7[%sub3A_537, %dma_wait3A_544] : memref<80x125xi32, #tpu.memory_space<vmem>> -> memref<1x125xi32, #tpu.memory_space<vmem>>
        %dma_wait3A_546 = tpu.memref_squeeze %dma_wait3A_545 : memref<1x125xi32, #tpu.memory_space<vmem>> -> memref<125xi32, #tpu.memory_space<vmem>>
        %dma_wait3A_547 = arith.constant 0 : i32
        %dma_wait3A_548 = arith.constant 0 : i32
        %dma_wait3A_549 = tpu.memref_slice %arg10[%dma_wait3A_547, %dma_wait3A_548] : memref<10000x64xbf16, #tpu.memory_space<vmem_shared>> -> memref<10000x64xbf16, #tpu.memory_space<vmem_shared>>
        %dma_wait3A_550 = tpu.memref_slice %arg12[%dma_wait3A_539] : memref<8x!tpu.dma_semaphore, #tpu.memory_space<semaphore_mem>> -> memref<1x!tpu.dma_semaphore, #tpu.memory_space<semaphore_mem>>
        %dma_wait3A_551 = tpu.memref_squeeze %dma_wait3A_550 : memref<1x!tpu.dma_semaphore, #tpu.memory_space<semaphore_mem>> -> memref<!tpu.dma_semaphore, #tpu.memory_space<semaphore_mem>>
        tpu.wait_indirect_dma semaphore(%dma_wait3A_551 : memref<!tpu.dma_semaphore, #tpu.memory_space<semaphore_mem>>) src(%dma_wait3A_543 : memref<125x64xbf16, #tpu.memory_space<vmem>>) dst(%dma_wait3A_549 : memref<10000x64xbf16, #tpu.memory_space<vmem_shared>>)
      } else {
      }
      %lt3A_443 = arith.constant 80 : i32
      %lt3A_444 = arith.cmpi slt, %add3A_437, %lt3A_443 : i32
      %convert_element_type3A_445 = arith.extui %lt3A_444 : i1 to i32
      %cond3A_446 = arith.constant 0 : i32
      %cond3A_447 = arith.cmpi ne, %convert_element_type3A_445, %cond3A_446 : i32
      scf.if %cond3A_447 {
        %dma_start3A_537 = arith.constant 3 : i32
        %dma_start3A_538 = arith.constant 3 : i32
        %dma_start3A_539 = arith.constant 0 : i32
        %dma_start3A_540 = arith.constant 0 : i32
        %dma_start3A_541 = tpu.memref_slice %arg8[%dma_start3A_537, %dma_start3A_539, %dma_start3A_540] : memref<8x125x64xbf16, #tpu.memory_space<vmem>> -> memref<1x125x64xbf16, #tpu.memory_space<vmem>>
        %dma_start3A_542 = tpu.memref_squeeze %dma_start3A_541 : memref<1x125x64xbf16, #tpu.memory_space<vmem>> -> memref<125x64xbf16, #tpu.memory_space<vmem>>
        %dma_start3A_543 = arith.constant 0 : i32
        %dma_start3A_544 = tpu.memref_slice %arg6[%add3A_437, %dma_start3A_543] : memref<80x125xi32, #tpu.memory_space<vmem>> -> memref<1x125xi32, #tpu.memory_space<vmem>>
        %dma_start3A_545 = tpu.memref_squeeze %dma_start3A_544 : memref<1x125xi32, #tpu.memory_space<vmem>> -> memref<125xi32, #tpu.memory_space<vmem>>
        %dma_start3A_546 = arith.constant 0 : i32
        %dma_start3A_547 = arith.constant 0 : i32
        %dma_start3A_548 = tpu.memref_slice %arg2[%dma_start3A_546, %dma_start3A_547] : memref<10000x64xbf16, #tpu.memory_space<hbm>> -> memref<10000x64xbf16, #tpu.memory_space<hbm>>
        %dma_start3A_549 = tpu.memref_slice %arg11[%dma_start3A_538] : memref<8x!tpu.dma_semaphore, #tpu.memory_space<semaphore_mem>> -> memref<1x!tpu.dma_semaphore, #tpu.memory_space<semaphore_mem>>
        %dma_start3A_550 = tpu.memref_squeeze %dma_start3A_549 : memref<1x!tpu.dma_semaphore, #tpu.memory_space<semaphore_mem>> -> memref<!tpu.dma_semaphore, #tpu.memory_space<semaphore_mem>>
        tpu.enqueue_indirect_dma source(%dma_start3A_548 : memref<10000x64xbf16, #tpu.memory_space<hbm>>) target(%dma_start3A_542 : memref<125x64xbf16, #tpu.memory_space<vmem>>) offsets(%dma_start3A_545 : memref<125xi32, #tpu.memory_space<vmem>>) semaphore(%dma_start3A_550 : memref<!tpu.dma_semaphore, #tpu.memory_space<semaphore_mem>>)
      } else {
      }
      %mul3A_448 = arith.constant 8 : i32
      %mul3A_449 = arith.muli %scan3A_186, %mul3A_448 : i32
      %add3A_450 = arith.constant 6 : i32
      %add3A_451 = arith.addi %mul3A_449, %add3A_450 : i32
      %dma_wait3A_452 = arith.constant 6 : i32
      %dma_wait3A_453 = arith.constant 6 : i32
      %dma_wait3A_454 = arith.constant 0 : i32
      %dma_wait3A_455 = arith.constant 0 : i32
      %dma_wait3A_456 = tpu.memref_slice %arg8[%dma_wait3A_452, %dma_wait3A_454, %dma_wait3A_455] : memref<8x125x64xbf16, #tpu.memory_space<vmem>> -> memref<1x125x64xbf16, #tpu.memory_space<vmem>>
      %dma_wait3A_457 = tpu.memref_squeeze %dma_wait3A_456 : memref<1x125x64xbf16, #tpu.memory_space<vmem>> -> memref<125x64xbf16, #tpu.memory_space<vmem>>
      %dma_wait3A_458 = arith.constant 0 : i32
      %dma_wait3A_459 = tpu.memref_slice %arg6[%add3A_451, %dma_wait3A_458] : memref<80x125xi32, #tpu.memory_space<vmem>> -> memref<1x125xi32, #tpu.memory_space<vmem>>
      %dma_wait3A_460 = tpu.memref_squeeze %dma_wait3A_459 : memref<1x125xi32, #tpu.memory_space<vmem>> -> memref<125xi32, #tpu.memory_space<vmem>>
      %dma_wait3A_461 = arith.constant 0 : i32
      %dma_wait3A_462 = arith.constant 0 : i32
      %dma_wait3A_463 = tpu.memref_slice %arg2[%dma_wait3A_461, %dma_wait3A_462] : memref<10000x64xbf16, #tpu.memory_space<hbm>> -> memref<10000x64xbf16, #tpu.memory_space<hbm>>
      %dma_wait3A_464 = tpu.memref_slice %arg11[%dma_wait3A_453] : memref<8x!tpu.dma_semaphore, #tpu.memory_space<semaphore_mem>> -> memref<1x!tpu.dma_semaphore, #tpu.memory_space<semaphore_mem>>
      %dma_wait3A_465 = tpu.memref_squeeze %dma_wait3A_464 : memref<1x!tpu.dma_semaphore, #tpu.memory_space<semaphore_mem>> -> memref<!tpu.dma_semaphore, #tpu.memory_space<semaphore_mem>>
      tpu.wait_indirect_dma semaphore(%dma_wait3A_465 : memref<!tpu.dma_semaphore, #tpu.memory_space<semaphore_mem>>) src(%dma_wait3A_463 : memref<10000x64xbf16, #tpu.memory_space<hbm>>) dst(%dma_wait3A_457 : memref<125x64xbf16, #tpu.memory_space<vmem>>)
      %dma_start3A_466 = arith.constant 6 : i32
      %dma_start3A_467 = arith.constant 6 : i32
      %dma_start3A_468 = arith.constant 0 : i32
      %dma_start3A_469 = arith.constant 0 : i32
      %dma_start3A_470 = tpu.memref_slice %arg8[%dma_start3A_466, %dma_start3A_468, %dma_start3A_469] : memref<8x125x64xbf16, #tpu.memory_space<vmem>> -> memref<1x125x64xbf16, #tpu.memory_space<vmem>>
      %dma_start3A_471 = tpu.memref_squeeze %dma_start3A_470 : memref<1x125x64xbf16, #tpu.memory_space<vmem>> -> memref<125x64xbf16, #tpu.memory_space<vmem>>
      %dma_start3A_472 = arith.constant 0 : i32
      %dma_start3A_473 = tpu.memref_slice %arg7[%add3A_451, %dma_start3A_472] : memref<80x125xi32, #tpu.memory_space<vmem>> -> memref<1x125xi32, #tpu.memory_space<vmem>>
      %dma_start3A_474 = tpu.memref_squeeze %dma_start3A_473 : memref<1x125xi32, #tpu.memory_space<vmem>> -> memref<125xi32, #tpu.memory_space<vmem>>
      %dma_start3A_475 = arith.constant 0 : i32
      %dma_start3A_476 = arith.constant 0 : i32
      %dma_start3A_477 = tpu.memref_slice %arg10[%dma_start3A_475, %dma_start3A_476] : memref<10000x64xbf16, #tpu.memory_space<vmem_shared>> -> memref<10000x64xbf16, #tpu.memory_space<vmem_shared>>
      %dma_start3A_478 = tpu.memref_slice %arg12[%dma_start3A_467] : memref<8x!tpu.dma_semaphore, #tpu.memory_space<semaphore_mem>> -> memref<1x!tpu.dma_semaphore, #tpu.memory_space<semaphore_mem>>
      %dma_start3A_479 = tpu.memref_squeeze %dma_start3A_478 : memref<1x!tpu.dma_semaphore, #tpu.memory_space<semaphore_mem>> -> memref<!tpu.dma_semaphore, #tpu.memory_space<semaphore_mem>>
      tpu.enqueue_indirect_dma source(%dma_start3A_471 : memref<125x64xbf16, #tpu.memory_space<vmem>>) target(%dma_start3A_477 : memref<10000x64xbf16, #tpu.memory_space<vmem_shared>>) offsets(%dma_start3A_474 : memref<125xi32, #tpu.memory_space<vmem>>) semaphore(%dma_start3A_479 : memref<!tpu.dma_semaphore, #tpu.memory_space<semaphore_mem>>) {add = true}
      %add3A_480 = arith.constant 6 : i32
      %add3A_481 = arith.addi %add3A_451, %add3A_480 : i32
      %ge3A_482 = arith.constant 8 : i32
      %ge3A_483 = arith.cmpi sge, %add3A_481, %ge3A_482 : i32
      %convert_element_type3A_484 = arith.extui %ge3A_483 : i1 to i32
      %cond3A_485 = arith.constant 0 : i32
      %cond3A_486 = arith.cmpi ne, %convert_element_type3A_484, %cond3A_485 : i32
      scf.if %cond3A_486 {
        %sub3A = arith.constant 8 : i32
        %sub3A_537 = arith.subi %add3A_481, %sub3A : i32
        %dma_wait3A_538 = arith.constant 4 : i32
        %dma_wait3A_539 = arith.constant 4 : i32
        %dma_wait3A_540 = arith.constant 0 : i32
        %dma_wait3A_541 = arith.constant 0 : i32
        %dma_wait3A_542 = tpu.memref_slice %arg8[%dma_wait3A_538, %dma_wait3A_540, %dma_wait3A_541] : memref<8x125x64xbf16, #tpu.memory_space<vmem>> -> memref<1x125x64xbf16, #tpu.memory_space<vmem>>
        %dma_wait3A_543 = tpu.memref_squeeze %dma_wait3A_542 : memref<1x125x64xbf16, #tpu.memory_space<vmem>> -> memref<125x64xbf16, #tpu.memory_space<vmem>>
        %dma_wait3A_544 = arith.constant 0 : i32
        %dma_wait3A_545 = tpu.memref_slice %arg7[%sub3A_537, %dma_wait3A_544] : memref<80x125xi32, #tpu.memory_space<vmem>> -> memref<1x125xi32, #tpu.memory_space<vmem>>
        %dma_wait3A_546 = tpu.memref_squeeze %dma_wait3A_545 : memref<1x125xi32, #tpu.memory_space<vmem>> -> memref<125xi32, #tpu.memory_space<vmem>>
        %dma_wait3A_547 = arith.constant 0 : i32
        %dma_wait3A_548 = arith.constant 0 : i32
        %dma_wait3A_549 = tpu.memref_slice %arg10[%dma_wait3A_547, %dma_wait3A_548] : memref<10000x64xbf16, #tpu.memory_space<vmem_shared>> -> memref<10000x64xbf16, #tpu.memory_space<vmem_shared>>
        %dma_wait3A_550 = tpu.memref_slice %arg12[%dma_wait3A_539] : memref<8x!tpu.dma_semaphore, #tpu.memory_space<semaphore_mem>> -> memref<1x!tpu.dma_semaphore, #tpu.memory_space<semaphore_mem>>
        %dma_wait3A_551 = tpu.memref_squeeze %dma_wait3A_550 : memref<1x!tpu.dma_semaphore, #tpu.memory_space<semaphore_mem>> -> memref<!tpu.dma_semaphore, #tpu.memory_space<semaphore_mem>>
        tpu.wait_indirect_dma semaphore(%dma_wait3A_551 : memref<!tpu.dma_semaphore, #tpu.memory_space<semaphore_mem>>) src(%dma_wait3A_543 : memref<125x64xbf16, #tpu.memory_space<vmem>>) dst(%dma_wait3A_549 : memref<10000x64xbf16, #tpu.memory_space<vmem_shared>>)
      } else {
      }
      %lt3A_487 = arith.constant 80 : i32
      %lt3A_488 = arith.cmpi slt, %add3A_481, %lt3A_487 : i32
      %convert_element_type3A_489 = arith.extui %lt3A_488 : i1 to i32
      %cond3A_490 = arith.constant 0 : i32
      %cond3A_491 = arith.cmpi ne, %convert_element_type3A_489, %cond3A_490 : i32
      scf.if %cond3A_491 {
        %dma_start3A_537 = arith.constant 4 : i32
        %dma_start3A_538 = arith.constant 4 : i32
        %dma_start3A_539 = arith.constant 0 : i32
        %dma_start3A_540 = arith.constant 0 : i32
        %dma_start3A_541 = tpu.memref_slice %arg8[%dma_start3A_537, %dma_start3A_539, %dma_start3A_540] : memref<8x125x64xbf16, #tpu.memory_space<vmem>> -> memref<1x125x64xbf16, #tpu.memory_space<vmem>>
        %dma_start3A_542 = tpu.memref_squeeze %dma_start3A_541 : memref<1x125x64xbf16, #tpu.memory_space<vmem>> -> memref<125x64xbf16, #tpu.memory_space<vmem>>
        %dma_start3A_543 = arith.constant 0 : i32
        %dma_start3A_544 = tpu.memref_slice %arg6[%add3A_481, %dma_start3A_543] : memref<80x125xi32, #tpu.memory_space<vmem>> -> memref<1x125xi32, #tpu.memory_space<vmem>>
        %dma_start3A_545 = tpu.memref_squeeze %dma_start3A_544 : memref<1x125xi32, #tpu.memory_space<vmem>> -> memref<125xi32, #tpu.memory_space<vmem>>
        %dma_start3A_546 = arith.constant 0 : i32
        %dma_start3A_547 = arith.constant 0 : i32
        %dma_start3A_548 = tpu.memref_slice %arg2[%dma_start3A_546, %dma_start3A_547] : memref<10000x64xbf16, #tpu.memory_space<hbm>> -> memref<10000x64xbf16, #tpu.memory_space<hbm>>
        %dma_start3A_549 = tpu.memref_slice %arg11[%dma_start3A_538] : memref<8x!tpu.dma_semaphore, #tpu.memory_space<semaphore_mem>> -> memref<1x!tpu.dma_semaphore, #tpu.memory_space<semaphore_mem>>
        %dma_start3A_550 = tpu.memref_squeeze %dma_start3A_549 : memref<1x!tpu.dma_semaphore, #tpu.memory_space<semaphore_mem>> -> memref<!tpu.dma_semaphore, #tpu.memory_space<semaphore_mem>>
        tpu.enqueue_indirect_dma source(%dma_start3A_548 : memref<10000x64xbf16, #tpu.memory_space<hbm>>) target(%dma_start3A_542 : memref<125x64xbf16, #tpu.memory_space<vmem>>) offsets(%dma_start3A_545 : memref<125xi32, #tpu.memory_space<vmem>>) semaphore(%dma_start3A_550 : memref<!tpu.dma_semaphore, #tpu.memory_space<semaphore_mem>>)
      } else {
      }
      %mul3A_492 = arith.constant 8 : i32
      %mul3A_493 = arith.muli %scan3A_186, %mul3A_492 : i32
      %add3A_494 = arith.constant 7 : i32
      %add3A_495 = arith.addi %mul3A_493, %add3A_494 : i32
      %dma_wait3A_496 = arith.constant 7 : i32
      %dma_wait3A_497 = arith.constant 7 : i32
      %dma_wait3A_498 = arith.constant 0 : i32
      %dma_wait3A_499 = arith.constant 0 : i32
      %dma_wait3A_500 = tpu.memref_slice %arg8[%dma_wait3A_496, %dma_wait3A_498, %dma_wait3A_499] : memref<8x125x64xbf16, #tpu.memory_space<vmem>> -> memref<1x125x64xbf16, #tpu.memory_space<vmem>>
      %dma_wait3A_501 = tpu.memref_squeeze %dma_wait3A_500 : memref<1x125x64xbf16, #tpu.memory_space<vmem>> -> memref<125x64xbf16, #tpu.memory_space<vmem>>
      %dma_wait3A_502 = arith.constant 0 : i32
      %dma_wait3A_503 = tpu.memref_slice %arg6[%add3A_495, %dma_wait3A_502] : memref<80x125xi32, #tpu.memory_space<vmem>> -> memref<1x125xi32, #tpu.memory_space<vmem>>
      %dma_wait3A_504 = tpu.memref_squeeze %dma_wait3A_503 : memref<1x125xi32, #tpu.memory_space<vmem>> -> memref<125xi32, #tpu.memory_space<vmem>>
      %dma_wait3A_505 = arith.constant 0 : i32
      %dma_wait3A_506 = arith.constant 0 : i32
      %dma_wait3A_507 = tpu.memref_slice %arg2[%dma_wait3A_505, %dma_wait3A_506] : memref<10000x64xbf16, #tpu.memory_space<hbm>> -> memref<10000x64xbf16, #tpu.memory_space<hbm>>
      %dma_wait3A_508 = tpu.memref_slice %arg11[%dma_wait3A_497] : memref<8x!tpu.dma_semaphore, #tpu.memory_space<semaphore_mem>> -> memref<1x!tpu.dma_semaphore, #tpu.memory_space<semaphore_mem>>
      %dma_wait3A_509 = tpu.memref_squeeze %dma_wait3A_508 : memref<1x!tpu.dma_semaphore, #tpu.memory_space<semaphore_mem>> -> memref<!tpu.dma_semaphore, #tpu.memory_space<semaphore_mem>>
      tpu.wait_indirect_dma semaphore(%dma_wait3A_509 : memref<!tpu.dma_semaphore, #tpu.memory_space<semaphore_mem>>) src(%dma_wait3A_507 : memref<10000x64xbf16, #tpu.memory_space<hbm>>) dst(%dma_wait3A_501 : memref<125x64xbf16, #tpu.memory_space<vmem>>)
      %dma_start3A_510 = arith.constant 7 : i32
      %dma_start3A_511 = arith.constant 7 : i32
      %dma_start3A_512 = arith.constant 0 : i32
      %dma_start3A_513 = arith.constant 0 : i32
      %dma_start3A_514 = tpu.memref_slice %arg8[%dma_start3A_510, %dma_start3A_512, %dma_start3A_513] : memref<8x125x64xbf16, #tpu.memory_space<vmem>> -> memref<1x125x64xbf16, #tpu.memory_space<vmem>>
      %dma_start3A_515 = tpu.memref_squeeze %dma_start3A_514 : memref<1x125x64xbf16, #tpu.memory_space<vmem>> -> memref<125x64xbf16, #tpu.memory_space<vmem>>
      %dma_start3A_516 = arith.constant 0 : i32
      %dma_start3A_517 = tpu.memref_slice %arg7[%add3A_495, %dma_start3A_516] : memref<80x125xi32, #tpu.memory_space<vmem>> -> memref<1x125xi32, #tpu.memory_space<vmem>>
      %dma_start3A_518 = tpu.memref_squeeze %dma_start3A_517 : memref<1x125xi32, #tpu.memory_space<vmem>> -> memref<125xi32, #tpu.memory_space<vmem>>
      %dma_start3A_519 = arith.constant 0 : i32
      %dma_start3A_520 = arith.constant 0 : i32
      %dma_start3A_521 = tpu.memref_slice %arg10[%dma_start3A_519, %dma_start3A_520] : memref<10000x64xbf16, #tpu.memory_space<vmem_shared>> -> memref<10000x64xbf16, #tpu.memory_space<vmem_shared>>
      %dma_start3A_522 = tpu.memref_slice %arg12[%dma_start3A_511] : memref<8x!tpu.dma_semaphore, #tpu.memory_space<semaphore_mem>> -> memref<1x!tpu.dma_semaphore, #tpu.memory_space<semaphore_mem>>
      %dma_start3A_523 = tpu.memref_squeeze %dma_start3A_522 : memref<1x!tpu.dma_semaphore, #tpu.memory_space<semaphore_mem>> -> memref<!tpu.dma_semaphore, #tpu.memory_space<semaphore_mem>>
      tpu.enqueue_indirect_dma source(%dma_start3A_515 : memref<125x64xbf16, #tpu.memory_space<vmem>>) target(%dma_start3A_521 : memref<10000x64xbf16, #tpu.memory_space<vmem_shared>>) offsets(%dma_start3A_518 : memref<125xi32, #tpu.memory_space<vmem>>) semaphore(%dma_start3A_523 : memref<!tpu.dma_semaphore, #tpu.memory_space<semaphore_mem>>) {add = true}
      %add3A_524 = arith.constant 6 : i32
      %add3A_525 = arith.addi %add3A_495, %add3A_524 : i32
      %ge3A_526 = arith.constant 8 : i32
      %ge3A_527 = arith.cmpi sge, %add3A_525, %ge3A_526 : i32
      %convert_element_type3A_528 = arith.extui %ge3A_527 : i1 to i32
      %cond3A_529 = arith.constant 0 : i32
      %cond3A_530 = arith.cmpi ne, %convert_element_type3A_528, %cond3A_529 : i32
      scf.if %cond3A_530 {
        %sub3A = arith.constant 8 : i32
        %sub3A_537 = arith.subi %add3A_525, %sub3A : i32
        %dma_wait3A_538 = arith.constant 5 : i32
        %dma_wait3A_539 = arith.constant 5 : i32
        %dma_wait3A_540 = arith.constant 0 : i32
        %dma_wait3A_541 = arith.constant 0 : i32
        %dma_wait3A_542 = tpu.memref_slice %arg8[%dma_wait3A_538, %dma_wait3A_540, %dma_wait3A_541] : memref<8x125x64xbf16, #tpu.memory_space<vmem>> -> memref<1x125x64xbf16, #tpu.memory_space<vmem>>
        %dma_wait3A_543 = tpu.memref_squeeze %dma_wait3A_542 : memref<1x125x64xbf16, #tpu.memory_space<vmem>> -> memref<125x64xbf16, #tpu.memory_space<vmem>>
        %dma_wait3A_544 = arith.constant 0 : i32
        %dma_wait3A_545 = tpu.memref_slice %arg7[%sub3A_537, %dma_wait3A_544] : memref<80x125xi32, #tpu.memory_space<vmem>> -> memref<1x125xi32, #tpu.memory_space<vmem>>
        %dma_wait3A_546 = tpu.memref_squeeze %dma_wait3A_545 : memref<1x125xi32, #tpu.memory_space<vmem>> -> memref<125xi32, #tpu.memory_space<vmem>>
        %dma_wait3A_547 = arith.constant 0 : i32
        %dma_wait3A_548 = arith.constant 0 : i32
        %dma_wait3A_549 = tpu.memref_slice %arg10[%dma_wait3A_547, %dma_wait3A_548] : memref<10000x64xbf16, #tpu.memory_space<vmem_shared>> -> memref<10000x64xbf16, #tpu.memory_space<vmem_shared>>
        %dma_wait3A_550 = tpu.memref_slice %arg12[%dma_wait3A_539] : memref<8x!tpu.dma_semaphore, #tpu.memory_space<semaphore_mem>> -> memref<1x!tpu.dma_semaphore, #tpu.memory_space<semaphore_mem>>
        %dma_wait3A_551 = tpu.memref_squeeze %dma_wait3A_550 : memref<1x!tpu.dma_semaphore, #tpu.memory_space<semaphore_mem>> -> memref<!tpu.dma_semaphore, #tpu.memory_space<semaphore_mem>>
        tpu.wait_indirect_dma semaphore(%dma_wait3A_551 : memref<!tpu.dma_semaphore, #tpu.memory_space<semaphore_mem>>) src(%dma_wait3A_543 : memref<125x64xbf16, #tpu.memory_space<vmem>>) dst(%dma_wait3A_549 : memref<10000x64xbf16, #tpu.memory_space<vmem_shared>>)
      } else {
      }
      %lt3A_531 = arith.constant 80 : i32
      %lt3A_532 = arith.cmpi slt, %add3A_525, %lt3A_531 : i32
      %convert_element_type3A_533 = arith.extui %lt3A_532 : i1 to i32
      %cond3A_534 = arith.constant 0 : i32
      %cond3A_535 = arith.cmpi ne, %convert_element_type3A_533, %cond3A_534 : i32
      scf.if %cond3A_535 {
        %dma_start3A_537 = arith.constant 5 : i32
        %dma_start3A_538 = arith.constant 5 : i32
        %dma_start3A_539 = arith.constant 0 : i32
        %dma_start3A_540 = arith.constant 0 : i32
        %dma_start3A_541 = tpu.memref_slice %arg8[%dma_start3A_537, %dma_start3A_539, %dma_start3A_540] : memref<8x125x64xbf16, #tpu.memory_space<vmem>> -> memref<1x125x64xbf16, #tpu.memory_space<vmem>>
        %dma_start3A_542 = tpu.memref_squeeze %dma_start3A_541 : memref<1x125x64xbf16, #tpu.memory_space<vmem>> -> memref<125x64xbf16, #tpu.memory_space<vmem>>
        %dma_start3A_543 = arith.constant 0 : i32
        %dma_start3A_544 = tpu.memref_slice %arg6[%add3A_525, %dma_start3A_543] : memref<80x125xi32, #tpu.memory_space<vmem>> -> memref<1x125xi32, #tpu.memory_space<vmem>>
        %dma_start3A_545 = tpu.memref_squeeze %dma_start3A_544 : memref<1x125xi32, #tpu.memory_space<vmem>> -> memref<125xi32, #tpu.memory_space<vmem>>
        %dma_start3A_546 = arith.constant 0 : i32
        %dma_start3A_547 = arith.constant 0 : i32
        %dma_start3A_548 = tpu.memref_slice %arg2[%dma_start3A_546, %dma_start3A_547] : memref<10000x64xbf16, #tpu.memory_space<hbm>> -> memref<10000x64xbf16, #tpu.memory_space<hbm>>
        %dma_start3A_549 = tpu.memref_slice %arg11[%dma_start3A_538] : memref<8x!tpu.dma_semaphore, #tpu.memory_space<semaphore_mem>> -> memref<1x!tpu.dma_semaphore, #tpu.memory_space<semaphore_mem>>
        %dma_start3A_550 = tpu.memref_squeeze %dma_start3A_549 : memref<1x!tpu.dma_semaphore, #tpu.memory_space<semaphore_mem>> -> memref<!tpu.dma_semaphore, #tpu.memory_space<semaphore_mem>>
        tpu.enqueue_indirect_dma source(%dma_start3A_548 : memref<10000x64xbf16, #tpu.memory_space<hbm>>) target(%dma_start3A_542 : memref<125x64xbf16, #tpu.memory_space<vmem>>) offsets(%dma_start3A_545 : memref<125xi32, #tpu.memory_space<vmem>>) semaphore(%dma_start3A_550 : memref<!tpu.dma_semaphore, #tpu.memory_space<semaphore_mem>>)
      } else {
      }
      %scan3A_536 = arith.constant 0 : i32
      scf.yield %scan3A_536 : i32
    }
    %scan3A_152 = arith.constant 10 : i32
    %dma_wait3A_153 = arith.constant 6 : i32
    %dma_wait3A_154 = arith.constant 78 : i32
    %dma_wait3A_155 = arith.constant 6 : i32
    %dma_wait3A_156 = arith.constant 0 : i32
    %dma_wait3A_157 = arith.constant 0 : i32
    %dma_wait3A_158 = tpu.memref_slice %arg8[%dma_wait3A_153, %dma_wait3A_156, %dma_wait3A_157] : memref<8x125x64xbf16, #tpu.memory_space<vmem>> -> memref<1x125x64xbf16, #tpu.memory_space<vmem>>
    %dma_wait3A_159 = tpu.memref_squeeze %dma_wait3A_158 : memref<1x125x64xbf16, #tpu.memory_space<vmem>> -> memref<125x64xbf16, #tpu.memory_space<vmem>>
    %dma_wait3A_160 = arith.constant 0 : i32
    %dma_wait3A_161 = tpu.memref_slice %arg7[%dma_wait3A_154, %dma_wait3A_160] : memref<80x125xi32, #tpu.memory_space<vmem>> -> memref<1x125xi32, #tpu.memory_space<vmem>>
    %dma_wait3A_162 = tpu.memref_squeeze %dma_wait3A_161 : memref<1x125xi32, #tpu.memory_space<vmem>> -> memref<125xi32, #tpu.memory_space<vmem>>
    %dma_wait3A_163 = arith.constant 0 : i32
    %dma_wait3A_164 = arith.constant 0 : i32
    %dma_wait3A_165 = tpu.memref_slice %arg10[%dma_wait3A_163, %dma_wait3A_164] : memref<10000x64xbf16, #tpu.memory_space<vmem_shared>> -> memref<10000x64xbf16, #tpu.memory_space<vmem_shared>>
    %dma_wait3A_166 = tpu.memref_slice %arg12[%dma_wait3A_155] : memref<8x!tpu.dma_semaphore, #tpu.memory_space<semaphore_mem>> -> memref<1x!tpu.dma_semaphore, #tpu.memory_space<semaphore_mem>>
    %dma_wait3A_167 = tpu.memref_squeeze %dma_wait3A_166 : memref<1x!tpu.dma_semaphore, #tpu.memory_space<semaphore_mem>> -> memref<!tpu.dma_semaphore, #tpu.memory_space<semaphore_mem>>
    tpu.wait_indirect_dma semaphore(%dma_wait3A_167 : memref<!tpu.dma_semaphore, #tpu.memory_space<semaphore_mem>>) src(%dma_wait3A_159 : memref<125x64xbf16, #tpu.memory_space<vmem>>) dst(%dma_wait3A_165 : memref<10000x64xbf16, #tpu.memory_space<vmem_shared>>)
    %dma_wait3A_168 = arith.constant 7 : i32
    %dma_wait3A_169 = arith.constant 79 : i32
    %dma_wait3A_170 = arith.constant 7 : i32
    %dma_wait3A_171 = arith.constant 0 : i32
    %dma_wait3A_172 = arith.constant 0 : i32
    %dma_wait3A_173 = tpu.memref_slice %arg8[%dma_wait3A_168, %dma_wait3A_171, %dma_wait3A_172] : memref<8x125x64xbf16, #tpu.memory_space<vmem>> -> memref<1x125x64xbf16, #tpu.memory_space<vmem>>
    %dma_wait3A_174 = tpu.memref_squeeze %dma_wait3A_173 : memref<1x125x64xbf16, #tpu.memory_space<vmem>> -> memref<125x64xbf16, #tpu.memory_space<vmem>>
    %dma_wait3A_175 = arith.constant 0 : i32
    %dma_wait3A_176 = tpu.memref_slice %arg7[%dma_wait3A_169, %dma_wait3A_175] : memref<80x125xi32, #tpu.memory_space<vmem>> -> memref<1x125xi32, #tpu.memory_space<vmem>>
    %dma_wait3A_177 = tpu.memref_squeeze %dma_wait3A_176 : memref<1x125xi32, #tpu.memory_space<vmem>> -> memref<125xi32, #tpu.memory_space<vmem>>
    %dma_wait3A_178 = arith.constant 0 : i32
    %dma_wait3A_179 = arith.constant 0 : i32
    %dma_wait3A_180 = tpu.memref_slice %arg10[%dma_wait3A_178, %dma_wait3A_179] : memref<10000x64xbf16, #tpu.memory_space<vmem_shared>> -> memref<10000x64xbf16, #tpu.memory_space<vmem_shared>>
    %dma_wait3A_181 = tpu.memref_slice %arg12[%dma_wait3A_170] : memref<8x!tpu.dma_semaphore, #tpu.memory_space<semaphore_mem>> -> memref<1x!tpu.dma_semaphore, #tpu.memory_space<semaphore_mem>>
    %dma_wait3A_182 = tpu.memref_squeeze %dma_wait3A_181 : memref<1x!tpu.dma_semaphore, #tpu.memory_space<semaphore_mem>> -> memref<!tpu.dma_semaphore, #tpu.memory_space<semaphore_mem>>
    tpu.wait_indirect_dma semaphore(%dma_wait3A_182 : memref<!tpu.dma_semaphore, #tpu.memory_space<semaphore_mem>>) src(%dma_wait3A_174 : memref<125x64xbf16, #tpu.memory_space<vmem>>) dst(%dma_wait3A_180 : memref<10000x64xbf16, #tpu.memory_space<vmem_shared>>)
    %barrier3A_183 = arith.constant 0 : index
    tpu.barrier barrier_id(%barrier3A_183)
    %mul3A_184 = arith.constant 625 : i32
    %mul3A_185 = arith.muli %arg1, %mul3A_184 : i32
    "tpu.region"() ({
      %run_scoped3A = tpu.sem_alloc : memref<!tpu.dma_semaphore, #tpu.memory_space<semaphore_mem>>
      %dma_start3A_186 = arith.constant 0 : i32
      %dma_start3A_187 = arith.constant 0 : i32
      %dma_start3A_188 = tpu.memref_slice %arg5[%arg0, %arg1, %dma_start3A_186, %dma_start3A_187] : memref<2x16x625x64xbf16, #tpu.memory_space<hbm>> -> memref<1x1x625x64xbf16, #tpu.memory_space<hbm>>
      %dma_start3A_189 = tpu.memref_squeeze %dma_start3A_188 : memref<1x1x625x64xbf16, #tpu.memory_space<hbm>> -> memref<625x64xbf16, #tpu.memory_space<hbm>>
      %dma_start3A_190 = arith.constant 0 : i32
      %dma_start3A_191 = tpu.memref_slice %arg10[%mul3A_185, %dma_start3A_190] : memref<10000x64xbf16, #tpu.memory_space<vmem_shared>> -> memref<625x64xbf16, #tpu.memory_space<vmem_shared>>
      tpu.enqueue_dma source(%dma_start3A_191 : memref<625x64xbf16, #tpu.memory_space<vmem_shared>>) target(%dma_start3A_189 : memref<625x64xbf16, #tpu.memory_space<hbm>>) target_semaphore(%run_scoped3A : memref<!tpu.dma_semaphore, #tpu.memory_space<semaphore_mem>>)
      %dma_wait3A_192 = arith.constant 0 : i32
      %dma_wait3A_193 = arith.constant 0 : i32
      %dma_wait3A_194 = tpu.memref_slice %arg5[%arg0, %arg1, %dma_wait3A_192, %dma_wait3A_193] : memref<2x16x625x64xbf16, #tpu.memory_space<hbm>> -> memref<1x1x625x64xbf16, #tpu.memory_space<hbm>>
      %dma_wait3A_195 = tpu.memref_squeeze %dma_wait3A_194 : memref<1x1x625x64xbf16, #tpu.memory_space<hbm>> -> memref<625x64xbf16, #tpu.memory_space<hbm>>
      %dma_wait3A_196 = arith.constant 0 : i32
      %dma_wait3A_197 = tpu.memref_slice %arg10[%mul3A_185, %dma_wait3A_196] : memref<10000x64xbf16, #tpu.memory_space<vmem_shared>> -> memref<625x64xbf16, #tpu.memory_space<vmem_shared>>
      tpu.wait_dma2 semaphore(%run_scoped3A : memref<!tpu.dma_semaphore, #tpu.memory_space<semaphore_mem>>) src(%dma_wait3A_197 : memref<625x64xbf16, #tpu.memory_space<vmem_shared>>) dst(%dma_wait3A_195 : memref<625x64xbf16, #tpu.memory_space<hbm>>)
      tpu.yield
    }) : () -> ()
    return
  }
}

#map = affine_map<(d0, d1) -> (0, 0, 0)>
#map1 = affine_map<(d0, d1) -> (0, 0, 0, 0)>
module attributes {stable_mosaic.version = 14 : i64} {
  func.func @body(%arg0: i32, %arg1: i32, %arg2: memref<32x625x16xi32, #tpu.memory_space<hbm>>, %arg3: memref<2x16x40x16xf32, #tpu.memory_space<hbm>>, %arg4: memref<625x16xi32, #tpu.memory_space<vmem>>, %arg5: memref<640x16xf32, #tpu.memory_space<vmem>>, %arg6: memref<5x128xi32, #tpu.memory_space<vmem>>, %arg7: memref<640x16xf32, #tpu.memory_space<vmem_shared>>) attributes {dimension_semantics = [#tpu.dimension_semantics<core_parallel>, #tpu.dimension_semantics<subcore_parallel>], iteration_bounds = array<i64: 2, 16>, scalar_prefetch = 0 : i64, scratch_operands = 4 : i64, tpu.core_type = #tpu.core_type<sc_vector_subcore>, window_params = [{transform_indices = #map}, {transform_indices = #map1}]} {
    %mul3A = arith.constant 16 : i32
    %mul3A_0 = arith.muli %arg0, %mul3A : i32
    %add3A = arith.addi %mul3A_0, %arg1 : i32
    %broadcast_in_dim3A = arith.constant 0.000000e+00 : f32
    %broadcast_in_dim3A_1 = vector.broadcast %broadcast_in_dim3A : f32 to vector<16xf32>
    %scan3A = arith.constant 0 : i32
    %scan3A_2 = arith.constant 0 : i32
    %scan3A_3 = arith.constant 640 : i32
    %scan3A_4 = arith.addi %scan3A_2, %scan3A_3 : i32
    %scan3A_5 = arith.constant 8 : i32
    %scan3A_6 = scf.for %scan3A_42 = %scan3A_2 to %scan3A_4 step %scan3A_5 iter_args(%scan3A_43 = %scan3A) -> (i32)  : i32 {
      %swap3A = arith.index_cast %scan3A_42 : i32 to index
      %swap3A_44 = arith.constant 0 : index
      %swap3A_45 = tpu.vector_load %arg5[%swap3A, %swap3A_44] {strides = array<i32>} : memref<640x16xf32, #tpu.memory_space<vmem>>, vector<16xf32>,
      tpu.vector_store %arg5[%swap3A, %swap3A_44], %broadcast_in_dim3A_1 {strides = array<i32>} : memref<640x16xf32, #tpu.memory_space<vmem>>, vector<16xf32>,
      %scan3A_46 = arith.constant 0 : i32
      %scan3A_47 = arith.constant 1 : i32
      %scan3A_48 = arith.addi %scan3A_42, %scan3A_47 : i32
      %swap3A_49 = arith.index_cast %scan3A_48 : i32 to index
      %swap3A_50 = arith.constant 0 : index
      %swap3A_51 = tpu.vector_load %arg5[%swap3A_49, %swap3A_50] {strides = array<i32>} : memref<640x16xf32, #tpu.memory_space<vmem>>, vector<16xf32>,
      tpu.vector_store %arg5[%swap3A_49, %swap3A_50], %broadcast_in_dim3A_1 {strides = array<i32>} : memref<640x16xf32, #tpu.memory_space<vmem>>, vector<16xf32>,
      %scan3A_52 = arith.constant 0 : i32
      %scan3A_53 = arith.constant 2 : i32
      %scan3A_54 = arith.addi %scan3A_42, %scan3A_53 : i32
      %swap3A_55 = arith.index_cast %scan3A_54 : i32 to index
      %swap3A_56 = arith.constant 0 : index
      %swap3A_57 = tpu.vector_load %arg5[%swap3A_55, %swap3A_56] {strides = array<i32>} : memref<640x16xf32, #tpu.memory_space<vmem>>, vector<16xf32>,
      tpu.vector_store %arg5[%swap3A_55, %swap3A_56], %broadcast_in_dim3A_1 {strides = array<i32>} : memref<640x16xf32, #tpu.memory_space<vmem>>, vector<16xf32>,
      %scan3A_58 = arith.constant 0 : i32
      %scan3A_59 = arith.constant 3 : i32
      %scan3A_60 = arith.addi %scan3A_42, %scan3A_59 : i32
      %swap3A_61 = arith.index_cast %scan3A_60 : i32 to index
      %swap3A_62 = arith.constant 0 : index
      %swap3A_63 = tpu.vector_load %arg5[%swap3A_61, %swap3A_62] {strides = array<i32>} : memref<640x16xf32, #tpu.memory_space<vmem>>, vector<16xf32>,
      tpu.vector_store %arg5[%swap3A_61, %swap3A_62], %broadcast_in_dim3A_1 {strides = array<i32>} : memref<640x16xf32, #tpu.memory_space<vmem>>, vector<16xf32>,
      %scan3A_64 = arith.constant 0 : i32
      %scan3A_65 = arith.constant 4 : i32
      %scan3A_66 = arith.addi %scan3A_42, %scan3A_65 : i32
      %swap3A_67 = arith.index_cast %scan3A_66 : i32 to index
      %swap3A_68 = arith.constant 0 : index
      %swap3A_69 = tpu.vector_load %arg5[%swap3A_67, %swap3A_68] {strides = array<i32>} : memref<640x16xf32, #tpu.memory_space<vmem>>, vector<16xf32>,
      tpu.vector_store %arg5[%swap3A_67, %swap3A_68], %broadcast_in_dim3A_1 {strides = array<i32>} : memref<640x16xf32, #tpu.memory_space<vmem>>, vector<16xf32>,
      %scan3A_70 = arith.constant 0 : i32
      %scan3A_71 = arith.constant 5 : i32
      %scan3A_72 = arith.addi %scan3A_42, %scan3A_71 : i32
      %swap3A_73 = arith.index_cast %scan3A_72 : i32 to index
      %swap3A_74 = arith.constant 0 : index
      %swap3A_75 = tpu.vector_load %arg5[%swap3A_73, %swap3A_74] {strides = array<i32>} : memref<640x16xf32, #tpu.memory_space<vmem>>, vector<16xf32>,
      tpu.vector_store %arg5[%swap3A_73, %swap3A_74], %broadcast_in_dim3A_1 {strides = array<i32>} : memref<640x16xf32, #tpu.memory_space<vmem>>, vector<16xf32>,
      %scan3A_76 = arith.constant 0 : i32
      %scan3A_77 = arith.constant 6 : i32
      %scan3A_78 = arith.addi %scan3A_42, %scan3A_77 : i32
      %swap3A_79 = arith.index_cast %scan3A_78 : i32 to index
      %swap3A_80 = arith.constant 0 : index
      %swap3A_81 = tpu.vector_load %arg5[%swap3A_79, %swap3A_80] {strides = array<i32>} : memref<640x16xf32, #tpu.memory_space<vmem>>, vector<16xf32>,
      tpu.vector_store %arg5[%swap3A_79, %swap3A_80], %broadcast_in_dim3A_1 {strides = array<i32>} : memref<640x16xf32, #tpu.memory_space<vmem>>, vector<16xf32>,
      %scan3A_82 = arith.constant 0 : i32
      %scan3A_83 = arith.constant 7 : i32
      %scan3A_84 = arith.addi %scan3A_42, %scan3A_83 : i32
      %swap3A_85 = arith.index_cast %scan3A_84 : i32 to index
      %swap3A_86 = arith.constant 0 : index
      %swap3A_87 = tpu.vector_load %arg5[%swap3A_85, %swap3A_86] {strides = array<i32>} : memref<640x16xf32, #tpu.memory_space<vmem>>, vector<16xf32>,
      tpu.vector_store %arg5[%swap3A_85, %swap3A_86], %broadcast_in_dim3A_1 {strides = array<i32>} : memref<640x16xf32, #tpu.memory_space<vmem>>, vector<16xf32>,
      %scan3A_88 = arith.constant 0 : i32
      scf.yield %scan3A_88 : i32
    }
    %scan3A_7 = arith.constant 640 : i32
    %iota3A = tpu.iota {dimensions = array<i32: 0>} : vector<16xi32>
    %scan3A_8 = arith.constant 0 : i32
    %scan3A_9 = arith.constant 0 : i32
    %scan3A_10 = arith.constant 5 : i32
    %scan3A_11 = arith.addi %scan3A_9, %scan3A_10 : i32
    %scan3A_12 = arith.constant 1 : i32
    %scan3A_13 = scf.for %scan3A_42 = %scan3A_9 to %scan3A_11 step %scan3A_12 iter_args(%scan3A_43 = %scan3A_8) -> (i32)  : i32 {
      %scan3A_44 = arith.constant 0 : i32
      %scan3A_45 = arith.constant 0 : i32
      %scan3A_46 = arith.constant 8 : i32
      %scan3A_47 = arith.addi %scan3A_45, %scan3A_46 : i32
      %scan3A_48 = arith.constant 1 : i32
      %scan3A_49 = scf.for %scan3A_51 = %scan3A_45 to %scan3A_47 step %scan3A_48 iter_args(%scan3A_52 = %scan3A_44) -> (i32)  : i32 {
        %mul3A_53 = arith.constant 128 : i32
        %mul3A_54 = arith.muli %scan3A_42, %mul3A_53 : i32
        %mul3A_55 = arith.constant 16 : i32
        %mul3A_56 = arith.muli %scan3A_51, %mul3A_55 : i32
        %add3A_57 = arith.addi %mul3A_54, %mul3A_56 : i32
        %add3A_58 = vector.broadcast %add3A_57 : i32 to vector<16xi32>
        %add3A_59 = arith.addi %iota3A, %add3A_58 : vector<16xi32>
        %mul3A_60 = arith.constant 16 : i32
        %mul3A_61 = arith.muli %scan3A_51, %mul3A_60 : i32
        %swap3A = arith.index_cast %scan3A_42 : i32 to index
        %swap3A_62 = arith.index_cast %mul3A_61 : i32 to index
        %swap3A_63 = tpu.vector_load %arg6[%swap3A, %swap3A_62] {strides = array<i32>} : memref<5x128xi32, #tpu.memory_space<vmem>>, vector<16xi32>,
        tpu.vector_store %arg6[%swap3A, %swap3A_62], %add3A_59 {strides = array<i32>} : memref<5x128xi32, #tpu.memory_space<vmem>>, vector<16xi32>,
        %scan3A_64 = arith.constant 0 : i32
        scf.yield %scan3A_64 : i32
      }
      %scan3A_50 = arith.constant 8 : i32
      scf.yield %scan3A_49 : i32
    }
    %scan3A_14 = arith.constant 5 : i32
    %mul3A_15 = arith.constant 40 : i32
    %mul3A_16 = arith.muli %arg1, %mul3A_15 : i32
    "tpu.region"() ({
      %run_scoped3A_42 = tpu.sem_alloc : memref<!tpu.dma_semaphore, #tpu.memory_space<semaphore_mem>>
      %dma_start3A = arith.constant 0 : i32
      %dma_start3A_43 = arith.constant 0 : i32
      %dma_start3A_44 = tpu.memref_slice %arg5[%dma_start3A, %dma_start3A_43] : memref<640x16xf32, #tpu.memory_space<vmem>> -> memref<40x16xf32, #tpu.memory_space<vmem>>
      %dma_start3A_45 = arith.constant 0 : i32
      %dma_start3A_46 = tpu.memref_slice %arg7[%mul3A_16, %dma_start3A_45] : memref<640x16xf32, #tpu.memory_space<vmem_shared>> -> memref<40x16xf32, #tpu.memory_space<vmem_shared>>
      %dma_start3A_47 = arith.constant 0 : i32
      %dma_start3A_48 = tpu.memref_slice %arg7[%mul3A_16, %dma_start3A_47] : memref<640x16xf32, #tpu.memory_space<vmem_shared>> -> memref<40x16xf32, #tpu.memory_space<vmem_shared>>
      %dma_start3A_49 = arith.constant 0 : i32
      %dma_start3A_50 = arith.constant 0 : i32
      %dma_start3A_51 = tpu.memref_slice %arg5[%dma_start3A_49, %dma_start3A_50] : memref<640x16xf32, #tpu.memory_space<vmem>> -> memref<40x16xf32, #tpu.memory_space<vmem>>
      tpu.enqueue_dma source(%dma_start3A_51 : memref<40x16xf32, #tpu.memory_space<vmem>>) target(%dma_start3A_48 : memref<40x16xf32, #tpu.memory_space<vmem_shared>>) target_semaphore(%run_scoped3A_42 : memref<!tpu.dma_semaphore, #tpu.memory_space<semaphore_mem>>)
      %dma_wait3A = arith.constant 0 : i32
      %dma_wait3A_52 = arith.constant 0 : i32
      %dma_wait3A_53 = tpu.memref_slice %arg5[%dma_wait3A, %dma_wait3A_52] : memref<640x16xf32, #tpu.memory_space<vmem>> -> memref<40x16xf32, #tpu.memory_space<vmem>>
      %dma_wait3A_54 = arith.constant 0 : i32
      %dma_wait3A_55 = tpu.memref_slice %arg7[%mul3A_16, %dma_wait3A_54] : memref<640x16xf32, #tpu.memory_space<vmem_shared>> -> memref<40x16xf32, #tpu.memory_space<vmem_shared>>
      %dma_wait3A_56 = arith.constant 0 : i32
      %dma_wait3A_57 = tpu.memref_slice %arg7[%mul3A_16, %dma_wait3A_56] : memref<640x16xf32, #tpu.memory_space<vmem_shared>> -> memref<40x16xf32, #tpu.memory_space<vmem_shared>>
      %dma_wait3A_58 = arith.constant 0 : i32
      %dma_wait3A_59 = arith.constant 0 : i32
      %dma_wait3A_60 = tpu.memref_slice %arg5[%dma_wait3A_58, %dma_wait3A_59] : memref<640x16xf32, #tpu.memory_space<vmem>> -> memref<40x16xf32, #tpu.memory_space<vmem>>
      tpu.wait_dma2 semaphore(%run_scoped3A_42 : memref<!tpu.dma_semaphore, #tpu.memory_space<semaphore_mem>>) src(%dma_wait3A_60 : memref<40x16xf32, #tpu.memory_space<vmem>>) dst(%dma_wait3A_57 : memref<40x16xf32, #tpu.memory_space<vmem_shared>>)
      tpu.yield
    }) : () -> ()
    "tpu.region"() ({
      %run_scoped3A_42 = tpu.sem_alloc : memref<!tpu.dma_semaphore, #tpu.memory_space<semaphore_mem>>
      %dma_start3A = arith.constant 0 : i32
      %dma_start3A_43 = arith.constant 0 : i32
      %dma_start3A_44 = tpu.memref_slice %arg2[%add3A, %dma_start3A, %dma_start3A_43] : memref<32x625x16xi32, #tpu.memory_space<hbm>> -> memref<1x625x16xi32, #tpu.memory_space<hbm>>
      %dma_start3A_45 = tpu.memref_squeeze %dma_start3A_44 : memref<1x625x16xi32, #tpu.memory_space<hbm>> -> memref<625x16xi32, #tpu.memory_space<hbm>>
      %dma_start3A_46 = arith.constant 0 : i32
      %dma_start3A_47 = arith.constant 0 : i32
      %dma_start3A_48 = tpu.memref_slice %arg2[%add3A, %dma_start3A_46, %dma_start3A_47] : memref<32x625x16xi32, #tpu.memory_space<hbm>> -> memref<1x625x16xi32, #tpu.memory_space<hbm>>
      %dma_start3A_49 = tpu.memref_squeeze %dma_start3A_48 : memref<1x625x16xi32, #tpu.memory_space<hbm>> -> memref<625x16xi32, #tpu.memory_space<hbm>>
      tpu.enqueue_dma source(%dma_start3A_49 : memref<625x16xi32, #tpu.memory_space<hbm>>) target(%arg4 : memref<625x16xi32, #tpu.memory_space<vmem>>) target_semaphore(%run_scoped3A_42 : memref<!tpu.dma_semaphore, #tpu.memory_space<semaphore_mem>>)
      %dma_wait3A = arith.constant 0 : i32
      %dma_wait3A_50 = arith.constant 0 : i32
      %dma_wait3A_51 = tpu.memref_slice %arg2[%add3A, %dma_wait3A, %dma_wait3A_50] : memref<32x625x16xi32, #tpu.memory_space<hbm>> -> memref<1x625x16xi32, #tpu.memory_space<hbm>>
      %dma_wait3A_52 = tpu.memref_squeeze %dma_wait3A_51 : memref<1x625x16xi32, #tpu.memory_space<hbm>> -> memref<625x16xi32, #tpu.memory_space<hbm>>
      %dma_wait3A_53 = arith.constant 0 : i32
      %dma_wait3A_54 = arith.constant 0 : i32
      %dma_wait3A_55 = tpu.memref_slice %arg2[%add3A, %dma_wait3A_53, %dma_wait3A_54] : memref<32x625x16xi32, #tpu.memory_space<hbm>> -> memref<1x625x16xi32, #tpu.memory_space<hbm>>
      %dma_wait3A_56 = tpu.memref_squeeze %dma_wait3A_55 : memref<1x625x16xi32, #tpu.memory_space<hbm>> -> memref<625x16xi32, #tpu.memory_space<hbm>>
      tpu.wait_dma2 semaphore(%run_scoped3A_42 : memref<!tpu.dma_semaphore, #tpu.memory_space<semaphore_mem>>) src(%dma_wait3A_56 : memref<625x16xi32, #tpu.memory_space<hbm>>) dst(%arg4 : memref<625x16xi32, #tpu.memory_space<vmem>>)
      tpu.yield
    }) : () -> ()
    %barrier3A = arith.constant 0 : index
    tpu.barrier barrier_id(%barrier3A)
    %broadcast_in_dim3A_17 = arith.constant 1.000000e+00 : f32
    %broadcast_in_dim3A_18 = vector.broadcast %broadcast_in_dim3A_17 : f32 to vector<16xf32>
    %scan3A_19 = arith.constant 0 : i32
    %scan3A_20 = arith.constant 0 : i32
    %scan3A_21 = arith.constant 624 : i32
    %scan3A_22 = arith.addi %scan3A_20, %scan3A_21 : i32
    %scan3A_23 = arith.constant 8 : i32
    %scan3A_24 = scf.for %scan3A_42 = %scan3A_20 to %scan3A_22 step %scan3A_23 iter_args(%scan3A_43 = %scan3A_19) -> (i32)  : i32 {
      %get3A_44 = arith.index_cast %scan3A_42 : i32 to index
      %get3A_45 = arith.constant 0 : index
      %get3A_46 = tpu.vector_load %arg4[%get3A_44, %get3A_45] {strides = array<i32>} : memref<625x16xi32, #tpu.memory_space<vmem>>, vector<16xi32>,
      %shift_right_arithmetic3A_47 = arith.constant 4 : i32
      %shift_right_arithmetic3A_48 = vector.broadcast %shift_right_arithmetic3A_47 : i32 to vector<16xi32>
      %shift_right_arithmetic3A_49 = arith.shrsi %get3A_46, %shift_right_arithmetic3A_48 : vector<16xi32>
      %and3A_50 = arith.constant 15 : i32
      %and3A_51 = vector.broadcast %and3A_50 : i32 to vector<16xi32>
      %and3A_52 = arith.andi %get3A_46, %and3A_51 : vector<16xi32>
      tpu.vector_store_idx %arg5[%shift_right_arithmetic3A_49, %and3A_52], %broadcast_in_dim3A_18 {add = true} : memref<640x16xf32, #tpu.memory_space<vmem>>[vector<16xi32>, vector<16xi32>], vector<16xf32>,
      %scan3A_53 = arith.constant 0 : i32
      %scan3A_54 = arith.constant 1 : i32
      %scan3A_55 = arith.addi %scan3A_42, %scan3A_54 : i32
      %get3A_56 = arith.index_cast %scan3A_55 : i32 to index
      %get3A_57 = arith.constant 0 : index
      %get3A_58 = tpu.vector_load %arg4[%get3A_56, %get3A_57] {strides = array<i32>} : memref<625x16xi32, #tpu.memory_space<vmem>>, vector<16xi32>,
      %shift_right_arithmetic3A_59 = arith.constant 4 : i32
      %shift_right_arithmetic3A_60 = vector.broadcast %shift_right_arithmetic3A_59 : i32 to vector<16xi32>
      %shift_right_arithmetic3A_61 = arith.shrsi %get3A_58, %shift_right_arithmetic3A_60 : vector<16xi32>
      %and3A_62 = arith.constant 15 : i32
      %and3A_63 = vector.broadcast %and3A_62 : i32 to vector<16xi32>
      %and3A_64 = arith.andi %get3A_58, %and3A_63 : vector<16xi32>
      tpu.vector_store_idx %arg5[%shift_right_arithmetic3A_61, %and3A_64], %broadcast_in_dim3A_18 {add = true} : memref<640x16xf32, #tpu.memory_space<vmem>>[vector<16xi32>, vector<16xi32>], vector<16xf32>,
      %scan3A_65 = arith.constant 0 : i32
      %scan3A_66 = arith.constant 2 : i32
      %scan3A_67 = arith.addi %scan3A_42, %scan3A_66 : i32
      %get3A_68 = arith.index_cast %scan3A_67 : i32 to index
      %get3A_69 = arith.constant 0 : index
      %get3A_70 = tpu.vector_load %arg4[%get3A_68, %get3A_69] {strides = array<i32>} : memref<625x16xi32, #tpu.memory_space<vmem>>, vector<16xi32>,
      %shift_right_arithmetic3A_71 = arith.constant 4 : i32
      %shift_right_arithmetic3A_72 = vector.broadcast %shift_right_arithmetic3A_71 : i32 to vector<16xi32>
      %shift_right_arithmetic3A_73 = arith.shrsi %get3A_70, %shift_right_arithmetic3A_72 : vector<16xi32>
      %and3A_74 = arith.constant 15 : i32
      %and3A_75 = vector.broadcast %and3A_74 : i32 to vector<16xi32>
      %and3A_76 = arith.andi %get3A_70, %and3A_75 : vector<16xi32>
      tpu.vector_store_idx %arg5[%shift_right_arithmetic3A_73, %and3A_76], %broadcast_in_dim3A_18 {add = true} : memref<640x16xf32, #tpu.memory_space<vmem>>[vector<16xi32>, vector<16xi32>], vector<16xf32>,
      %scan3A_77 = arith.constant 0 : i32
      %scan3A_78 = arith.constant 3 : i32
      %scan3A_79 = arith.addi %scan3A_42, %scan3A_78 : i32
      %get3A_80 = arith.index_cast %scan3A_79 : i32 to index
      %get3A_81 = arith.constant 0 : index
      %get3A_82 = tpu.vector_load %arg4[%get3A_80, %get3A_81] {strides = array<i32>} : memref<625x16xi32, #tpu.memory_space<vmem>>, vector<16xi32>,
      %shift_right_arithmetic3A_83 = arith.constant 4 : i32
      %shift_right_arithmetic3A_84 = vector.broadcast %shift_right_arithmetic3A_83 : i32 to vector<16xi32>
      %shift_right_arithmetic3A_85 = arith.shrsi %get3A_82, %shift_right_arithmetic3A_84 : vector<16xi32>
      %and3A_86 = arith.constant 15 : i32
      %and3A_87 = vector.broadcast %and3A_86 : i32 to vector<16xi32>
      %and3A_88 = arith.andi %get3A_82, %and3A_87 : vector<16xi32>
      tpu.vector_store_idx %arg5[%shift_right_arithmetic3A_85, %and3A_88], %broadcast_in_dim3A_18 {add = true} : memref<640x16xf32, #tpu.memory_space<vmem>>[vector<16xi32>, vector<16xi32>], vector<16xf32>,
      %scan3A_89 = arith.constant 0 : i32
      %scan3A_90 = arith.constant 4 : i32
      %scan3A_91 = arith.addi %scan3A_42, %scan3A_90 : i32
      %get3A_92 = arith.index_cast %scan3A_91 : i32 to index
      %get3A_93 = arith.constant 0 : index
      %get3A_94 = tpu.vector_load %arg4[%get3A_92, %get3A_93] {strides = array<i32>} : memref<625x16xi32, #tpu.memory_space<vmem>>, vector<16xi32>,
      %shift_right_arithmetic3A_95 = arith.constant 4 : i32
      %shift_right_arithmetic3A_96 = vector.broadcast %shift_right_arithmetic3A_95 : i32 to vector<16xi32>
      %shift_right_arithmetic3A_97 = arith.shrsi %get3A_94, %shift_right_arithmetic3A_96 : vector<16xi32>
      %and3A_98 = arith.constant 15 : i32
      %and3A_99 = vector.broadcast %and3A_98 : i32 to vector<16xi32>
      %and3A_100 = arith.andi %get3A_94, %and3A_99 : vector<16xi32>
      tpu.vector_store_idx %arg5[%shift_right_arithmetic3A_97, %and3A_100], %broadcast_in_dim3A_18 {add = true} : memref<640x16xf32, #tpu.memory_space<vmem>>[vector<16xi32>, vector<16xi32>], vector<16xf32>,
      %scan3A_101 = arith.constant 0 : i32
      %scan3A_102 = arith.constant 5 : i32
      %scan3A_103 = arith.addi %scan3A_42, %scan3A_102 : i32
      %get3A_104 = arith.index_cast %scan3A_103 : i32 to index
      %get3A_105 = arith.constant 0 : index
      %get3A_106 = tpu.vector_load %arg4[%get3A_104, %get3A_105] {strides = array<i32>} : memref<625x16xi32, #tpu.memory_space<vmem>>, vector<16xi32>,
      %shift_right_arithmetic3A_107 = arith.constant 4 : i32
      %shift_right_arithmetic3A_108 = vector.broadcast %shift_right_arithmetic3A_107 : i32 to vector<16xi32>
      %shift_right_arithmetic3A_109 = arith.shrsi %get3A_106, %shift_right_arithmetic3A_108 : vector<16xi32>
      %and3A_110 = arith.constant 15 : i32
      %and3A_111 = vector.broadcast %and3A_110 : i32 to vector<16xi32>
      %and3A_112 = arith.andi %get3A_106, %and3A_111 : vector<16xi32>
      tpu.vector_store_idx %arg5[%shift_right_arithmetic3A_109, %and3A_112], %broadcast_in_dim3A_18 {add = true} : memref<640x16xf32, #tpu.memory_space<vmem>>[vector<16xi32>, vector<16xi32>], vector<16xf32>,
      %scan3A_113 = arith.constant 0 : i32
      %scan3A_114 = arith.constant 6 : i32
      %scan3A_115 = arith.addi %scan3A_42, %scan3A_114 : i32
      %get3A_116 = arith.index_cast %scan3A_115 : i32 to index
      %get3A_117 = arith.constant 0 : index
      %get3A_118 = tpu.vector_load %arg4[%get3A_116, %get3A_117] {strides = array<i32>} : memref<625x16xi32, #tpu.memory_space<vmem>>, vector<16xi32>,
      %shift_right_arithmetic3A_119 = arith.constant 4 : i32
      %shift_right_arithmetic3A_120 = vector.broadcast %shift_right_arithmetic3A_119 : i32 to vector<16xi32>
      %shift_right_arithmetic3A_121 = arith.shrsi %get3A_118, %shift_right_arithmetic3A_120 : vector<16xi32>
      %and3A_122 = arith.constant 15 : i32
      %and3A_123 = vector.broadcast %and3A_122 : i32 to vector<16xi32>
      %and3A_124 = arith.andi %get3A_118, %and3A_123 : vector<16xi32>
      tpu.vector_store_idx %arg5[%shift_right_arithmetic3A_121, %and3A_124], %broadcast_in_dim3A_18 {add = true} : memref<640x16xf32, #tpu.memory_space<vmem>>[vector<16xi32>, vector<16xi32>], vector<16xf32>,
      %scan3A_125 = arith.constant 0 : i32
      %scan3A_126 = arith.constant 7 : i32
      %scan3A_127 = arith.addi %scan3A_42, %scan3A_126 : i32
      %get3A_128 = arith.index_cast %scan3A_127 : i32 to index
      %get3A_129 = arith.constant 0 : index
      %get3A_130 = tpu.vector_load %arg4[%get3A_128, %get3A_129] {strides = array<i32>} : memref<625x16xi32, #tpu.memory_space<vmem>>, vector<16xi32>,
      %shift_right_arithmetic3A_131 = arith.constant 4 : i32
      %shift_right_arithmetic3A_132 = vector.broadcast %shift_right_arithmetic3A_131 : i32 to vector<16xi32>
      %shift_right_arithmetic3A_133 = arith.shrsi %get3A_130, %shift_right_arithmetic3A_132 : vector<16xi32>
      %and3A_134 = arith.constant 15 : i32
      %and3A_135 = vector.broadcast %and3A_134 : i32 to vector<16xi32>
      %and3A_136 = arith.andi %get3A_130, %and3A_135 : vector<16xi32>
      tpu.vector_store_idx %arg5[%shift_right_arithmetic3A_133, %and3A_136], %broadcast_in_dim3A_18 {add = true} : memref<640x16xf32, #tpu.memory_space<vmem>>[vector<16xi32>, vector<16xi32>], vector<16xf32>,
      %scan3A_137 = arith.constant 0 : i32
      scf.yield %scan3A_137 : i32
    }
    %scan3A_25 = arith.constant 624 : i32
    %scan3A_26 = arith.addi %scan3A_20, %scan3A_25 : i32
    %get3A = arith.index_cast %scan3A_26 : i32 to index
    %get3A_27 = arith.constant 0 : index
    %get3A_28 = tpu.vector_load %arg4[%get3A, %get3A_27] {strides = array<i32>} : memref<625x16xi32, #tpu.memory_space<vmem>>, vector<16xi32>,
    %shift_right_arithmetic3A = arith.constant 4 : i32
    %shift_right_arithmetic3A_29 = vector.broadcast %shift_right_arithmetic3A : i32 to vector<16xi32>
    %shift_right_arithmetic3A_30 = arith.shrsi %get3A_28, %shift_right_arithmetic3A_29 : vector<16xi32>
    %and3A = arith.constant 15 : i32
    %and3A_31 = vector.broadcast %and3A : i32 to vector<16xi32>
    %and3A_32 = arith.andi %get3A_28, %and3A_31 : vector<16xi32>
    tpu.vector_store_idx %arg5[%shift_right_arithmetic3A_30, %and3A_32], %broadcast_in_dim3A_18 {add = true} : memref<640x16xf32, #tpu.memory_space<vmem>>[vector<16xi32>, vector<16xi32>], vector<16xf32>,
    %scan3A_33 = arith.constant 0 : i32
    %scan3A_34 = arith.constant 625 : i32
    %run_scoped3A = arith.constant 0 : i32
    "tpu.region"() ({
      %run_scoped3A_42 = tpu.sem_alloc : memref<!tpu.dma_semaphore, #tpu.memory_space<semaphore_mem>>
      %dma_start3A = arith.constant 0 : i32
      %dma_start3A_43 = arith.constant 0 : i32
      %dma_start3A_44 = tpu.memref_slice %arg5[%dma_start3A, %dma_start3A_43] : memref<640x16xf32, #tpu.memory_space<vmem>> -> memref<128x16xf32, #tpu.memory_space<vmem>>
      %dma_start3A_45 = arith.constant 0 : i32
      %dma_start3A_46 = tpu.memref_slice %arg6[%run_scoped3A, %dma_start3A_45] : memref<5x128xi32, #tpu.memory_space<vmem>> -> memref<1x128xi32, #tpu.memory_space<vmem>>
      %dma_start3A_47 = tpu.memref_squeeze %dma_start3A_46 : memref<1x128xi32, #tpu.memory_space<vmem>> -> memref<128xi32, #tpu.memory_space<vmem>>
      %dma_start3A_48 = arith.constant 0 : i32
      %dma_start3A_49 = arith.constant 0 : i32
      %dma_start3A_50 = tpu.memref_slice %arg7[%dma_start3A_48, %dma_start3A_49] : memref<640x16xf32, #tpu.memory_space<vmem_shared>> -> memref<640x16xf32, #tpu.memory_space<vmem_shared>>
      tpu.enqueue_indirect_dma source(%dma_start3A_44 : memref<128x16xf32, #tpu.memory_space<vmem>>) target(%dma_start3A_50 : memref<640x16xf32, #tpu.memory_space<vmem_shared>>) offsets(%dma_start3A_47 : memref<128xi32, #tpu.memory_space<vmem>>) semaphore(%run_scoped3A_42 : memref<!tpu.dma_semaphore, #tpu.memory_space<semaphore_mem>>) {add = true}
      %dma_wait3A = arith.constant 0 : i32
      %dma_wait3A_51 = arith.constant 0 : i32
      %dma_wait3A_52 = tpu.memref_slice %arg5[%dma_wait3A, %dma_wait3A_51] : memref<640x16xf32, #tpu.memory_space<vmem>> -> memref<128x16xf32, #tpu.memory_space<vmem>>
      %dma_wait3A_53 = arith.constant 0 : i32
      %dma_wait3A_54 = tpu.memref_slice %arg6[%run_scoped3A, %dma_wait3A_53] : memref<5x128xi32, #tpu.memory_space<vmem>> -> memref<1x128xi32, #tpu.memory_space<vmem>>
      %dma_wait3A_55 = tpu.memref_squeeze %dma_wait3A_54 : memref<1x128xi32, #tpu.memory_space<vmem>> -> memref<128xi32, #tpu.memory_space<vmem>>
      %dma_wait3A_56 = arith.constant 0 : i32
      %dma_wait3A_57 = arith.constant 0 : i32
      %dma_wait3A_58 = tpu.memref_slice %arg7[%dma_wait3A_56, %dma_wait3A_57] : memref<640x16xf32, #tpu.memory_space<vmem_shared>> -> memref<640x16xf32, #tpu.memory_space<vmem_shared>>
      tpu.wait_indirect_dma semaphore(%run_scoped3A_42 : memref<!tpu.dma_semaphore, #tpu.memory_space<semaphore_mem>>) src(%dma_wait3A_52 : memref<128x16xf32, #tpu.memory_space<vmem>>) dst(%dma_wait3A_58 : memref<640x16xf32, #tpu.memory_space<vmem_shared>>)
      tpu.yield
    }) : () -> ()
    %run_scoped3A_35 = arith.constant 1 : i32
    "tpu.region"() ({
      %run_scoped3A_42 = tpu.sem_alloc : memref<!tpu.dma_semaphore, #tpu.memory_space<semaphore_mem>>
      %dma_start3A = arith.constant 128 : i32
      %dma_start3A_43 = arith.constant 0 : i32
      %dma_start3A_44 = tpu.memref_slice %arg5[%dma_start3A, %dma_start3A_43] : memref<640x16xf32, #tpu.memory_space<vmem>> -> memref<128x16xf32, #tpu.memory_space<vmem>>
      %dma_start3A_45 = arith.constant 0 : i32
      %dma_start3A_46 = tpu.memref_slice %arg6[%run_scoped3A_35, %dma_start3A_45] : memref<5x128xi32, #tpu.memory_space<vmem>> -> memref<1x128xi32, #tpu.memory_space<vmem>>
      %dma_start3A_47 = tpu.memref_squeeze %dma_start3A_46 : memref<1x128xi32, #tpu.memory_space<vmem>> -> memref<128xi32, #tpu.memory_space<vmem>>
      %dma_start3A_48 = arith.constant 0 : i32
      %dma_start3A_49 = arith.constant 0 : i32
      %dma_start3A_50 = tpu.memref_slice %arg7[%dma_start3A_48, %dma_start3A_49] : memref<640x16xf32, #tpu.memory_space<vmem_shared>> -> memref<640x16xf32, #tpu.memory_space<vmem_shared>>
      tpu.enqueue_indirect_dma source(%dma_start3A_44 : memref<128x16xf32, #tpu.memory_space<vmem>>) target(%dma_start3A_50 : memref<640x16xf32, #tpu.memory_space<vmem_shared>>) offsets(%dma_start3A_47 : memref<128xi32, #tpu.memory_space<vmem>>) semaphore(%run_scoped3A_42 : memref<!tpu.dma_semaphore, #tpu.memory_space<semaphore_mem>>) {add = true}
      %dma_wait3A = arith.constant 128 : i32
      %dma_wait3A_51 = arith.constant 0 : i32
      %dma_wait3A_52 = tpu.memref_slice %arg5[%dma_wait3A, %dma_wait3A_51] : memref<640x16xf32, #tpu.memory_space<vmem>> -> memref<128x16xf32, #tpu.memory_space<vmem>>
      %dma_wait3A_53 = arith.constant 0 : i32
      %dma_wait3A_54 = tpu.memref_slice %arg6[%run_scoped3A_35, %dma_wait3A_53] : memref<5x128xi32, #tpu.memory_space<vmem>> -> memref<1x128xi32, #tpu.memory_space<vmem>>
      %dma_wait3A_55 = tpu.memref_squeeze %dma_wait3A_54 : memref<1x128xi32, #tpu.memory_space<vmem>> -> memref<128xi32, #tpu.memory_space<vmem>>
      %dma_wait3A_56 = arith.constant 0 : i32
      %dma_wait3A_57 = arith.constant 0 : i32
      %dma_wait3A_58 = tpu.memref_slice %arg7[%dma_wait3A_56, %dma_wait3A_57] : memref<640x16xf32, #tpu.memory_space<vmem_shared>> -> memref<640x16xf32, #tpu.memory_space<vmem_shared>>
      tpu.wait_indirect_dma semaphore(%run_scoped3A_42 : memref<!tpu.dma_semaphore, #tpu.memory_space<semaphore_mem>>) src(%dma_wait3A_52 : memref<128x16xf32, #tpu.memory_space<vmem>>) dst(%dma_wait3A_58 : memref<640x16xf32, #tpu.memory_space<vmem_shared>>)
      tpu.yield
    }) : () -> ()
    %run_scoped3A_36 = arith.constant 2 : i32
    "tpu.region"() ({
      %run_scoped3A_42 = tpu.sem_alloc : memref<!tpu.dma_semaphore, #tpu.memory_space<semaphore_mem>>
      %dma_start3A = arith.constant 256 : i32
      %dma_start3A_43 = arith.constant 0 : i32
      %dma_start3A_44 = tpu.memref_slice %arg5[%dma_start3A, %dma_start3A_43] : memref<640x16xf32, #tpu.memory_space<vmem>> -> memref<128x16xf32, #tpu.memory_space<vmem>>
      %dma_start3A_45 = arith.constant 0 : i32
      %dma_start3A_46 = tpu.memref_slice %arg6[%run_scoped3A_36, %dma_start3A_45] : memref<5x128xi32, #tpu.memory_space<vmem>> -> memref<1x128xi32, #tpu.memory_space<vmem>>
      %dma_start3A_47 = tpu.memref_squeeze %dma_start3A_46 : memref<1x128xi32, #tpu.memory_space<vmem>> -> memref<128xi32, #tpu.memory_space<vmem>>
      %dma_start3A_48 = arith.constant 0 : i32
      %dma_start3A_49 = arith.constant 0 : i32
      %dma_start3A_50 = tpu.memref_slice %arg7[%dma_start3A_48, %dma_start3A_49] : memref<640x16xf32, #tpu.memory_space<vmem_shared>> -> memref<640x16xf32, #tpu.memory_space<vmem_shared>>
      tpu.enqueue_indirect_dma source(%dma_start3A_44 : memref<128x16xf32, #tpu.memory_space<vmem>>) target(%dma_start3A_50 : memref<640x16xf32, #tpu.memory_space<vmem_shared>>) offsets(%dma_start3A_47 : memref<128xi32, #tpu.memory_space<vmem>>) semaphore(%run_scoped3A_42 : memref<!tpu.dma_semaphore, #tpu.memory_space<semaphore_mem>>) {add = true}
      %dma_wait3A = arith.constant 256 : i32
      %dma_wait3A_51 = arith.constant 0 : i32
      %dma_wait3A_52 = tpu.memref_slice %arg5[%dma_wait3A, %dma_wait3A_51] : memref<640x16xf32, #tpu.memory_space<vmem>> -> memref<128x16xf32, #tpu.memory_space<vmem>>
      %dma_wait3A_53 = arith.constant 0 : i32
      %dma_wait3A_54 = tpu.memref_slice %arg6[%run_scoped3A_36, %dma_wait3A_53] : memref<5x128xi32, #tpu.memory_space<vmem>> -> memref<1x128xi32, #tpu.memory_space<vmem>>
      %dma_wait3A_55 = tpu.memref_squeeze %dma_wait3A_54 : memref<1x128xi32, #tpu.memory_space<vmem>> -> memref<128xi32, #tpu.memory_space<vmem>>
      %dma_wait3A_56 = arith.constant 0 : i32
      %dma_wait3A_57 = arith.constant 0 : i32
      %dma_wait3A_58 = tpu.memref_slice %arg7[%dma_wait3A_56, %dma_wait3A_57] : memref<640x16xf32, #tpu.memory_space<vmem_shared>> -> memref<640x16xf32, #tpu.memory_space<vmem_shared>>
      tpu.wait_indirect_dma semaphore(%run_scoped3A_42 : memref<!tpu.dma_semaphore, #tpu.memory_space<semaphore_mem>>) src(%dma_wait3A_52 : memref<128x16xf32, #tpu.memory_space<vmem>>) dst(%dma_wait3A_58 : memref<640x16xf32, #tpu.memory_space<vmem_shared>>)
      tpu.yield
    }) : () -> ()
    %run_scoped3A_37 = arith.constant 3 : i32
    "tpu.region"() ({
      %run_scoped3A_42 = tpu.sem_alloc : memref<!tpu.dma_semaphore, #tpu.memory_space<semaphore_mem>>
      %dma_start3A = arith.constant 384 : i32
      %dma_start3A_43 = arith.constant 0 : i32
      %dma_start3A_44 = tpu.memref_slice %arg5[%dma_start3A, %dma_start3A_43] : memref<640x16xf32, #tpu.memory_space<vmem>> -> memref<128x16xf32, #tpu.memory_space<vmem>>
      %dma_start3A_45 = arith.constant 0 : i32
      %dma_start3A_46 = tpu.memref_slice %arg6[%run_scoped3A_37, %dma_start3A_45] : memref<5x128xi32, #tpu.memory_space<vmem>> -> memref<1x128xi32, #tpu.memory_space<vmem>>
      %dma_start3A_47 = tpu.memref_squeeze %dma_start3A_46 : memref<1x128xi32, #tpu.memory_space<vmem>> -> memref<128xi32, #tpu.memory_space<vmem>>
      %dma_start3A_48 = arith.constant 0 : i32
      %dma_start3A_49 = arith.constant 0 : i32
      %dma_start3A_50 = tpu.memref_slice %arg7[%dma_start3A_48, %dma_start3A_49] : memref<640x16xf32, #tpu.memory_space<vmem_shared>> -> memref<640x16xf32, #tpu.memory_space<vmem_shared>>
      tpu.enqueue_indirect_dma source(%dma_start3A_44 : memref<128x16xf32, #tpu.memory_space<vmem>>) target(%dma_start3A_50 : memref<640x16xf32, #tpu.memory_space<vmem_shared>>) offsets(%dma_start3A_47 : memref<128xi32, #tpu.memory_space<vmem>>) semaphore(%run_scoped3A_42 : memref<!tpu.dma_semaphore, #tpu.memory_space<semaphore_mem>>) {add = true}
      %dma_wait3A = arith.constant 384 : i32
      %dma_wait3A_51 = arith.constant 0 : i32
      %dma_wait3A_52 = tpu.memref_slice %arg5[%dma_wait3A, %dma_wait3A_51] : memref<640x16xf32, #tpu.memory_space<vmem>> -> memref<128x16xf32, #tpu.memory_space<vmem>>
      %dma_wait3A_53 = arith.constant 0 : i32
      %dma_wait3A_54 = tpu.memref_slice %arg6[%run_scoped3A_37, %dma_wait3A_53] : memref<5x128xi32, #tpu.memory_space<vmem>> -> memref<1x128xi32, #tpu.memory_space<vmem>>
      %dma_wait3A_55 = tpu.memref_squeeze %dma_wait3A_54 : memref<1x128xi32, #tpu.memory_space<vmem>> -> memref<128xi32, #tpu.memory_space<vmem>>
      %dma_wait3A_56 = arith.constant 0 : i32
      %dma_wait3A_57 = arith.constant 0 : i32
      %dma_wait3A_58 = tpu.memref_slice %arg7[%dma_wait3A_56, %dma_wait3A_57] : memref<640x16xf32, #tpu.memory_space<vmem_shared>> -> memref<640x16xf32, #tpu.memory_space<vmem_shared>>
      tpu.wait_indirect_dma semaphore(%run_scoped3A_42 : memref<!tpu.dma_semaphore, #tpu.memory_space<semaphore_mem>>) src(%dma_wait3A_52 : memref<128x16xf32, #tpu.memory_space<vmem>>) dst(%dma_wait3A_58 : memref<640x16xf32, #tpu.memory_space<vmem_shared>>)
      tpu.yield
    }) : () -> ()
    %run_scoped3A_38 = arith.constant 4 : i32
    "tpu.region"() ({
      %run_scoped3A_42 = tpu.sem_alloc : memref<!tpu.dma_semaphore, #tpu.memory_space<semaphore_mem>>
      %dma_start3A = arith.constant 512 : i32
      %dma_start3A_43 = arith.constant 0 : i32
      %dma_start3A_44 = tpu.memref_slice %arg5[%dma_start3A, %dma_start3A_43] : memref<640x16xf32, #tpu.memory_space<vmem>> -> memref<128x16xf32, #tpu.memory_space<vmem>>
      %dma_start3A_45 = arith.constant 0 : i32
      %dma_start3A_46 = tpu.memref_slice %arg6[%run_scoped3A_38, %dma_start3A_45] : memref<5x128xi32, #tpu.memory_space<vmem>> -> memref<1x128xi32, #tpu.memory_space<vmem>>
      %dma_start3A_47 = tpu.memref_squeeze %dma_start3A_46 : memref<1x128xi32, #tpu.memory_space<vmem>> -> memref<128xi32, #tpu.memory_space<vmem>>
      %dma_start3A_48 = arith.constant 0 : i32
      %dma_start3A_49 = arith.constant 0 : i32
      %dma_start3A_50 = tpu.memref_slice %arg7[%dma_start3A_48, %dma_start3A_49] : memref<640x16xf32, #tpu.memory_space<vmem_shared>> -> memref<640x16xf32, #tpu.memory_space<vmem_shared>>
      tpu.enqueue_indirect_dma source(%dma_start3A_44 : memref<128x16xf32, #tpu.memory_space<vmem>>) target(%dma_start3A_50 : memref<640x16xf32, #tpu.memory_space<vmem_shared>>) offsets(%dma_start3A_47 : memref<128xi32, #tpu.memory_space<vmem>>) semaphore(%run_scoped3A_42 : memref<!tpu.dma_semaphore, #tpu.memory_space<semaphore_mem>>) {add = true}
      %dma_wait3A = arith.constant 512 : i32
      %dma_wait3A_51 = arith.constant 0 : i32
      %dma_wait3A_52 = tpu.memref_slice %arg5[%dma_wait3A, %dma_wait3A_51] : memref<640x16xf32, #tpu.memory_space<vmem>> -> memref<128x16xf32, #tpu.memory_space<vmem>>
      %dma_wait3A_53 = arith.constant 0 : i32
      %dma_wait3A_54 = tpu.memref_slice %arg6[%run_scoped3A_38, %dma_wait3A_53] : memref<5x128xi32, #tpu.memory_space<vmem>> -> memref<1x128xi32, #tpu.memory_space<vmem>>
      %dma_wait3A_55 = tpu.memref_squeeze %dma_wait3A_54 : memref<1x128xi32, #tpu.memory_space<vmem>> -> memref<128xi32, #tpu.memory_space<vmem>>
      %dma_wait3A_56 = arith.constant 0 : i32
      %dma_wait3A_57 = arith.constant 0 : i32
      %dma_wait3A_58 = tpu.memref_slice %arg7[%dma_wait3A_56, %dma_wait3A_57] : memref<640x16xf32, #tpu.memory_space<vmem_shared>> -> memref<640x16xf32, #tpu.memory_space<vmem_shared>>
      tpu.wait_indirect_dma semaphore(%run_scoped3A_42 : memref<!tpu.dma_semaphore, #tpu.memory_space<semaphore_mem>>) src(%dma_wait3A_52 : memref<128x16xf32, #tpu.memory_space<vmem>>) dst(%dma_wait3A_58 : memref<640x16xf32, #tpu.memory_space<vmem_shared>>)
      tpu.yield
    }) : () -> ()
    %barrier3A_39 = arith.constant 0 : index
    tpu.barrier barrier_id(%barrier3A_39)
    %mul3A_40 = arith.constant 40 : i32
    %mul3A_41 = arith.muli %arg1, %mul3A_40 : i32
    "tpu.region"() ({
      %run_scoped3A_42 = tpu.sem_alloc : memref<!tpu.dma_semaphore, #tpu.memory_space<semaphore_mem>>
      %dma_start3A = arith.constant 0 : i32
      %dma_start3A_43 = arith.constant 0 : i32
      %dma_start3A_44 = tpu.memref_slice %arg3[%arg0, %arg1, %dma_start3A, %dma_start3A_43] : memref<2x16x40x16xf32, #tpu.memory_space<hbm>> -> memref<1x1x40x16xf32, #tpu.memory_space<hbm>>
      %dma_start3A_45 = tpu.memref_squeeze %dma_start3A_44 : memref<1x1x40x16xf32, #tpu.memory_space<hbm>> -> memref<40x16xf32, #tpu.memory_space<hbm>>
      %dma_start3A_46 = arith.constant 0 : i32
      %dma_start3A_47 = tpu.memref_slice %arg7[%mul3A_41, %dma_start3A_46] : memref<640x16xf32, #tpu.memory_space<vmem_shared>> -> memref<40x16xf32, #tpu.memory_space<vmem_shared>>
      tpu.enqueue_dma source(%dma_start3A_47 : memref<40x16xf32, #tpu.memory_space<vmem_shared>>) target(%dma_start3A_45 : memref<40x16xf32, #tpu.memory_space<hbm>>) target_semaphore(%run_scoped3A_42 : memref<!tpu.dma_semaphore, #tpu.memory_space<semaphore_mem>>)
      %dma_wait3A = arith.constant 0 : i32
      %dma_wait3A_48 = arith.constant 0 : i32
      %dma_wait3A_49 = tpu.memref_slice %arg3[%arg0, %arg1, %dma_wait3A, %dma_wait3A_48] : memref<2x16x40x16xf32, #tpu.memory_space<hbm>> -> memref<1x1x40x16xf32, #tpu.memory_space<hbm>>
      %dma_wait3A_50 = tpu.memref_squeeze %dma_wait3A_49 : memref<1x1x40x16xf32, #tpu.memory_space<hbm>> -> memref<40x16xf32, #tpu.memory_space<hbm>>
      %dma_wait3A_51 = arith.constant 0 : i32
      %dma_wait3A_52 = tpu.memref_slice %arg7[%mul3A_41, %dma_wait3A_51] : memref<640x16xf32, #tpu.memory_space<vmem_shared>> -> memref<40x16xf32, #tpu.memory_space<vmem_shared>>
      tpu.wait_dma2 semaphore(%run_scoped3A_42 : memref<!tpu.dma_semaphore, #tpu.memory_space<semaphore_mem>>) src(%dma_wait3A_52 : memref<40x16xf32, #tpu.memory_space<vmem_shared>>) dst(%dma_wait3A_50 : memref<40x16xf32, #tpu.memory_space<hbm>>)
      tpu.yield
    }) : () -> ()
    return
  }
}

#map = affine_map<(d0, d1) -> (0, 0)>
#map1 = affine_map<(d0, d1) -> (0, 0, 0)>
#map2 = affine_map<(d0, d1) -> (0, 0, 0, 0)>
module attributes {stable_mosaic.version = 14 : i64} {
  func.func @body(%arg0: i32, %arg1: i32, %arg2: memref<10000x64xbf16, #tpu.memory_space<hbm>>, %arg3: memref<32x80x125xi32, #tpu.memory_space<hbm>>, %arg4: memref<32x80x125xi32, #tpu.memory_space<hbm>>, %arg5: memref<2x16x625x64xbf16, #tpu.memory_space<hbm>>, %arg6: memref<80x125xi32, #tpu.memory_space<vmem>>, %arg7: memref<80x125xi32, #tpu.memory_space<vmem>>, %arg8: memref<8x125x64xbf16, #tpu.memory_space<vmem>>, %arg9: memref<25x64xbf16, #tpu.memory_space<vmem>>, %arg10: memref<10000x64xbf16, #tpu.memory_space<vmem_shared>>, %arg11: memref<8x!tpu.dma_semaphore, #tpu.memory_space<semaphore_mem>>, %arg12: memref<8x!tpu.dma_semaphore, #tpu.memory_space<semaphore_mem>>) attributes {dimension_semantics = [#tpu.dimension_semantics<core_parallel>, #tpu.dimension_semantics<subcore_parallel>], iteration_bounds = array<i64: 2, 16>, scalar_prefetch = 0 : i64, scratch_operands = 7 : i64, tpu.core_type = #tpu.core_type<sc_vector_subcore>, window_params = [{transform_indices = #map}, {transform_indices = #map1}, {transform_indices = #map1}, {transform_indices = #map2}]} {
    %mul3A = arith.constant 16 : i32
    %mul3A_0 = arith.muli %arg0, %mul3A : i32
    %add3A = arith.addi %mul3A_0, %arg1 : i32
    %dma_start3A = arith.constant 0 : i32
    %dma_start3A_1 = arith.constant 0 : i32
    %dma_start3A_2 = arith.constant 0 : i32
    %dma_start3A_3 = tpu.memref_slice %arg3[%add3A, %dma_start3A_1, %dma_start3A_2] : memref<32x80x125xi32, #tpu.memory_space<hbm>> -> memref<1x80x125xi32, #tpu.memory_space<hbm>>
    %dma_start3A_4 = tpu.memref_squeeze %dma_start3A_3 : memref<1x80x125xi32, #tpu.memory_space<hbm>> -> memref<80x125xi32, #tpu.memory_space<hbm>>
    %dma_start3A_5 = tpu.memref_slice %arg11[%dma_start3A] : memref<8x!tpu.dma_semaphore, #tpu.memory_space<semaphore_mem>> -> memref<1x!tpu.dma_semaphore, #tpu.memory_space<semaphore_mem>>
    %dma_start3A_6 = tpu.memref_squeeze %dma_start3A_5 : memref<1x!tpu.dma_semaphore, #tpu.memory_space<semaphore_mem>> -> memref<!tpu.dma_semaphore, #tpu.memory_space<semaphore_mem>>
    %dma_start3A_7 = arith.constant 0 : i32
    %dma_start3A_8 = arith.constant 0 : i32
    %dma_start3A_9 = tpu.memref_slice %arg3[%add3A, %dma_start3A_7, %dma_start3A_8] : memref<32x80x125xi32, #tpu.memory_space<hbm>> -> memref<1x80x125xi32, #tpu.memory_space<hbm>>
    %dma_start3A_10 = tpu.memref_squeeze %dma_start3A_9 : memref<1x80x125xi32, #tpu.memory_space<hbm>> -> memref<80x125xi32, #tpu.memory_space<hbm>>
    tpu.enqueue_dma source(%dma_start3A_10 : memref<80x125xi32, #tpu.memory_space<hbm>>) target(%arg6 : memref<80x125xi32, #tpu.memory_space<vmem>>) target_semaphore(%dma_start3A_6 : memref<!tpu.dma_semaphore, #tpu.memory_space<semaphore_mem>>)
    %dma_start3A_11 = arith.constant 1 : i32
    %dma_start3A_12 = arith.constant 0 : i32
    %dma_start3A_13 = arith.constant 0 : i32
    %dma_start3A_14 = tpu.memref_slice %arg4[%add3A, %dma_start3A_12, %dma_start3A_13] : memref<32x80x125xi32, #tpu.memory_space<hbm>> -> memref<1x80x125xi32, #tpu.memory_space<hbm>>
    %dma_start3A_15 = tpu.memref_squeeze %dma_start3A_14 : memref<1x80x125xi32, #tpu.memory_space<hbm>> -> memref<80x125xi32, #tpu.memory_space<hbm>>
    %dma_start3A_16 = tpu.memref_slice %arg11[%dma_start3A_11] : memref<8x!tpu.dma_semaphore, #tpu.memory_space<semaphore_mem>> -> memref<1x!tpu.dma_semaphore, #tpu.memory_space<semaphore_mem>>
    %dma_start3A_17 = tpu.memref_squeeze %dma_start3A_16 : memref<1x!tpu.dma_semaphore, #tpu.memory_space<semaphore_mem>> -> memref<!tpu.dma_semaphore, #tpu.memory_space<semaphore_mem>>
    %dma_start3A_18 = arith.constant 0 : i32
    %dma_start3A_19 = arith.constant 0 : i32
    %dma_start3A_20 = tpu.memref_slice %arg4[%add3A, %dma_start3A_18, %dma_start3A_19] : memref<32x80x125xi32, #tpu.memory_space<hbm>> -> memref<1x80x125xi32, #tpu.memory_space<hbm>>
    %dma_start3A_21 = tpu.memref_squeeze %dma_start3A_20 : memref<1x80x125xi32, #tpu.memory_space<hbm>> -> memref<80x125xi32, #tpu.memory_space<hbm>>
    tpu.enqueue_dma source(%dma_start3A_21 : memref<80x125xi32, #tpu.memory_space<hbm>>) target(%arg7 : memref<80x125xi32, #tpu.memory_space<vmem>>) target_semaphore(%dma_start3A_17 : memref<!tpu.dma_semaphore, #tpu.memory_space<semaphore_mem>>)
    %scan3A = arith.constant 0 : i32
    %scan3A_22 = arith.constant 0 : i32
    %scan3A_23 = arith.constant 25 : i32
    %scan3A_24 = arith.addi %scan3A_22, %scan3A_23 : i32
    %scan3A_25 = arith.constant 1 : i32
    %scan3A_26 = scf.for %scan3A_186 = %scan3A_22 to %scan3A_24 step %scan3A_25 iter_args(%scan3A_187 = %scan3A) -> (i32)  : i32 {
      %scan3A_188 = arith.constant 0 : i32
      %scan3A_189 = arith.constant 0 : i32
      %scan3A_190 = arith.constant 2 : i32
      %scan3A_191 = arith.addi %scan3A_189, %scan3A_190 : i32
      %scan3A_192 = arith.constant 1 : i32
      %scan3A_193 = scf.for %scan3A_195 = %scan3A_189 to %scan3A_191 step %scan3A_192 iter_args(%scan3A_196 = %scan3A_188) -> (i32)  : i32 {
        %broadcast_in_dim3A = arith.constant 0.000000e+00 : bf16
        %broadcast_in_dim3A_197 = vector.broadcast %broadcast_in_dim3A : bf16 to vector<32xbf16>
        %mul3A_198 = arith.constant 32 : i32
        %mul3A_199 = arith.muli %scan3A_195, %mul3A_198 : i32
        %swap3A = arith.index_cast %scan3A_186 : i32 to index
        %swap3A_200 = arith.index_cast %mul3A_199 : i32 to index
        %swap3A_201 = tpu.vector_load %arg9[%swap3A, %swap3A_200] {strides = array<i32>} : memref<25x64xbf16, #tpu.memory_space<vmem>>, vector<32xbf16>,
        tpu.vector_store %arg9[%swap3A, %swap3A_200], %broadcast_in_dim3A_197 {strides = array<i32>} : memref<25x64xbf16, #tpu.memory_space<vmem>>, vector<32xbf16>,
        %scan3A_202 = arith.constant 0 : i32
        scf.yield %scan3A_202 : i32
      }
      %scan3A_194 = arith.constant 2 : i32
      scf.yield %scan3A_193 : i32
    }
    %scan3A_27 = arith.constant 25 : i32
    %scan3A_28 = arith.constant 0 : i32
    %scan3A_29 = arith.constant 0 : i32
    %scan3A_30 = arith.constant 25 : i32
    %scan3A_31 = arith.addi %scan3A_29, %scan3A_30 : i32
    %scan3A_32 = arith.constant 1 : i32
    %scan3A_33 = scf.for %scan3A_186 = %scan3A_29 to %scan3A_31 step %scan3A_32 iter_args(%scan3A_187 = %scan3A_28) -> (i32)  : i32 {
      %mul3A_188 = arith.constant 625 : i32
      %mul3A_189 = arith.muli %arg1, %mul3A_188 : i32
      %mul3A_190 = arith.constant 25 : i32
      %mul3A_191 = arith.muli %scan3A_186, %mul3A_190 : i32
      %add3A_192 = arith.addi %mul3A_189, %mul3A_191 : i32
      "tpu.region"() ({
        %run_scoped3A = tpu.sem_alloc : memref<!tpu.dma_semaphore, #tpu.memory_space<semaphore_mem>>
        %dma_start3A_194 = arith.constant 0 : i32
        %dma_start3A_195 = tpu.memref_slice %arg10[%add3A_192, %dma_start3A_194] : memref<10000x64xbf16, #tpu.memory_space<vmem_shared>> -> memref<25x64xbf16, #tpu.memory_space<vmem_shared>>
        %dma_start3A_196 = arith.constant 0 : i32
        %dma_start3A_197 = tpu.memref_slice %arg10[%add3A_192, %dma_start3A_196] : memref<10000x64xbf16, #tpu.memory_space<vmem_shared>> -> memref<25x64xbf16, #tpu.memory_space<vmem_shared>>
        tpu.enqueue_dma source(%arg9 : memref<25x64xbf16, #tpu.memory_space<vmem>>) target(%dma_start3A_197 : memref<25x64xbf16, #tpu.memory_space<vmem_shared>>) target_semaphore(%run_scoped3A : memref<!tpu.dma_semaphore, #tpu.memory_space<semaphore_mem>>)
        %dma_wait3A_198 = arith.constant 0 : i32
        %dma_wait3A_199 = tpu.memref_slice %arg10[%add3A_192, %dma_wait3A_198] : memref<10000x64xbf16, #tpu.memory_space<vmem_shared>> -> memref<25x64xbf16, #tpu.memory_space<vmem_shared>>
        %dma_wait3A_200 = arith.constant 0 : i32
        %dma_wait3A_201 = tpu.memref_slice %arg10[%add3A_192, %dma_wait3A_200] : memref<10000x64xbf16, #tpu.memory_space<vmem_shared>> -> memref<25x64xbf16, #tpu.memory_space<vmem_shared>>
        tpu.wait_dma2 semaphore(%run_scoped3A : memref<!tpu.dma_semaphore, #tpu.memory_space<semaphore_mem>>) src(%arg9 : memref<25x64xbf16, #tpu.memory_space<vmem>>) dst(%dma_wait3A_201 : memref<25x64xbf16, #tpu.memory_space<vmem_shared>>)
        tpu.yield
      }) : () -> ()
      %scan3A_193 = arith.constant 0 : i32
      scf.yield %scan3A_193 : i32
    }
    %scan3A_34 = arith.constant 25 : i32
    %dma_wait3A = arith.constant 0 : i32
    %dma_wait3A_35 = arith.constant 0 : i32
    %dma_wait3A_36 = arith.constant 0 : i32
    %dma_wait3A_37 = tpu.memref_slice %arg3[%add3A, %dma_wait3A_35, %dma_wait3A_36] : memref<32x80x125xi32, #tpu.memory_space<hbm>> -> memref<1x80x125xi32, #tpu.memory_space<hbm>>
    %dma_wait3A_38 = tpu.memref_squeeze %dma_wait3A_37 : memref<1x80x125xi32, #tpu.memory_space<hbm>> -> memref<80x125xi32, #tpu.memory_space<hbm>>
    %dma_wait3A_39 = tpu.memref_slice %arg11[%dma_wait3A] : memref<8x!tpu.dma_semaphore, #tpu.memory_space<semaphore_mem>> -> memref<1x!tpu.dma_semaphore, #tpu.memory_space<semaphore_mem>>
    %dma_wait3A_40 = tpu.memref_squeeze %dma_wait3A_39 : memref<1x!tpu.dma_semaphore, #tpu.memory_space<semaphore_mem>> -> memref<!tpu.dma_semaphore, #tpu.memory_space<semaphore_mem>>
    %dma_wait3A_41 = arith.constant 0 : i32
    %dma_wait3A_42 = arith.constant 0 : i32
    %dma_wait3A_43 = tpu.memref_slice %arg3[%add3A, %dma_wait3A_41, %dma_wait3A_42] : memref<32x80x125xi32, #tpu.memory_space<hbm>> -> memref<1x80x125xi32, #tpu.memory_space<hbm>>
    %dma_wait3A_44 = tpu.memref_squeeze %dma_wait3A_43 : memref<1x80x125xi32, #tpu.memory_space<hbm>> -> memref<80x125xi32, #tpu.memory_space<hbm>>
    tpu.wait_dma2 semaphore(%dma_wait3A_40 : memref<!tpu.dma_semaphore, #tpu.memory_space<semaphore_mem>>) src(%dma_wait3A_44 : memref<80x125xi32, #tpu.memory_space<hbm>>) dst(%arg6 : memref<80x125xi32, #tpu.memory_space<vmem>>)
    %dma_wait3A_45 = arith.constant 1 : i32
    %dma_wait3A_46 = arith.constant 0 : i32
    %dma_wait3A_47 = arith.constant 0 : i32
    %dma_wait3A_48 = tpu.memref_slice %arg4[%add3A, %dma_wait3A_46, %dma_wait3A_47] : memref<32x80x125xi32, #tpu.memory_space<hbm>> -> memref<1x80x125xi32, #tpu.memory_space<hbm>>
    %dma_wait3A_49 = tpu.memref_squeeze %dma_wait3A_48 : memref<1x80x125xi32, #tpu.memory_space<hbm>> -> memref<80x125xi32, #tpu.memory_space<hbm>>
    %dma_wait3A_50 = tpu.memref_slice %arg11[%dma_wait3A_45] : memref<8x!tpu.dma_semaphore, #tpu.memory_space<semaphore_mem>> -> memref<1x!tpu.dma_semaphore, #tpu.memory_space<semaphore_mem>>
    %dma_wait3A_51 = tpu.memref_squeeze %dma_wait3A_50 : memref<1x!tpu.dma_semaphore, #tpu.memory_space<semaphore_mem>> -> memref<!tpu.dma_semaphore, #tpu.memory_space<semaphore_mem>>
    %dma_wait3A_52 = arith.constant 0 : i32
    %dma_wait3A_53 = arith.constant 0 : i32
    %dma_wait3A_54 = tpu.memref_slice %arg4[%add3A, %dma_wait3A_52, %dma_wait3A_53] : memref<32x80x125xi32, #tpu.memory_space<hbm>> -> memref<1x80x125xi32, #tpu.memory_space<hbm>>
    %dma_wait3A_55 = tpu.memref_squeeze %dma_wait3A_54 : memref<1x80x125xi32, #tpu.memory_space<hbm>> -> memref<80x125xi32, #tpu.memory_space<hbm>>
    tpu.wait_dma2 semaphore(%dma_wait3A_51 : memref<!tpu.dma_semaphore, #tpu.memory_space<semaphore_mem>>) src(%dma_wait3A_55 : memref<80x125xi32, #tpu.memory_space<hbm>>) dst(%arg7 : memref<80x125xi32, #tpu.memory_space<vmem>>)
    %barrier3A = arith.constant 0 : index
    tpu.barrier barrier_id(%barrier3A)
    %dma_start3A_56 = arith.constant 0 : i32
    %dma_start3A_57 = arith.constant 0 : i32
    %dma_start3A_58 = arith.constant 0 : i32
    %dma_start3A_59 = arith.constant 0 : i32
    %dma_start3A_60 = arith.constant 0 : i32
    %dma_start3A_61 = tpu.memref_slice %arg8[%dma_start3A_57, %dma_start3A_59, %dma_start3A_60] : memref<8x125x64xbf16, #tpu.memory_space<vmem>> -> memref<1x125x64xbf16, #tpu.memory_space<vmem>>
    %dma_start3A_62 = tpu.memref_squeeze %dma_start3A_61 : memref<1x125x64xbf16, #tpu.memory_space<vmem>> -> memref<125x64xbf16, #tpu.memory_space<vmem>>
    %dma_start3A_63 = arith.constant 0 : i32
    %dma_start3A_64 = tpu.memref_slice %arg6[%dma_start3A_56, %dma_start3A_63] : memref<80x125xi32, #tpu.memory_space<vmem>> -> memref<1x125xi32, #tpu.memory_space<vmem>>
    %dma_start3A_65 = tpu.memref_squeeze %dma_start3A_64 : memref<1x125xi32, #tpu.memory_space<vmem>> -> memref<125xi32, #tpu.memory_space<vmem>>
    %dma_start3A_66 = arith.constant 0 : i32
    %dma_start3A_67 = arith.constant 0 : i32
    %dma_start3A_68 = tpu.memref_slice %arg2[%dma_start3A_66, %dma_start3A_67] : memref<10000x64xbf16, #tpu.memory_space<hbm>> -> memref<10000x64xbf16, #tpu.memory_space<hbm>>
    %dma_start3A_69 = tpu.memref_slice %arg11[%dma_start3A_58] : memref<8x!tpu.dma_semaphore, #tpu.memory_space<semaphore_mem>> -> memref<1x!tpu.dma_semaphore, #tpu.memory_space<semaphore_mem>>
    %dma_start3A_70 = tpu.memref_squeeze %dma_start3A_69 : memref<1x!tpu.dma_semaphore, #tpu.memory_space<semaphore_mem>> -> memref<!tpu.dma_semaphore, #tpu.memory_space<semaphore_mem>>
    tpu.enqueue_indirect_dma source(%dma_start3A_68 : memref<10000x64xbf16, #tpu.memory_space<hbm>>) target(%dma_start3A_62 : memref<125x64xbf16, #tpu.memory_space<vmem>>) offsets(%dma_start3A_65 : memref<125xi32, #tpu.memory_space<vmem>>) semaphore(%dma_start3A_70 : memref<!tpu.dma_semaphore, #tpu.memory_space<semaphore_mem>>)
    %dma_start3A_71 = arith.constant 1 : i32
    %dma_start3A_72 = arith.constant 1 : i32
    %dma_start3A_73 = arith.constant 1 : i32
    %dma_start3A_74 = arith.constant 0 : i32
    %dma_start3A_75 = arith.constant 0 : i32
    %dma_start3A_76 = tpu.memref_slice %arg8[%dma_start3A_72, %dma_start3A_74, %dma_start3A_75] : memref<8x125x64xbf16, #tpu.memory_space<vmem>> -> memref<1x125x64xbf16, #tpu.memory_space<vmem>>
    %dma_start3A_77 = tpu.memref_squeeze %dma_start3A_76 : memref<1x125x64xbf16, #tpu.memory_space<vmem>> -> memref<125x64xbf16, #tpu.memory_space<vmem>>
    %dma_start3A_78 = arith.constant 0 : i32
    %dma_start3A_79 = tpu.memref_slice %arg6[%dma_start3A_71, %dma_start3A_78] : memref<80x125xi32, #tpu.memory_space<vmem>> -> memref<1x125xi32, #tpu.memory_space<vmem>>
    %dma_start3A_80 = tpu.memref_squeeze %dma_start3A_79 : memref<1x125xi32, #tpu.memory_space<vmem>> -> memref<125xi32, #tpu.memory_space<vmem>>
    %dma_start3A_81 = arith.constant 0 : i32
    %dma_start3A_82 = arith.constant 0 : i32
    %dma_start3A_83 = tpu.memref_slice %arg2[%dma_start3A_81, %dma_start3A_82] : memref<10000x64xbf16, #tpu.memory_space<hbm>> -> memref<10000x64xbf16, #tpu.memory_space<hbm>>
    %dma_start3A_84 = tpu.memref_slice %arg11[%dma_start3A_73] : memref<8x!tpu.dma_semaphore, #tpu.memory_space<semaphore_mem>> -> memref<1x!tpu.dma_semaphore, #tpu.memory_space<semaphore_mem>>
    %dma_start3A_85 = tpu.memref_squeeze %dma_start3A_84 : memref<1x!tpu.dma_semaphore, #tpu.memory_space<semaphore_mem>> -> memref<!tpu.dma_semaphore, #tpu.memory_space<semaphore_mem>>
    tpu.enqueue_indirect_dma source(%dma_start3A_83 : memref<10000x64xbf16, #tpu.memory_space<hbm>>) target(%dma_start3A_77 : memref<125x64xbf16, #tpu.memory_space<vmem>>) offsets(%dma_start3A_80 : memref<125xi32, #tpu.memory_space<vmem>>) semaphore(%dma_start3A_85 : memref<!tpu.dma_semaphore, #tpu.memory_space<semaphore_mem>>)
    %dma_start3A_86 = arith.constant 2 : i32
    %dma_start3A_87 = arith.constant 2 : i32
    %dma_start3A_88 = arith.constant 2 : i32
    %dma_start3A_89 = arith.constant 0 : i32
    %dma_start3A_90 = arith.constant 0 : i32
    %dma_start3A_91 = tpu.memref_slice %arg8[%dma_start3A_87, %dma_start3A_89, %dma_start3A_90] : memref<8x125x64xbf16, #tpu.memory_space<vmem>> -> memref<1x125x64xbf16, #tpu.memory_space<vmem>>
    %dma_start3A_92 = tpu.memref_squeeze %dma_start3A_91 : memref<1x125x64xbf16, #tpu.memory_space<vmem>> -> memref<125x64xbf16, #tpu.memory_space<vmem>>
    %dma_start3A_93 = arith.constant 0 : i32
    %dma_start3A_94 = tpu.memref_slice %arg6[%dma_start3A_86, %dma_start3A_93] : memref<80x125xi32, #tpu.memory_space<vmem>> -> memref<1x125xi32, #tpu.memory_space<vmem>>
    %dma_start3A_95 = tpu.memref_squeeze %dma_start3A_94 : memref<1x125xi32, #tpu.memory_space<vmem>> -> memref<125xi32, #tpu.memory_space<vmem>>
    %dma_start3A_96 = arith.constant 0 : i32
    %dma_start3A_97 = arith.constant 0 : i32
    %dma_start3A_98 = tpu.memref_slice %arg2[%dma_start3A_96, %dma_start3A_97] : memref<10000x64xbf16, #tpu.memory_space<hbm>> -> memref<10000x64xbf16, #tpu.memory_space<hbm>>
    %dma_start3A_99 = tpu.memref_slice %arg11[%dma_start3A_88] : memref<8x!tpu.dma_semaphore, #tpu.memory_space<semaphore_mem>> -> memref<1x!tpu.dma_semaphore, #tpu.memory_space<semaphore_mem>>
    %dma_start3A_100 = tpu.memref_squeeze %dma_start3A_99 : memref<1x!tpu.dma_semaphore, #tpu.memory_space<semaphore_mem>> -> memref<!tpu.dma_semaphore, #tpu.memory_space<semaphore_mem>>
    tpu.enqueue_indirect_dma source(%dma_start3A_98 : memref<10000x64xbf16, #tpu.memory_space<hbm>>) target(%dma_start3A_92 : memref<125x64xbf16, #tpu.memory_space<vmem>>) offsets(%dma_start3A_95 : memref<125xi32, #tpu.memory_space<vmem>>) semaphore(%dma_start3A_100 : memref<!tpu.dma_semaphore, #tpu.memory_space<semaphore_mem>>)
    %dma_start3A_101 = arith.constant 3 : i32
    %dma_start3A_102 = arith.constant 3 : i32
    %dma_start3A_103 = arith.constant 3 : i32
    %dma_start3A_104 = arith.constant 0 : i32
    %dma_start3A_105 = arith.constant 0 : i32
    %dma_start3A_106 = tpu.memref_slice %arg8[%dma_start3A_102, %dma_start3A_104, %dma_start3A_105] : memref<8x125x64xbf16, #tpu.memory_space<vmem>> -> memref<1x125x64xbf16, #tpu.memory_space<vmem>>
    %dma_start3A_107 = tpu.memref_squeeze %dma_start3A_106 : memref<1x125x64xbf16, #tpu.memory_space<vmem>> -> memref<125x64xbf16, #tpu.memory_space<vmem>>
    %dma_start3A_108 = arith.constant 0 : i32
    %dma_start3A_109 = tpu.memref_slice %arg6[%dma_start3A_101, %dma_start3A_108] : memref<80x125xi32, #tpu.memory_space<vmem>> -> memref<1x125xi32, #tpu.memory_space<vmem>>
    %dma_start3A_110 = tpu.memref_squeeze %dma_start3A_109 : memref<1x125xi32, #tpu.memory_space<vmem>> -> memref<125xi32, #tpu.memory_space<vmem>>
    %dma_start3A_111 = arith.constant 0 : i32
    %dma_start3A_112 = arith.constant 0 : i32
    %dma_start3A_113 = tpu.memref_slice %arg2[%dma_start3A_111, %dma_start3A_112] : memref<10000x64xbf16, #tpu.memory_space<hbm>> -> memref<10000x64xbf16, #tpu.memory_space<hbm>>
    %dma_start3A_114 = tpu.memref_slice %arg11[%dma_start3A_103] : memref<8x!tpu.dma_semaphore, #tpu.memory_space<semaphore_mem>> -> memref<1x!tpu.dma_semaphore, #tpu.memory_space<semaphore_mem>>
    %dma_start3A_115 = tpu.memref_squeeze %dma_start3A_114 : memref<1x!tpu.dma_semaphore, #tpu.memory_space<semaphore_mem>> -> memref<!tpu.dma_semaphore, #tpu.memory_space<semaphore_mem>>
    tpu.enqueue_indirect_dma source(%dma_start3A_113 : memref<10000x64xbf16, #tpu.memory_space<hbm>>) target(%dma_start3A_107 : memref<125x64xbf16, #tpu.memory_space<vmem>>) offsets(%dma_start3A_110 : memref<125xi32, #tpu.memory_space<vmem>>) semaphore(%dma_start3A_115 : memref<!tpu.dma_semaphore, #tpu.memory_space<semaphore_mem>>)
    %dma_start3A_116 = arith.constant 4 : i32
    %dma_start3A_117 = arith.constant 4 : i32
    %dma_start3A_118 = arith.constant 4 : i32
    %dma_start3A_119 = arith.constant 0 : i32
    %dma_start3A_120 = arith.constant 0 : i32
    %dma_start3A_121 = tpu.memref_slice %arg8[%dma_start3A_117, %dma_start3A_119, %dma_start3A_120] : memref<8x125x64xbf16, #tpu.memory_space<vmem>> -> memref<1x125x64xbf16, #tpu.memory_space<vmem>>
    %dma_start3A_122 = tpu.memref_squeeze %dma_start3A_121 : memref<1x125x64xbf16, #tpu.memory_space<vmem>> -> memref<125x64xbf16, #tpu.memory_space<vmem>>
    %dma_start3A_123 = arith.constant 0 : i32
    %dma_start3A_124 = tpu.memref_slice %arg6[%dma_start3A_116, %dma_start3A_123] : memref<80x125xi32, #tpu.memory_space<vmem>> -> memref<1x125xi32, #tpu.memory_space<vmem>>
    %dma_start3A_125 = tpu.memref_squeeze %dma_start3A_124 : memref<1x125xi32, #tpu.memory_space<vmem>> -> memref<125xi32, #tpu.memory_space<vmem>>
    %dma_start3A_126 = arith.constant 0 : i32
    %dma_start3A_127 = arith.constant 0 : i32
    %dma_start3A_128 = tpu.memref_slice %arg2[%dma_start3A_126, %dma_start3A_127] : memref<10000x64xbf16, #tpu.memory_space<hbm>> -> memref<10000x64xbf16, #tpu.memory_space<hbm>>
    %dma_start3A_129 = tpu.memref_slice %arg11[%dma_start3A_118] : memref<8x!tpu.dma_semaphore, #tpu.memory_space<semaphore_mem>> -> memref<1x!tpu.dma_semaphore, #tpu.memory_space<semaphore_mem>>
    %dma_start3A_130 = tpu.memref_squeeze %dma_start3A_129 : memref<1x!tpu.dma_semaphore, #tpu.memory_space<semaphore_mem>> -> memref<!tpu.dma_semaphore, #tpu.memory_space<semaphore_mem>>
    tpu.enqueue_indirect_dma source(%dma_start3A_128 : memref<10000x64xbf16, #tpu.memory_space<hbm>>) target(%dma_start3A_122 : memref<125x64xbf16, #tpu.memory_space<vmem>>) offsets(%dma_start3A_125 : memref<125xi32, #tpu.memory_space<vmem>>) semaphore(%dma_start3A_130 : memref<!tpu.dma_semaphore, #tpu.memory_space<semaphore_mem>>)
    %dma_start3A_131 = arith.constant 5 : i32
    %dma_start3A_132 = arith.constant 5 : i32
    %dma_start3A_133 = arith.constant 5 : i32
    %dma_start3A_134 = arith.constant 0 : i32
    %dma_start3A_135 = arith.constant 0 : i32
    %dma_start3A_136 = tpu.memref_slice %arg8[%dma_start3A_132, %dma_start3A_134, %dma_start3A_135] : memref<8x125x64xbf16, #tpu.memory_space<vmem>> -> memref<1x125x64xbf16, #tpu.memory_space<vmem>>
    %dma_start3A_137 = tpu.memref_squeeze %dma_start3A_136 : memref<1x125x64xbf16, #tpu.memory_space<vmem>> -> memref<125x64xbf16, #tpu.memory_space<vmem>>
    %dma_start3A_138 = arith.constant 0 : i32
    %dma_start3A_139 = tpu.memref_slice %arg6[%dma_start3A_131, %dma_start3A_138] : memref<80x125xi32, #tpu.memory_space<vmem>> -> memref<1x125xi32, #tpu.memory_space<vmem>>
    %dma_start3A_140 = tpu.memref_squeeze %dma_start3A_139 : memref<1x125xi32, #tpu.memory_space<vmem>> -> memref<125xi32, #tpu.memory_space<vmem>>
    %dma_start3A_141 = arith.constant 0 : i32
    %dma_start3A_142 = arith.constant 0 : i32
    %dma_start3A_143 = tpu.memref_slice %arg2[%dma_start3A_141, %dma_start3A_142] : memref<10000x64xbf16, #tpu.memory_space<hbm>> -> memref<10000x64xbf16, #tpu.memory_space<hbm>>
    %dma_start3A_144 = tpu.memref_slice %arg11[%dma_start3A_133] : memref<8x!tpu.dma_semaphore, #tpu.memory_space<semaphore_mem>> -> memref<1x!tpu.dma_semaphore, #tpu.memory_space<semaphore_mem>>
    %dma_start3A_145 = tpu.memref_squeeze %dma_start3A_144 : memref<1x!tpu.dma_semaphore, #tpu.memory_space<semaphore_mem>> -> memref<!tpu.dma_semaphore, #tpu.memory_space<semaphore_mem>>
    tpu.enqueue_indirect_dma source(%dma_start3A_143 : memref<10000x64xbf16, #tpu.memory_space<hbm>>) target(%dma_start3A_137 : memref<125x64xbf16, #tpu.memory_space<vmem>>) offsets(%dma_start3A_140 : memref<125xi32, #tpu.memory_space<vmem>>) semaphore(%dma_start3A_145 : memref<!tpu.dma_semaphore, #tpu.memory_space<semaphore_mem>>)
    %scan3A_146 = arith.constant 0 : i32
    %scan3A_147 = arith.constant 0 : i32
    %scan3A_148 = arith.constant 10 : i32
    %scan3A_149 = arith.addi %scan3A_147, %scan3A_148 : i32
    %scan3A_150 = arith.constant 1 : i32
    %scan3A_151 = scf.for %scan3A_186 = %scan3A_147 to %scan3A_149 step %scan3A_150 iter_args(%scan3A_187 = %scan3A_146) -> (i32)  : i32 {
      %mul3A_188 = arith.constant 8 : i32
      %mul3A_189 = arith.muli %scan3A_186, %mul3A_188 : i32
      %add3A_190 = arith.constant 0 : i32
      %add3A_191 = arith.addi %mul3A_189, %add3A_190 : i32
      %dma_wait3A_192 = arith.constant 0 : i32
      %dma_wait3A_193 = arith.constant 0 : i32
      %dma_wait3A_194 = arith.constant 0 : i32
      %dma_wait3A_195 = arith.constant 0 : i32
      %dma_wait3A_196 = tpu.memref_slice %arg8[%dma_wait3A_192, %dma_wait3A_194, %dma_wait3A_195] : memref<8x125x64xbf16, #tpu.memory_space<vmem>> -> memref<1x125x64xbf16, #tpu.memory_space<vmem>>
      %dma_wait3A_197 = tpu.memref_squeeze %dma_wait3A_196 : memref<1x125x64xbf16, #tpu.memory_space<vmem>> -> memref<125x64xbf16, #tpu.memory_space<vmem>>
      %dma_wait3A_198 = arith.constant 0 : i32
      %dma_wait3A_199 = tpu.memref_slice %arg6[%add3A_191, %dma_wait3A_198] : memref<80x125xi32, #tpu.memory_space<vmem>> -> memref<1x125xi32, #tpu.memory_space<vmem>>
      %dma_wait3A_200 = tpu.memref_squeeze %dma_wait3A_199 : memref<1x125xi32, #tpu.memory_space<vmem>> -> memref<125xi32, #tpu.memory_space<vmem>>
      %dma_wait3A_201 = arith.constant 0 : i32
      %dma_wait3A_202 = arith.constant 0 : i32
      %dma_wait3A_203 = tpu.memref_slice %arg2[%dma_wait3A_201, %dma_wait3A_202] : memref<10000x64xbf16, #tpu.memory_space<hbm>> -> memref<10000x64xbf16, #tpu.memory_space<hbm>>
      %dma_wait3A_204 = tpu.memref_slice %arg11[%dma_wait3A_193] : memref<8x!tpu.dma_semaphore, #tpu.memory_space<semaphore_mem>> -> memref<1x!tpu.dma_semaphore, #tpu.memory_space<semaphore_mem>>
      %dma_wait3A_205 = tpu.memref_squeeze %dma_wait3A_204 : memref<1x!tpu.dma_semaphore, #tpu.memory_space<semaphore_mem>> -> memref<!tpu.dma_semaphore, #tpu.memory_space<semaphore_mem>>
      tpu.wait_indirect_dma semaphore(%dma_wait3A_205 : memref<!tpu.dma_semaphore, #tpu.memory_space<semaphore_mem>>) src(%dma_wait3A_203 : memref<10000x64xbf16, #tpu.memory_space<hbm>>) dst(%dma_wait3A_197 : memref<125x64xbf16, #tpu.memory_space<vmem>>)
      %dma_start3A_206 = arith.constant 0 : i32
      %dma_start3A_207 = arith.constant 0 : i32
      %dma_start3A_208 = arith.constant 0 : i32
      %dma_start3A_209 = arith.constant 0 : i32
      %dma_start3A_210 = tpu.memref_slice %arg8[%dma_start3A_206, %dma_start3A_208, %dma_start3A_209] : memref<8x125x64xbf16, #tpu.memory_space<vmem>> -> memref<1x125x64xbf16, #tpu.memory_space<vmem>>
      %dma_start3A_211 = tpu.memref_squeeze %dma_start3A_210 : memref<1x125x64xbf16, #tpu.memory_space<vmem>> -> memref<125x64xbf16, #tpu.memory_space<vmem>>
      %dma_start3A_212 = arith.constant 0 : i32
      %dma_start3A_213 = tpu.memref_slice %arg7[%add3A_191, %dma_start3A_212] : memref<80x125xi32, #tpu.memory_space<vmem>> -> memref<1x125xi32, #tpu.memory_space<vmem>>
      %dma_start3A_214 = tpu.memref_squeeze %dma_start3A_213 : memref<1x125xi32, #tpu.memory_space<vmem>> -> memref<125xi32, #tpu.memory_space<vmem>>
      %dma_start3A_215 = arith.constant 0 : i32
      %dma_start3A_216 = arith.constant 0 : i32
      %dma_start3A_217 = tpu.memref_slice %arg10[%dma_start3A_215, %dma_start3A_216] : memref<10000x64xbf16, #tpu.memory_space<vmem_shared>> -> memref<10000x64xbf16, #tpu.memory_space<vmem_shared>>
      %dma_start3A_218 = tpu.memref_slice %arg12[%dma_start3A_207] : memref<8x!tpu.dma_semaphore, #tpu.memory_space<semaphore_mem>> -> memref<1x!tpu.dma_semaphore, #tpu.memory_space<semaphore_mem>>
      %dma_start3A_219 = tpu.memref_squeeze %dma_start3A_218 : memref<1x!tpu.dma_semaphore, #tpu.memory_space<semaphore_mem>> -> memref<!tpu.dma_semaphore, #tpu.memory_space<semaphore_mem>>
      tpu.enqueue_indirect_dma source(%dma_start3A_211 : memref<125x64xbf16, #tpu.memory_space<vmem>>) target(%dma_start3A_217 : memref<10000x64xbf16, #tpu.memory_space<vmem_shared>>) offsets(%dma_start3A_214 : memref<125xi32, #tpu.memory_space<vmem>>) semaphore(%dma_start3A_219 : memref<!tpu.dma_semaphore, #tpu.memory_space<semaphore_mem>>) {add = true}
      %add3A_220 = arith.constant 6 : i32
      %add3A_221 = arith.addi %add3A_191, %add3A_220 : i32
      %ge3A = arith.constant 8 : i32
      %ge3A_222 = arith.cmpi sge, %add3A_221, %ge3A : i32
      %convert_element_type3A = arith.extui %ge3A_222 : i1 to i32
      %cond3A = arith.constant 0 : i32
      %cond3A_223 = arith.cmpi ne, %convert_element_type3A, %cond3A : i32
      scf.if %cond3A_223 {
        %sub3A = arith.constant 8 : i32
        %sub3A_537 = arith.subi %add3A_221, %sub3A : i32
        %dma_wait3A_538 = arith.constant 6 : i32
        %dma_wait3A_539 = arith.constant 6 : i32
        %dma_wait3A_540 = arith.constant 0 : i32
        %dma_wait3A_541 = arith.constant 0 : i32
        %dma_wait3A_542 = tpu.memref_slice %arg8[%dma_wait3A_538, %dma_wait3A_540, %dma_wait3A_541] : memref<8x125x64xbf16, #tpu.memory_space<vmem>> -> memref<1x125x64xbf16, #tpu.memory_space<vmem>>
        %dma_wait3A_543 = tpu.memref_squeeze %dma_wait3A_542 : memref<1x125x64xbf16, #tpu.memory_space<vmem>> -> memref<125x64xbf16, #tpu.memory_space<vmem>>
        %dma_wait3A_544 = arith.constant 0 : i32
        %dma_wait3A_545 = tpu.memref_slice %arg7[%sub3A_537, %dma_wait3A_544] : memref<80x125xi32, #tpu.memory_space<vmem>> -> memref<1x125xi32, #tpu.memory_space<vmem>>
        %dma_wait3A_546 = tpu.memref_squeeze %dma_wait3A_545 : memref<1x125xi32, #tpu.memory_space<vmem>> -> memref<125xi32, #tpu.memory_space<vmem>>
        %dma_wait3A_547 = arith.constant 0 : i32
        %dma_wait3A_548 = arith.constant 0 : i32
        %dma_wait3A_549 = tpu.memref_slice %arg10[%dma_wait3A_547, %dma_wait3A_548] : memref<10000x64xbf16, #tpu.memory_space<vmem_shared>> -> memref<10000x64xbf16, #tpu.memory_space<vmem_shared>>
        %dma_wait3A_550 = tpu.memref_slice %arg12[%dma_wait3A_539] : memref<8x!tpu.dma_semaphore, #tpu.memory_space<semaphore_mem>> -> memref<1x!tpu.dma_semaphore, #tpu.memory_space<semaphore_mem>>
        %dma_wait3A_551 = tpu.memref_squeeze %dma_wait3A_550 : memref<1x!tpu.dma_semaphore, #tpu.memory_space<semaphore_mem>> -> memref<!tpu.dma_semaphore, #tpu.memory_space<semaphore_mem>>
        tpu.wait_indirect_dma semaphore(%dma_wait3A_551 : memref<!tpu.dma_semaphore, #tpu.memory_space<semaphore_mem>>) src(%dma_wait3A_543 : memref<125x64xbf16, #tpu.memory_space<vmem>>) dst(%dma_wait3A_549 : memref<10000x64xbf16, #tpu.memory_space<vmem_shared>>)
      } else {
      }
      %lt3A = arith.constant 80 : i32
      %lt3A_224 = arith.cmpi slt, %add3A_221, %lt3A : i32
      %convert_element_type3A_225 = arith.extui %lt3A_224 : i1 to i32
      %cond3A_226 = arith.constant 0 : i32
      %cond3A_227 = arith.cmpi ne, %convert_element_type3A_225, %cond3A_226 : i32
      scf.if %cond3A_227 {
        %dma_start3A_537 = arith.constant 6 : i32
        %dma_start3A_538 = arith.constant 6 : i32
        %dma_start3A_539 = arith.constant 0 : i32
        %dma_start3A_540 = arith.constant 0 : i32
        %dma_start3A_541 = tpu.memref_slice %arg8[%dma_start3A_537, %dma_start3A_539, %dma_start3A_540] : memref<8x125x64xbf16, #tpu.memory_space<vmem>> -> memref<1x125x64xbf16, #tpu.memory_space<vmem>>
        %dma_start3A_542 = tpu.memref_squeeze %dma_start3A_541 : memref<1x125x64xbf16, #tpu.memory_space<vmem>> -> memref<125x64xbf16, #tpu.memory_space<vmem>>
        %dma_start3A_543 = arith.constant 0 : i32
        %dma_start3A_544 = tpu.memref_slice %arg6[%add3A_221, %dma_start3A_543] : memref<80x125xi32, #tpu.memory_space<vmem>> -> memref<1x125xi32, #tpu.memory_space<vmem>>
        %dma_start3A_545 = tpu.memref_squeeze %dma_start3A_544 : memref<1x125xi32, #tpu.memory_space<vmem>> -> memref<125xi32, #tpu.memory_space<vmem>>
        %dma_start3A_546 = arith.constant 0 : i32
        %dma_start3A_547 = arith.constant 0 : i32
        %dma_start3A_548 = tpu.memref_slice %arg2[%dma_start3A_546, %dma_start3A_547] : memref<10000x64xbf16, #tpu.memory_space<hbm>> -> memref<10000x64xbf16, #tpu.memory_space<hbm>>
        %dma_start3A_549 = tpu.memref_slice %arg11[%dma_start3A_538] : memref<8x!tpu.dma_semaphore, #tpu.memory_space<semaphore_mem>> -> memref<1x!tpu.dma_semaphore, #tpu.memory_space<semaphore_mem>>
        %dma_start3A_550 = tpu.memref_squeeze %dma_start3A_549 : memref<1x!tpu.dma_semaphore, #tpu.memory_space<semaphore_mem>> -> memref<!tpu.dma_semaphore, #tpu.memory_space<semaphore_mem>>
        tpu.enqueue_indirect_dma source(%dma_start3A_548 : memref<10000x64xbf16, #tpu.memory_space<hbm>>) target(%dma_start3A_542 : memref<125x64xbf16, #tpu.memory_space<vmem>>) offsets(%dma_start3A_545 : memref<125xi32, #tpu.memory_space<vmem>>) semaphore(%dma_start3A_550 : memref<!tpu.dma_semaphore, #tpu.memory_space<semaphore_mem>>)
      } else {
      }
      %mul3A_228 = arith.constant 8 : i32
      %mul3A_229 = arith.muli %scan3A_186, %mul3A_228 : i32
      %add3A_230 = arith.constant 1 : i32
      %add3A_231 = arith.addi %mul3A_229, %add3A_230 : i32
      %dma_wait3A_232 = arith.constant 1 : i32
      %dma_wait3A_233 = arith.constant 1 : i32
      %dma_wait3A_234 = arith.constant 0 : i32
      %dma_wait3A_235 = arith.constant 0 : i32
      %dma_wait3A_236 = tpu.memref_slice %arg8[%dma_wait3A_232, %dma_wait3A_234, %dma_wait3A_235] : memref<8x125x64xbf16, #tpu.memory_space<vmem>> -> memref<1x125x64xbf16, #tpu.memory_space<vmem>>
      %dma_wait3A_237 = tpu.memref_squeeze %dma_wait3A_236 : memref<1x125x64xbf16, #tpu.memory_space<vmem>> -> memref<125x64xbf16, #tpu.memory_space<vmem>>
      %dma_wait3A_238 = arith.constant 0 : i32
      %dma_wait3A_239 = tpu.memref_slice %arg6[%add3A_231, %dma_wait3A_238] : memref<80x125xi32, #tpu.memory_space<vmem>> -> memref<1x125xi32, #tpu.memory_space<vmem>>
      %dma_wait3A_240 = tpu.memref_squeeze %dma_wait3A_239 : memref<1x125xi32, #tpu.memory_space<vmem>> -> memref<125xi32, #tpu.memory_space<vmem>>
      %dma_wait3A_241 = arith.constant 0 : i32
      %dma_wait3A_242 = arith.constant 0 : i32
      %dma_wait3A_243 = tpu.memref_slice %arg2[%dma_wait3A_241, %dma_wait3A_242] : memref<10000x64xbf16, #tpu.memory_space<hbm>> -> memref<10000x64xbf16, #tpu.memory_space<hbm>>
      %dma_wait3A_244 = tpu.memref_slice %arg11[%dma_wait3A_233] : memref<8x!tpu.dma_semaphore, #tpu.memory_space<semaphore_mem>> -> memref<1x!tpu.dma_semaphore, #tpu.memory_space<semaphore_mem>>
      %dma_wait3A_245 = tpu.memref_squeeze %dma_wait3A_244 : memref<1x!tpu.dma_semaphore, #tpu.memory_space<semaphore_mem>> -> memref<!tpu.dma_semaphore, #tpu.memory_space<semaphore_mem>>
      tpu.wait_indirect_dma semaphore(%dma_wait3A_245 : memref<!tpu.dma_semaphore, #tpu.memory_space<semaphore_mem>>) src(%dma_wait3A_243 : memref<10000x64xbf16, #tpu.memory_space<hbm>>) dst(%dma_wait3A_237 : memref<125x64xbf16, #tpu.memory_space<vmem>>)
      %dma_start3A_246 = arith.constant 1 : i32
      %dma_start3A_247 = arith.constant 1 : i32
      %dma_start3A_248 = arith.constant 0 : i32
      %dma_start3A_249 = arith.constant 0 : i32
      %dma_start3A_250 = tpu.memref_slice %arg8[%dma_start3A_246, %dma_start3A_248, %dma_start3A_249] : memref<8x125x64xbf16, #tpu.memory_space<vmem>> -> memref<1x125x64xbf16, #tpu.memory_space<vmem>>
      %dma_start3A_251 = tpu.memref_squeeze %dma_start3A_250 : memref<1x125x64xbf16, #tpu.memory_space<vmem>> -> memref<125x64xbf16, #tpu.memory_space<vmem>>
      %dma_start3A_252 = arith.constant 0 : i32
      %dma_start3A_253 = tpu.memref_slice %arg7[%add3A_231, %dma_start3A_252] : memref<80x125xi32, #tpu.memory_space<vmem>> -> memref<1x125xi32, #tpu.memory_space<vmem>>
      %dma_start3A_254 = tpu.memref_squeeze %dma_start3A_253 : memref<1x125xi32, #tpu.memory_space<vmem>> -> memref<125xi32, #tpu.memory_space<vmem>>
      %dma_start3A_255 = arith.constant 0 : i32
      %dma_start3A_256 = arith.constant 0 : i32
      %dma_start3A_257 = tpu.memref_slice %arg10[%dma_start3A_255, %dma_start3A_256] : memref<10000x64xbf16, #tpu.memory_space<vmem_shared>> -> memref<10000x64xbf16, #tpu.memory_space<vmem_shared>>
      %dma_start3A_258 = tpu.memref_slice %arg12[%dma_start3A_247] : memref<8x!tpu.dma_semaphore, #tpu.memory_space<semaphore_mem>> -> memref<1x!tpu.dma_semaphore, #tpu.memory_space<semaphore_mem>>
      %dma_start3A_259 = tpu.memref_squeeze %dma_start3A_258 : memref<1x!tpu.dma_semaphore, #tpu.memory_space<semaphore_mem>> -> memref<!tpu.dma_semaphore, #tpu.memory_space<semaphore_mem>>
      tpu.enqueue_indirect_dma source(%dma_start3A_251 : memref<125x64xbf16, #tpu.memory_space<vmem>>) target(%dma_start3A_257 : memref<10000x64xbf16, #tpu.memory_space<vmem_shared>>) offsets(%dma_start3A_254 : memref<125xi32, #tpu.memory_space<vmem>>) semaphore(%dma_start3A_259 : memref<!tpu.dma_semaphore, #tpu.memory_space<semaphore_mem>>) {add = true}
      %add3A_260 = arith.constant 6 : i32
      %add3A_261 = arith.addi %add3A_231, %add3A_260 : i32
      %ge3A_262 = arith.constant 8 : i32
      %ge3A_263 = arith.cmpi sge, %add3A_261, %ge3A_262 : i32
      %convert_element_type3A_264 = arith.extui %ge3A_263 : i1 to i32
      %cond3A_265 = arith.constant 0 : i32
      %cond3A_266 = arith.cmpi ne, %convert_element_type3A_264, %cond3A_265 : i32
      scf.if %cond3A_266 {
        %sub3A = arith.constant 8 : i32
        %sub3A_537 = arith.subi %add3A_261, %sub3A : i32
        %dma_wait3A_538 = arith.constant 7 : i32
        %dma_wait3A_539 = arith.constant 7 : i32
        %dma_wait3A_540 = arith.constant 0 : i32
        %dma_wait3A_541 = arith.constant 0 : i32
        %dma_wait3A_542 = tpu.memref_slice %arg8[%dma_wait3A_538, %dma_wait3A_540, %dma_wait3A_541] : memref<8x125x64xbf16, #tpu.memory_space<vmem>> -> memref<1x125x64xbf16, #tpu.memory_space<vmem>>
        %dma_wait3A_543 = tpu.memref_squeeze %dma_wait3A_542 : memref<1x125x64xbf16, #tpu.memory_space<vmem>> -> memref<125x64xbf16, #tpu.memory_space<vmem>>
        %dma_wait3A_544 = arith.constant 0 : i32
        %dma_wait3A_545 = tpu.memref_slice %arg7[%sub3A_537, %dma_wait3A_544] : memref<80x125xi32, #tpu.memory_space<vmem>> -> memref<1x125xi32, #tpu.memory_space<vmem>>
        %dma_wait3A_546 = tpu.memref_squeeze %dma_wait3A_545 : memref<1x125xi32, #tpu.memory_space<vmem>> -> memref<125xi32, #tpu.memory_space<vmem>>
        %dma_wait3A_547 = arith.constant 0 : i32
        %dma_wait3A_548 = arith.constant 0 : i32
        %dma_wait3A_549 = tpu.memref_slice %arg10[%dma_wait3A_547, %dma_wait3A_548] : memref<10000x64xbf16, #tpu.memory_space<vmem_shared>> -> memref<10000x64xbf16, #tpu.memory_space<vmem_shared>>
        %dma_wait3A_550 = tpu.memref_slice %arg12[%dma_wait3A_539] : memref<8x!tpu.dma_semaphore, #tpu.memory_space<semaphore_mem>> -> memref<1x!tpu.dma_semaphore, #tpu.memory_space<semaphore_mem>>
        %dma_wait3A_551 = tpu.memref_squeeze %dma_wait3A_550 : memref<1x!tpu.dma_semaphore, #tpu.memory_space<semaphore_mem>> -> memref<!tpu.dma_semaphore, #tpu.memory_space<semaphore_mem>>
        tpu.wait_indirect_dma semaphore(%dma_wait3A_551 : memref<!tpu.dma_semaphore, #tpu.memory_space<semaphore_mem>>) src(%dma_wait3A_543 : memref<125x64xbf16, #tpu.memory_space<vmem>>) dst(%dma_wait3A_549 : memref<10000x64xbf16, #tpu.memory_space<vmem_shared>>)
      } else {
      }
      %lt3A_267 = arith.constant 80 : i32
      %lt3A_268 = arith.cmpi slt, %add3A_261, %lt3A_267 : i32
      %convert_element_type3A_269 = arith.extui %lt3A_268 : i1 to i32
      %cond3A_270 = arith.constant 0 : i32
      %cond3A_271 = arith.cmpi ne, %convert_element_type3A_269, %cond3A_270 : i32
      scf.if %cond3A_271 {
        %dma_start3A_537 = arith.constant 7 : i32
        %dma_start3A_538 = arith.constant 7 : i32
        %dma_start3A_539 = arith.constant 0 : i32
        %dma_start3A_540 = arith.constant 0 : i32
        %dma_start3A_541 = tpu.memref_slice %arg8[%dma_start3A_537, %dma_start3A_539, %dma_start3A_540] : memref<8x125x64xbf16, #tpu.memory_space<vmem>> -> memref<1x125x64xbf16, #tpu.memory_space<vmem>>
        %dma_start3A_542 = tpu.memref_squeeze %dma_start3A_541 : memref<1x125x64xbf16, #tpu.memory_space<vmem>> -> memref<125x64xbf16, #tpu.memory_space<vmem>>
        %dma_start3A_543 = arith.constant 0 : i32
        %dma_start3A_544 = tpu.memref_slice %arg6[%add3A_261, %dma_start3A_543] : memref<80x125xi32, #tpu.memory_space<vmem>> -> memref<1x125xi32, #tpu.memory_space<vmem>>
        %dma_start3A_545 = tpu.memref_squeeze %dma_start3A_544 : memref<1x125xi32, #tpu.memory_space<vmem>> -> memref<125xi32, #tpu.memory_space<vmem>>
        %dma_start3A_546 = arith.constant 0 : i32
        %dma_start3A_547 = arith.constant 0 : i32
        %dma_start3A_548 = tpu.memref_slice %arg2[%dma_start3A_546, %dma_start3A_547] : memref<10000x64xbf16, #tpu.memory_space<hbm>> -> memref<10000x64xbf16, #tpu.memory_space<hbm>>
        %dma_start3A_549 = tpu.memref_slice %arg11[%dma_start3A_538] : memref<8x!tpu.dma_semaphore, #tpu.memory_space<semaphore_mem>> -> memref<1x!tpu.dma_semaphore, #tpu.memory_space<semaphore_mem>>
        %dma_start3A_550 = tpu.memref_squeeze %dma_start3A_549 : memref<1x!tpu.dma_semaphore, #tpu.memory_space<semaphore_mem>> -> memref<!tpu.dma_semaphore, #tpu.memory_space<semaphore_mem>>
        tpu.enqueue_indirect_dma source(%dma_start3A_548 : memref<10000x64xbf16, #tpu.memory_space<hbm>>) target(%dma_start3A_542 : memref<125x64xbf16, #tpu.memory_space<vmem>>) offsets(%dma_start3A_545 : memref<125xi32, #tpu.memory_space<vmem>>) semaphore(%dma_start3A_550 : memref<!tpu.dma_semaphore, #tpu.memory_space<semaphore_mem>>)
      } else {
      }
      %mul3A_272 = arith.constant 8 : i32
      %mul3A_273 = arith.muli %scan3A_186, %mul3A_272 : i32
      %add3A_274 = arith.constant 2 : i32
      %add3A_275 = arith.addi %mul3A_273, %add3A_274 : i32
      %dma_wait3A_276 = arith.constant 2 : i32
      %dma_wait3A_277 = arith.constant 2 : i32
      %dma_wait3A_278 = arith.constant 0 : i32
      %dma_wait3A_279 = arith.constant 0 : i32
      %dma_wait3A_280 = tpu.memref_slice %arg8[%dma_wait3A_276, %dma_wait3A_278, %dma_wait3A_279] : memref<8x125x64xbf16, #tpu.memory_space<vmem>> -> memref<1x125x64xbf16, #tpu.memory_space<vmem>>
      %dma_wait3A_281 = tpu.memref_squeeze %dma_wait3A_280 : memref<1x125x64xbf16, #tpu.memory_space<vmem>> -> memref<125x64xbf16, #tpu.memory_space<vmem>>
      %dma_wait3A_282 = arith.constant 0 : i32
      %dma_wait3A_283 = tpu.memref_slice %arg6[%add3A_275, %dma_wait3A_282] : memref<80x125xi32, #tpu.memory_space<vmem>> -> memref<1x125xi32, #tpu.memory_space<vmem>>
      %dma_wait3A_284 = tpu.memref_squeeze %dma_wait3A_283 : memref<1x125xi32, #tpu.memory_space<vmem>> -> memref<125xi32, #tpu.memory_space<vmem>>
      %dma_wait3A_285 = arith.constant 0 : i32
      %dma_wait3A_286 = arith.constant 0 : i32
      %dma_wait3A_287 = tpu.memref_slice %arg2[%dma_wait3A_285, %dma_wait3A_286] : memref<10000x64xbf16, #tpu.memory_space<hbm>> -> memref<10000x64xbf16, #tpu.memory_space<hbm>>
      %dma_wait3A_288 = tpu.memref_slice %arg11[%dma_wait3A_277] : memref<8x!tpu.dma_semaphore, #tpu.memory_space<semaphore_mem>> -> memref<1x!tpu.dma_semaphore, #tpu.memory_space<semaphore_mem>>
      %dma_wait3A_289 = tpu.memref_squeeze %dma_wait3A_288 : memref<1x!tpu.dma_semaphore, #tpu.memory_space<semaphore_mem>> -> memref<!tpu.dma_semaphore, #tpu.memory_space<semaphore_mem>>
      tpu.wait_indirect_dma semaphore(%dma_wait3A_289 : memref<!tpu.dma_semaphore, #tpu.memory_space<semaphore_mem>>) src(%dma_wait3A_287 : memref<10000x64xbf16, #tpu.memory_space<hbm>>) dst(%dma_wait3A_281 : memref<125x64xbf16, #tpu.memory_space<vmem>>)
      %dma_start3A_290 = arith.constant 2 : i32
      %dma_start3A_291 = arith.constant 2 : i32
      %dma_start3A_292 = arith.constant 0 : i32
      %dma_start3A_293 = arith.constant 0 : i32
      %dma_start3A_294 = tpu.memref_slice %arg8[%dma_start3A_290, %dma_start3A_292, %dma_start3A_293] : memref<8x125x64xbf16, #tpu.memory_space<vmem>> -> memref<1x125x64xbf16, #tpu.memory_space<vmem>>
      %dma_start3A_295 = tpu.memref_squeeze %dma_start3A_294 : memref<1x125x64xbf16, #tpu.memory_space<vmem>> -> memref<125x64xbf16, #tpu.memory_space<vmem>>
      %dma_start3A_296 = arith.constant 0 : i32
      %dma_start3A_297 = tpu.memref_slice %arg7[%add3A_275, %dma_start3A_296] : memref<80x125xi32, #tpu.memory_space<vmem>> -> memref<1x125xi32, #tpu.memory_space<vmem>>
      %dma_start3A_298 = tpu.memref_squeeze %dma_start3A_297 : memref<1x125xi32, #tpu.memory_space<vmem>> -> memref<125xi32, #tpu.memory_space<vmem>>
      %dma_start3A_299 = arith.constant 0 : i32
      %dma_start3A_300 = arith.constant 0 : i32
      %dma_start3A_301 = tpu.memref_slice %arg10[%dma_start3A_299, %dma_start3A_300] : memref<10000x64xbf16, #tpu.memory_space<vmem_shared>> -> memref<10000x64xbf16, #tpu.memory_space<vmem_shared>>
      %dma_start3A_302 = tpu.memref_slice %arg12[%dma_start3A_291] : memref<8x!tpu.dma_semaphore, #tpu.memory_space<semaphore_mem>> -> memref<1x!tpu.dma_semaphore, #tpu.memory_space<semaphore_mem>>
      %dma_start3A_303 = tpu.memref_squeeze %dma_start3A_302 : memref<1x!tpu.dma_semaphore, #tpu.memory_space<semaphore_mem>> -> memref<!tpu.dma_semaphore, #tpu.memory_space<semaphore_mem>>
      tpu.enqueue_indirect_dma source(%dma_start3A_295 : memref<125x64xbf16, #tpu.memory_space<vmem>>) target(%dma_start3A_301 : memref<10000x64xbf16, #tpu.memory_space<vmem_shared>>) offsets(%dma_start3A_298 : memref<125xi32, #tpu.memory_space<vmem>>) semaphore(%dma_start3A_303 : memref<!tpu.dma_semaphore, #tpu.memory_space<semaphore_mem>>) {add = true}
      %add3A_304 = arith.constant 6 : i32
      %add3A_305 = arith.addi %add3A_275, %add3A_304 : i32
      %ge3A_306 = arith.constant 8 : i32
      %ge3A_307 = arith.cmpi sge, %add3A_305, %ge3A_306 : i32
      %convert_element_type3A_308 = arith.extui %ge3A_307 : i1 to i32
      %cond3A_309 = arith.constant 0 : i32
      %cond3A_310 = arith.cmpi ne, %convert_element_type3A_308, %cond3A_309 : i32
      scf.if %cond3A_310 {
        %sub3A = arith.constant 8 : i32
        %sub3A_537 = arith.subi %add3A_305, %sub3A : i32
        %dma_wait3A_538 = arith.constant 0 : i32
        %dma_wait3A_539 = arith.constant 0 : i32
        %dma_wait3A_540 = arith.constant 0 : i32
        %dma_wait3A_541 = arith.constant 0 : i32
        %dma_wait3A_542 = tpu.memref_slice %arg8[%dma_wait3A_538, %dma_wait3A_540, %dma_wait3A_541] : memref<8x125x64xbf16, #tpu.memory_space<vmem>> -> memref<1x125x64xbf16, #tpu.memory_space<vmem>>
        %dma_wait3A_543 = tpu.memref_squeeze %dma_wait3A_542 : memref<1x125x64xbf16, #tpu.memory_space<vmem>> -> memref<125x64xbf16, #tpu.memory_space<vmem>>
        %dma_wait3A_544 = arith.constant 0 : i32
        %dma_wait3A_545 = tpu.memref_slice %arg7[%sub3A_537, %dma_wait3A_544] : memref<80x125xi32, #tpu.memory_space<vmem>> -> memref<1x125xi32, #tpu.memory_space<vmem>>
        %dma_wait3A_546 = tpu.memref_squeeze %dma_wait3A_545 : memref<1x125xi32, #tpu.memory_space<vmem>> -> memref<125xi32, #tpu.memory_space<vmem>>
        %dma_wait3A_547 = arith.constant 0 : i32
        %dma_wait3A_548 = arith.constant 0 : i32
        %dma_wait3A_549 = tpu.memref_slice %arg10[%dma_wait3A_547, %dma_wait3A_548] : memref<10000x64xbf16, #tpu.memory_space<vmem_shared>> -> memref<10000x64xbf16, #tpu.memory_space<vmem_shared>>
        %dma_wait3A_550 = tpu.memref_slice %arg12[%dma_wait3A_539] : memref<8x!tpu.dma_semaphore, #tpu.memory_space<semaphore_mem>> -> memref<1x!tpu.dma_semaphore, #tpu.memory_space<semaphore_mem>>
        %dma_wait3A_551 = tpu.memref_squeeze %dma_wait3A_550 : memref<1x!tpu.dma_semaphore, #tpu.memory_space<semaphore_mem>> -> memref<!tpu.dma_semaphore, #tpu.memory_space<semaphore_mem>>
        tpu.wait_indirect_dma semaphore(%dma_wait3A_551 : memref<!tpu.dma_semaphore, #tpu.memory_space<semaphore_mem>>) src(%dma_wait3A_543 : memref<125x64xbf16, #tpu.memory_space<vmem>>) dst(%dma_wait3A_549 : memref<10000x64xbf16, #tpu.memory_space<vmem_shared>>)
      } else {
      }
      %lt3A_311 = arith.constant 80 : i32
      %lt3A_312 = arith.cmpi slt, %add3A_305, %lt3A_311 : i32
      %convert_element_type3A_313 = arith.extui %lt3A_312 : i1 to i32
      %cond3A_314 = arith.constant 0 : i32
      %cond3A_315 = arith.cmpi ne, %convert_element_type3A_313, %cond3A_314 : i32
      scf.if %cond3A_315 {
        %dma_start3A_537 = arith.constant 0 : i32
        %dma_start3A_538 = arith.constant 0 : i32
        %dma_start3A_539 = arith.constant 0 : i32
        %dma_start3A_540 = arith.constant 0 : i32
        %dma_start3A_541 = tpu.memref_slice %arg8[%dma_start3A_537, %dma_start3A_539, %dma_start3A_540] : memref<8x125x64xbf16, #tpu.memory_space<vmem>> -> memref<1x125x64xbf16, #tpu.memory_space<vmem>>
        %dma_start3A_542 = tpu.memref_squeeze %dma_start3A_541 : memref<1x125x64xbf16, #tpu.memory_space<vmem>> -> memref<125x64xbf16, #tpu.memory_space<vmem>>
        %dma_start3A_543 = arith.constant 0 : i32
        %dma_start3A_544 = tpu.memref_slice %arg6[%add3A_305, %dma_start3A_543] : memref<80x125xi32, #tpu.memory_space<vmem>> -> memref<1x125xi32, #tpu.memory_space<vmem>>
        %dma_start3A_545 = tpu.memref_squeeze %dma_start3A_544 : memref<1x125xi32, #tpu.memory_space<vmem>> -> memref<125xi32, #tpu.memory_space<vmem>>
        %dma_start3A_546 = arith.constant 0 : i32
        %dma_start3A_547 = arith.constant 0 : i32
        %dma_start3A_548 = tpu.memref_slice %arg2[%dma_start3A_546, %dma_start3A_547] : memref<10000x64xbf16, #tpu.memory_space<hbm>> -> memref<10000x64xbf16, #tpu.memory_space<hbm>>
        %dma_start3A_549 = tpu.memref_slice %arg11[%dma_start3A_538] : memref<8x!tpu.dma_semaphore, #tpu.memory_space<semaphore_mem>> -> memref<1x!tpu.dma_semaphore, #tpu.memory_space<semaphore_mem>>
        %dma_start3A_550 = tpu.memref_squeeze %dma_start3A_549 : memref<1x!tpu.dma_semaphore, #tpu.memory_space<semaphore_mem>> -> memref<!tpu.dma_semaphore, #tpu.memory_space<semaphore_mem>>
        tpu.enqueue_indirect_dma source(%dma_start3A_548 : memref<10000x64xbf16, #tpu.memory_space<hbm>>) target(%dma_start3A_542 : memref<125x64xbf16, #tpu.memory_space<vmem>>) offsets(%dma_start3A_545 : memref<125xi32, #tpu.memory_space<vmem>>) semaphore(%dma_start3A_550 : memref<!tpu.dma_semaphore, #tpu.memory_space<semaphore_mem>>)
      } else {
      }
      %mul3A_316 = arith.constant 8 : i32
      %mul3A_317 = arith.muli %scan3A_186, %mul3A_316 : i32
      %add3A_318 = arith.constant 3 : i32
      %add3A_319 = arith.addi %mul3A_317, %add3A_318 : i32
      %dma_wait3A_320 = arith.constant 3 : i32
      %dma_wait3A_321 = arith.constant 3 : i32
      %dma_wait3A_322 = arith.constant 0 : i32
      %dma_wait3A_323 = arith.constant 0 : i32
      %dma_wait3A_324 = tpu.memref_slice %arg8[%dma_wait3A_320, %dma_wait3A_322, %dma_wait3A_323] : memref<8x125x64xbf16, #tpu.memory_space<vmem>> -> memref<1x125x64xbf16, #tpu.memory_space<vmem>>
      %dma_wait3A_325 = tpu.memref_squeeze %dma_wait3A_324 : memref<1x125x64xbf16, #tpu.memory_space<vmem>> -> memref<125x64xbf16, #tpu.memory_space<vmem>>
      %dma_wait3A_326 = arith.constant 0 : i32
      %dma_wait3A_327 = tpu.memref_slice %arg6[%add3A_319, %dma_wait3A_326] : memref<80x125xi32, #tpu.memory_space<vmem>> -> memref<1x125xi32, #tpu.memory_space<vmem>>
      %dma_wait3A_328 = tpu.memref_squeeze %dma_wait3A_327 : memref<1x125xi32, #tpu.memory_space<vmem>> -> memref<125xi32, #tpu.memory_space<vmem>>
      %dma_wait3A_329 = arith.constant 0 : i32
      %dma_wait3A_330 = arith.constant 0 : i32
      %dma_wait3A_331 = tpu.memref_slice %arg2[%dma_wait3A_329, %dma_wait3A_330] : memref<10000x64xbf16, #tpu.memory_space<hbm>> -> memref<10000x64xbf16, #tpu.memory_space<hbm>>
      %dma_wait3A_332 = tpu.memref_slice %arg11[%dma_wait3A_321] : memref<8x!tpu.dma_semaphore, #tpu.memory_space<semaphore_mem>> -> memref<1x!tpu.dma_semaphore, #tpu.memory_space<semaphore_mem>>
      %dma_wait3A_333 = tpu.memref_squeeze %dma_wait3A_332 : memref<1x!tpu.dma_semaphore, #tpu.memory_space<semaphore_mem>> -> memref<!tpu.dma_semaphore, #tpu.memory_space<semaphore_mem>>
      tpu.wait_indirect_dma semaphore(%dma_wait3A_333 : memref<!tpu.dma_semaphore, #tpu.memory_space<semaphore_mem>>) src(%dma_wait3A_331 : memref<10000x64xbf16, #tpu.memory_space<hbm>>) dst(%dma_wait3A_325 : memref<125x64xbf16, #tpu.memory_space<vmem>>)
      %dma_start3A_334 = arith.constant 3 : i32
      %dma_start3A_335 = arith.constant 3 : i32
      %dma_start3A_336 = arith.constant 0 : i32
      %dma_start3A_337 = arith.constant 0 : i32
      %dma_start3A_338 = tpu.memref_slice %arg8[%dma_start3A_334, %dma_start3A_336, %dma_start3A_337] : memref<8x125x64xbf16, #tpu.memory_space<vmem>> -> memref<1x125x64xbf16, #tpu.memory_space<vmem>>
      %dma_start3A_339 = tpu.memref_squeeze %dma_start3A_338 : memref<1x125x64xbf16, #tpu.memory_space<vmem>> -> memref<125x64xbf16, #tpu.memory_space<vmem>>
      %dma_start3A_340 = arith.constant 0 : i32
      %dma_start3A_341 = tpu.memref_slice %arg7[%add3A_319, %dma_start3A_340] : memref<80x125xi32, #tpu.memory_space<vmem>> -> memref<1x125xi32, #tpu.memory_space<vmem>>
      %dma_start3A_342 = tpu.memref_squeeze %dma_start3A_341 : memref<1x125xi32, #tpu.memory_space<vmem>> -> memref<125xi32, #tpu.memory_space<vmem>>
      %dma_start3A_343 = arith.constant 0 : i32
      %dma_start3A_344 = arith.constant 0 : i32
      %dma_start3A_345 = tpu.memref_slice %arg10[%dma_start3A_343, %dma_start3A_344] : memref<10000x64xbf16, #tpu.memory_space<vmem_shared>> -> memref<10000x64xbf16, #tpu.memory_space<vmem_shared>>
      %dma_start3A_346 = tpu.memref_slice %arg12[%dma_start3A_335] : memref<8x!tpu.dma_semaphore, #tpu.memory_space<semaphore_mem>> -> memref<1x!tpu.dma_semaphore, #tpu.memory_space<semaphore_mem>>
      %dma_start3A_347 = tpu.memref_squeeze %dma_start3A_346 : memref<1x!tpu.dma_semaphore, #tpu.memory_space<semaphore_mem>> -> memref<!tpu.dma_semaphore, #tpu.memory_space<semaphore_mem>>
      tpu.enqueue_indirect_dma source(%dma_start3A_339 : memref<125x64xbf16, #tpu.memory_space<vmem>>) target(%dma_start3A_345 : memref<10000x64xbf16, #tpu.memory_space<vmem_shared>>) offsets(%dma_start3A_342 : memref<125xi32, #tpu.memory_space<vmem>>) semaphore(%dma_start3A_347 : memref<!tpu.dma_semaphore, #tpu.memory_space<semaphore_mem>>) {add = true}
      %add3A_348 = arith.constant 6 : i32
      %add3A_349 = arith.addi %add3A_319, %add3A_348 : i32
      %ge3A_350 = arith.constant 8 : i32
      %ge3A_351 = arith.cmpi sge, %add3A_349, %ge3A_350 : i32
      %convert_element_type3A_352 = arith.extui %ge3A_351 : i1 to i32
      %cond3A_353 = arith.constant 0 : i32
      %cond3A_354 = arith.cmpi ne, %convert_element_type3A_352, %cond3A_353 : i32
      scf.if %cond3A_354 {
        %sub3A = arith.constant 8 : i32
        %sub3A_537 = arith.subi %add3A_349, %sub3A : i32
        %dma_wait3A_538 = arith.constant 1 : i32
        %dma_wait3A_539 = arith.constant 1 : i32
        %dma_wait3A_540 = arith.constant 0 : i32
        %dma_wait3A_541 = arith.constant 0 : i32
        %dma_wait3A_542 = tpu.memref_slice %arg8[%dma_wait3A_538, %dma_wait3A_540, %dma_wait3A_541] : memref<8x125x64xbf16, #tpu.memory_space<vmem>> -> memref<1x125x64xbf16, #tpu.memory_space<vmem>>
        %dma_wait3A_543 = tpu.memref_squeeze %dma_wait3A_542 : memref<1x125x64xbf16, #tpu.memory_space<vmem>> -> memref<125x64xbf16, #tpu.memory_space<vmem>>
        %dma_wait3A_544 = arith.constant 0 : i32
        %dma_wait3A_545 = tpu.memref_slice %arg7[%sub3A_537, %dma_wait3A_544] : memref<80x125xi32, #tpu.memory_space<vmem>> -> memref<1x125xi32, #tpu.memory_space<vmem>>
        %dma_wait3A_546 = tpu.memref_squeeze %dma_wait3A_545 : memref<1x125xi32, #tpu.memory_space<vmem>> -> memref<125xi32, #tpu.memory_space<vmem>>
        %dma_wait3A_547 = arith.constant 0 : i32
        %dma_wait3A_548 = arith.constant 0 : i32
        %dma_wait3A_549 = tpu.memref_slice %arg10[%dma_wait3A_547, %dma_wait3A_548] : memref<10000x64xbf16, #tpu.memory_space<vmem_shared>> -> memref<10000x64xbf16, #tpu.memory_space<vmem_shared>>
        %dma_wait3A_550 = tpu.memref_slice %arg12[%dma_wait3A_539] : memref<8x!tpu.dma_semaphore, #tpu.memory_space<semaphore_mem>> -> memref<1x!tpu.dma_semaphore, #tpu.memory_space<semaphore_mem>>
        %dma_wait3A_551 = tpu.memref_squeeze %dma_wait3A_550 : memref<1x!tpu.dma_semaphore, #tpu.memory_space<semaphore_mem>> -> memref<!tpu.dma_semaphore, #tpu.memory_space<semaphore_mem>>
        tpu.wait_indirect_dma semaphore(%dma_wait3A_551 : memref<!tpu.dma_semaphore, #tpu.memory_space<semaphore_mem>>) src(%dma_wait3A_543 : memref<125x64xbf16, #tpu.memory_space<vmem>>) dst(%dma_wait3A_549 : memref<10000x64xbf16, #tpu.memory_space<vmem_shared>>)
      } else {
      }
      %lt3A_355 = arith.constant 80 : i32
      %lt3A_356 = arith.cmpi slt, %add3A_349, %lt3A_355 : i32
      %convert_element_type3A_357 = arith.extui %lt3A_356 : i1 to i32
      %cond3A_358 = arith.constant 0 : i32
      %cond3A_359 = arith.cmpi ne, %convert_element_type3A_357, %cond3A_358 : i32
      scf.if %cond3A_359 {
        %dma_start3A_537 = arith.constant 1 : i32
        %dma_start3A_538 = arith.constant 1 : i32
        %dma_start3A_539 = arith.constant 0 : i32
        %dma_start3A_540 = arith.constant 0 : i32
        %dma_start3A_541 = tpu.memref_slice %arg8[%dma_start3A_537, %dma_start3A_539, %dma_start3A_540] : memref<8x125x64xbf16, #tpu.memory_space<vmem>> -> memref<1x125x64xbf16, #tpu.memory_space<vmem>>
        %dma_start3A_542 = tpu.memref_squeeze %dma_start3A_541 : memref<1x125x64xbf16, #tpu.memory_space<vmem>> -> memref<125x64xbf16, #tpu.memory_space<vmem>>
        %dma_start3A_543 = arith.constant 0 : i32
        %dma_start3A_544 = tpu.memref_slice %arg6[%add3A_349, %dma_start3A_543] : memref<80x125xi32, #tpu.memory_space<vmem>> -> memref<1x125xi32, #tpu.memory_space<vmem>>
        %dma_start3A_545 = tpu.memref_squeeze %dma_start3A_544 : memref<1x125xi32, #tpu.memory_space<vmem>> -> memref<125xi32, #tpu.memory_space<vmem>>
        %dma_start3A_546 = arith.constant 0 : i32
        %dma_start3A_547 = arith.constant 0 : i32
        %dma_start3A_548 = tpu.memref_slice %arg2[%dma_start3A_546, %dma_start3A_547] : memref<10000x64xbf16, #tpu.memory_space<hbm>> -> memref<10000x64xbf16, #tpu.memory_space<hbm>>
        %dma_start3A_549 = tpu.memref_slice %arg11[%dma_start3A_538] : memref<8x!tpu.dma_semaphore, #tpu.memory_space<semaphore_mem>> -> memref<1x!tpu.dma_semaphore, #tpu.memory_space<semaphore_mem>>
        %dma_start3A_550 = tpu.memref_squeeze %dma_start3A_549 : memref<1x!tpu.dma_semaphore, #tpu.memory_space<semaphore_mem>> -> memref<!tpu.dma_semaphore, #tpu.memory_space<semaphore_mem>>
        tpu.enqueue_indirect_dma source(%dma_start3A_548 : memref<10000x64xbf16, #tpu.memory_space<hbm>>) target(%dma_start3A_542 : memref<125x64xbf16, #tpu.memory_space<vmem>>) offsets(%dma_start3A_545 : memref<125xi32, #tpu.memory_space<vmem>>) semaphore(%dma_start3A_550 : memref<!tpu.dma_semaphore, #tpu.memory_space<semaphore_mem>>)
      } else {
      }
      %mul3A_360 = arith.constant 8 : i32
      %mul3A_361 = arith.muli %scan3A_186, %mul3A_360 : i32
      %add3A_362 = arith.constant 4 : i32
      %add3A_363 = arith.addi %mul3A_361, %add3A_362 : i32
      %dma_wait3A_364 = arith.constant 4 : i32
      %dma_wait3A_365 = arith.constant 4 : i32
      %dma_wait3A_366 = arith.constant 0 : i32
      %dma_wait3A_367 = arith.constant 0 : i32
      %dma_wait3A_368 = tpu.memref_slice %arg8[%dma_wait3A_364, %dma_wait3A_366, %dma_wait3A_367] : memref<8x125x64xbf16, #tpu.memory_space<vmem>> -> memref<1x125x64xbf16, #tpu.memory_space<vmem>>
      %dma_wait3A_369 = tpu.memref_squeeze %dma_wait3A_368 : memref<1x125x64xbf16, #tpu.memory_space<vmem>> -> memref<125x64xbf16, #tpu.memory_space<vmem>>
      %dma_wait3A_370 = arith.constant 0 : i32
      %dma_wait3A_371 = tpu.memref_slice %arg6[%add3A_363, %dma_wait3A_370] : memref<80x125xi32, #tpu.memory_space<vmem>> -> memref<1x125xi32, #tpu.memory_space<vmem>>
      %dma_wait3A_372 = tpu.memref_squeeze %dma_wait3A_371 : memref<1x125xi32, #tpu.memory_space<vmem>> -> memref<125xi32, #tpu.memory_space<vmem>>
      %dma_wait3A_373 = arith.constant 0 : i32
      %dma_wait3A_374 = arith.constant 0 : i32
      %dma_wait3A_375 = tpu.memref_slice %arg2[%dma_wait3A_373, %dma_wait3A_374] : memref<10000x64xbf16, #tpu.memory_space<hbm>> -> memref<10000x64xbf16, #tpu.memory_space<hbm>>
      %dma_wait3A_376 = tpu.memref_slice %arg11[%dma_wait3A_365] : memref<8x!tpu.dma_semaphore, #tpu.memory_space<semaphore_mem>> -> memref<1x!tpu.dma_semaphore, #tpu.memory_space<semaphore_mem>>
      %dma_wait3A_377 = tpu.memref_squeeze %dma_wait3A_376 : memref<1x!tpu.dma_semaphore, #tpu.memory_space<semaphore_mem>> -> memref<!tpu.dma_semaphore, #tpu.memory_space<semaphore_mem>>
      tpu.wait_indirect_dma semaphore(%dma_wait3A_377 : memref<!tpu.dma_semaphore, #tpu.memory_space<semaphore_mem>>) src(%dma_wait3A_375 : memref<10000x64xbf16, #tpu.memory_space<hbm>>) dst(%dma_wait3A_369 : memref<125x64xbf16, #tpu.memory_space<vmem>>)
      %dma_start3A_378 = arith.constant 4 : i32
      %dma_start3A_379 = arith.constant 4 : i32
      %dma_start3A_380 = arith.constant 0 : i32
      %dma_start3A_381 = arith.constant 0 : i32
      %dma_start3A_382 = tpu.memref_slice %arg8[%dma_start3A_378, %dma_start3A_380, %dma_start3A_381] : memref<8x125x64xbf16, #tpu.memory_space<vmem>> -> memref<1x125x64xbf16, #tpu.memory_space<vmem>>
      %dma_start3A_383 = tpu.memref_squeeze %dma_start3A_382 : memref<1x125x64xbf16, #tpu.memory_space<vmem>> -> memref<125x64xbf16, #tpu.memory_space<vmem>>
      %dma_start3A_384 = arith.constant 0 : i32
      %dma_start3A_385 = tpu.memref_slice %arg7[%add3A_363, %dma_start3A_384] : memref<80x125xi32, #tpu.memory_space<vmem>> -> memref<1x125xi32, #tpu.memory_space<vmem>>
      %dma_start3A_386 = tpu.memref_squeeze %dma_start3A_385 : memref<1x125xi32, #tpu.memory_space<vmem>> -> memref<125xi32, #tpu.memory_space<vmem>>
      %dma_start3A_387 = arith.constant 0 : i32
      %dma_start3A_388 = arith.constant 0 : i32
      %dma_start3A_389 = tpu.memref_slice %arg10[%dma_start3A_387, %dma_start3A_388] : memref<10000x64xbf16, #tpu.memory_space<vmem_shared>> -> memref<10000x64xbf16, #tpu.memory_space<vmem_shared>>
      %dma_start3A_390 = tpu.memref_slice %arg12[%dma_start3A_379] : memref<8x!tpu.dma_semaphore, #tpu.memory_space<semaphore_mem>> -> memref<1x!tpu.dma_semaphore, #tpu.memory_space<semaphore_mem>>
      %dma_start3A_391 = tpu.memref_squeeze %dma_start3A_390 : memref<1x!tpu.dma_semaphore, #tpu.memory_space<semaphore_mem>> -> memref<!tpu.dma_semaphore, #tpu.memory_space<semaphore_mem>>
      tpu.enqueue_indirect_dma source(%dma_start3A_383 : memref<125x64xbf16, #tpu.memory_space<vmem>>) target(%dma_start3A_389 : memref<10000x64xbf16, #tpu.memory_space<vmem_shared>>) offsets(%dma_start3A_386 : memref<125xi32, #tpu.memory_space<vmem>>) semaphore(%dma_start3A_391 : memref<!tpu.dma_semaphore, #tpu.memory_space<semaphore_mem>>) {add = true}
      %add3A_392 = arith.constant 6 : i32
      %add3A_393 = arith.addi %add3A_363, %add3A_392 : i32
      %ge3A_394 = arith.constant 8 : i32
      %ge3A_395 = arith.cmpi sge, %add3A_393, %ge3A_394 : i32
      %convert_element_type3A_396 = arith.extui %ge3A_395 : i1 to i32
      %cond3A_397 = arith.constant 0 : i32
      %cond3A_398 = arith.cmpi ne, %convert_element_type3A_396, %cond3A_397 : i32
      scf.if %cond3A_398 {
        %sub3A = arith.constant 8 : i32
        %sub3A_537 = arith.subi %add3A_393, %sub3A : i32
        %dma_wait3A_538 = arith.constant 2 : i32
        %dma_wait3A_539 = arith.constant 2 : i32
        %dma_wait3A_540 = arith.constant 0 : i32
        %dma_wait3A_541 = arith.constant 0 : i32
        %dma_wait3A_542 = tpu.memref_slice %arg8[%dma_wait3A_538, %dma_wait3A_540, %dma_wait3A_541] : memref<8x125x64xbf16, #tpu.memory_space<vmem>> -> memref<1x125x64xbf16, #tpu.memory_space<vmem>>
        %dma_wait3A_543 = tpu.memref_squeeze %dma_wait3A_542 : memref<1x125x64xbf16, #tpu.memory_space<vmem>> -> memref<125x64xbf16, #tpu.memory_space<vmem>>
        %dma_wait3A_544 = arith.constant 0 : i32
        %dma_wait3A_545 = tpu.memref_slice %arg7[%sub3A_537, %dma_wait3A_544] : memref<80x125xi32, #tpu.memory_space<vmem>> -> memref<1x125xi32, #tpu.memory_space<vmem>>
        %dma_wait3A_546 = tpu.memref_squeeze %dma_wait3A_545 : memref<1x125xi32, #tpu.memory_space<vmem>> -> memref<125xi32, #tpu.memory_space<vmem>>
        %dma_wait3A_547 = arith.constant 0 : i32
        %dma_wait3A_548 = arith.constant 0 : i32
        %dma_wait3A_549 = tpu.memref_slice %arg10[%dma_wait3A_547, %dma_wait3A_548] : memref<10000x64xbf16, #tpu.memory_space<vmem_shared>> -> memref<10000x64xbf16, #tpu.memory_space<vmem_shared>>
        %dma_wait3A_550 = tpu.memref_slice %arg12[%dma_wait3A_539] : memref<8x!tpu.dma_semaphore, #tpu.memory_space<semaphore_mem>> -> memref<1x!tpu.dma_semaphore, #tpu.memory_space<semaphore_mem>>
        %dma_wait3A_551 = tpu.memref_squeeze %dma_wait3A_550 : memref<1x!tpu.dma_semaphore, #tpu.memory_space<semaphore_mem>> -> memref<!tpu.dma_semaphore, #tpu.memory_space<semaphore_mem>>
        tpu.wait_indirect_dma semaphore(%dma_wait3A_551 : memref<!tpu.dma_semaphore, #tpu.memory_space<semaphore_mem>>) src(%dma_wait3A_543 : memref<125x64xbf16, #tpu.memory_space<vmem>>) dst(%dma_wait3A_549 : memref<10000x64xbf16, #tpu.memory_space<vmem_shared>>)
      } else {
      }
      %lt3A_399 = arith.constant 80 : i32
      %lt3A_400 = arith.cmpi slt, %add3A_393, %lt3A_399 : i32
      %convert_element_type3A_401 = arith.extui %lt3A_400 : i1 to i32
      %cond3A_402 = arith.constant 0 : i32
      %cond3A_403 = arith.cmpi ne, %convert_element_type3A_401, %cond3A_402 : i32
      scf.if %cond3A_403 {
        %dma_start3A_537 = arith.constant 2 : i32
        %dma_start3A_538 = arith.constant 2 : i32
        %dma_start3A_539 = arith.constant 0 : i32
        %dma_start3A_540 = arith.constant 0 : i32
        %dma_start3A_541 = tpu.memref_slice %arg8[%dma_start3A_537, %dma_start3A_539, %dma_start3A_540] : memref<8x125x64xbf16, #tpu.memory_space<vmem>> -> memref<1x125x64xbf16, #tpu.memory_space<vmem>>
        %dma_start3A_542 = tpu.memref_squeeze %dma_start3A_541 : memref<1x125x64xbf16, #tpu.memory_space<vmem>> -> memref<125x64xbf16, #tpu.memory_space<vmem>>
        %dma_start3A_543 = arith.constant 0 : i32
        %dma_start3A_544 = tpu.memref_slice %arg6[%add3A_393, %dma_start3A_543] : memref<80x125xi32, #tpu.memory_space<vmem>> -> memref<1x125xi32, #tpu.memory_space<vmem>>
        %dma_start3A_545 = tpu.memref_squeeze %dma_start3A_544 : memref<1x125xi32, #tpu.memory_space<vmem>> -> memref<125xi32, #tpu.memory_space<vmem>>
        %dma_start3A_546 = arith.constant 0 : i32
        %dma_start3A_547 = arith.constant 0 : i32
        %dma_start3A_548 = tpu.memref_slice %arg2[%dma_start3A_546, %dma_start3A_547] : memref<10000x64xbf16, #tpu.memory_space<hbm>> -> memref<10000x64xbf16, #tpu.memory_space<hbm>>
        %dma_start3A_549 = tpu.memref_slice %arg11[%dma_start3A_538] : memref<8x!tpu.dma_semaphore, #tpu.memory_space<semaphore_mem>> -> memref<1x!tpu.dma_semaphore, #tpu.memory_space<semaphore_mem>>
        %dma_start3A_550 = tpu.memref_squeeze %dma_start3A_549 : memref<1x!tpu.dma_semaphore, #tpu.memory_space<semaphore_mem>> -> memref<!tpu.dma_semaphore, #tpu.memory_space<semaphore_mem>>
        tpu.enqueue_indirect_dma source(%dma_start3A_548 : memref<10000x64xbf16, #tpu.memory_space<hbm>>) target(%dma_start3A_542 : memref<125x64xbf16, #tpu.memory_space<vmem>>) offsets(%dma_start3A_545 : memref<125xi32, #tpu.memory_space<vmem>>) semaphore(%dma_start3A_550 : memref<!tpu.dma_semaphore, #tpu.memory_space<semaphore_mem>>)
      } else {
      }
      %mul3A_404 = arith.constant 8 : i32
      %mul3A_405 = arith.muli %scan3A_186, %mul3A_404 : i32
      %add3A_406 = arith.constant 5 : i32
      %add3A_407 = arith.addi %mul3A_405, %add3A_406 : i32
      %dma_wait3A_408 = arith.constant 5 : i32
      %dma_wait3A_409 = arith.constant 5 : i32
      %dma_wait3A_410 = arith.constant 0 : i32
      %dma_wait3A_411 = arith.constant 0 : i32
      %dma_wait3A_412 = tpu.memref_slice %arg8[%dma_wait3A_408, %dma_wait3A_410, %dma_wait3A_411] : memref<8x125x64xbf16, #tpu.memory_space<vmem>> -> memref<1x125x64xbf16, #tpu.memory_space<vmem>>
      %dma_wait3A_413 = tpu.memref_squeeze %dma_wait3A_412 : memref<1x125x64xbf16, #tpu.memory_space<vmem>> -> memref<125x64xbf16, #tpu.memory_space<vmem>>
      %dma_wait3A_414 = arith.constant 0 : i32
      %dma_wait3A_415 = tpu.memref_slice %arg6[%add3A_407, %dma_wait3A_414] : memref<80x125xi32, #tpu.memory_space<vmem>> -> memref<1x125xi32, #tpu.memory_space<vmem>>
      %dma_wait3A_416 = tpu.memref_squeeze %dma_wait3A_415 : memref<1x125xi32, #tpu.memory_space<vmem>> -> memref<125xi32, #tpu.memory_space<vmem>>
      %dma_wait3A_417 = arith.constant 0 : i32
      %dma_wait3A_418 = arith.constant 0 : i32
      %dma_wait3A_419 = tpu.memref_slice %arg2[%dma_wait3A_417, %dma_wait3A_418] : memref<10000x64xbf16, #tpu.memory_space<hbm>> -> memref<10000x64xbf16, #tpu.memory_space<hbm>>
      %dma_wait3A_420 = tpu.memref_slice %arg11[%dma_wait3A_409] : memref<8x!tpu.dma_semaphore, #tpu.memory_space<semaphore_mem>> -> memref<1x!tpu.dma_semaphore, #tpu.memory_space<semaphore_mem>>
      %dma_wait3A_421 = tpu.memref_squeeze %dma_wait3A_420 : memref<1x!tpu.dma_semaphore, #tpu.memory_space<semaphore_mem>> -> memref<!tpu.dma_semaphore, #tpu.memory_space<semaphore_mem>>
      tpu.wait_indirect_dma semaphore(%dma_wait3A_421 : memref<!tpu.dma_semaphore, #tpu.memory_space<semaphore_mem>>) src(%dma_wait3A_419 : memref<10000x64xbf16, #tpu.memory_space<hbm>>) dst(%dma_wait3A_413 : memref<125x64xbf16, #tpu.memory_space<vmem>>)
      %dma_start3A_422 = arith.constant 5 : i32
      %dma_start3A_423 = arith.constant 5 : i32
      %dma_start3A_424 = arith.constant 0 : i32
      %dma_start3A_425 = arith.constant 0 : i32
      %dma_start3A_426 = tpu.memref_slice %arg8[%dma_start3A_422, %dma_start3A_424, %dma_start3A_425] : memref<8x125x64xbf16, #tpu.memory_space<vmem>> -> memref<1x125x64xbf16, #tpu.memory_space<vmem>>
      %dma_start3A_427 = tpu.memref_squeeze %dma_start3A_426 : memref<1x125x64xbf16, #tpu.memory_space<vmem>> -> memref<125x64xbf16, #tpu.memory_space<vmem>>
      %dma_start3A_428 = arith.constant 0 : i32
      %dma_start3A_429 = tpu.memref_slice %arg7[%add3A_407, %dma_start3A_428] : memref<80x125xi32, #tpu.memory_space<vmem>> -> memref<1x125xi32, #tpu.memory_space<vmem>>
      %dma_start3A_430 = tpu.memref_squeeze %dma_start3A_429 : memref<1x125xi32, #tpu.memory_space<vmem>> -> memref<125xi32, #tpu.memory_space<vmem>>
      %dma_start3A_431 = arith.constant 0 : i32
      %dma_start3A_432 = arith.constant 0 : i32
      %dma_start3A_433 = tpu.memref_slice %arg10[%dma_start3A_431, %dma_start3A_432] : memref<10000x64xbf16, #tpu.memory_space<vmem_shared>> -> memref<10000x64xbf16, #tpu.memory_space<vmem_shared>>
      %dma_start3A_434 = tpu.memref_slice %arg12[%dma_start3A_423] : memref<8x!tpu.dma_semaphore, #tpu.memory_space<semaphore_mem>> -> memref<1x!tpu.dma_semaphore, #tpu.memory_space<semaphore_mem>>
      %dma_start3A_435 = tpu.memref_squeeze %dma_start3A_434 : memref<1x!tpu.dma_semaphore, #tpu.memory_space<semaphore_mem>> -> memref<!tpu.dma_semaphore, #tpu.memory_space<semaphore_mem>>
      tpu.enqueue_indirect_dma source(%dma_start3A_427 : memref<125x64xbf16, #tpu.memory_space<vmem>>) target(%dma_start3A_433 : memref<10000x64xbf16, #tpu.memory_space<vmem_shared>>) offsets(%dma_start3A_430 : memref<125xi32, #tpu.memory_space<vmem>>) semaphore(%dma_start3A_435 : memref<!tpu.dma_semaphore, #tpu.memory_space<semaphore_mem>>) {add = true}
      %add3A_436 = arith.constant 6 : i32
      %add3A_437 = arith.addi %add3A_407, %add3A_436 : i32
      %ge3A_438 = arith.constant 8 : i32
      %ge3A_439 = arith.cmpi sge, %add3A_437, %ge3A_438 : i32
      %convert_element_type3A_440 = arith.extui %ge3A_439 : i1 to i32
      %cond3A_441 = arith.constant 0 : i32
      %cond3A_442 = arith.cmpi ne, %convert_element_type3A_440, %cond3A_441 : i32
      scf.if %cond3A_442 {
        %sub3A = arith.constant 8 : i32
        %sub3A_537 = arith.subi %add3A_437, %sub3A : i32
        %dma_wait3A_538 = arith.constant 3 : i32
        %dma_wait3A_539 = arith.constant 3 : i32
        %dma_wait3A_540 = arith.constant 0 : i32
        %dma_wait3A_541 = arith.constant 0 : i32
        %dma_wait3A_542 = tpu.memref_slice %arg8[%dma_wait3A_538, %dma_wait3A_540, %dma_wait3A_541] : memref<8x125x64xbf16, #tpu.memory_space<vmem>> -> memref<1x125x64xbf16, #tpu.memory_space<vmem>>
        %dma_wait3A_543 = tpu.memref_squeeze %dma_wait3A_542 : memref<1x125x64xbf16, #tpu.memory_space<vmem>> -> memref<125x64xbf16, #tpu.memory_space<vmem>>
        %dma_wait3A_544 = arith.constant 0 : i32
        %dma_wait3A_545 = tpu.memref_slice %arg7[%sub3A_537, %dma_wait3A_544] : memref<80x125xi32, #tpu.memory_space<vmem>> -> memref<1x125xi32, #tpu.memory_space<vmem>>
        %dma_wait3A_546 = tpu.memref_squeeze %dma_wait3A_545 : memref<1x125xi32, #tpu.memory_space<vmem>> -> memref<125xi32, #tpu.memory_space<vmem>>
        %dma_wait3A_547 = arith.constant 0 : i32
        %dma_wait3A_548 = arith.constant 0 : i32
        %dma_wait3A_549 = tpu.memref_slice %arg10[%dma_wait3A_547, %dma_wait3A_548] : memref<10000x64xbf16, #tpu.memory_space<vmem_shared>> -> memref<10000x64xbf16, #tpu.memory_space<vmem_shared>>
        %dma_wait3A_550 = tpu.memref_slice %arg12[%dma_wait3A_539] : memref<8x!tpu.dma_semaphore, #tpu.memory_space<semaphore_mem>> -> memref<1x!tpu.dma_semaphore, #tpu.memory_space<semaphore_mem>>
        %dma_wait3A_551 = tpu.memref_squeeze %dma_wait3A_550 : memref<1x!tpu.dma_semaphore, #tpu.memory_space<semaphore_mem>> -> memref<!tpu.dma_semaphore, #tpu.memory_space<semaphore_mem>>
        tpu.wait_indirect_dma semaphore(%dma_wait3A_551 : memref<!tpu.dma_semaphore, #tpu.memory_space<semaphore_mem>>) src(%dma_wait3A_543 : memref<125x64xbf16, #tpu.memory_space<vmem>>) dst(%dma_wait3A_549 : memref<10000x64xbf16, #tpu.memory_space<vmem_shared>>)
      } else {
      }
      %lt3A_443 = arith.constant 80 : i32
      %lt3A_444 = arith.cmpi slt, %add3A_437, %lt3A_443 : i32
      %convert_element_type3A_445 = arith.extui %lt3A_444 : i1 to i32
      %cond3A_446 = arith.constant 0 : i32
      %cond3A_447 = arith.cmpi ne, %convert_element_type3A_445, %cond3A_446 : i32
      scf.if %cond3A_447 {
        %dma_start3A_537 = arith.constant 3 : i32
        %dma_start3A_538 = arith.constant 3 : i32
        %dma_start3A_539 = arith.constant 0 : i32
        %dma_start3A_540 = arith.constant 0 : i32
        %dma_start3A_541 = tpu.memref_slice %arg8[%dma_start3A_537, %dma_start3A_539, %dma_start3A_540] : memref<8x125x64xbf16, #tpu.memory_space<vmem>> -> memref<1x125x64xbf16, #tpu.memory_space<vmem>>
        %dma_start3A_542 = tpu.memref_squeeze %dma_start3A_541 : memref<1x125x64xbf16, #tpu.memory_space<vmem>> -> memref<125x64xbf16, #tpu.memory_space<vmem>>
        %dma_start3A_543 = arith.constant 0 : i32
        %dma_start3A_544 = tpu.memref_slice %arg6[%add3A_437, %dma_start3A_543] : memref<80x125xi32, #tpu.memory_space<vmem>> -> memref<1x125xi32, #tpu.memory_space<vmem>>
        %dma_start3A_545 = tpu.memref_squeeze %dma_start3A_544 : memref<1x125xi32, #tpu.memory_space<vmem>> -> memref<125xi32, #tpu.memory_space<vmem>>
        %dma_start3A_546 = arith.constant 0 : i32
        %dma_start3A_547 = arith.constant 0 : i32
        %dma_start3A_548 = tpu.memref_slice %arg2[%dma_start3A_546, %dma_start3A_547] : memref<10000x64xbf16, #tpu.memory_space<hbm>> -> memref<10000x64xbf16, #tpu.memory_space<hbm>>
        %dma_start3A_549 = tpu.memref_slice %arg11[%dma_start3A_538] : memref<8x!tpu.dma_semaphore, #tpu.memory_space<semaphore_mem>> -> memref<1x!tpu.dma_semaphore, #tpu.memory_space<semaphore_mem>>
        %dma_start3A_550 = tpu.memref_squeeze %dma_start3A_549 : memref<1x!tpu.dma_semaphore, #tpu.memory_space<semaphore_mem>> -> memref<!tpu.dma_semaphore, #tpu.memory_space<semaphore_mem>>
        tpu.enqueue_indirect_dma source(%dma_start3A_548 : memref<10000x64xbf16, #tpu.memory_space<hbm>>) target(%dma_start3A_542 : memref<125x64xbf16, #tpu.memory_space<vmem>>) offsets(%dma_start3A_545 : memref<125xi32, #tpu.memory_space<vmem>>) semaphore(%dma_start3A_550 : memref<!tpu.dma_semaphore, #tpu.memory_space<semaphore_mem>>)
      } else {
      }
      %mul3A_448 = arith.constant 8 : i32
      %mul3A_449 = arith.muli %scan3A_186, %mul3A_448 : i32
      %add3A_450 = arith.constant 6 : i32
      %add3A_451 = arith.addi %mul3A_449, %add3A_450 : i32
      %dma_wait3A_452 = arith.constant 6 : i32
      %dma_wait3A_453 = arith.constant 6 : i32
      %dma_wait3A_454 = arith.constant 0 : i32
      %dma_wait3A_455 = arith.constant 0 : i32
      %dma_wait3A_456 = tpu.memref_slice %arg8[%dma_wait3A_452, %dma_wait3A_454, %dma_wait3A_455] : memref<8x125x64xbf16, #tpu.memory_space<vmem>> -> memref<1x125x64xbf16, #tpu.memory_space<vmem>>
      %dma_wait3A_457 = tpu.memref_squeeze %dma_wait3A_456 : memref<1x125x64xbf16, #tpu.memory_space<vmem>> -> memref<125x64xbf16, #tpu.memory_space<vmem>>
      %dma_wait3A_458 = arith.constant 0 : i32
      %dma_wait3A_459 = tpu.memref_slice %arg6[%add3A_451, %dma_wait3A_458] : memref<80x125xi32, #tpu.memory_space<vmem>> -> memref<1x125xi32, #tpu.memory_space<vmem>>
      %dma_wait3A_460 = tpu.memref_squeeze %dma_wait3A_459 : memref<1x125xi32, #tpu.memory_space<vmem>> -> memref<125xi32, #tpu.memory_space<vmem>>
      %dma_wait3A_461 = arith.constant 0 : i32
      %dma_wait3A_462 = arith.constant 0 : i32
      %dma_wait3A_463 = tpu.memref_slice %arg2[%dma_wait3A_461, %dma_wait3A_462] : memref<10000x64xbf16, #tpu.memory_space<hbm>> -> memref<10000x64xbf16, #tpu.memory_space<hbm>>
      %dma_wait3A_464 = tpu.memref_slice %arg11[%dma_wait3A_453] : memref<8x!tpu.dma_semaphore, #tpu.memory_space<semaphore_mem>> -> memref<1x!tpu.dma_semaphore, #tpu.memory_space<semaphore_mem>>
      %dma_wait3A_465 = tpu.memref_squeeze %dma_wait3A_464 : memref<1x!tpu.dma_semaphore, #tpu.memory_space<semaphore_mem>> -> memref<!tpu.dma_semaphore, #tpu.memory_space<semaphore_mem>>
      tpu.wait_indirect_dma semaphore(%dma_wait3A_465 : memref<!tpu.dma_semaphore, #tpu.memory_space<semaphore_mem>>) src(%dma_wait3A_463 : memref<10000x64xbf16, #tpu.memory_space<hbm>>) dst(%dma_wait3A_457 : memref<125x64xbf16, #tpu.memory_space<vmem>>)
      %dma_start3A_466 = arith.constant 6 : i32
      %dma_start3A_467 = arith.constant 6 : i32
      %dma_start3A_468 = arith.constant 0 : i32
      %dma_start3A_469 = arith.constant 0 : i32
      %dma_start3A_470 = tpu.memref_slice %arg8[%dma_start3A_466, %dma_start3A_468, %dma_start3A_469] : memref<8x125x64xbf16, #tpu.memory_space<vmem>> -> memref<1x125x64xbf16, #tpu.memory_space<vmem>>
      %dma_start3A_471 = tpu.memref_squeeze %dma_start3A_470 : memref<1x125x64xbf16, #tpu.memory_space<vmem>> -> memref<125x64xbf16, #tpu.memory_space<vmem>>
      %dma_start3A_472 = arith.constant 0 : i32
      %dma_start3A_473 = tpu.memref_slice %arg7[%add3A_451, %dma_start3A_472] : memref<80x125xi32, #tpu.memory_space<vmem>> -> memref<1x125xi32, #tpu.memory_space<vmem>>
      %dma_start3A_474 = tpu.memref_squeeze %dma_start3A_473 : memref<1x125xi32, #tpu.memory_space<vmem>> -> memref<125xi32, #tpu.memory_space<vmem>>
      %dma_start3A_475 = arith.constant 0 : i32
      %dma_start3A_476 = arith.constant 0 : i32
      %dma_start3A_477 = tpu.memref_slice %arg10[%dma_start3A_475, %dma_start3A_476] : memref<10000x64xbf16, #tpu.memory_space<vmem_shared>> -> memref<10000x64xbf16, #tpu.memory_space<vmem_shared>>
      %dma_start3A_478 = tpu.memref_slice %arg12[%dma_start3A_467] : memref<8x!tpu.dma_semaphore, #tpu.memory_space<semaphore_mem>> -> memref<1x!tpu.dma_semaphore, #tpu.memory_space<semaphore_mem>>
      %dma_start3A_479 = tpu.memref_squeeze %dma_start3A_478 : memref<1x!tpu.dma_semaphore, #tpu.memory_space<semaphore_mem>> -> memref<!tpu.dma_semaphore, #tpu.memory_space<semaphore_mem>>
      tpu.enqueue_indirect_dma source(%dma_start3A_471 : memref<125x64xbf16, #tpu.memory_space<vmem>>) target(%dma_start3A_477 : memref<10000x64xbf16, #tpu.memory_space<vmem_shared>>) offsets(%dma_start3A_474 : memref<125xi32, #tpu.memory_space<vmem>>) semaphore(%dma_start3A_479 : memref<!tpu.dma_semaphore, #tpu.memory_space<semaphore_mem>>) {add = true}
      %add3A_480 = arith.constant 6 : i32
      %add3A_481 = arith.addi %add3A_451, %add3A_480 : i32
      %ge3A_482 = arith.constant 8 : i32
      %ge3A_483 = arith.cmpi sge, %add3A_481, %ge3A_482 : i32
      %convert_element_type3A_484 = arith.extui %ge3A_483 : i1 to i32
      %cond3A_485 = arith.constant 0 : i32
      %cond3A_486 = arith.cmpi ne, %convert_element_type3A_484, %cond3A_485 : i32
      scf.if %cond3A_486 {
        %sub3A = arith.constant 8 : i32
        %sub3A_537 = arith.subi %add3A_481, %sub3A : i32
        %dma_wait3A_538 = arith.constant 4 : i32
        %dma_wait3A_539 = arith.constant 4 : i32
        %dma_wait3A_540 = arith.constant 0 : i32
        %dma_wait3A_541 = arith.constant 0 : i32
        %dma_wait3A_542 = tpu.memref_slice %arg8[%dma_wait3A_538, %dma_wait3A_540, %dma_wait3A_541] : memref<8x125x64xbf16, #tpu.memory_space<vmem>> -> memref<1x125x64xbf16, #tpu.memory_space<vmem>>
        %dma_wait3A_543 = tpu.memref_squeeze %dma_wait3A_542 : memref<1x125x64xbf16, #tpu.memory_space<vmem>> -> memref<125x64xbf16, #tpu.memory_space<vmem>>
        %dma_wait3A_544 = arith.constant 0 : i32
        %dma_wait3A_545 = tpu.memref_slice %arg7[%sub3A_537, %dma_wait3A_544] : memref<80x125xi32, #tpu.memory_space<vmem>> -> memref<1x125xi32, #tpu.memory_space<vmem>>
        %dma_wait3A_546 = tpu.memref_squeeze %dma_wait3A_545 : memref<1x125xi32, #tpu.memory_space<vmem>> -> memref<125xi32, #tpu.memory_space<vmem>>
        %dma_wait3A_547 = arith.constant 0 : i32
        %dma_wait3A_548 = arith.constant 0 : i32
        %dma_wait3A_549 = tpu.memref_slice %arg10[%dma_wait3A_547, %dma_wait3A_548] : memref<10000x64xbf16, #tpu.memory_space<vmem_shared>> -> memref<10000x64xbf16, #tpu.memory_space<vmem_shared>>
        %dma_wait3A_550 = tpu.memref_slice %arg12[%dma_wait3A_539] : memref<8x!tpu.dma_semaphore, #tpu.memory_space<semaphore_mem>> -> memref<1x!tpu.dma_semaphore, #tpu.memory_space<semaphore_mem>>
        %dma_wait3A_551 = tpu.memref_squeeze %dma_wait3A_550 : memref<1x!tpu.dma_semaphore, #tpu.memory_space<semaphore_mem>> -> memref<!tpu.dma_semaphore, #tpu.memory_space<semaphore_mem>>
        tpu.wait_indirect_dma semaphore(%dma_wait3A_551 : memref<!tpu.dma_semaphore, #tpu.memory_space<semaphore_mem>>) src(%dma_wait3A_543 : memref<125x64xbf16, #tpu.memory_space<vmem>>) dst(%dma_wait3A_549 : memref<10000x64xbf16, #tpu.memory_space<vmem_shared>>)
      } else {
      }
      %lt3A_487 = arith.constant 80 : i32
      %lt3A_488 = arith.cmpi slt, %add3A_481, %lt3A_487 : i32
      %convert_element_type3A_489 = arith.extui %lt3A_488 : i1 to i32
      %cond3A_490 = arith.constant 0 : i32
      %cond3A_491 = arith.cmpi ne, %convert_element_type3A_489, %cond3A_490 : i32
      scf.if %cond3A_491 {
        %dma_start3A_537 = arith.constant 4 : i32
        %dma_start3A_538 = arith.constant 4 : i32
        %dma_start3A_539 = arith.constant 0 : i32
        %dma_start3A_540 = arith.constant 0 : i32
        %dma_start3A_541 = tpu.memref_slice %arg8[%dma_start3A_537, %dma_start3A_539, %dma_start3A_540] : memref<8x125x64xbf16, #tpu.memory_space<vmem>> -> memref<1x125x64xbf16, #tpu.memory_space<vmem>>
        %dma_start3A_542 = tpu.memref_squeeze %dma_start3A_541 : memref<1x125x64xbf16, #tpu.memory_space<vmem>> -> memref<125x64xbf16, #tpu.memory_space<vmem>>
        %dma_start3A_543 = arith.constant 0 : i32
        %dma_start3A_544 = tpu.memref_slice %arg6[%add3A_481, %dma_start3A_543] : memref<80x125xi32, #tpu.memory_space<vmem>> -> memref<1x125xi32, #tpu.memory_space<vmem>>
        %dma_start3A_545 = tpu.memref_squeeze %dma_start3A_544 : memref<1x125xi32, #tpu.memory_space<vmem>> -> memref<125xi32, #tpu.memory_space<vmem>>
        %dma_start3A_546 = arith.constant 0 : i32
        %dma_start3A_547 = arith.constant 0 : i32
        %dma_start3A_548 = tpu.memref_slice %arg2[%dma_start3A_546, %dma_start3A_547] : memref<10000x64xbf16, #tpu.memory_space<hbm>> -> memref<10000x64xbf16, #tpu.memory_space<hbm>>
        %dma_start3A_549 = tpu.memref_slice %arg11[%dma_start3A_538] : memref<8x!tpu.dma_semaphore, #tpu.memory_space<semaphore_mem>> -> memref<1x!tpu.dma_semaphore, #tpu.memory_space<semaphore_mem>>
        %dma_start3A_550 = tpu.memref_squeeze %dma_start3A_549 : memref<1x!tpu.dma_semaphore, #tpu.memory_space<semaphore_mem>> -> memref<!tpu.dma_semaphore, #tpu.memory_space<semaphore_mem>>
        tpu.enqueue_indirect_dma source(%dma_start3A_548 : memref<10000x64xbf16, #tpu.memory_space<hbm>>) target(%dma_start3A_542 : memref<125x64xbf16, #tpu.memory_space<vmem>>) offsets(%dma_start3A_545 : memref<125xi32, #tpu.memory_space<vmem>>) semaphore(%dma_start3A_550 : memref<!tpu.dma_semaphore, #tpu.memory_space<semaphore_mem>>)
      } else {
      }
      %mul3A_492 = arith.constant 8 : i32
      %mul3A_493 = arith.muli %scan3A_186, %mul3A_492 : i32
      %add3A_494 = arith.constant 7 : i32
      %add3A_495 = arith.addi %mul3A_493, %add3A_494 : i32
      %dma_wait3A_496 = arith.constant 7 : i32
      %dma_wait3A_497 = arith.constant 7 : i32
      %dma_wait3A_498 = arith.constant 0 : i32
      %dma_wait3A_499 = arith.constant 0 : i32
      %dma_wait3A_500 = tpu.memref_slice %arg8[%dma_wait3A_496, %dma_wait3A_498, %dma_wait3A_499] : memref<8x125x64xbf16, #tpu.memory_space<vmem>> -> memref<1x125x64xbf16, #tpu.memory_space<vmem>>
      %dma_wait3A_501 = tpu.memref_squeeze %dma_wait3A_500 : memref<1x125x64xbf16, #tpu.memory_space<vmem>> -> memref<125x64xbf16, #tpu.memory_space<vmem>>
      %dma_wait3A_502 = arith.constant 0 : i32
      %dma_wait3A_503 = tpu.memref_slice %arg6[%add3A_495, %dma_wait3A_502] : memref<80x125xi32, #tpu.memory_space<vmem>> -> memref<1x125xi32, #tpu.memory_space<vmem>>
      %dma_wait3A_504 = tpu.memref_squeeze %dma_wait3A_503 : memref<1x125xi32, #tpu.memory_space<vmem>> -> memref<125xi32, #tpu.memory_space<vmem>>
      %dma_wait3A_505 = arith.constant 0 : i32
      %dma_wait3A_506 = arith.constant 0 : i32
      %dma_wait3A_507 = tpu.memref_slice %arg2[%dma_wait3A_505, %dma_wait3A_506] : memref<10000x64xbf16, #tpu.memory_space<hbm>> -> memref<10000x64xbf16, #tpu.memory_space<hbm>>
      %dma_wait3A_508 = tpu.memref_slice %arg11[%dma_wait3A_497] : memref<8x!tpu.dma_semaphore, #tpu.memory_space<semaphore_mem>> -> memref<1x!tpu.dma_semaphore, #tpu.memory_space<semaphore_mem>>
      %dma_wait3A_509 = tpu.memref_squeeze %dma_wait3A_508 : memref<1x!tpu.dma_semaphore, #tpu.memory_space<semaphore_mem>> -> memref<!tpu.dma_semaphore, #tpu.memory_space<semaphore_mem>>
      tpu.wait_indirect_dma semaphore(%dma_wait3A_509 : memref<!tpu.dma_semaphore, #tpu.memory_space<semaphore_mem>>) src(%dma_wait3A_507 : memref<10000x64xbf16, #tpu.memory_space<hbm>>) dst(%dma_wait3A_501 : memref<125x64xbf16, #tpu.memory_space<vmem>>)
      %dma_start3A_510 = arith.constant 7 : i32
      %dma_start3A_511 = arith.constant 7 : i32
      %dma_start3A_512 = arith.constant 0 : i32
      %dma_start3A_513 = arith.constant 0 : i32
      %dma_start3A_514 = tpu.memref_slice %arg8[%dma_start3A_510, %dma_start3A_512, %dma_start3A_513] : memref<8x125x64xbf16, #tpu.memory_space<vmem>> -> memref<1x125x64xbf16, #tpu.memory_space<vmem>>
      %dma_start3A_515 = tpu.memref_squeeze %dma_start3A_514 : memref<1x125x64xbf16, #tpu.memory_space<vmem>> -> memref<125x64xbf16, #tpu.memory_space<vmem>>
      %dma_start3A_516 = arith.constant 0 : i32
      %dma_start3A_517 = tpu.memref_slice %arg7[%add3A_495, %dma_start3A_516] : memref<80x125xi32, #tpu.memory_space<vmem>> -> memref<1x125xi32, #tpu.memory_space<vmem>>
      %dma_start3A_518 = tpu.memref_squeeze %dma_start3A_517 : memref<1x125xi32, #tpu.memory_space<vmem>> -> memref<125xi32, #tpu.memory_space<vmem>>
      %dma_start3A_519 = arith.constant 0 : i32
      %dma_start3A_520 = arith.constant 0 : i32
      %dma_start3A_521 = tpu.memref_slice %arg10[%dma_start3A_519, %dma_start3A_520] : memref<10000x64xbf16, #tpu.memory_space<vmem_shared>> -> memref<10000x64xbf16, #tpu.memory_space<vmem_shared>>
      %dma_start3A_522 = tpu.memref_slice %arg12[%dma_start3A_511] : memref<8x!tpu.dma_semaphore, #tpu.memory_space<semaphore_mem>> -> memref<1x!tpu.dma_semaphore, #tpu.memory_space<semaphore_mem>>
      %dma_start3A_523 = tpu.memref_squeeze %dma_start3A_522 : memref<1x!tpu.dma_semaphore, #tpu.memory_space<semaphore_mem>> -> memref<!tpu.dma_semaphore, #tpu.memory_space<semaphore_mem>>
      tpu.enqueue_indirect_dma source(%dma_start3A_515 : memref<125x64xbf16, #tpu.memory_space<vmem>>) target(%dma_start3A_521 : memref<10000x64xbf16, #tpu.memory_space<vmem_shared>>) offsets(%dma_start3A_518 : memref<125xi32, #tpu.memory_space<vmem>>) semaphore(%dma_start3A_523 : memref<!tpu.dma_semaphore, #tpu.memory_space<semaphore_mem>>) {add = true}
      %add3A_524 = arith.constant 6 : i32
      %add3A_525 = arith.addi %add3A_495, %add3A_524 : i32
      %ge3A_526 = arith.constant 8 : i32
      %ge3A_527 = arith.cmpi sge, %add3A_525, %ge3A_526 : i32
      %convert_element_type3A_528 = arith.extui %ge3A_527 : i1 to i32
      %cond3A_529 = arith.constant 0 : i32
      %cond3A_530 = arith.cmpi ne, %convert_element_type3A_528, %cond3A_529 : i32
      scf.if %cond3A_530 {
        %sub3A = arith.constant 8 : i32
        %sub3A_537 = arith.subi %add3A_525, %sub3A : i32
        %dma_wait3A_538 = arith.constant 5 : i32
        %dma_wait3A_539 = arith.constant 5 : i32
        %dma_wait3A_540 = arith.constant 0 : i32
        %dma_wait3A_541 = arith.constant 0 : i32
        %dma_wait3A_542 = tpu.memref_slice %arg8[%dma_wait3A_538, %dma_wait3A_540, %dma_wait3A_541] : memref<8x125x64xbf16, #tpu.memory_space<vmem>> -> memref<1x125x64xbf16, #tpu.memory_space<vmem>>
        %dma_wait3A_543 = tpu.memref_squeeze %dma_wait3A_542 : memref<1x125x64xbf16, #tpu.memory_space<vmem>> -> memref<125x64xbf16, #tpu.memory_space<vmem>>
        %dma_wait3A_544 = arith.constant 0 : i32
        %dma_wait3A_545 = tpu.memref_slice %arg7[%sub3A_537, %dma_wait3A_544] : memref<80x125xi32, #tpu.memory_space<vmem>> -> memref<1x125xi32, #tpu.memory_space<vmem>>
        %dma_wait3A_546 = tpu.memref_squeeze %dma_wait3A_545 : memref<1x125xi32, #tpu.memory_space<vmem>> -> memref<125xi32, #tpu.memory_space<vmem>>
        %dma_wait3A_547 = arith.constant 0 : i32
        %dma_wait3A_548 = arith.constant 0 : i32
        %dma_wait3A_549 = tpu.memref_slice %arg10[%dma_wait3A_547, %dma_wait3A_548] : memref<10000x64xbf16, #tpu.memory_space<vmem_shared>> -> memref<10000x64xbf16, #tpu.memory_space<vmem_shared>>
        %dma_wait3A_550 = tpu.memref_slice %arg12[%dma_wait3A_539] : memref<8x!tpu.dma_semaphore, #tpu.memory_space<semaphore_mem>> -> memref<1x!tpu.dma_semaphore, #tpu.memory_space<semaphore_mem>>
        %dma_wait3A_551 = tpu.memref_squeeze %dma_wait3A_550 : memref<1x!tpu.dma_semaphore, #tpu.memory_space<semaphore_mem>> -> memref<!tpu.dma_semaphore, #tpu.memory_space<semaphore_mem>>
        tpu.wait_indirect_dma semaphore(%dma_wait3A_551 : memref<!tpu.dma_semaphore, #tpu.memory_space<semaphore_mem>>) src(%dma_wait3A_543 : memref<125x64xbf16, #tpu.memory_space<vmem>>) dst(%dma_wait3A_549 : memref<10000x64xbf16, #tpu.memory_space<vmem_shared>>)
      } else {
      }
      %lt3A_531 = arith.constant 80 : i32
      %lt3A_532 = arith.cmpi slt, %add3A_525, %lt3A_531 : i32
      %convert_element_type3A_533 = arith.extui %lt3A_532 : i1 to i32
      %cond3A_534 = arith.constant 0 : i32
      %cond3A_535 = arith.cmpi ne, %convert_element_type3A_533, %cond3A_534 : i32
      scf.if %cond3A_535 {
        %dma_start3A_537 = arith.constant 5 : i32
        %dma_start3A_538 = arith.constant 5 : i32
        %dma_start3A_539 = arith.constant 0 : i32
        %dma_start3A_540 = arith.constant 0 : i32
        %dma_start3A_541 = tpu.memref_slice %arg8[%dma_start3A_537, %dma_start3A_539, %dma_start3A_540] : memref<8x125x64xbf16, #tpu.memory_space<vmem>> -> memref<1x125x64xbf16, #tpu.memory_space<vmem>>
        %dma_start3A_542 = tpu.memref_squeeze %dma_start3A_541 : memref<1x125x64xbf16, #tpu.memory_space<vmem>> -> memref<125x64xbf16, #tpu.memory_space<vmem>>
        %dma_start3A_543 = arith.constant 0 : i32
        %dma_start3A_544 = tpu.memref_slice %arg6[%add3A_525, %dma_start3A_543] : memref<80x125xi32, #tpu.memory_space<vmem>> -> memref<1x125xi32, #tpu.memory_space<vmem>>
        %dma_start3A_545 = tpu.memref_squeeze %dma_start3A_544 : memref<1x125xi32, #tpu.memory_space<vmem>> -> memref<125xi32, #tpu.memory_space<vmem>>
        %dma_start3A_546 = arith.constant 0 : i32
        %dma_start3A_547 = arith.constant 0 : i32
        %dma_start3A_548 = tpu.memref_slice %arg2[%dma_start3A_546, %dma_start3A_547] : memref<10000x64xbf16, #tpu.memory_space<hbm>> -> memref<10000x64xbf16, #tpu.memory_space<hbm>>
        %dma_start3A_549 = tpu.memref_slice %arg11[%dma_start3A_538] : memref<8x!tpu.dma_semaphore, #tpu.memory_space<semaphore_mem>> -> memref<1x!tpu.dma_semaphore, #tpu.memory_space<semaphore_mem>>
        %dma_start3A_550 = tpu.memref_squeeze %dma_start3A_549 : memref<1x!tpu.dma_semaphore, #tpu.memory_space<semaphore_mem>> -> memref<!tpu.dma_semaphore, #tpu.memory_space<semaphore_mem>>
        tpu.enqueue_indirect_dma source(%dma_start3A_548 : memref<10000x64xbf16, #tpu.memory_space<hbm>>) target(%dma_start3A_542 : memref<125x64xbf16, #tpu.memory_space<vmem>>) offsets(%dma_start3A_545 : memref<125xi32, #tpu.memory_space<vmem>>) semaphore(%dma_start3A_550 : memref<!tpu.dma_semaphore, #tpu.memory_space<semaphore_mem>>)
      } else {
      }
      %scan3A_536 = arith.constant 0 : i32
      scf.yield %scan3A_536 : i32
    }
    %scan3A_152 = arith.constant 10 : i32
    %dma_wait3A_153 = arith.constant 6 : i32
    %dma_wait3A_154 = arith.constant 78 : i32
    %dma_wait3A_155 = arith.constant 6 : i32
    %dma_wait3A_156 = arith.constant 0 : i32
    %dma_wait3A_157 = arith.constant 0 : i32
    %dma_wait3A_158 = tpu.memref_slice %arg8[%dma_wait3A_153, %dma_wait3A_156, %dma_wait3A_157] : memref<8x125x64xbf16, #tpu.memory_space<vmem>> -> memref<1x125x64xbf16, #tpu.memory_space<vmem>>
    %dma_wait3A_159 = tpu.memref_squeeze %dma_wait3A_158 : memref<1x125x64xbf16, #tpu.memory_space<vmem>> -> memref<125x64xbf16, #tpu.memory_space<vmem>>
    %dma_wait3A_160 = arith.constant 0 : i32
    %dma_wait3A_161 = tpu.memref_slice %arg7[%dma_wait3A_154, %dma_wait3A_160] : memref<80x125xi32, #tpu.memory_space<vmem>> -> memref<1x125xi32, #tpu.memory_space<vmem>>
    %dma_wait3A_162 = tpu.memref_squeeze %dma_wait3A_161 : memref<1x125xi32, #tpu.memory_space<vmem>> -> memref<125xi32, #tpu.memory_space<vmem>>
    %dma_wait3A_163 = arith.constant 0 : i32
    %dma_wait3A_164 = arith.constant 0 : i32
    %dma_wait3A_165 = tpu.memref_slice %arg10[%dma_wait3A_163, %dma_wait3A_164] : memref<10000x64xbf16, #tpu.memory_space<vmem_shared>> -> memref<10000x64xbf16, #tpu.memory_space<vmem_shared>>
    %dma_wait3A_166 = tpu.memref_slice %arg12[%dma_wait3A_155] : memref<8x!tpu.dma_semaphore, #tpu.memory_space<semaphore_mem>> -> memref<1x!tpu.dma_semaphore, #tpu.memory_space<semaphore_mem>>
    %dma_wait3A_167 = tpu.memref_squeeze %dma_wait3A_166 : memref<1x!tpu.dma_semaphore, #tpu.memory_space<semaphore_mem>> -> memref<!tpu.dma_semaphore, #tpu.memory_space<semaphore_mem>>
    tpu.wait_indirect_dma semaphore(%dma_wait3A_167 : memref<!tpu.dma_semaphore, #tpu.memory_space<semaphore_mem>>) src(%dma_wait3A_159 : memref<125x64xbf16, #tpu.memory_space<vmem>>) dst(%dma_wait3A_165 : memref<10000x64xbf16, #tpu.memory_space<vmem_shared>>)
    %dma_wait3A_168 = arith.constant 7 : i32
    %dma_wait3A_169 = arith.constant 79 : i32
    %dma_wait3A_170 = arith.constant 7 : i32
    %dma_wait3A_171 = arith.constant 0 : i32
    %dma_wait3A_172 = arith.constant 0 : i32
    %dma_wait3A_173 = tpu.memref_slice %arg8[%dma_wait3A_168, %dma_wait3A_171, %dma_wait3A_172] : memref<8x125x64xbf16, #tpu.memory_space<vmem>> -> memref<1x125x64xbf16, #tpu.memory_space<vmem>>
    %dma_wait3A_174 = tpu.memref_squeeze %dma_wait3A_173 : memref<1x125x64xbf16, #tpu.memory_space<vmem>> -> memref<125x64xbf16, #tpu.memory_space<vmem>>
    %dma_wait3A_175 = arith.constant 0 : i32
    %dma_wait3A_176 = tpu.memref_slice %arg7[%dma_wait3A_169, %dma_wait3A_175] : memref<80x125xi32, #tpu.memory_space<vmem>> -> memref<1x125xi32, #tpu.memory_space<vmem>>
    %dma_wait3A_177 = tpu.memref_squeeze %dma_wait3A_176 : memref<1x125xi32, #tpu.memory_space<vmem>> -> memref<125xi32, #tpu.memory_space<vmem>>
    %dma_wait3A_178 = arith.constant 0 : i32
    %dma_wait3A_179 = arith.constant 0 : i32
    %dma_wait3A_180 = tpu.memref_slice %arg10[%dma_wait3A_178, %dma_wait3A_179] : memref<10000x64xbf16, #tpu.memory_space<vmem_shared>> -> memref<10000x64xbf16, #tpu.memory_space<vmem_shared>>
    %dma_wait3A_181 = tpu.memref_slice %arg12[%dma_wait3A_170] : memref<8x!tpu.dma_semaphore, #tpu.memory_space<semaphore_mem>> -> memref<1x!tpu.dma_semaphore, #tpu.memory_space<semaphore_mem>>
    %dma_wait3A_182 = tpu.memref_squeeze %dma_wait3A_181 : memref<1x!tpu.dma_semaphore, #tpu.memory_space<semaphore_mem>> -> memref<!tpu.dma_semaphore, #tpu.memory_space<semaphore_mem>>
    tpu.wait_indirect_dma semaphore(%dma_wait3A_182 : memref<!tpu.dma_semaphore, #tpu.memory_space<semaphore_mem>>) src(%dma_wait3A_174 : memref<125x64xbf16, #tpu.memory_space<vmem>>) dst(%dma_wait3A_180 : memref<10000x64xbf16, #tpu.memory_space<vmem_shared>>)
    %barrier3A_183 = arith.constant 0 : index
    tpu.barrier barrier_id(%barrier3A_183)
    %mul3A_184 = arith.constant 625 : i32
    %mul3A_185 = arith.muli %arg1, %mul3A_184 : i32
    "tpu.region"() ({
      %run_scoped3A = tpu.sem_alloc : memref<!tpu.dma_semaphore, #tpu.memory_space<semaphore_mem>>
      %dma_start3A_186 = arith.constant 0 : i32
      %dma_start3A_187 = arith.constant 0 : i32
      %dma_start3A_188 = tpu.memref_slice %arg5[%arg0, %arg1, %dma_start3A_186, %dma_start3A_187] : memref<2x16x625x64xbf16, #tpu.memory_space<hbm>> -> memref<1x1x625x64xbf16, #tpu.memory_space<hbm>>
      %dma_start3A_189 = tpu.memref_squeeze %dma_start3A_188 : memref<1x1x625x64xbf16, #tpu.memory_space<hbm>> -> memref<625x64xbf16, #tpu.memory_space<hbm>>
      %dma_start3A_190 = arith.constant 0 : i32
      %dma_start3A_191 = tpu.memref_slice %arg10[%mul3A_185, %dma_start3A_190] : memref<10000x64xbf16, #tpu.memory_space<vmem_shared>> -> memref<625x64xbf16, #tpu.memory_space<vmem_shared>>
      tpu.enqueue_dma source(%dma_start3A_191 : memref<625x64xbf16, #tpu.memory_space<vmem_shared>>) target(%dma_start3A_189 : memref<625x64xbf16, #tpu.memory_space<hbm>>) target_semaphore(%run_scoped3A : memref<!tpu.dma_semaphore, #tpu.memory_space<semaphore_mem>>)
      %dma_wait3A_192 = arith.constant 0 : i32
      %dma_wait3A_193 = arith.constant 0 : i32
      %dma_wait3A_194 = tpu.memref_slice %arg5[%arg0, %arg1, %dma_wait3A_192, %dma_wait3A_193] : memref<2x16x625x64xbf16, #tpu.memory_space<hbm>> -> memref<1x1x625x64xbf16, #tpu.memory_space<hbm>>
      %dma_wait3A_195 = tpu.memref_squeeze %dma_wait3A_194 : memref<1x1x625x64xbf16, #tpu.memory_space<hbm>> -> memref<625x64xbf16, #tpu.memory_space<hbm>>
      %dma_wait3A_196 = arith.constant 0 : i32
      %dma_wait3A_197 = tpu.memref_slice %arg10[%mul3A_185, %dma_wait3A_196] : memref<10000x64xbf16, #tpu.memory_space<vmem_shared>> -> memref<625x64xbf16, #tpu.memory_space<vmem_shared>>
      tpu.wait_dma2 semaphore(%run_scoped3A : memref<!tpu.dma_semaphore, #tpu.memory_space<semaphore_mem>>) src(%dma_wait3A_197 : memref<625x64xbf16, #tpu.memory_space<vmem_shared>>) dst(%dma_wait3A_195 : memref<625x64xbf16, #tpu.memory_space<hbm>>)
      tpu.yield
    }) : () -> ()
    return
  }
}

module attributes {stable_mosaic.version = 14 : i64} {
  func.func @body(%arg0: i32, %arg1: memref<1000x128xf32, #tpu.memory_space<vmem>>, %arg2: memref<128x64xf32, #tpu.memory_space<vmem>>, %arg3: memref<2x1000x1xf32, #tpu.memory_space<vmem>>, %arg4: memref<1000x64xbf16, #tpu.memory_space<vmem>>, %arg5: memref<1000x1xf32, #tpu.memory_space<vmem>>) attributes {dimension_semantics = [#tpu.dimension_semantics<arbitrary>], iteration_bounds = array<i64: 10>, scalar_prefetch = 0 : i64, scratch_operands = 0 : i64, tpu.core_type = #tpu.core_type<tc>, window_params = [{transform_indices = @transform_0, window_bounds = array<i64: 1000, 128>}, {pipeline_mode = #tpu.pipeline_mode<synchronous>, transform_indices = @transform_1, window_bounds = array<i64: 128, 64>}, {transform_indices = @transform_2, window_bounds = array<i64: 2, 1000, 1>}, {transform_indices = @transform_3, window_bounds = array<i64: 1000, 64>}, {transform_indices = @transform_4, window_bounds = array<i64: 1000, 1>}]} {
    %get3A = arith.constant 0 : index
    %get3A_0 = arith.constant 0 : index
    %get3A_1 = arith.constant 0 : index
    %get3A_2 = vector.load %arg3[%get3A, %get3A_0, %get3A_1] : memref<2x1000x1xf32, #tpu.memory_space<vmem>>, vector<1x1000x1xf32>
    %get3A_3 = vector.shape_cast %get3A_2 : vector<1x1000x1xf32> to vector<1000x1xf32>
    %add3A = arith.constant 1.000000e+00 : f32
    %add3A_4 = vector.broadcast %add3A : f32 to vector<1000x1xf32>
    %add3A_5 = arith.addf %add3A_4, %get3A_3 : vector<1000x1xf32>
    %get3A_6 = arith.constant 1 : index
    %get3A_7 = arith.constant 0 : index
    %get3A_8 = arith.constant 0 : index
    %get3A_9 = vector.load %arg3[%get3A_6, %get3A_7, %get3A_8] : memref<2x1000x1xf32, #tpu.memory_space<vmem>>, vector<1x1000x1xf32>
    %get3A_10 = vector.shape_cast %get3A_9 : vector<1x1000x1xf32> to vector<1000x1xf32>
    %add3A_11 = arith.addf %add3A_5, %get3A_10 : vector<1000x1xf32>
    %rsqrt3A = math.rsqrt %add3A_11 : vector<1000x1xf32>
    %get3A_12 = arith.constant 0 : index
    %get3A_13 = arith.constant 0 : index
    %get3A_14 = vector.load %arg1[%get3A_12, %get3A_13] : memref<1000x128xf32, #tpu.memory_space<vmem>>, vector<1000x128xf32>
    %get3A_15 = arith.constant 0 : index
    %get3A_16 = arith.constant 0 : index
    %get3A_17 = vector.load %arg2[%get3A_15, %get3A_16] : memref<128x64xf32, #tpu.memory_space<vmem>>, vector<128x64xf32>
    %dot_general3A = arith.constant dense<0.000000e+00> : vector<1000x64xf32>
    %dot_general3A_18 = tpu.matmul %get3A_14, %get3A_17, %dot_general3A {dimension_numbers = #tpu.dot_dimension_numbers<[1], [0], [0], [1], [0, 0, 1, 1], [], []>, transpose_lhs_hint = false} : vector<1000x128xf32>, vector<128x64xf32>, vector<1000x64xf32> -> vector<1000x64xf32>
    %mul3A = vector.broadcast %rsqrt3A : vector<1000x1xf32> to vector<1000x64xf32>
    %mul3A_19 = arith.mulf %dot_general3A_18, %mul3A : vector<1000x64xf32>
    %convert_element_type3A = arith.truncf %mul3A_19 : vector<1000x64xf32> to vector<1000x64xbf16>
    %swap3A = arith.constant 0 : index
    %swap3A_20 = arith.constant 0 : index
    %swap3A_21 = vector.load %arg4[%swap3A, %swap3A_20] : memref<1000x64xbf16, #tpu.memory_space<vmem>>, vector<1000x64xbf16>
    tpu.vector_store %arg4[%swap3A, %swap3A_20], %convert_element_type3A {strides = array<i32>} : memref<1000x64xbf16, #tpu.memory_space<vmem>>, vector<1000x64xbf16>,
    %swap3A_22 = arith.constant 0 : index
    %swap3A_23 = arith.constant 0 : index
    %swap3A_24 = vector.load %arg5[%swap3A_22, %swap3A_23] : memref<1000x1xf32, #tpu.memory_space<vmem>>, vector<1000x1xf32>
    tpu.vector_store %arg5[%swap3A_22, %swap3A_23], %rsqrt3A {strides = array<i32>} : memref<1000x1xf32, #tpu.memory_space<vmem>>, vector<1000x1xf32>,
    return
  }
  func.func @transform_0(%arg0: i32) -> (i32, i32) {
    %c0_i32 = arith.constant 0 : i32
    %c0_i32_0 = arith.constant 0 : i32
    return %arg0, %c0_i32 : i32, i32
  }
  func.func @transform_1(%arg0: i32) -> (i32, i32) {
    %c0_i32 = arith.constant 0 : i32
    %c0_i32_0 = arith.constant 0 : i32
    %c0_i32_1 = arith.constant 0 : i32
    return %c0_i32, %c0_i32_0 : i32, i32
  }
  func.func @transform_2(%arg0: i32) -> (i32, i32, i32) {
    %c0_i32 = arith.constant 0 : i32
    %c0_i32_0 = arith.constant 0 : i32
    %c0_i32_1 = arith.constant 0 : i32
    return %c0_i32, %arg0, %c0_i32_0 : i32, i32, i32
  }
  func.func @transform_3(%arg0: i32) -> (i32, i32) {
    %c0_i32 = arith.constant 0 : i32
    %c0_i32_0 = arith.constant 0 : i32
    return %arg0, %c0_i32 : i32, i32
  }
  func.func @transform_4(%arg0: i32) -> (i32, i32) {
    %c0_i32 = arith.constant 0 : i32
    %c0_i32_0 = arith.constant 0 : i32
    return %arg0, %c0_i32 : i32, i32
  }
}

module attributes {stable_mosaic.version = 14 : i64} {
  func.func @body(%arg0: i32, %arg1: memref<2x1000x64xbf16, #tpu.memory_space<vmem>>, %arg2: memref<1000x64xbf16, #tpu.memory_space<vmem>>, %arg3: memref<1000x1xf32, #tpu.memory_space<vmem>>, %arg4: memref<1x64xf32, #tpu.memory_space<vmem>>, %arg5: memref<64x64xf32, #tpu.memory_space<vmem>>, %arg6: memref<1000x64xbf16, #tpu.memory_space<vmem>>) attributes {dimension_semantics = [#tpu.dimension_semantics<arbitrary>], iteration_bounds = array<i64: 10>, scalar_prefetch = 0 : i64, scratch_operands = 0 : i64, tpu.core_type = #tpu.core_type<tc>, window_params = [{transform_indices = @transform_0, window_bounds = array<i64: 2, 1000, 64>}, {transform_indices = @transform_1, window_bounds = array<i64: 1000, 64>}, {transform_indices = @transform_2, window_bounds = array<i64: 1000, 1>}, {pipeline_mode = #tpu.pipeline_mode<synchronous>, transform_indices = @transform_3, window_bounds = array<i64: 1, 64>}, {pipeline_mode = #tpu.pipeline_mode<synchronous>, transform_indices = @transform_4, window_bounds = array<i64: 64, 64>}, {transform_indices = @transform_5, window_bounds = array<i64: 1000, 64>}]} {
    %get3A = arith.constant 0 : index
    %get3A_0 = arith.constant 0 : index
    %get3A_1 = vector.load %arg3[%get3A, %get3A_0] : memref<1000x1xf32, #tpu.memory_space<vmem>>, vector<1000x1xf32>
    %get3A_2 = arith.constant 0 : index
    %get3A_3 = arith.constant 0 : index
    %get3A_4 = arith.constant 0 : index
    %get3A_5 = vector.load %arg1[%get3A_2, %get3A_3, %get3A_4] : memref<2x1000x64xbf16, #tpu.memory_space<vmem>>, vector<1x1000x64xbf16>
    %get3A_6 = vector.shape_cast %get3A_5 : vector<1x1000x64xbf16> to vector<1000x64xbf16>
    %convert_element_type3A = arith.extf %get3A_6 : vector<1000x64xbf16> to vector<1000x64xf32>
    %get3A_7 = arith.constant 1 : index
    %get3A_8 = arith.constant 0 : index
    %get3A_9 = arith.constant 0 : index
    %get3A_10 = vector.load %arg1[%get3A_7, %get3A_8, %get3A_9] : memref<2x1000x64xbf16, #tpu.memory_space<vmem>>, vector<1x1000x64xbf16>
    %get3A_11 = vector.shape_cast %get3A_10 : vector<1x1000x64xbf16> to vector<1000x64xbf16>
    %convert_element_type3A_12 = arith.extf %get3A_11 : vector<1000x64xbf16> to vector<1000x64xf32>
    %add3A = arith.addf %convert_element_type3A, %convert_element_type3A_12 : vector<1000x64xf32>
    %get3A_13 = arith.constant 0 : index
    %get3A_14 = arith.constant 0 : index
    %get3A_15 = vector.load %arg2[%get3A_13, %get3A_14] : memref<1000x64xbf16, #tpu.memory_space<vmem>>, vector<1000x64xbf16>
    %convert_element_type3A_16 = arith.extf %get3A_15 : vector<1000x64xbf16> to vector<1000x64xf32>
    %add3A_17 = arith.addf %add3A, %convert_element_type3A_16 : vector<1000x64xf32>
    %mul3A = vector.broadcast %get3A_1 : vector<1000x1xf32> to vector<1000x64xf32>
    %mul3A_18 = arith.mulf %add3A_17, %mul3A : vector<1000x64xf32>
    %get3A_19 = arith.constant 0 : index
    %get3A_20 = arith.constant 0 : index
    %get3A_21 = vector.load %arg4[%get3A_19, %get3A_20] : memref<1x64xf32, #tpu.memory_space<vmem>>, vector<1x64xf32>
    %add3A_22 = vector.broadcast %get3A_21 : vector<1x64xf32> to vector<1000x64xf32>
    %add3A_23 = arith.addf %mul3A_18, %add3A_22 : vector<1000x64xf32>
    %max3A = arith.constant 0.000000e+00 : f32
    %max3A_24 = vector.broadcast %max3A : f32 to vector<1000x64xf32>
    %max3A_25 = arith.maximumf %add3A_23, %max3A_24 : vector<1000x64xf32>
    %get3A_26 = arith.constant 0 : index
    %get3A_27 = arith.constant 0 : index
    %get3A_28 = vector.load %arg5[%get3A_26, %get3A_27] : memref<64x64xf32, #tpu.memory_space<vmem>>, vector<64x64xf32>
    %dot_general3A = arith.constant dense<0.000000e+00> : vector<1000x64xf32>
    %dot_general3A_29 = tpu.matmul %max3A_25, %get3A_28, %dot_general3A {dimension_numbers = #tpu.dot_dimension_numbers<[1], [0], [0], [1], [0, 0, 1, 1], [], []>, transpose_lhs_hint = false} : vector<1000x64xf32>, vector<64x64xf32>, vector<1000x64xf32> -> vector<1000x64xf32>
    %mul3A_30 = vector.broadcast %get3A_1 : vector<1000x1xf32> to vector<1000x64xf32>
    %mul3A_31 = arith.mulf %dot_general3A_29, %mul3A_30 : vector<1000x64xf32>
    %convert_element_type3A_32 = arith.truncf %mul3A_31 : vector<1000x64xf32> to vector<1000x64xbf16>
    %swap3A = arith.constant 0 : index
    %swap3A_33 = arith.constant 0 : index
    %swap3A_34 = vector.load %arg6[%swap3A, %swap3A_33] : memref<1000x64xbf16, #tpu.memory_space<vmem>>, vector<1000x64xbf16>
    tpu.vector_store %arg6[%swap3A, %swap3A_33], %convert_element_type3A_32 {strides = array<i32>} : memref<1000x64xbf16, #tpu.memory_space<vmem>>, vector<1000x64xbf16>,
    return
  }
  func.func @transform_0(%arg0: i32) -> (i32, i32, i32) {
    %c0_i32 = arith.constant 0 : i32
    %c0_i32_0 = arith.constant 0 : i32
    %c0_i32_1 = arith.constant 0 : i32
    return %c0_i32, %arg0, %c0_i32_0 : i32, i32, i32
  }
  func.func @transform_1(%arg0: i32) -> (i32, i32) {
    %c0_i32 = arith.constant 0 : i32
    %c0_i32_0 = arith.constant 0 : i32
    return %arg0, %c0_i32 : i32, i32
  }
  func.func @transform_2(%arg0: i32) -> (i32, i32) {
    %c0_i32 = arith.constant 0 : i32
    %c0_i32_0 = arith.constant 0 : i32
    return %arg0, %c0_i32 : i32, i32
  }
  func.func @transform_3(%arg0: i32) -> (i32, i32) {
    %c0_i32 = arith.constant 0 : i32
    %c0_i32_0 = arith.constant 0 : i32
    %c0_i32_1 = arith.constant 0 : i32
    return %c0_i32, %c0_i32_0 : i32, i32
  }
  func.func @transform_4(%arg0: i32) -> (i32, i32) {
    %c0_i32 = arith.constant 0 : i32
    %c0_i32_0 = arith.constant 0 : i32
    %c0_i32_1 = arith.constant 0 : i32
    return %c0_i32, %c0_i32_0 : i32, i32
  }
  func.func @transform_5(%arg0: i32) -> (i32, i32) {
    %c0_i32 = arith.constant 0 : i32
    %c0_i32_0 = arith.constant 0 : i32
    return %arg0, %c0_i32 : i32, i32
  }
}

module attributes {stable_mosaic.version = 14 : i64} {
  func.func @body(%arg0: i32, %arg1: memref<2x1000x64xbf16, #tpu.memory_space<vmem>>, %arg2: memref<1000x64xbf16, #tpu.memory_space<vmem>>, %arg3: memref<1000x1xf32, #tpu.memory_space<vmem>>, %arg4: memref<1x64xf32, #tpu.memory_space<vmem>>, %arg5: memref<1000x40xf32, #tpu.memory_space<vmem>>) attributes {dimension_semantics = [#tpu.dimension_semantics<arbitrary>], iteration_bounds = array<i64: 10>, scalar_prefetch = 0 : i64, scratch_operands = 0 : i64, tpu.core_type = #tpu.core_type<tc>, window_params = [{transform_indices = @transform_0, window_bounds = array<i64: 2, 1000, 64>}, {transform_indices = @transform_1, window_bounds = array<i64: 1000, 64>}, {transform_indices = @transform_2, window_bounds = array<i64: 1000, 1>}, {pipeline_mode = #tpu.pipeline_mode<synchronous>, transform_indices = @transform_3, window_bounds = array<i64: 1, 64>}, {transform_indices = @transform_4, window_bounds = array<i64: 1000, 40>}]} {
    %get3A = arith.constant 0 : index
    %get3A_0 = arith.constant 0 : index
    %get3A_1 = arith.constant 0 : index
    %get3A_2 = vector.load %arg1[%get3A, %get3A_0, %get3A_1] : memref<2x1000x64xbf16, #tpu.memory_space<vmem>>, vector<1x1000x64xbf16>
    %get3A_3 = vector.shape_cast %get3A_2 : vector<1x1000x64xbf16> to vector<1000x64xbf16>
    %convert_element_type3A = arith.extf %get3A_3 : vector<1000x64xbf16> to vector<1000x64xf32>
    %get3A_4 = arith.constant 1 : index
    %get3A_5 = arith.constant 0 : index
    %get3A_6 = arith.constant 0 : index
    %get3A_7 = vector.load %arg1[%get3A_4, %get3A_5, %get3A_6] : memref<2x1000x64xbf16, #tpu.memory_space<vmem>>, vector<1x1000x64xbf16>
    %get3A_8 = vector.shape_cast %get3A_7 : vector<1x1000x64xbf16> to vector<1000x64xbf16>
    %convert_element_type3A_9 = arith.extf %get3A_8 : vector<1000x64xbf16> to vector<1000x64xf32>
    %add3A = arith.addf %convert_element_type3A, %convert_element_type3A_9 : vector<1000x64xf32>
    %get3A_10 = arith.constant 0 : index
    %get3A_11 = arith.constant 0 : index
    %get3A_12 = vector.load %arg2[%get3A_10, %get3A_11] : memref<1000x64xbf16, #tpu.memory_space<vmem>>, vector<1000x64xbf16>
    %convert_element_type3A_13 = arith.extf %get3A_12 : vector<1000x64xbf16> to vector<1000x64xf32>
    %add3A_14 = arith.addf %add3A, %convert_element_type3A_13 : vector<1000x64xf32>
    %get3A_15 = arith.constant 0 : index
    %get3A_16 = arith.constant 0 : index
    %get3A_17 = vector.load %arg3[%get3A_15, %get3A_16] : memref<1000x1xf32, #tpu.memory_space<vmem>>, vector<1000x1xf32>
    %mul3A = vector.broadcast %get3A_17 : vector<1000x1xf32> to vector<1000x64xf32>
    %mul3A_18 = arith.mulf %add3A_14, %mul3A : vector<1000x64xf32>
    %get3A_19 = arith.constant 0 : index
    %get3A_20 = arith.constant 0 : index
    %get3A_21 = vector.load %arg4[%get3A_19, %get3A_20] : memref<1x64xf32, #tpu.memory_space<vmem>>, vector<1x64xf32>
    %add3A_22 = vector.broadcast %get3A_21 : vector<1x64xf32> to vector<1000x64xf32>
    %add3A_23 = arith.addf %mul3A_18, %add3A_22 : vector<1000x64xf32>
    %slice3A = vector.extract_strided_slice %add3A_23 {offsets = [0, 0], sizes = [1000, 40], strides = [1, 1]} : vector<1000x64xf32> to vector<1000x40xf32>
    %swap3A = arith.constant 0 : index
    %swap3A_24 = arith.constant 0 : index
    %swap3A_25 = vector.load %arg5[%swap3A, %swap3A_24] : memref<1000x40xf32, #tpu.memory_space<vmem>>, vector<1000x40xf32>
    tpu.vector_store %arg5[%swap3A, %swap3A_24], %slice3A {strides = array<i32>} : memref<1000x40xf32, #tpu.memory_space<vmem>>, vector<1000x40xf32>,
    return
  }
  func.func @transform_0(%arg0: i32) -> (i32, i32, i32) {
    %c0_i32 = arith.constant 0 : i32
    %c0_i32_0 = arith.constant 0 : i32
    %c0_i32_1 = arith.constant 0 : i32
    return %c0_i32, %arg0, %c0_i32_0 : i32, i32, i32
  }
  func.func @transform_1(%arg0: i32) -> (i32, i32) {
    %c0_i32 = arith.constant 0 : i32
    %c0_i32_0 = arith.constant 0 : i32
    return %arg0, %c0_i32 : i32, i32
  }
  func.func @transform_2(%arg0: i32) -> (i32, i32) {
    %c0_i32 = arith.constant 0 : i32
    %c0_i32_0 = arith.constant 0 : i32
    return %arg0, %c0_i32 : i32, i32
  }
  func.func @transform_3(%arg0: i32) -> (i32, i32) {
    %c0_i32 = arith.constant 0 : i32
    %c0_i32_0 = arith.constant 0 : i32
    %c0_i32_1 = arith.constant 0 : i32
    return %c0_i32, %c0_i32_0 : i32, i32
  }
  func.func @transform_4(%arg0: i32) -> (i32, i32) {
    %c0_i32 = arith.constant 0 : i32
    %c0_i32_0 = arith.constant 0 : i32
    return %arg0, %c0_i32 : i32, i32
  }
}

</mosaic_0001>

<sc_bundles>
// kernel: kernel.11.cloned.1.call-start
scs
__scs_entry_jumppad:
0x0: {  	(pc) =	sbr.rel $0x88, $3  }
0x1: {  	(tag) =	ssettag $0x0;
	lr =	simm.s32 $0x1  }
0x2: {  	[smem:$0x3F9B] =	sst lr;
	_ =	strace $0xD0000000  }
0x3: {  	_ = 	snop  }
0x4: {  	_ = 	snop  }
0x5: {  	_ = 	snop  }
0x6: {  	_ = 	snop  }
0x7: {  	_ = 	snop  }
__scs_overlays_trampoline_lowered:
0x8: {  	[smem:$0x3FAA] =	sst s0  }
0x9: {  	[smem:$0x3FAB] =	sst s1  }
0xa: {  	[smem:$0x3FAC] =	sst s2  }
0xb: {  	[smem:$0x3FAD] =	sst s3  }
0xc: {  	[smem:$0x3FAE] =	sst s4  }
0xd: {  	[smem:$0x3FAF] =	sst s5  }
0xe: {  	[smem:$0x3FB0] =	sst s6  }
0xf: {  	[smem:$0x3FB1] =	sst s7  }
0x10: {  	[smem:$0x3FB2] =	sst s8  }
0x11: {  	[smem:$0x3FB3] =	sst s9;
	s0 =	simm.s32 @!p0 $0x0  }
0x12: {  	s1 =	sld [smem:$0x3F99];
	s0 =	simm.s32 @p0 $0x1  }
0x13: {  	[smem:$0x3FB4] =	sst s0;
	s0 =	simm.s32 @!p1 $0x0  }
0x14: {  	s2 =	sld [smem:$0x3F98];
	s0 =	simm.s32 @p1 $0x1  }
0x15: {  	[smem:$0x3FB5] =	sst s0;
	s0 =	simm.s32 @!p2 $0x0  }
0x16: {  	s3 =	sld [smem:$0x3FDB];
	s0 =	simm.s32 @p2 $0x1  }
0x17: {  	s4 =	simm.s32 $0x1BF5;
	[smem:$0x3FB7] =	sst s0  }
0x18: {  	s0 =	sld [smem:$0x3F9A];
	_ =	swait.ge [sflag:s4], $0x0  }
0x19: {  	s7 =	sld [smem:$0x3F9B]  }
0x1a: {  	s8 =	sadd.s32 $0xFFFFE003, lr  }
0x1b: {  	s9 =	sadd.s32 $0xFFFFFEF7, lr;
	s5 =	simm.s32 $0xFFFFFFFF;
	p2 =	slt.u32 s8, $0xFFFFF086  }
0x1c: {  	p1 =	slt.u32 s9, $0xF7A;
	s5 =	simm.s32 @!p2 $0x0  }
0x1d: {  	s5 =	simm.s32 @p1 $0x1;
	p0 =	seq.s32 s7, s2  }
0x1e: {  	s7 =	smul.u32 @!p0 $0xF7A, s2;
	p2 =	seq.s32 @!p0 s5, $0x0  }
0x1f: {  	s9 =	smul.u32 $0xF7A, s1;
	s8 =	simm.s32 @!p0 $0x1BF5;
	p2 =	por !p2, p0  }
0x20: {  	[sflag:s8] =	ssyncset.s32 @!p0 $0xFFFFF086;
	s6 =	sadd.s32 @!p0 s3, s7;
	s7 =	simm.s32 @!p0 $0x108  }
0x21: {  	s3 =	sadd.s32 s3, s9;
	s6 =	sadd.s32 @!p0 $0x88, s6;
	s7 =	simm.s32 @p2 $0x1082  }
0x22: {  	[simem:s7], [sflag:s8] =	dma.local @!p0 [hbm:s6], $0xF7A  }
0x23: {  	s9 =	sor.u32 $0xD0000000, s2;
	s6 =	simm.s32 $0x108;
	_ =	swait.ge @!p0 [sflag:s8], $0x0  }
0x24: {  	s3 =	sadd.s32 $0x88, s3;
	s6 =	simm.s32 @!p1 $0x1082;
	[sflag:s4] =	ssyncset.s32 $0xFFFFF086  }
0x25: {  	[simem:s6], [sflag:s4] =	dma.local [hbm:s3], $0xF7A  }
0x26: {  	[smem:$0x3F9B] =	sst s1;
	(tag) =	ssettag s2;
	_ =	strace s9  }
0x27: {  	s1 =	sld [smem:$0x3FAB]  }
0x28: {  	s2 =	sld [smem:$0x3FAC]  }
0x29: {  	s4 =	sld [smem:$0x3FAE]  }
0x2a: {  	p0 =	seq.s32 s5, $0x0;
	s5 =	sld [smem:$0x3FAF]  }
0x2b: {  	s6 =	sld [smem:$0x3FB0]  }
0x2c: {  	s7 =	sld [smem:$0x3FB1]  }
0x2d: {  	s3 =	simm.s32 $0x108;
	s8 =	sld [smem:$0x3FB2]  }
0x2e: {  	s3 =	simm.s32 @!p0 $0x1082;
	s9 =	sld [smem:$0x3FB3]  }
0x2f: {  	lr =	sadd.s32 s0, s3;
	s0 =	sld [smem:$0x3FAA]  }
0x30: {  	s3 =	sld [smem:$0x3FAD]  }
0x31: {  	[smem:$0x3FB6] =	sst s10  }
0x32: {  	s10 =	sld [smem:$0x3FB4];
	_ =	sdelay $0x3  }
0x33: {  	p0 =	seq.s32 s10, $0x1;
	s10 =	sld [smem:$0x3FB6];
	_ =	sdelay $0x3  }
0x34: {  	[smem:$0x3FB6] =	sst s10  }
0x35: {  	s10 =	sld [smem:$0x3FB5];
	_ =	sdelay $0x3  }
0x36: {  	p1 =	seq.s32 s10, $0x1;
	s10 =	sld [smem:$0x3FB6];
	_ =	sdelay $0x3  }
0x37: {  	[smem:$0x3FB6] =	sst s10  }
0x38: {  	s10 =	sld [smem:$0x3FB7]  }
0x39: {  	_ = 	snop;
	(pc) =	sbr.ind lr, $3  }
0x3a: {  	_ = 	snop  }
0x3b: {  	_ = 	snop  }
0x3c: {  	p2 =	seq.s32 s10, $0x1;
	s10 =	sld [smem:$0x3FB6]  }
0x3d: {  	_ =	shalt  }
0x3e: {  	_ =	shalt  }
0x3f: {  	_ =	shalt  }
0x40: {  	_ =	shalt  }
0x41: {  	_ =	shalt  }
0x42: {  	_ =	shalt  }
0x43: {  	_ =	shalt  }
0x44: {  	_ =	shalt  }
0x45: {  	_ =	shalt  }
0x46: {  	_ =	shalt  }
0x47: {  	_ =	shalt  }
0x48: {  	_ =	shalt  }
0x49: {  	_ =	shalt  }
0x4a: {  	_ =	shalt  }
0x4b: {  	_ =	shalt  }
0x4c: {  	_ =	shalt  }
0x4d: {  	_ =	shalt  }
0x4e: {  	_ =	shalt  }
0x4f: {  	_ =	shalt  }
0x50: {  	_ =	shalt  }
0x51: {  	_ =	shalt  }
0x52: {  	_ =	shalt  }
0x53: {  	_ =	shalt  }
0x54: {  	_ =	shalt  }
0x55: {  	_ =	shalt  }
0x56: {  	_ =	shalt  }
0x57: {  	_ =	shalt  }
0x58: {  	_ =	shalt  }
0x59: {  	_ =	shalt  }
0x5a: {  	_ =	shalt  }
0x5b: {  	_ =	shalt  }
0x5c: {  	_ =	shalt  }
0x5d: {  	_ =	shalt  }
0x5e: {  	_ =	shalt  }
0x5f: {  	_ =	shalt  }
0x60: {  	_ =	shalt  }
0x61: {  	_ =	shalt  }
0x62: {  	_ =	shalt  }
0x63: {  	_ =	shalt  }
0x64: {  	_ =	shalt  }
0x65: {  	_ =	shalt  }
0x66: {  	_ =	shalt  }
0x67: {  	_ =	shalt  }
0x68: {  	_ =	shalt  }
0x69: {  	_ =	shalt  }
0x6a: {  	_ =	shalt  }
0x6b: {  	_ =	shalt  }
0x6c: {  	_ =	shalt  }
0x6d: {  	_ =	shalt  }
0x6e: {  	_ =	shalt  }
0x6f: {  	_ =	shalt  }
0x70: {  	_ =	shalt  }
0x71: {  	_ =	shalt  }
0x72: {  	_ =	shalt  }
0x73: {  	_ =	shalt  }
0x74: {  	_ =	shalt  }
0x75: {  	_ =	shalt  }
0x76: {  	_ =	shalt  }
0x77: {  	_ =	shalt  }
0x78: {  	_ =	shalt  }
0x79: {  	_ =	shalt  }
0x7a: {  	_ =	shalt  }
0x7b: {  	_ =	shalt  }
0x7c: {  	_ =	shalt  }
0x7d: {  	_ =	shalt  }
0x7e: {  	_ =	shalt  }
0x7f: {  	_ =	shalt  }
0x80: {  	_ =	shalt  }
0x81: {  	_ =	shalt  }
0x82: {  	_ =	shalt  }
0x83: {  	_ =	shalt  }
0x84: {  	_ =	shalt  }
0x85: {  	_ =	shalt  }
0x86: {  	_ =	shalt  }
0x87: {  	_ =	shalt  }
.Lfunc_end0:
.L_simem_size_0:
called_computation.1_lowered:
.L_overlay_start_0:
0x88: {  	s2 =	sld [smem:$0x3FD9]  }
0x89: {  	s3 =	sld [smem:$0x3FFE];
	_ =	sdelay $0x1  }
0x8a: {  	s1 =	srdreg.scid  }
0x8b: {  	s0 =	sand.u32 $0x1, s1  }
0x8c: {  	s17 =	sshll.u32 s0, $0xA;
	s2 =	sadd.s32 s3, s2  }
0x8d: {  	s2 =	sadd.s32 s2, s17  }
0x8e: {  	[smem:$0x3FC2] =	sst s2  }
0x8f: {  	_ = 	snop  }
0x90: {  	s2 =	sld [smem:$0x3FD0];
	(tm) =	ssettm $0x1  }
0x91: {  	s18 =	sld [smem:$0x3FFB];
	_ =	sdelay $0x3  }
0x92: {  	_ =	strace s18  }
0x93: {  	s3 =	sld [smem:$0x3FFC];
	_ =	sdelay $0x3  }
0x94: {  	_ =	strace s3  }
0x95: {  	s3 =	sld [smem:$0x3FFD];
	_ =	sdelay $0x3  }
0x96: {  	_ =	strace s3  }
0x97: {  	_ =	strace $0x8FFFFFFF  }
0x98: {  	s19 =	sld [smem:$0x3FDB];
	_ =	sdelay $0x1  }
0x99: {  	s4 =	simm.s32 $_scs_section_size  }
0x9a: {  	s5 =	simm.s32 $_size__tile_overlayer_lowered;
	s6 =	simm.s32 $_tile_overlayer_lowered  }
0x9b: {  	s22 =	simm.s32 $0x1BFF;
	s21 =	sshll.u32 s6, $0x1;
	s3 =	sadd.s32 s4, s19  }
0x9c: {  	s7 =	simm.s32 $0x0;
	s20 =	sshll.u32 s5, $0x1;
	s5 =	sadd.s32 s21, s3  }
0x9d: {  	[timem:s7], [sflag:s22] =	dma.local [hbm:s5], s20  }
0x9e: {  	_ =	swait.ge [sflag:s22], s20  }
0x9f: {  	s4 =	ssub.s32 $0x0, s20;
	[sflag:s22] =	ssyncset.done $0x0  }
0xa0: {  	[sflag:s22] =	ssyncadd.s32 s4;
	_ =	sdelay $0x1  }
0xa1: {  	s23 =	simm.s32 $0x1B8B  }
0xa2: {  	_ =	swait.ge [sflag:s23], $0x1  }
0xa3: {  	[sflag:s23] =	ssyncset.done $0x0  }
0xa4: {  	s25 =	simm.s32 $0x1B8E;
	s24 =	sld [smem:$0x3FFE];
	[sflag:s23] =	ssyncadd.s32 $0xFFFFFFFF  }
0xa5: {  	s26 =	simm.s32 $execute0_lowered;
	[smem:$0x3FD2] =	sst s25  }
0xa6: {  	s5 =	sshll.u32 s26, $0x1;
	_ =	strace $0x80000049;
	[dreg:$0x1] =	wrdreg $0xFFFFFFFF  }
0xa7: {  	s28 =	simm.s32 $_size_execute0_lowered;
	s3 =	sadd.s32 s3, s5;
	[dreg:$0x0] =	wrdreg $0x0  }
0xa8: {  	s5 =	sshll.u32 s28, $0x1;
	[dreg:$0x2] =	wrdreg s3  }
0xa9: {  	[dreg:$0x3] =	wrdreg s5  }
0xaa: {  	[dreg:$0x4] =	wrdreg $0xC0  }
0xab: {  	_ =	task [dreg:s7], $0x5FFFF  }
0xac: {  	[dreg:$0x1] =	wrdreg $0xFFFFFFFF  }
0xad: {  	[dreg:$0x0] =	wrdreg $0x60  }
0xae: {  	[dreg:$0x2] =	wrdreg s24  }
0xaf: {  	[dreg:$0x3] =	wrdreg s2  }
0xb0: {  	[dreg:$0x4] =	wrdreg $0xD0200  }
0xb1: {  	[dreg:$0x5] =	wrdreg $0x9  }
0xb2: {  	_ =	task.clear_ibuf [dreg:s7], $0x6FFFF;
	_ =	strace $0x90000049  }
0xb3: {  	s29 =	simm.s32 $0x9;
	_ =	strace $0x8000004B  }
0xb4: {  	_ =	swait.ge [sflag:s29], $0x1  }
0xb5: {  	[sflag:s29] =	ssyncadd.s32 $0xFFFFFFFF  }
0xb6: {  	_ =	strace $0x9000004B  }
0xb7: {  	_ =	sfence  }
0xb8: {  	s30 =	sld [smem:$0x0];
	_ =	sdelay $0x2  }
0xb9: {  	s31 =	sshll.u32 s1, $0xD;
	s1 =	sshrl.u32 s1, $0x2  }
0xba: {  	s3 =	sand.u32 $0x4000, s31;
	s1 =	sadd.s32 s1, s30  }
0xbb: {  	s0 =	sor.u32 s3, s0;
	s1 =	sshll.u32 s1, $0x11  }
0xbc: {  	s0 =	sor.u32 s1, s0  }
0xbd: {  	s0 =	sadd.s32 $0x8F2B, s0  }
0xbe: {  	[sflag:s0] =	ssyncadd.remote.s32 $0x1  }
0xbf: {  	_ =	sfence.sel $0xFFFF  }
0xc0: {  	[dreg:$0x0] =	wrdreg $0xFFFFFFFF;
	(pc) =	sbr.abs _section_cstart, $3  }
0xc1: {  	[dreg:$0x1] =	wrdreg $0xFFFFFFFF  }
0xc2: {  	_ =	task.clear_ibuf [dreg:s7], $0x2FFFF;
	_ =	strace $0x9FFFFFFF  }
0xc3: {  	(tm) =	ssettm $0x7FFFFFFF  }
tec
execute0_lowered:
.L_overlay_start_1:
0x0: {  	(tag) =	ssettag $0x1  }
0x1: {  	s0 =	srdreg.scid;
	s1 =	rddreg [dreg:$0x0]  }
0x2: {  	s9 =	stileid.u32;
	s3 =	rddreg [dreg:$0x1];
	s23 =	simm.s32 $0x0  }
0x3: {  	s11 =	simm.s32 $0xCD00;
	s12 =	simm.s32 $0x11;
	s13 =	simm.s32 $0x1  }
0x4: {  	s14 =	simm.s32 $0x2;
	s15 =	simm.s32 $0x7D;
	s16 =	simm.s32 $0x5000  }
0x5: {  	s18 =	simm.s32 $0x5FA0;
	s20 =	simm.s32 $0x6F40;
	s28 =	simm.s32 $0xADC0  }
0x6: {  	s29 =	simm.s32 $0xBD60;
	s30 =	simm.s32 $0x3;
	s31 =	simm.s32 $0x9  }
0x7: {  	s10 =	simm.s32 $0xB;
	s17 =	simm.s32 $0xE;
	s22 =	simm.s32 $0x0  }
0x8: {  	s0 =	sand.u32 $0x1, s0;
	[smem:$0x7FF] =	sst s23;
	s7 =	smul.u32 $0x9C40, s9  }
0x9: {  	s2 =	sshll.u32 s0, $0x4;
	s6 =	smul.u32 $0x9C400, s0;
	s0 =	ssub.s32 $0x2, s0  }
0xa: {  	s4 =	sor.u32 s9, s2;
	s2 =	rddreg [dreg:$0x2];
	s9 =	smul.u32 $0x13880, s9  }
0xb: {  	_ =	strace $0x8000004A;
	s24 =	sshrl.u32 s0, $0x1;
	s5 =	smul.u32 $0x500, s4  }
0xc: {  	s4 =	sadd.s32 $0x1800, s1;
	s6 =	sadd.s32 s7, s6;
	s0 =	ssub.s32 s0, s24  }
0xd: {  	s24 =	simm.s32 $0x8E80;
	s6 =	sshrl.u32 s6, $0x4;
	s26 =	sshrl.u32 s9, $0x2  }
.Ltmp0:
0xe: {  	s0 =	smax.u32 s0, $0x1;
	s8 =	sadd.s32 s5, s1;
	(pc) =	sbr.rel .LBB2_1-.Ltmp0, $4  }
0xf: {  	s1 =	sadd.s32 s6, s1;
	s3 =	sadd.s32 s3, s5;
	[dreg:$0x7] =	wrdreg s0  }
0x10: {  	s0 =	simm.s32 $0x8;
	[dreg:$0x4] =	wrdreg s3;
	s25 =	sadd.s32 $0xC000, s8  }
0x11: {  	s1 =	sadd.s32 $0x16000, s1;
	s8 =	sadd.s32 s26, s2;
	[dreg:$0x5] =	wrdreg s25  }
0x12: {  	v0 =	vimm.bf16 $0.0e+00;
	s26 =	simm.s32 $0x9E20;
	[dreg:$0x6] =	wrdreg s1;
	s1 =	simm.s32 $0x5  }
.LBB2_6:
0x13: {  	s3 =	simm.s32 $0xF  }
0x14: {  	_ =	swait.ge [sflag:s3], $0xFA0  }
0x15: {  	[sflag:s3] =	ssyncset.done $0x0  }
0x16: {  	s21 =	simm.s32 $0x10;
	[sflag:s3] =	ssyncadd.s32 $0xFFFFF060  }
0x17: {  	_ =	swait.ge [sflag:s21], $0xFA0  }
0x18: {  	[sflag:s21] =	ssyncset.done $0x0  }
0x19: {  	s23 =	stileid.u32;
	[sflag:s21] =	ssyncadd.s32 $0xFFFFF060  }
0x1a: {  	s3 =	sshll.u32 s23, $0x6;
	[bflag:$0x0] =	sbarrier.arrive $0xFFFF  }
0x1b: {  	s5 =	sshrl.u32 s8, $0x3;
	s3 =	sor.u32 $0x1C11, s3;
	s6 =	rddreg [dreg:$0x6]  }
0x1c: {  	[hbm:s6], [sflag:s3] =	dma.local [spmem:s5], $0x9C4  }
0x1d: {  	_ =	swait.ge [sflag:s12], $0x9C4  }
0x1e: {  	s22 =	sadd.s32 $0x1, s22;
	s25 =	rddreg [dreg:$0x7]  }
0x1f: {  	p0 =	sne.s32 s22, s25  }
.Ltmp1:
0x20: {  	_ = 	snop;
	(pc) =	sbr.rel @!p0 .LBB2_7-.Ltmp1, $3  }
0x21: {  	_ =	sdelay $0x1  }
0x22: {  	[sflag:s12] =	ssyncset.done $0x0  }
0x23: {  	[sflag:s12] =	ssyncadd.s32 $0xFFFFF63C  }
.LBB2_1:
0x24: {  	s3 =	simm.s32 $0x0;
	s5 =	rddreg [dreg:$0x4]  }
0x25: {  	[tilespmem:s3], [sflag:$0x1] =	stream.linear.gather [hbm4b:s5+s3], $0x2800, $0x38;
	[tilespmem:$0x11E40] =	vst v63  }
0x26: {  	s23 =	rddreg [dreg:$0x5];
	s6 =	simm.s32 $0x2800  }
0x27: {  	[tilespmem:s6], [sflag:$0x2] =	stream.linear.gather [hbm4b:s23+s3], $0x2800, $0x38;
	[tilespmem:$0x11E40] =	vst v63  }
0x28: {  	[tilespmem:$0xCD00] =	vst v0  }
0x29: {  	[tilespmem:$0xCD10] =	vst v0  }
0x2a: {  	[tilespmem:$0xCD20] =	vst v0  }
0x2b: {  	[tilespmem:$0xCD30] =	vst v0  }
0x2c: {  	[tilespmem:$0xCD40] =	vst v0  }
0x2d: {  	[tilespmem:$0xCD50] =	vst v0  }
0x2e: {  	[tilespmem:$0xCD60] =	vst v0  }
0x2f: {  	[tilespmem:$0xCD70] =	vst v0  }
0x30: {  	[tilespmem:$0xCD80] =	vst v0  }
0x31: {  	[tilespmem:$0xCD90] =	vst v0  }
0x32: {  	[tilespmem:$0xCDA0] =	vst v0  }
0x33: {  	[tilespmem:$0xCDB0] =	vst v0  }
0x34: {  	[tilespmem:$0xCDC0] =	vst v0  }
0x35: {  	[tilespmem:$0xCDD0] =	vst v0  }
0x36: {  	[tilespmem:$0xCDE0] =	vst v0  }
0x37: {  	[tilespmem:$0xCDF0] =	vst v0  }
0x38: {  	[tilespmem:$0xCE00] =	vst v0  }
0x39: {  	[tilespmem:$0xCE10] =	vst v0  }
0x3a: {  	[tilespmem:$0xCE20] =	vst v0  }
0x3b: {  	[tilespmem:$0xCE30] =	vst v0  }
0x3c: {  	[tilespmem:$0xCE40] =	vst v0  }
0x3d: {  	[tilespmem:$0xCE50] =	vst v0  }
0x3e: {  	[tilespmem:$0xCE60] =	vst v0  }
0x3f: {  	[tilespmem:$0xCE70] =	vst v0  }
0x40: {  	[tilespmem:$0xCE80] =	vst v0  }
0x41: {  	[tilespmem:$0xCE90] =	vst v0  }
0x42: {  	[tilespmem:$0xCEA0] =	vst v0  }
0x43: {  	[tilespmem:$0xCEB0] =	vst v0  }
0x44: {  	[tilespmem:$0xCEC0] =	vst v0  }
0x45: {  	[tilespmem:$0xCED0] =	vst v0  }
0x46: {  	[tilespmem:$0xCEE0] =	vst v0  }
0x47: {  	[tilespmem:$0xCEF0] =	vst v0  }
0x48: {  	[tilespmem:$0xCF00] =	vst v0  }
0x49: {  	[tilespmem:$0xCF10] =	vst v0  }
0x4a: {  	[tilespmem:$0xCF20] =	vst v0  }
0x4b: {  	[tilespmem:$0xCF30] =	vst v0  }
0x4c: {  	[tilespmem:$0xCF40] =	vst v0  }
0x4d: {  	[tilespmem:$0xCF50] =	vst v0  }
0x4e: {  	[tilespmem:$0xCF60] =	vst v0  }
0x4f: {  	[tilespmem:$0xCF70] =	vst v0  }
0x50: {  	[tilespmem:$0xCF80] =	vst v0  }
0x51: {  	[tilespmem:$0xCF90] =	vst v0  }
0x52: {  	[tilespmem:$0xCFA0] =	vst v0  }
0x53: {  	[tilespmem:$0xCFB0] =	vst v0  }
0x54: {  	[tilespmem:$0xCFC0] =	vst v0  }
0x55: {  	[tilespmem:$0xCFD0] =	vst v0  }
0x56: {  	[tilespmem:$0xCFE0] =	vst v0  }
0x57: {  	[tilespmem:$0xCFF0] =	vst v0  }
0x58: {  	[tilespmem:$0xD000] =	vst v0  }
0x59: {  	s25 =	sadd.s32 $0x0, s8;
	[tilespmem:$0xD010] =	vst v0  }
0x5a: {  	[spmem:s25] =	stream.linear.scatter [tilespmem:s11], [sflag:$0x11], $0x320, $0x38;
	[tilespmem:$0x11E40] =	vst v63  }
0x5b: {  	s3 =	simm.s32 $0xC80;
	_ =	swait.ge [sflag:s12], $0x320  }
.LBB2_2:
0x5c: {  	s5 =	sshra.s32 s3, $0x2;
	[sflag:s12] =	ssyncset.done $0x0;
	p0 =	sne.s32 s3, $0x12C00  }
.Ltmp2:
0x5d: {  	s5 =	sadd.s32 s5, s8;
	[sflag:s12] =	ssyncadd.s32 $0xFFFFFCE0;
	(pc) =	sbr.rel @p0 .LBB2_2-.Ltmp2, $3  }
0x5e: {  	[spmem:s5] =	stream.linear.scatter [tilespmem:s11], [sflag:$0x11], $0x320, $0x38;
	[tilespmem:$0x11E40] =	vst v63  }
0x5f: {  	s3 =	sadd.s32 $0xC80, s3;
	_ =	sdelay $0x1  }
0x60: {  	_ =	swait.ge [sflag:s12], $0x320  }
0x61: {  	[sflag:s12] =	ssyncset.done $0x0  }
0x62: {  	[sflag:s12] =	ssyncadd.s32 $0xFFFFFCE0  }
0x63: {  	_ =	swait.ge [sflag:s13], $0x2800  }
0x64: {  	[sflag:s13] =	ssyncset.done $0x0  }
0x65: {  	[sflag:s13] =	ssyncadd.s32 $0xFFFFD800  }
0x66: {  	_ =	swait.ge [sflag:s14], $0x2800  }
0x67: {  	[sflag:s14] =	ssyncset.done $0x0  }
0x68: {  	[sflag:s14] =	ssyncadd.s32 $0xFFFFD800  }
0x69: {  	s23 =	simm.s32 $0x0;
	[bflag:$0x0] =	sbarrier.arrive $0xFFFF  }
0x6a: {  	[tilespmem:s16], [sflag:$0x1] =	stream.indirect.gather [hbm4b:s4+s15], $0x20, s23, s15, $0xb8;
	[tilespmem:$0x11E40] =	vst v63  }
0x6b: {  	s3 =	simm.s32 $0x80  }
0x6c: {  	[tilespmem:s18], [sflag:$0x2] =	stream.indirect.gather [hbm4b:s4+s15], $0x20, s3, s15, $0xb8;
	[tilespmem:$0x11E40] =	vst v63  }
0x6d: {  	s9 =	simm.s32 $0x100  }
0x6e: {  	[tilespmem:s20], [sflag:$0x3] =	stream.indirect.gather [hbm4b:s4+s15], $0x20, s9, s15, $0xb8;
	[tilespmem:$0x11E40] =	vst v63  }
0x6f: {  	s19 =	simm.s32 $0x180;
	s5 =	simm.s32 $0x7EE0  }
0x70: {  	[tilespmem:s5], [sflag:$0x4] =	stream.indirect.gather [hbm4b:s4+s15], $0x20, s19, s15, $0xb8;
	[tilespmem:$0x11E40] =	vst v63  }
0x71: {  	s21 =	simm.s32 $0x200  }
0x72: {  	[tilespmem:s24], [sflag:$0x5] =	stream.indirect.gather [hbm4b:s4+s15], $0x20, s21, s15, $0xb8;
	[tilespmem:$0x11E40] =	vst v63  }
0x73: {  	s25 =	simm.s32 $0x280  }
0x74: {  	[tilespmem:s26], [sflag:$0x6] =	stream.indirect.gather [hbm4b:s4+s15], $0x20, s25, s15, $0xb8;
	[tilespmem:$0x11E40] =	vst v63  }
.LBB2_4:
0x75: {  	_ =	swait.ge [sflag:s13], $0xFA0  }
0x76: {  	s25 =	sshra.s32 s23, $0x2;
	[sflag:s13] =	ssyncset.done $0x0  }
0x77: {  	p0 =	seq.s32 s23, $0x0;
	s3 =	sadd.s32 $0x2800, s25;
	[sflag:s13] =	ssyncadd.s32 $0xFFFFF060  }
0x78: {  	[spmem:s2] =	stream.indirect.scatter.add.bf16 [tilespmem:s16], [sflag:$0x9], $0x20, s3, s15, $0xb8;
	[tilespmem:$0x11E40] =	vst v63  }
0x79: {  	s3 =	simm.s32 @!p0 $0xF  }
0x7a: {  	_ =	swait.ge @!p0 [sflag:s3], $0xFA0  }
0x7b: {  	[sflag:s3] =	ssyncset.done @!p0 $0x0  }
0x7c: {  	s6 =	sadd.s32 $0x300, s25;
	[sflag:s3] =	ssyncadd.s32 @!p0 $0xFFFFF060  }
0x7d: {  	[tilespmem:s28], [sflag:$0x7] =	stream.indirect.gather [hbm4b:s4+s15], $0x20, s6, s15, $0xb8;
	[tilespmem:$0x11E40] =	vst v63  }
0x7e: {  	_ =	swait.ge [sflag:s14], $0xFA0  }
0x7f: {  	[sflag:s14] =	ssyncset.done $0x0  }
0x80: {  	s7 =	sadd.s32 $0x2880, s25;
	s3 =	simm.s32 @!p0 $0x10;
	[sflag:s14] =	ssyncadd.s32 $0xFFFFF060  }
0x81: {  	[spmem:s2] =	stream.indirect.scatter.add.bf16 [tilespmem:s18], [sflag:$0xA], $0x20, s7, s15, $0xb8;
	[tilespmem:$0x11E40] =	vst v63  }
0x82: {  	_ =	swait.ge @!p0 [sflag:s3], $0xFA0  }
0x83: {  	[sflag:s3] =	ssyncset.done @!p0 $0x0  }
0x84: {  	s9 =	sadd.s32 $0x380, s25;
	[sflag:s3] =	ssyncadd.s32 @!p0 $0xFFFFF060  }
0x85: {  	[tilespmem:s29], [sflag:$0x8] =	stream.indirect.gather [hbm4b:s4+s15], $0x20, s9, s15, $0xb8;
	[tilespmem:$0x11E40] =	vst v63  }
0x86: {  	_ =	swait.ge [sflag:s30], $0xFA0  }
0x87: {  	[sflag:s30] =	ssyncset.done $0x0  }
0x88: {  	s19 =	sadd.s32 $0x2900, s25;
	[sflag:s30] =	ssyncadd.s32 $0xFFFFF060  }
0x89: {  	[spmem:s2] =	stream.indirect.scatter.add.bf16 [tilespmem:s20], [sflag:$0xB], $0x20, s19, s15, $0xb8;
	[tilespmem:$0x11E40] =	vst v63  }
0x8a: {  	_ =	swait.ge [sflag:s31], $0xFA0  }
0x8b: {  	p0 =	seq.s32 s23, $0x9000;
	[sflag:s31] =	ssyncset.done $0x0  }
0x8c: {  	s3 =	simm.s32 @p0 $0x4;
	[sflag:s31] =	ssyncadd.s32 $0xFFFFF060  }
0x8d: {  	_ =	swait.ge @p0 [sflag:s3], $0xFA0  }
0x8e: {  	s6 =	sshra.s32 @p0 s23, $0x2;
	s7 =	simm.s32 @p0 $0x7D;
	[sflag:s3] =	ssyncset.done @p0 $0x0  }
0x8f: {  	s5 =	simm.s32 @p0 $0x7EE0;
	[sflag:s3] =	ssyncadd.s32 @p0 $0xFFFFF060;
	s3 =	sadd.s32 @p0 $0x2980, s6  }
0x90: {  	[spmem:s2] =	stream.indirect.scatter.add.bf16 @p0 [tilespmem:s5], [sflag:$0xC], $0x20, s3, s7, $0xb8;
	[tilespmem:$0x11E40] =	vst v63  }
0x91: {  	s3 =	simm.s32 @p0 $0xA  }
0x92: {  	_ =	swait.ge @p0 [sflag:s3], $0xFA0  }
0x93: {  	[sflag:s3] =	ssyncset.done @p0 $0x0  }
0x94: {  	[sflag:s3] =	ssyncadd.s32 @p0 $0xFFFFF060;
	s3 =	sshra.s32 @!p0 s23, $0x2  }
0x95: {  	s19 =	simm.s32 @!p0 $0x5000;
	s5 =	simm.s32 @!p0 $0x7D;
	s9 =	sadd.s32 @!p0 $0x400, s3  }
0x96: {  	[tilespmem:s19], [sflag:$0x1] =	stream.indirect.gather @!p0 [hbm4b:s4+s5], $0x20, s9, s5, $0xb8;
	[tilespmem:$0x11E40] =	vst v63  }
0x97: {  	s9 =	simm.s32 @!p0 $0x4  }
0x98: {  	_ =	swait.ge @!p0 [sflag:s9], $0xFA0  }
0x99: {  	[sflag:s9] =	ssyncset.done @!p0 $0x0  }
0x9a: {  	s19 =	simm.s32 @!p0 $0x7EE0;
	[sflag:s9] =	ssyncadd.s32 @!p0 $0xFFFFF060;
	s9 =	sadd.s32 @!p0 $0x2980, s3  }
0x9b: {  	[spmem:s2] =	stream.indirect.scatter.add.bf16 @!p0 [tilespmem:s19], [sflag:$0xC], $0x20, s9, s5, $0xb8;
	[tilespmem:$0x11E40] =	vst v63  }
0x9c: {  	s9 =	simm.s32 @!p0 $0xA  }
0x9d: {  	_ =	swait.ge @!p0 [sflag:s9], $0xFA0  }
0x9e: {  	[sflag:s9] =	ssyncset.done @!p0 $0x0  }
0x9f: {  	s21 =	simm.s32 @!p0 $0x5FA0;
	[sflag:s9] =	ssyncadd.s32 @!p0 $0xFFFFF060;
	s9 =	sadd.s32 @!p0 $0x480, s3  }
0xa0: {  	[tilespmem:s21], [sflag:$0x2] =	stream.indirect.gather @!p0 [hbm4b:s4+s5], $0x20, s9, s5, $0xb8;
	[tilespmem:$0x11E40] =	vst v63  }
0xa1: {  	_ =	swait.ge [sflag:s1], $0xFA0  }
0xa2: {  	[sflag:s1] =	ssyncset.done $0x0  }
0xa3: {  	s21 =	sadd.s32 $0x2A00, s25;
	[sflag:s1] =	ssyncadd.s32 $0xFFFFF060  }
0xa4: {  	[spmem:s2] =	stream.indirect.scatter.add.bf16 [tilespmem:s24], [sflag:$0xD], $0x20, s21, s15, $0xb8;
	[tilespmem:$0x11E40] =	vst v63  }
0xa5: {  	_ =	swait.ge [sflag:s10], $0xFA0  }
0xa6: {  	[sflag:s10] =	ssyncset.done $0x0  }
0xa7: {  	s9 =	simm.s32 @p0 $0x6;
	[sflag:s10] =	ssyncadd.s32 $0xFFFFF060  }
0xa8: {  	_ =	swait.ge @p0 [sflag:s9], $0xFA0  }
0xa9: {  	[sflag:s9] =	ssyncset.done @p0 $0x0  }
0xaa: {  	s21 =	simm.s32 @p0 $0x9E20;
	[sflag:s9] =	ssyncadd.s32 @p0 $0xFFFFF060;
	s9 =	sadd.s32 @p0 $0x2A80, s6  }
0xab: {  	[spmem:s2] =	stream.indirect.scatter.add.bf16 @p0 [tilespmem:s21], [sflag:$0xE], $0x20, s9, s7, $0xb8;
	[tilespmem:$0x11E40] =	vst v63  }
0xac: {  	s9 =	simm.s32 @p0 $0xC  }
0xad: {  	_ =	swait.ge @p0 [sflag:s9], $0xFA0  }
0xae: {  	[sflag:s9] =	ssyncset.done @p0 $0x0  }
0xaf: {  	[sflag:s9] =	ssyncadd.s32 @p0 $0xFFFFF060;
	s9 =	simm.s32 @p0 $0x7  }
0xb0: {  	_ =	swait.ge @p0 [sflag:s9], $0xFA0  }
0xb1: {  	[sflag:s9] =	ssyncset.done @p0 $0x0  }
0xb2: {  	s6 =	sadd.s32 @p0 $0x2B00, s6;
	[sflag:s9] =	ssyncadd.s32 @p0 $0xFFFFF060;
	s9 =	simm.s32 @p0 $0xADC0  }
0xb3: {  	[spmem:s2] =	stream.indirect.scatter.add.bf16 @p0 [tilespmem:s9], [sflag:$0xF], $0x20, s6, s7, $0xb8;
	[tilespmem:$0x11E40] =	vst v63  }
0xb4: {  	s6 =	simm.s32 @p0 $0xD  }
0xb5: {  	_ =	swait.ge @p0 [sflag:s6], $0xFA0  }
0xb6: {  	[sflag:s6] =	ssyncset.done @p0 $0x0  }
0xb7: {  	s7 =	simm.s32 @!p0 $0x6F40;
	[sflag:s6] =	ssyncadd.s32 @p0 $0xFFFFF060;
	s6 =	sadd.s32 @!p0 $0x500, s3  }
0xb8: {  	[tilespmem:s7], [sflag:$0x3] =	stream.indirect.gather @!p0 [hbm4b:s4+s5], $0x20, s6, s5, $0xb8;
	[tilespmem:$0x11E40] =	vst v63  }
0xb9: {  	s6 =	simm.s32 @!p0 $0x6  }
0xba: {  	_ =	swait.ge @!p0 [sflag:s6], $0xFA0  }
0xbb: {  	[sflag:s6] =	ssyncset.done @!p0 $0x0  }
0xbc: {  	s7 =	simm.s32 @!p0 $0x9E20;
	[sflag:s6] =	ssyncadd.s32 @!p0 $0xFFFFF060;
	s6 =	sadd.s32 @!p0 $0x2A80, s3  }
0xbd: {  	[spmem:s2] =	stream.indirect.scatter.add.bf16 @!p0 [tilespmem:s7], [sflag:$0xE], $0x20, s6, s5, $0xb8;
	[tilespmem:$0x11E40] =	vst v63  }
0xbe: {  	s6 =	simm.s32 @!p0 $0xC  }
0xbf: {  	_ =	swait.ge @!p0 [sflag:s6], $0xFA0  }
0xc0: {  	[sflag:s6] =	ssyncset.done @!p0 $0x0  }
0xc1: {  	[sflag:s6] =	ssyncadd.s32 @!p0 $0xFFFFF060;
	s6 =	sadd.s32 @!p0 $0x580, s3  }
0xc2: {  	[tilespmem:s19], [sflag:$0x4] =	stream.indirect.gather @!p0 [hbm4b:s4+s5], $0x20, s6, s5, $0xb8;
	[tilespmem:$0x11E40] =	vst v63  }
0xc3: {  	s6 =	simm.s32 @!p0 $0x7  }
0xc4: {  	_ =	swait.ge @!p0 [sflag:s6], $0xFA0  }
0xc5: {  	[sflag:s6] =	ssyncset.done @!p0 $0x0  }
0xc6: {  	s7 =	simm.s32 @!p0 $0xADC0;
	[sflag:s6] =	ssyncadd.s32 @!p0 $0xFFFFF060;
	s6 =	sadd.s32 @!p0 $0x2B00, s3  }
0xc7: {  	[spmem:s2] =	stream.indirect.scatter.add.bf16 @!p0 [tilespmem:s7], [sflag:$0xF], $0x20, s6, s5, $0xb8;
	[tilespmem:$0x11E40] =	vst v63  }
0xc8: {  	s6 =	simm.s32 @!p0 $0xD  }
0xc9: {  	_ =	swait.ge @!p0 [sflag:s6], $0xFA0  }
0xca: {  	[sflag:s6] =	ssyncset.done @!p0 $0x0  }
0xcb: {  	s3 =	sadd.s32 @!p0 $0x600, s3;
	[sflag:s6] =	ssyncadd.s32 @!p0 $0xFFFFF060;
	s6 =	simm.s32 @!p0 $0x8E80  }
0xcc: {  	[tilespmem:s6], [sflag:$0x5] =	stream.indirect.gather @!p0 [hbm4b:s4+s5], $0x20, s3, s5, $0xb8;
	[tilespmem:$0x11E40] =	vst v63  }
0xcd: {  	_ =	swait.ge [sflag:s0], $0xFA0  }
0xce: {  	[sflag:s0] =	ssyncset.done $0x0  }
.Ltmp3:
0xcf: {  	s21 =	sadd.s32 $0x2B80, s25;
	[sflag:s0] =	ssyncadd.s32 $0xFFFFF060;
	(pc) =	sbr.rel @p0 .LBB2_6-.Ltmp3, $4  }
0xd0: {  	[spmem:s2] =	stream.indirect.scatter.add.bf16 [tilespmem:s29], [sflag:$0x10], $0x20, s21, s15, $0xb8;
	[tilespmem:$0x11E40] =	vst v63  }
0xd1: {  	_ =	swait.ge [sflag:s17], $0xFA0  }
0xd2: {  	[sflag:s17] =	ssyncset.done $0x0  }
0xd3: {  	[sflag:s17] =	ssyncadd.s32 $0xFFFFF060  }
.Ltmp4:
0xd4: {  	(pc) =	sbr.rel .LBB2_4-.Ltmp4, $3  }
0xd5: {  	_ =	sdelay $0x1  }
0xd6: {  	s3 =	sadd.s32 $0x680, s25;
	s23 =	sadd.s32 $0x1000, s23  }
0xd7: {  	[tilespmem:s26], [sflag:$0x6] =	stream.indirect.gather [hbm4b:s4+s15], $0x20, s3, s15, $0xb8;
	[tilespmem:$0x11E40] =	vst v63  }
.LBB2_7:
0xd8: {  	_ =	sfence.sel $0x180000  }
0xd9: {  	[bflag:$0x0] =	sbarrier.arrive $0xFFFF  }
0xda: {  	_ =	strace $0x9000004A  }
0xdb: {  	s0 =	stileid.u32;
	[bflag:$0x2] =	sbarrier.arrive $0xFFFF  }
0xdc: {  	p0 =	sne.s32 s0, $0x0;
	s0 =	rddreg [dreg:$0x3]  }
0xdd: {  	s0 =	sadd.s32 @!p0 $0x100000, s0  }
0xde: {  	[sflag:s0] =	ssyncadd.tile.s32 @!p0 $0x1;
	_ =	shalt  }
.Lfunc_end2:
_tile_overlayer_lowered:
.L_overlay_start_2:
0xdf: {  	(tag) =	ssettag $0x2  }
0xe0: {  	s0 =	rddreg [dreg:$0x0];
	s2 =	stileid.u32  }
0xe1: {  	s1 =	rddreg [dreg:$0x1];
	p0 =	sne.s32 s2, $0x0  }
0xe2: {  	s3 =	rddreg [dreg:$0x2];
	[bflag:$0x3] =	sbarrier.arrive $0xFFFF;
	s2 =	simm.s32 @!p0 $0x1C11  }
0xe3: {  	[timem:s3], [sflag:s2] =	dma.local @!p0 [hbm:s0], s1  }
0xe4: {  	s0 =	simm.s32 @!p0 $0x11  }
0xe5: {  	_ =	swait.ge @!p0 [sflag:s0], s1  }
0xe6: {  	s1 =	ssub.s32 @!p0 $0x0, s1;
	[sflag:s0] =	ssyncset.done @!p0 $0x0  }
0xe7: {  	[sflag:s0] =	ssyncadd.s32 @!p0 s1  }
0xe8: {  	[bflag:$0x3] =	sbarrier.arrive $0xFFFF  }
0xe9: {  	_ =	shalt  }

// kernel: kernel.14.cloned.1.call-start
scs
__scs_entry_jumppad:
0x0: {  	(pc) =	sbr.rel $0x88, $3  }
0x1: {  	(tag) =	ssettag $0x0;
	lr =	simm.s32 $0x1  }
0x2: {  	[smem:$0x3F9B] =	sst lr;
	_ =	strace $0xD0000000  }
0x3: {  	_ = 	snop  }
0x4: {  	_ = 	snop  }
0x5: {  	_ = 	snop  }
0x6: {  	_ = 	snop  }
0x7: {  	_ = 	snop  }
__scs_overlays_trampoline_lowered:
0x8: {  	[smem:$0x3FAA] =	sst s0  }
0x9: {  	[smem:$0x3FAB] =	sst s1  }
0xa: {  	[smem:$0x3FAC] =	sst s2  }
0xb: {  	[smem:$0x3FAD] =	sst s3  }
0xc: {  	[smem:$0x3FAE] =	sst s4  }
0xd: {  	[smem:$0x3FAF] =	sst s5  }
0xe: {  	[smem:$0x3FB0] =	sst s6  }
0xf: {  	[smem:$0x3FB1] =	sst s7  }
0x10: {  	[smem:$0x3FB2] =	sst s8  }
0x11: {  	[smem:$0x3FB3] =	sst s9;
	s0 =	simm.s32 @!p0 $0x0  }
0x12: {  	s1 =	sld [smem:$0x3F99];
	s0 =	simm.s32 @p0 $0x1  }
0x13: {  	[smem:$0x3FB4] =	sst s0;
	s0 =	simm.s32 @!p1 $0x0  }
0x14: {  	s2 =	sld [smem:$0x3F98];
	s0 =	simm.s32 @p1 $0x1  }
0x15: {  	[smem:$0x3FB5] =	sst s0;
	s0 =	simm.s32 @!p2 $0x0  }
0x16: {  	s3 =	sld [smem:$0x3FDB];
	s0 =	simm.s32 @p2 $0x1  }
0x17: {  	s4 =	simm.s32 $0x1BF5;
	[smem:$0x3FB7] =	sst s0  }
0x18: {  	s0 =	sld [smem:$0x3F9A];
	_ =	swait.ge [sflag:s4], $0x0  }
0x19: {  	s7 =	sld [smem:$0x3F9B]  }
0x1a: {  	s8 =	sadd.s32 $0xFFFFE003, lr  }
0x1b: {  	s9 =	sadd.s32 $0xFFFFFEF7, lr;
	s5 =	simm.s32 $0xFFFFFFFF;
	p2 =	slt.u32 s8, $0xFFFFF086  }
0x1c: {  	p1 =	slt.u32 s9, $0xF7A;
	s5 =	simm.s32 @!p2 $0x0  }
0x1d: {  	s5 =	simm.s32 @p1 $0x1;
	p0 =	seq.s32 s7, s2  }
0x1e: {  	s7 =	smul.u32 @!p0 $0xF7A, s2;
	p2 =	seq.s32 @!p0 s5, $0x0  }
0x1f: {  	s9 =	smul.u32 $0xF7A, s1;
	s8 =	simm.s32 @!p0 $0x1BF5;
	p2 =	por !p2, p0  }
0x20: {  	[sflag:s8] =	ssyncset.s32 @!p0 $0xFFFFF086;
	s6 =	sadd.s32 @!p0 s3, s7;
	s7 =	simm.s32 @!p0 $0x108  }
0x21: {  	s3 =	sadd.s32 s3, s9;
	s6 =	sadd.s32 @!p0 $0x88, s6;
	s7 =	simm.s32 @p2 $0x1082  }
0x22: {  	[simem:s7], [sflag:s8] =	dma.local @!p0 [hbm:s6], $0xF7A  }
0x23: {  	s9 =	sor.u32 $0xD0000000, s2;
	s6 =	simm.s32 $0x108;
	_ =	swait.ge @!p0 [sflag:s8], $0x0  }
0x24: {  	s3 =	sadd.s32 $0x88, s3;
	s6 =	simm.s32 @!p1 $0x1082;
	[sflag:s4] =	ssyncset.s32 $0xFFFFF086  }
0x25: {  	[simem:s6], [sflag:s4] =	dma.local [hbm:s3], $0xF7A  }
0x26: {  	[smem:$0x3F9B] =	sst s1;
	(tag) =	ssettag s2;
	_ =	strace s9  }
0x27: {  	s1 =	sld [smem:$0x3FAB]  }
0x28: {  	s2 =	sld [smem:$0x3FAC]  }
0x29: {  	s4 =	sld [smem:$0x3FAE]  }
0x2a: {  	p0 =	seq.s32 s5, $0x0;
	s5 =	sld [smem:$0x3FAF]  }
0x2b: {  	s6 =	sld [smem:$0x3FB0]  }
0x2c: {  	s7 =	sld [smem:$0x3FB1]  }
0x2d: {  	s3 =	simm.s32 $0x108;
	s8 =	sld [smem:$0x3FB2]  }
0x2e: {  	s3 =	simm.s32 @!p0 $0x1082;
	s9 =	sld [smem:$0x3FB3]  }
0x2f: {  	lr =	sadd.s32 s0, s3;
	s0 =	sld [smem:$0x3FAA]  }
0x30: {  	s3 =	sld [smem:$0x3FAD]  }
0x31: {  	[smem:$0x3FB6] =	sst s10  }
0x32: {  	s10 =	sld [smem:$0x3FB4];
	_ =	sdelay $0x3  }
0x33: {  	p0 =	seq.s32 s10, $0x1;
	s10 =	sld [smem:$0x3FB6];
	_ =	sdelay $0x3  }
0x34: {  	[smem:$0x3FB6] =	sst s10  }
0x35: {  	s10 =	sld [smem:$0x3FB5];
	_ =	sdelay $0x3  }
0x36: {  	p1 =	seq.s32 s10, $0x1;
	s10 =	sld [smem:$0x3FB6];
	_ =	sdelay $0x3  }
0x37: {  	[smem:$0x3FB6] =	sst s10  }
0x38: {  	s10 =	sld [smem:$0x3FB7]  }
0x39: {  	_ = 	snop;
	(pc) =	sbr.ind lr, $3  }
0x3a: {  	_ = 	snop  }
0x3b: {  	_ = 	snop  }
0x3c: {  	p2 =	seq.s32 s10, $0x1;
	s10 =	sld [smem:$0x3FB6]  }
0x3d: {  	_ =	shalt  }
0x3e: {  	_ =	shalt  }
0x3f: {  	_ =	shalt  }
0x40: {  	_ =	shalt  }
0x41: {  	_ =	shalt  }
0x42: {  	_ =	shalt  }
0x43: {  	_ =	shalt  }
0x44: {  	_ =	shalt  }
0x45: {  	_ =	shalt  }
0x46: {  	_ =	shalt  }
0x47: {  	_ =	shalt  }
0x48: {  	_ =	shalt  }
0x49: {  	_ =	shalt  }
0x4a: {  	_ =	shalt  }
0x4b: {  	_ =	shalt  }
0x4c: {  	_ =	shalt  }
0x4d: {  	_ =	shalt  }
0x4e: {  	_ =	shalt  }
0x4f: {  	_ =	shalt  }
0x50: {  	_ =	shalt  }
0x51: {  	_ =	shalt  }
0x52: {  	_ =	shalt  }
0x53: {  	_ =	shalt  }
0x54: {  	_ =	shalt  }
0x55: {  	_ =	shalt  }
0x56: {  	_ =	shalt  }
0x57: {  	_ =	shalt  }
0x58: {  	_ =	shalt  }
0x59: {  	_ =	shalt  }
0x5a: {  	_ =	shalt  }
0x5b: {  	_ =	shalt  }
0x5c: {  	_ =	shalt  }
0x5d: {  	_ =	shalt  }
0x5e: {  	_ =	shalt  }
0x5f: {  	_ =	shalt  }
0x60: {  	_ =	shalt  }
0x61: {  	_ =	shalt  }
0x62: {  	_ =	shalt  }
0x63: {  	_ =	shalt  }
0x64: {  	_ =	shalt  }
0x65: {  	_ =	shalt  }
0x66: {  	_ =	shalt  }
0x67: {  	_ =	shalt  }
0x68: {  	_ =	shalt  }
0x69: {  	_ =	shalt  }
0x6a: {  	_ =	shalt  }
0x6b: {  	_ =	shalt  }
0x6c: {  	_ =	shalt  }
0x6d: {  	_ =	shalt  }
0x6e: {  	_ =	shalt  }
0x6f: {  	_ =	shalt  }
0x70: {  	_ =	shalt  }
0x71: {  	_ =	shalt  }
0x72: {  	_ =	shalt  }
0x73: {  	_ =	shalt  }
0x74: {  	_ =	shalt  }
0x75: {  	_ =	shalt  }
0x76: {  	_ =	shalt  }
0x77: {  	_ =	shalt  }
0x78: {  	_ =	shalt  }
0x79: {  	_ =	shalt  }
0x7a: {  	_ =	shalt  }
0x7b: {  	_ =	shalt  }
0x7c: {  	_ =	shalt  }
0x7d: {  	_ =	shalt  }
0x7e: {  	_ =	shalt  }
0x7f: {  	_ =	shalt  }
0x80: {  	_ =	shalt  }
0x81: {  	_ =	shalt  }
0x82: {  	_ =	shalt  }
0x83: {  	_ =	shalt  }
0x84: {  	_ =	shalt  }
0x85: {  	_ =	shalt  }
0x86: {  	_ =	shalt  }
0x87: {  	_ =	shalt  }
.Lfunc_end0:
.L_simem_size_0:
called_computation.2_lowered:
.L_overlay_start_0:
0x88: {  	s2 =	sld [smem:$0x3FD9]  }
0x89: {  	s3 =	sld [smem:$0x3FFE];
	_ =	sdelay $0x1  }
0x8a: {  	s1 =	srdreg.scid  }
0x8b: {  	s0 =	sand.u32 $0x1, s1  }
0x8c: {  	s17 =	sshll.u32 s0, $0xA;
	s2 =	sadd.s32 s3, s2  }
0x8d: {  	s2 =	sadd.s32 s2, s17  }
0x8e: {  	[smem:$0x3FC2] =	sst s2  }
0x8f: {  	_ = 	snop  }
0x90: {  	s2 =	sld [smem:$0x3FD0];
	(tm) =	ssettm $0x1  }
0x91: {  	s18 =	sld [smem:$0x3FFB];
	_ =	sdelay $0x3  }
0x92: {  	_ =	strace s18  }
0x93: {  	s3 =	sld [smem:$0x3FFC];
	_ =	sdelay $0x3  }
0x94: {  	_ =	strace s3  }
0x95: {  	s3 =	sld [smem:$0x3FFD];
	_ =	sdelay $0x3  }
0x96: {  	_ =	strace s3  }
0x97: {  	_ =	strace $0x8FFFFFFF  }
0x98: {  	s19 =	sld [smem:$0x3FDB];
	_ =	sdelay $0x1  }
0x99: {  	s4 =	simm.s32 $_scs_section_size  }
0x9a: {  	s5 =	simm.s32 $_size__tile_overlayer_lowered;
	s6 =	simm.s32 $_tile_overlayer_lowered  }
0x9b: {  	s22 =	simm.s32 $0x1BFF;
	s21 =	sshll.u32 s6, $0x1;
	s3 =	sadd.s32 s4, s19  }
0x9c: {  	s7 =	simm.s32 $0x0;
	s20 =	sshll.u32 s5, $0x1;
	s5 =	sadd.s32 s21, s3  }
0x9d: {  	[timem:s7], [sflag:s22] =	dma.local [hbm:s5], s20  }
0x9e: {  	_ =	swait.ge [sflag:s22], s20  }
0x9f: {  	s4 =	ssub.s32 $0x0, s20;
	[sflag:s22] =	ssyncset.done $0x0  }
0xa0: {  	[sflag:s22] =	ssyncadd.s32 s4;
	_ =	sdelay $0x1  }
0xa1: {  	s23 =	simm.s32 $0x1B8B  }
0xa2: {  	_ =	swait.ge [sflag:s23], $0x1  }
0xa3: {  	[sflag:s23] =	ssyncset.done $0x0  }
0xa4: {  	s25 =	simm.s32 $0x1B8E;
	s24 =	sld [smem:$0x3FFE];
	[sflag:s23] =	ssyncadd.s32 $0xFFFFFFFF  }
0xa5: {  	s26 =	simm.s32 $execute0_lowered;
	[smem:$0x3FD2] =	sst s25  }
0xa6: {  	s5 =	sshll.u32 s26, $0x1;
	_ =	strace $0x8000004C;
	[dreg:$0x1] =	wrdreg $0xFFFFFFFF  }
0xa7: {  	s28 =	simm.s32 $_size_execute0_lowered;
	s3 =	sadd.s32 s3, s5;
	[dreg:$0x0] =	wrdreg $0x0  }
0xa8: {  	s5 =	sshll.u32 s28, $0x1;
	[dreg:$0x2] =	wrdreg s3  }
0xa9: {  	[dreg:$0x3] =	wrdreg s5  }
0xaa: {  	[dreg:$0x4] =	wrdreg $0xC0  }
0xab: {  	_ =	task [dreg:s7], $0x5FFFF  }
0xac: {  	[dreg:$0x1] =	wrdreg $0xFFFFFFFF  }
0xad: {  	[dreg:$0x0] =	wrdreg $0x60  }
0xae: {  	[dreg:$0x2] =	wrdreg s24  }
0xaf: {  	[dreg:$0x3] =	wrdreg s2  }
0xb0: {  	[dreg:$0x4] =	wrdreg $0xD0200  }
0xb1: {  	[dreg:$0x5] =	wrdreg $0x9  }
0xb2: {  	_ =	task.clear_ibuf [dreg:s7], $0x6FFFF;
	_ =	strace $0x9000004C  }
0xb3: {  	s29 =	simm.s32 $0x9;
	_ =	strace $0x8000004E  }
0xb4: {  	_ =	swait.ge [sflag:s29], $0x1  }
0xb5: {  	[sflag:s29] =	ssyncadd.s32 $0xFFFFFFFF  }
0xb6: {  	_ =	strace $0x9000004E  }
0xb7: {  	_ =	sfence  }
0xb8: {  	s30 =	sld [smem:$0x0];
	_ =	sdelay $0x2  }
0xb9: {  	s31 =	sshll.u32 s1, $0xD;
	s1 =	sshrl.u32 s1, $0x2  }
0xba: {  	s3 =	sand.u32 $0x4000, s31;
	s1 =	sadd.s32 s1, s30  }
0xbb: {  	s0 =	sor.u32 s3, s0;
	s1 =	sshll.u32 s1, $0x11  }
0xbc: {  	s0 =	sor.u32 s1, s0  }
0xbd: {  	s0 =	sadd.s32 $0x8F2B, s0  }
0xbe: {  	[sflag:s0] =	ssyncadd.remote.s32 $0x1  }
0xbf: {  	_ =	sfence.sel $0xFFFF  }
0xc0: {  	[dreg:$0x0] =	wrdreg $0xFFFFFFFF;
	(pc) =	sbr.abs _section_cstart, $3  }
0xc1: {  	[dreg:$0x1] =	wrdreg $0xFFFFFFFF  }
0xc2: {  	_ =	task.clear_ibuf [dreg:s7], $0x2FFFF;
	_ =	strace $0x9FFFFFFF  }
0xc3: {  	(tm) =	ssettm $0x7FFFFFFF  }
tec
execute0_lowered:
.L_overlay_start_1:
0x0: {  	(tag) =	ssettag $0x1  }
0x1: {  	s0 =	srdreg.scid;
	s1 =	rddreg [dreg:$0x0]  }
0x2: {  	s9 =	stileid.u32;
	s3 =	rddreg [dreg:$0x1];
	s23 =	simm.s32 $0x0  }
0x3: {  	s11 =	simm.s32 $0xCD00;
	s12 =	simm.s32 $0x11;
	s13 =	simm.s32 $0x1  }
0x4: {  	s14 =	simm.s32 $0x2;
	s15 =	simm.s32 $0x7D;
	s16 =	simm.s32 $0x5000  }
0x5: {  	s18 =	simm.s32 $0x5FA0;
	s20 =	simm.s32 $0x6F40;
	s28 =	simm.s32 $0xADC0  }
0x6: {  	s29 =	simm.s32 $0xBD60;
	s30 =	simm.s32 $0x3;
	s31 =	simm.s32 $0x9  }
0x7: {  	s10 =	simm.s32 $0xB;
	s17 =	simm.s32 $0xE;
	s22 =	simm.s32 $0x0  }
0x8: {  	s0 =	sand.u32 $0x1, s0;
	[smem:$0x7FF] =	sst s23;
	s7 =	smul.u32 $0x9C40, s9  }
0x9: {  	s2 =	sshll.u32 s0, $0x4;
	s6 =	smul.u32 $0x9C400, s0;
	s0 =	ssub.s32 $0x2, s0  }
0xa: {  	s4 =	sor.u32 s9, s2;
	s2 =	rddreg [dreg:$0x2];
	s9 =	smul.u32 $0x13880, s9  }
0xb: {  	_ =	strace $0x8000004D;
	s24 =	sshrl.u32 s0, $0x1;
	s5 =	smul.u32 $0x500, s4  }
0xc: {  	s4 =	sadd.s32 $0x1800, s1;
	s6 =	sadd.s32 s7, s6;
	s0 =	ssub.s32 s0, s24  }
0xd: {  	s24 =	simm.s32 $0x8E80;
	s6 =	sshrl.u32 s6, $0x4;
	s26 =	sshrl.u32 s9, $0x2  }
.Ltmp0:
0xe: {  	s0 =	smax.u32 s0, $0x1;
	s8 =	sadd.s32 s5, s1;
	(pc) =	sbr.rel .LBB2_1-.Ltmp0, $4  }
0xf: {  	s1 =	sadd.s32 s6, s1;
	s3 =	sadd.s32 s3, s5;
	[dreg:$0x7] =	wrdreg s0  }
0x10: {  	s0 =	simm.s32 $0x8;
	[dreg:$0x4] =	wrdreg s3;
	s25 =	sadd.s32 $0xC000, s8  }
0x11: {  	s1 =	sadd.s32 $0x16000, s1;
	s8 =	sadd.s32 s26, s2;
	[dreg:$0x5] =	wrdreg s25  }
0x12: {  	v0 =	vimm.bf16 $0.0e+00;
	s26 =	simm.s32 $0x9E20;
	[dreg:$0x6] =	wrdreg s1;
	s1 =	simm.s32 $0x5  }
.LBB2_6:
0x13: {  	s3 =	simm.s32 $0xF  }
0x14: {  	_ =	swait.ge [sflag:s3], $0xFA0  }
0x15: {  	[sflag:s3] =	ssyncset.done $0x0  }
0x16: {  	s21 =	simm.s32 $0x10;
	[sflag:s3] =	ssyncadd.s32 $0xFFFFF060  }
0x17: {  	_ =	swait.ge [sflag:s21], $0xFA0  }
0x18: {  	[sflag:s21] =	ssyncset.done $0x0  }
0x19: {  	s23 =	stileid.u32;
	[sflag:s21] =	ssyncadd.s32 $0xFFFFF060  }
0x1a: {  	s3 =	sshll.u32 s23, $0x6;
	[bflag:$0x0] =	sbarrier.arrive $0xFFFF  }
0x1b: {  	s5 =	sshrl.u32 s8, $0x3;
	s3 =	sor.u32 $0x1C11, s3;
	s6 =	rddreg [dreg:$0x6]  }
0x1c: {  	[hbm:s6], [sflag:s3] =	dma.local [spmem:s5], $0x9C4  }
0x1d: {  	_ =	swait.ge [sflag:s12], $0x9C4  }
0x1e: {  	s22 =	sadd.s32 $0x1, s22;
	s25 =	rddreg [dreg:$0x7]  }
0x1f: {  	p0 =	sne.s32 s22, s25  }
.Ltmp1:
0x20: {  	_ = 	snop;
	(pc) =	sbr.rel @!p0 .LBB2_7-.Ltmp1, $3  }
0x21: {  	_ =	sdelay $0x1  }
0x22: {  	[sflag:s12] =	ssyncset.done $0x0  }
0x23: {  	[sflag:s12] =	ssyncadd.s32 $0xFFFFF63C  }
.LBB2_1:
0x24: {  	s3 =	simm.s32 $0x0;
	s5 =	rddreg [dreg:$0x4]  }
0x25: {  	[tilespmem:s3], [sflag:$0x1] =	stream.linear.gather [hbm4b:s5+s3], $0x2800, $0x38;
	[tilespmem:$0x11E40] =	vst v63  }
0x26: {  	s23 =	rddreg [dreg:$0x5];
	s6 =	simm.s32 $0x2800  }
0x27: {  	[tilespmem:s6], [sflag:$0x2] =	stream.linear.gather [hbm4b:s23+s3], $0x2800, $0x38;
	[tilespmem:$0x11E40] =	vst v63  }
0x28: {  	[tilespmem:$0xCD00] =	vst v0  }
0x29: {  	[tilespmem:$0xCD10] =	vst v0  }
0x2a: {  	[tilespmem:$0xCD20] =	vst v0  }
0x2b: {  	[tilespmem:$0xCD30] =	vst v0  }
0x2c: {  	[tilespmem:$0xCD40] =	vst v0  }
0x2d: {  	[tilespmem:$0xCD50] =	vst v0  }
0x2e: {  	[tilespmem:$0xCD60] =	vst v0  }
0x2f: {  	[tilespmem:$0xCD70] =	vst v0  }
0x30: {  	[tilespmem:$0xCD80] =	vst v0  }
0x31: {  	[tilespmem:$0xCD90] =	vst v0  }
0x32: {  	[tilespmem:$0xCDA0] =	vst v0  }
0x33: {  	[tilespmem:$0xCDB0] =	vst v0  }
0x34: {  	[tilespmem:$0xCDC0] =	vst v0  }
0x35: {  	[tilespmem:$0xCDD0] =	vst v0  }
0x36: {  	[tilespmem:$0xCDE0] =	vst v0  }
0x37: {  	[tilespmem:$0xCDF0] =	vst v0  }
0x38: {  	[tilespmem:$0xCE00] =	vst v0  }
0x39: {  	[tilespmem:$0xCE10] =	vst v0  }
0x3a: {  	[tilespmem:$0xCE20] =	vst v0  }
0x3b: {  	[tilespmem:$0xCE30] =	vst v0  }
0x3c: {  	[tilespmem:$0xCE40] =	vst v0  }
0x3d: {  	[tilespmem:$0xCE50] =	vst v0  }
0x3e: {  	[tilespmem:$0xCE60] =	vst v0  }
0x3f: {  	[tilespmem:$0xCE70] =	vst v0  }
0x40: {  	[tilespmem:$0xCE80] =	vst v0  }
0x41: {  	[tilespmem:$0xCE90] =	vst v0  }
0x42: {  	[tilespmem:$0xCEA0] =	vst v0  }
0x43: {  	[tilespmem:$0xCEB0] =	vst v0  }
0x44: {  	[tilespmem:$0xCEC0] =	vst v0  }
0x45: {  	[tilespmem:$0xCED0] =	vst v0  }
0x46: {  	[tilespmem:$0xCEE0] =	vst v0  }
0x47: {  	[tilespmem:$0xCEF0] =	vst v0  }
0x48: {  	[tilespmem:$0xCF00] =	vst v0  }
0x49: {  	[tilespmem:$0xCF10] =	vst v0  }
0x4a: {  	[tilespmem:$0xCF20] =	vst v0  }
0x4b: {  	[tilespmem:$0xCF30] =	vst v0  }
0x4c: {  	[tilespmem:$0xCF40] =	vst v0  }
0x4d: {  	[tilespmem:$0xCF50] =	vst v0  }
0x4e: {  	[tilespmem:$0xCF60] =	vst v0  }
0x4f: {  	[tilespmem:$0xCF70] =	vst v0  }
0x50: {  	[tilespmem:$0xCF80] =	vst v0  }
0x51: {  	[tilespmem:$0xCF90] =	vst v0  }
0x52: {  	[tilespmem:$0xCFA0] =	vst v0  }
0x53: {  	[tilespmem:$0xCFB0] =	vst v0  }
0x54: {  	[tilespmem:$0xCFC0] =	vst v0  }
0x55: {  	[tilespmem:$0xCFD0] =	vst v0  }
0x56: {  	[tilespmem:$0xCFE0] =	vst v0  }
0x57: {  	[tilespmem:$0xCFF0] =	vst v0  }
0x58: {  	[tilespmem:$0xD000] =	vst v0  }
0x59: {  	s25 =	sadd.s32 $0x0, s8;
	[tilespmem:$0xD010] =	vst v0  }
0x5a: {  	[spmem:s25] =	stream.linear.scatter [tilespmem:s11], [sflag:$0x11], $0x320, $0x38;
	[tilespmem:$0x11E40] =	vst v63  }
0x5b: {  	s3 =	simm.s32 $0xC80;
	_ =	swait.ge [sflag:s12], $0x320  }
.LBB2_2:
0x5c: {  	s5 =	sshra.s32 s3, $0x2;
	[sflag:s12] =	ssyncset.done $0x0;
	p0 =	sne.s32 s3, $0x12C00  }
.Ltmp2:
0x5d: {  	s5 =	sadd.s32 s5, s8;
	[sflag:s12] =	ssyncadd.s32 $0xFFFFFCE0;
	(pc) =	sbr.rel @p0 .LBB2_2-.Ltmp2, $3  }
0x5e: {  	[spmem:s5] =	stream.linear.scatter [tilespmem:s11], [sflag:$0x11], $0x320, $0x38;
	[tilespmem:$0x11E40] =	vst v63  }
0x5f: {  	s3 =	sadd.s32 $0xC80, s3;
	_ =	sdelay $0x1  }
0x60: {  	_ =	swait.ge [sflag:s12], $0x320  }
0x61: {  	[sflag:s12] =	ssyncset.done $0x0  }
0x62: {  	[sflag:s12] =	ssyncadd.s32 $0xFFFFFCE0  }
0x63: {  	_ =	swait.ge [sflag:s13], $0x2800  }
0x64: {  	[sflag:s13] =	ssyncset.done $0x0  }
0x65: {  	[sflag:s13] =	ssyncadd.s32 $0xFFFFD800  }
0x66: {  	_ =	swait.ge [sflag:s14], $0x2800  }
0x67: {  	[sflag:s14] =	ssyncset.done $0x0  }
0x68: {  	[sflag:s14] =	ssyncadd.s32 $0xFFFFD800  }
0x69: {  	s23 =	simm.s32 $0x0;
	[bflag:$0x0] =	sbarrier.arrive $0xFFFF  }
0x6a: {  	[tilespmem:s16], [sflag:$0x1] =	stream.indirect.gather [hbm4b:s4+s15], $0x20, s23, s15, $0xb8;
	[tilespmem:$0x11E40] =	vst v63  }
0x6b: {  	s3 =	simm.s32 $0x80  }
0x6c: {  	[tilespmem:s18], [sflag:$0x2] =	stream.indirect.gather [hbm4b:s4+s15], $0x20, s3, s15, $0xb8;
	[tilespmem:$0x11E40] =	vst v63  }
0x6d: {  	s9 =	simm.s32 $0x100  }
0x6e: {  	[tilespmem:s20], [sflag:$0x3] =	stream.indirect.gather [hbm4b:s4+s15], $0x20, s9, s15, $0xb8;
	[tilespmem:$0x11E40] =	vst v63  }
0x6f: {  	s19 =	simm.s32 $0x180;
	s5 =	simm.s32 $0x7EE0  }
0x70: {  	[tilespmem:s5], [sflag:$0x4] =	stream.indirect.gather [hbm4b:s4+s15], $0x20, s19, s15, $0xb8;
	[tilespmem:$0x11E40] =	vst v63  }
0x71: {  	s21 =	simm.s32 $0x200  }
0x72: {  	[tilespmem:s24], [sflag:$0x5] =	stream.indirect.gather [hbm4b:s4+s15], $0x20, s21, s15, $0xb8;
	[tilespmem:$0x11E40] =	vst v63  }
0x73: {  	s25 =	simm.s32 $0x280  }
0x74: {  	[tilespmem:s26], [sflag:$0x6] =	stream.indirect.gather [hbm4b:s4+s15], $0x20, s25, s15, $0xb8;
	[tilespmem:$0x11E40] =	vst v63  }
.LBB2_4:
0x75: {  	_ =	swait.ge [sflag:s13], $0xFA0  }
0x76: {  	s25 =	sshra.s32 s23, $0x2;
	[sflag:s13] =	ssyncset.done $0x0  }
0x77: {  	p0 =	seq.s32 s23, $0x0;
	s3 =	sadd.s32 $0x2800, s25;
	[sflag:s13] =	ssyncadd.s32 $0xFFFFF060  }
0x78: {  	[spmem:s2] =	stream.indirect.scatter.add.bf16 [tilespmem:s16], [sflag:$0x9], $0x20, s3, s15, $0xb8;
	[tilespmem:$0x11E40] =	vst v63  }
0x79: {  	s3 =	simm.s32 @!p0 $0xF  }
0x7a: {  	_ =	swait.ge @!p0 [sflag:s3], $0xFA0  }
0x7b: {  	[sflag:s3] =	ssyncset.done @!p0 $0x0  }
0x7c: {  	s6 =	sadd.s32 $0x300, s25;
	[sflag:s3] =	ssyncadd.s32 @!p0 $0xFFFFF060  }
0x7d: {  	[tilespmem:s28], [sflag:$0x7] =	stream.indirect.gather [hbm4b:s4+s15], $0x20, s6, s15, $0xb8;
	[tilespmem:$0x11E40] =	vst v63  }
0x7e: {  	_ =	swait.ge [sflag:s14], $0xFA0  }
0x7f: {  	[sflag:s14] =	ssyncset.done $0x0  }
0x80: {  	s7 =	sadd.s32 $0x2880, s25;
	s3 =	simm.s32 @!p0 $0x10;
	[sflag:s14] =	ssyncadd.s32 $0xFFFFF060  }
0x81: {  	[spmem:s2] =	stream.indirect.scatter.add.bf16 [tilespmem:s18], [sflag:$0xA], $0x20, s7, s15, $0xb8;
	[tilespmem:$0x11E40] =	vst v63  }
0x82: {  	_ =	swait.ge @!p0 [sflag:s3], $0xFA0  }
0x83: {  	[sflag:s3] =	ssyncset.done @!p0 $0x0  }
0x84: {  	s9 =	sadd.s32 $0x380, s25;
	[sflag:s3] =	ssyncadd.s32 @!p0 $0xFFFFF060  }
0x85: {  	[tilespmem:s29], [sflag:$0x8] =	stream.indirect.gather [hbm4b:s4+s15], $0x20, s9, s15, $0xb8;
	[tilespmem:$0x11E40] =	vst v63  }
0x86: {  	_ =	swait.ge [sflag:s30], $0xFA0  }
0x87: {  	[sflag:s30] =	ssyncset.done $0x0  }
0x88: {  	s19 =	sadd.s32 $0x2900, s25;
	[sflag:s30] =	ssyncadd.s32 $0xFFFFF060  }
0x89: {  	[spmem:s2] =	stream.indirect.scatter.add.bf16 [tilespmem:s20], [sflag:$0xB], $0x20, s19, s15, $0xb8;
	[tilespmem:$0x11E40] =	vst v63  }
0x8a: {  	_ =	swait.ge [sflag:s31], $0xFA0  }
0x8b: {  	p0 =	seq.s32 s23, $0x9000;
	[sflag:s31] =	ssyncset.done $0x0  }
0x8c: {  	s3 =	simm.s32 @p0 $0x4;
	[sflag:s31] =	ssyncadd.s32 $0xFFFFF060  }
0x8d: {  	_ =	swait.ge @p0 [sflag:s3], $0xFA0  }
0x8e: {  	s6 =	sshra.s32 @p0 s23, $0x2;
	s7 =	simm.s32 @p0 $0x7D;
	[sflag:s3] =	ssyncset.done @p0 $0x0  }
0x8f: {  	s5 =	simm.s32 @p0 $0x7EE0;
	[sflag:s3] =	ssyncadd.s32 @p0 $0xFFFFF060;
	s3 =	sadd.s32 @p0 $0x2980, s6  }
0x90: {  	[spmem:s2] =	stream.indirect.scatter.add.bf16 @p0 [tilespmem:s5], [sflag:$0xC], $0x20, s3, s7, $0xb8;
	[tilespmem:$0x11E40] =	vst v63  }
0x91: {  	s3 =	simm.s32 @p0 $0xA  }
0x92: {  	_ =	swait.ge @p0 [sflag:s3], $0xFA0  }
0x93: {  	[sflag:s3] =	ssyncset.done @p0 $0x0  }
0x94: {  	[sflag:s3] =	ssyncadd.s32 @p0 $0xFFFFF060;
	s3 =	sshra.s32 @!p0 s23, $0x2  }
0x95: {  	s19 =	simm.s32 @!p0 $0x5000;
	s5 =	simm.s32 @!p0 $0x7D;
	s9 =	sadd.s32 @!p0 $0x400, s3  }
0x96: {  	[tilespmem:s19], [sflag:$0x1] =	stream.indirect.gather @!p0 [hbm4b:s4+s5], $0x20, s9, s5, $0xb8;
	[tilespmem:$0x11E40] =	vst v63  }
0x97: {  	s9 =	simm.s32 @!p0 $0x4  }
0x98: {  	_ =	swait.ge @!p0 [sflag:s9], $0xFA0  }
0x99: {  	[sflag:s9] =	ssyncset.done @!p0 $0x0  }
0x9a: {  	s19 =	simm.s32 @!p0 $0x7EE0;
	[sflag:s9] =	ssyncadd.s32 @!p0 $0xFFFFF060;
	s9 =	sadd.s32 @!p0 $0x2980, s3  }
0x9b: {  	[spmem:s2] =	stream.indirect.scatter.add.bf16 @!p0 [tilespmem:s19], [sflag:$0xC], $0x20, s9, s5, $0xb8;
	[tilespmem:$0x11E40] =	vst v63  }
0x9c: {  	s9 =	simm.s32 @!p0 $0xA  }
0x9d: {  	_ =	swait.ge @!p0 [sflag:s9], $0xFA0  }
0x9e: {  	[sflag:s9] =	ssyncset.done @!p0 $0x0  }
0x9f: {  	s21 =	simm.s32 @!p0 $0x5FA0;
	[sflag:s9] =	ssyncadd.s32 @!p0 $0xFFFFF060;
	s9 =	sadd.s32 @!p0 $0x480, s3  }
0xa0: {  	[tilespmem:s21], [sflag:$0x2] =	stream.indirect.gather @!p0 [hbm4b:s4+s5], $0x20, s9, s5, $0xb8;
	[tilespmem:$0x11E40] =	vst v63  }
0xa1: {  	_ =	swait.ge [sflag:s1], $0xFA0  }
0xa2: {  	[sflag:s1] =	ssyncset.done $0x0  }
0xa3: {  	s21 =	sadd.s32 $0x2A00, s25;
	[sflag:s1] =	ssyncadd.s32 $0xFFFFF060  }
0xa4: {  	[spmem:s2] =	stream.indirect.scatter.add.bf16 [tilespmem:s24], [sflag:$0xD], $0x20, s21, s15, $0xb8;
	[tilespmem:$0x11E40] =	vst v63  }
0xa5: {  	_ =	swait.ge [sflag:s10], $0xFA0  }
0xa6: {  	[sflag:s10] =	ssyncset.done $0x0  }
0xa7: {  	s9 =	simm.s32 @p0 $0x6;
	[sflag:s10] =	ssyncadd.s32 $0xFFFFF060  }
0xa8: {  	_ =	swait.ge @p0 [sflag:s9], $0xFA0  }
0xa9: {  	[sflag:s9] =	ssyncset.done @p0 $0x0  }
0xaa: {  	s21 =	simm.s32 @p0 $0x9E20;
	[sflag:s9] =	ssyncadd.s32 @p0 $0xFFFFF060;
	s9 =	sadd.s32 @p0 $0x2A80, s6  }
0xab: {  	[spmem:s2] =	stream.indirect.scatter.add.bf16 @p0 [tilespmem:s21], [sflag:$0xE], $0x20, s9, s7, $0xb8;
	[tilespmem:$0x11E40] =	vst v63  }
0xac: {  	s9 =	simm.s32 @p0 $0xC  }
0xad: {  	_ =	swait.ge @p0 [sflag:s9], $0xFA0  }
0xae: {  	[sflag:s9] =	ssyncset.done @p0 $0x0  }
0xaf: {  	[sflag:s9] =	ssyncadd.s32 @p0 $0xFFFFF060;
	s9 =	simm.s32 @p0 $0x7  }
0xb0: {  	_ =	swait.ge @p0 [sflag:s9], $0xFA0  }
0xb1: {  	[sflag:s9] =	ssyncset.done @p0 $0x0  }
0xb2: {  	s6 =	sadd.s32 @p0 $0x2B00, s6;
	[sflag:s9] =	ssyncadd.s32 @p0 $0xFFFFF060;
	s9 =	simm.s32 @p0 $0xADC0  }
0xb3: {  	[spmem:s2] =	stream.indirect.scatter.add.bf16 @p0 [tilespmem:s9], [sflag:$0xF], $0x20, s6, s7, $0xb8;
	[tilespmem:$0x11E40] =	vst v63  }
0xb4: {  	s6 =	simm.s32 @p0 $0xD  }
0xb5: {  	_ =	swait.ge @p0 [sflag:s6], $0xFA0  }
0xb6: {  	[sflag:s6] =	ssyncset.done @p0 $0x0  }
0xb7: {  	s7 =	simm.s32 @!p0 $0x6F40;
	[sflag:s6] =	ssyncadd.s32 @p0 $0xFFFFF060;
	s6 =	sadd.s32 @!p0 $0x500, s3  }
0xb8: {  	[tilespmem:s7], [sflag:$0x3] =	stream.indirect.gather @!p0 [hbm4b:s4+s5], $0x20, s6, s5, $0xb8;
	[tilespmem:$0x11E40] =	vst v63  }
0xb9: {  	s6 =	simm.s32 @!p0 $0x6  }
0xba: {  	_ =	swait.ge @!p0 [sflag:s6], $0xFA0  }
0xbb: {  	[sflag:s6] =	ssyncset.done @!p0 $0x0  }
0xbc: {  	s7 =	simm.s32 @!p0 $0x9E20;
	[sflag:s6] =	ssyncadd.s32 @!p0 $0xFFFFF060;
	s6 =	sadd.s32 @!p0 $0x2A80, s3  }
0xbd: {  	[spmem:s2] =	stream.indirect.scatter.add.bf16 @!p0 [tilespmem:s7], [sflag:$0xE], $0x20, s6, s5, $0xb8;
	[tilespmem:$0x11E40] =	vst v63  }
0xbe: {  	s6 =	simm.s32 @!p0 $0xC  }
0xbf: {  	_ =	swait.ge @!p0 [sflag:s6], $0xFA0  }
0xc0: {  	[sflag:s6] =	ssyncset.done @!p0 $0x0  }
0xc1: {  	[sflag:s6] =	ssyncadd.s32 @!p0 $0xFFFFF060;
	s6 =	sadd.s32 @!p0 $0x580, s3  }
0xc2: {  	[tilespmem:s19], [sflag:$0x4] =	stream.indirect.gather @!p0 [hbm4b:s4+s5], $0x20, s6, s5, $0xb8;
	[tilespmem:$0x11E40] =	vst v63  }
0xc3: {  	s6 =	simm.s32 @!p0 $0x7  }
0xc4: {  	_ =	swait.ge @!p0 [sflag:s6], $0xFA0  }
0xc5: {  	[sflag:s6] =	ssyncset.done @!p0 $0x0  }
0xc6: {  	s7 =	simm.s32 @!p0 $0xADC0;
	[sflag:s6] =	ssyncadd.s32 @!p0 $0xFFFFF060;
	s6 =	sadd.s32 @!p0 $0x2B00, s3  }
0xc7: {  	[spmem:s2] =	stream.indirect.scatter.add.bf16 @!p0 [tilespmem:s7], [sflag:$0xF], $0x20, s6, s5, $0xb8;
	[tilespmem:$0x11E40] =	vst v63  }
0xc8: {  	s6 =	simm.s32 @!p0 $0xD  }
0xc9: {  	_ =	swait.ge @!p0 [sflag:s6], $0xFA0  }
0xca: {  	[sflag:s6] =	ssyncset.done @!p0 $0x0  }
0xcb: {  	s3 =	sadd.s32 @!p0 $0x600, s3;
	[sflag:s6] =	ssyncadd.s32 @!p0 $0xFFFFF060;
	s6 =	simm.s32 @!p0 $0x8E80  }
0xcc: {  	[tilespmem:s6], [sflag:$0x5] =	stream.indirect.gather @!p0 [hbm4b:s4+s5], $0x20, s3, s5, $0xb8;
	[tilespmem:$0x11E40] =	vst v63  }
0xcd: {  	_ =	swait.ge [sflag:s0], $0xFA0  }
0xce: {  	[sflag:s0] =	ssyncset.done $0x0  }
.Ltmp3:
0xcf: {  	s21 =	sadd.s32 $0x2B80, s25;
	[sflag:s0] =	ssyncadd.s32 $0xFFFFF060;
	(pc) =	sbr.rel @p0 .LBB2_6-.Ltmp3, $4  }
0xd0: {  	[spmem:s2] =	stream.indirect.scatter.add.bf16 [tilespmem:s29], [sflag:$0x10], $0x20, s21, s15, $0xb8;
	[tilespmem:$0x11E40] =	vst v63  }
0xd1: {  	_ =	swait.ge [sflag:s17], $0xFA0  }
0xd2: {  	[sflag:s17] =	ssyncset.done $0x0  }
0xd3: {  	[sflag:s17] =	ssyncadd.s32 $0xFFFFF060  }
.Ltmp4:
0xd4: {  	(pc) =	sbr.rel .LBB2_4-.Ltmp4, $3  }
0xd5: {  	_ =	sdelay $0x1  }
0xd6: {  	s3 =	sadd.s32 $0x680, s25;
	s23 =	sadd.s32 $0x1000, s23  }
0xd7: {  	[tilespmem:s26], [sflag:$0x6] =	stream.indirect.gather [hbm4b:s4+s15], $0x20, s3, s15, $0xb8;
	[tilespmem:$0x11E40] =	vst v63  }
.LBB2_7:
0xd8: {  	_ =	sfence.sel $0x180000  }
0xd9: {  	[bflag:$0x0] =	sbarrier.arrive $0xFFFF  }
0xda: {  	_ =	strace $0x9000004D  }
0xdb: {  	s0 =	stileid.u32;
	[bflag:$0x2] =	sbarrier.arrive $0xFFFF  }
0xdc: {  	p0 =	sne.s32 s0, $0x0;
	s0 =	rddreg [dreg:$0x3]  }
0xdd: {  	s0 =	sadd.s32 @!p0 $0x100000, s0  }
0xde: {  	[sflag:s0] =	ssyncadd.tile.s32 @!p0 $0x1;
	_ =	shalt  }
.Lfunc_end2:
_tile_overlayer_lowered:
.L_overlay_start_2:
0xdf: {  	(tag) =	ssettag $0x2  }
0xe0: {  	s0 =	rddreg [dreg:$0x0];
	s2 =	stileid.u32  }
0xe1: {  	s1 =	rddreg [dreg:$0x1];
	p0 =	sne.s32 s2, $0x0  }
0xe2: {  	s3 =	rddreg [dreg:$0x2];
	[bflag:$0x3] =	sbarrier.arrive $0xFFFF;
	s2 =	simm.s32 @!p0 $0x1C11  }
0xe3: {  	[timem:s3], [sflag:s2] =	dma.local @!p0 [hbm:s0], s1  }
0xe4: {  	s0 =	simm.s32 @!p0 $0x11  }
0xe5: {  	_ =	swait.ge @!p0 [sflag:s0], s1  }
0xe6: {  	s1 =	ssub.s32 @!p0 $0x0, s1;
	[sflag:s0] =	ssyncset.done @!p0 $0x0  }
0xe7: {  	[sflag:s0] =	ssyncadd.s32 @!p0 s1  }
0xe8: {  	[bflag:$0x3] =	sbarrier.arrive $0xFFFF  }
0xe9: {  	_ =	shalt  }

// kernel: kernel.8.cloned.1.call-start
scs
__scs_entry_jumppad:
0x0: {  	(pc) =	sbr.rel $0x88, $3  }
0x1: {  	(tag) =	ssettag $0x0;
	lr =	simm.s32 $0x1  }
0x2: {  	[smem:$0x3F9B] =	sst lr;
	_ =	strace $0xD0000000  }
0x3: {  	_ = 	snop  }
0x4: {  	_ = 	snop  }
0x5: {  	_ = 	snop  }
0x6: {  	_ = 	snop  }
0x7: {  	_ = 	snop  }
__scs_overlays_trampoline_lowered:
0x8: {  	[smem:$0x3FAA] =	sst s0  }
0x9: {  	[smem:$0x3FAB] =	sst s1  }
0xa: {  	[smem:$0x3FAC] =	sst s2  }
0xb: {  	[smem:$0x3FAD] =	sst s3  }
0xc: {  	[smem:$0x3FAE] =	sst s4  }
0xd: {  	[smem:$0x3FAF] =	sst s5  }
0xe: {  	[smem:$0x3FB0] =	sst s6  }
0xf: {  	[smem:$0x3FB1] =	sst s7  }
0x10: {  	[smem:$0x3FB2] =	sst s8  }
0x11: {  	[smem:$0x3FB3] =	sst s9;
	s0 =	simm.s32 @!p0 $0x0  }
0x12: {  	s1 =	sld [smem:$0x3F99];
	s0 =	simm.s32 @p0 $0x1  }
0x13: {  	[smem:$0x3FB4] =	sst s0;
	s0 =	simm.s32 @!p1 $0x0  }
0x14: {  	s2 =	sld [smem:$0x3F98];
	s0 =	simm.s32 @p1 $0x1  }
0x15: {  	[smem:$0x3FB5] =	sst s0;
	s0 =	simm.s32 @!p2 $0x0  }
0x16: {  	s3 =	sld [smem:$0x3FDB];
	s0 =	simm.s32 @p2 $0x1  }
0x17: {  	s4 =	simm.s32 $0x1BF5;
	[smem:$0x3FB7] =	sst s0  }
0x18: {  	s0 =	sld [smem:$0x3F9A];
	_ =	swait.ge [sflag:s4], $0x0  }
0x19: {  	s7 =	sld [smem:$0x3F9B]  }
0x1a: {  	s8 =	sadd.s32 $0xFFFFE003, lr  }
0x1b: {  	s9 =	sadd.s32 $0xFFFFFEF7, lr;
	s5 =	simm.s32 $0xFFFFFFFF;
	p2 =	slt.u32 s8, $0xFFFFF086  }
0x1c: {  	p1 =	slt.u32 s9, $0xF7A;
	s5 =	simm.s32 @!p2 $0x0  }
0x1d: {  	s5 =	simm.s32 @p1 $0x1;
	p0 =	seq.s32 s7, s2  }
0x1e: {  	s7 =	smul.u32 @!p0 $0xF7A, s2;
	p2 =	seq.s32 @!p0 s5, $0x0  }
0x1f: {  	s9 =	smul.u32 $0xF7A, s1;
	s8 =	simm.s32 @!p0 $0x1BF5;
	p2 =	por !p2, p0  }
0x20: {  	[sflag:s8] =	ssyncset.s32 @!p0 $0xFFFFF086;
	s6 =	sadd.s32 @!p0 s3, s7;
	s7 =	simm.s32 @!p0 $0x108  }
0x21: {  	s3 =	sadd.s32 s3, s9;
	s6 =	sadd.s32 @!p0 $0x88, s6;
	s7 =	simm.s32 @p2 $0x1082  }
0x22: {  	[simem:s7], [sflag:s8] =	dma.local @!p0 [hbm:s6], $0xF7A  }
0x23: {  	s9 =	sor.u32 $0xD0000000, s2;
	s6 =	simm.s32 $0x108;
	_ =	swait.ge @!p0 [sflag:s8], $0x0  }
0x24: {  	s3 =	sadd.s32 $0x88, s3;
	s6 =	simm.s32 @!p1 $0x1082;
	[sflag:s4] =	ssyncset.s32 $0xFFFFF086  }
0x25: {  	[simem:s6], [sflag:s4] =	dma.local [hbm:s3], $0xF7A  }
0x26: {  	[smem:$0x3F9B] =	sst s1;
	(tag) =	ssettag s2;
	_ =	strace s9  }
0x27: {  	s1 =	sld [smem:$0x3FAB]  }
0x28: {  	s2 =	sld [smem:$0x3FAC]  }
0x29: {  	s4 =	sld [smem:$0x3FAE]  }
0x2a: {  	p0 =	seq.s32 s5, $0x0;
	s5 =	sld [smem:$0x3FAF]  }
0x2b: {  	s6 =	sld [smem:$0x3FB0]  }
0x2c: {  	s7 =	sld [smem:$0x3FB1]  }
0x2d: {  	s3 =	simm.s32 $0x108;
	s8 =	sld [smem:$0x3FB2]  }
0x2e: {  	s3 =	simm.s32 @!p0 $0x1082;
	s9 =	sld [smem:$0x3FB3]  }
0x2f: {  	lr =	sadd.s32 s0, s3;
	s0 =	sld [smem:$0x3FAA]  }
0x30: {  	s3 =	sld [smem:$0x3FAD]  }
0x31: {  	[smem:$0x3FB6] =	sst s10  }
0x32: {  	s10 =	sld [smem:$0x3FB4];
	_ =	sdelay $0x3  }
0x33: {  	p0 =	seq.s32 s10, $0x1;
	s10 =	sld [smem:$0x3FB6];
	_ =	sdelay $0x3  }
0x34: {  	[smem:$0x3FB6] =	sst s10  }
0x35: {  	s10 =	sld [smem:$0x3FB5];
	_ =	sdelay $0x3  }
0x36: {  	p1 =	seq.s32 s10, $0x1;
	s10 =	sld [smem:$0x3FB6];
	_ =	sdelay $0x3  }
0x37: {  	[smem:$0x3FB6] =	sst s10  }
0x38: {  	s10 =	sld [smem:$0x3FB7]  }
0x39: {  	_ = 	snop;
	(pc) =	sbr.ind lr, $3  }
0x3a: {  	_ = 	snop  }
0x3b: {  	_ = 	snop  }
0x3c: {  	p2 =	seq.s32 s10, $0x1;
	s10 =	sld [smem:$0x3FB6]  }
0x3d: {  	_ =	shalt  }
0x3e: {  	_ =	shalt  }
0x3f: {  	_ =	shalt  }
0x40: {  	_ =	shalt  }
0x41: {  	_ =	shalt  }
0x42: {  	_ =	shalt  }
0x43: {  	_ =	shalt  }
0x44: {  	_ =	shalt  }
0x45: {  	_ =	shalt  }
0x46: {  	_ =	shalt  }
0x47: {  	_ =	shalt  }
0x48: {  	_ =	shalt  }
0x49: {  	_ =	shalt  }
0x4a: {  	_ =	shalt  }
0x4b: {  	_ =	shalt  }
0x4c: {  	_ =	shalt  }
0x4d: {  	_ =	shalt  }
0x4e: {  	_ =	shalt  }
0x4f: {  	_ =	shalt  }
0x50: {  	_ =	shalt  }
0x51: {  	_ =	shalt  }
0x52: {  	_ =	shalt  }
0x53: {  	_ =	shalt  }
0x54: {  	_ =	shalt  }
0x55: {  	_ =	shalt  }
0x56: {  	_ =	shalt  }
0x57: {  	_ =	shalt  }
0x58: {  	_ =	shalt  }
0x59: {  	_ =	shalt  }
0x5a: {  	_ =	shalt  }
0x5b: {  	_ =	shalt  }
0x5c: {  	_ =	shalt  }
0x5d: {  	_ =	shalt  }
0x5e: {  	_ =	shalt  }
0x5f: {  	_ =	shalt  }
0x60: {  	_ =	shalt  }
0x61: {  	_ =	shalt  }
0x62: {  	_ =	shalt  }
0x63: {  	_ =	shalt  }
0x64: {  	_ =	shalt  }
0x65: {  	_ =	shalt  }
0x66: {  	_ =	shalt  }
0x67: {  	_ =	shalt  }
0x68: {  	_ =	shalt  }
0x69: {  	_ =	shalt  }
0x6a: {  	_ =	shalt  }
0x6b: {  	_ =	shalt  }
0x6c: {  	_ =	shalt  }
0x6d: {  	_ =	shalt  }
0x6e: {  	_ =	shalt  }
0x6f: {  	_ =	shalt  }
0x70: {  	_ =	shalt  }
0x71: {  	_ =	shalt  }
0x72: {  	_ =	shalt  }
0x73: {  	_ =	shalt  }
0x74: {  	_ =	shalt  }
0x75: {  	_ =	shalt  }
0x76: {  	_ =	shalt  }
0x77: {  	_ =	shalt  }
0x78: {  	_ =	shalt  }
0x79: {  	_ =	shalt  }
0x7a: {  	_ =	shalt  }
0x7b: {  	_ =	shalt  }
0x7c: {  	_ =	shalt  }
0x7d: {  	_ =	shalt  }
0x7e: {  	_ =	shalt  }
0x7f: {  	_ =	shalt  }
0x80: {  	_ =	shalt  }
0x81: {  	_ =	shalt  }
0x82: {  	_ =	shalt  }
0x83: {  	_ =	shalt  }
0x84: {  	_ =	shalt  }
0x85: {  	_ =	shalt  }
0x86: {  	_ =	shalt  }
0x87: {  	_ =	shalt  }
.Lfunc_end0:
.L_simem_size_0:
called_computation_lowered:
.L_overlay_start_0:
0x88: {  	s2 =	sld [smem:$0x3FD9]  }
0x89: {  	s3 =	sld [smem:$0x3FFE];
	_ =	sdelay $0x1  }
0x8a: {  	s1 =	srdreg.scid  }
0x8b: {  	s0 =	sand.u32 $0x1, s1  }
0x8c: {  	s16 =	sshll.u32 s0, $0xA;
	s2 =	sadd.s32 s3, s2  }
0x8d: {  	s2 =	sadd.s32 s2, s16  }
0x8e: {  	[smem:$0x3FC2] =	sst s2  }
0x8f: {  	_ = 	snop  }
0x90: {  	(tm) =	ssettm $0x1  }
0x91: {  	s17 =	sld [smem:$0x3FFB];
	_ =	sdelay $0x3  }
0x92: {  	_ =	strace s17  }
0x93: {  	s2 =	sld [smem:$0x3FFC];
	_ =	sdelay $0x3  }
0x94: {  	_ =	strace s2  }
0x95: {  	s2 =	sld [smem:$0x3FFD];
	_ =	sdelay $0x3  }
0x96: {  	_ =	strace s2  }
0x97: {  	_ =	strace $0x8FFFFFFF  }
0x98: {  	s18 =	sld [smem:$0x3FDB];
	_ =	sdelay $0x1  }
0x99: {  	s19 =	simm.s32 $_scs_section_size  }
0x9a: {  	s4 =	simm.s32 $_size__tile_overlayer_lowered;
	s5 =	simm.s32 $_tile_overlayer_lowered  }
0x9b: {  	s22 =	simm.s32 $0x1BFF;
	s21 =	sshll.u32 s5, $0x1;
	s2 =	sadd.s32 s19, s18  }
0x9c: {  	s6 =	simm.s32 $0x0;
	s20 =	sshll.u32 s4, $0x1;
	s4 =	sadd.s32 s21, s2  }
0x9d: {  	[timem:s6], [sflag:s22] =	dma.local [hbm:s4], s20  }
0x9e: {  	_ =	swait.ge [sflag:s22], s20  }
0x9f: {  	s3 =	ssub.s32 $0x0, s20;
	[sflag:s22] =	ssyncset.done $0x0  }
0xa0: {  	[sflag:s22] =	ssyncadd.s32 s3;
	_ =	sdelay $0x1  }
0xa1: {  	s23 =	simm.s32 $0x1B8B  }
0xa2: {  	_ =	swait.ge [sflag:s23], $0x1  }
0xa3: {  	[sflag:s23] =	ssyncset.done $0x0  }
0xa4: {  	s25 =	simm.s32 $0x1B8E;
	s24 =	sld [smem:$0x3FFE];
	[sflag:s23] =	ssyncadd.s32 $0xFFFFFFFF  }
0xa5: {  	s26 =	simm.s32 $execute0_lowered;
	[smem:$0x3FD2] =	sst s25  }
0xa6: {  	s4 =	sshll.u32 s26, $0x1;
	_ =	strace $0x80000046;
	[dreg:$0x1] =	wrdreg $0xFFFFFFFF  }
0xa7: {  	s28 =	simm.s32 $_size_execute0_lowered;
	s2 =	sadd.s32 s2, s4;
	[dreg:$0x0] =	wrdreg $0x0  }
0xa8: {  	s4 =	sshll.u32 s28, $0x1;
	[dreg:$0x2] =	wrdreg s2  }
0xa9: {  	[dreg:$0x3] =	wrdreg s4  }
0xaa: {  	[dreg:$0x4] =	wrdreg $0xC0  }
0xab: {  	_ =	task [dreg:s6], $0x5FFFF  }
0xac: {  	[dreg:$0x1] =	wrdreg $0xFFFFFFFF  }
0xad: {  	[dreg:$0x0] =	wrdreg $0x60  }
0xae: {  	[dreg:$0x2] =	wrdreg s24  }
0xaf: {  	[dreg:$0x3] =	wrdreg $0x51900  }
0xb0: {  	[dreg:$0x4] =	wrdreg $0x9  }
0xb1: {  	_ =	task.clear_ibuf [dreg:s6], $0x5FFFF;
	_ =	strace $0x90000046  }
0xb2: {  	s29 =	simm.s32 $0x9;
	_ =	strace $0x80000048  }
0xb3: {  	_ =	swait.ge [sflag:s29], $0x1  }
0xb4: {  	[sflag:s29] =	ssyncadd.s32 $0xFFFFFFFF  }
0xb5: {  	_ =	strace $0x90000048  }
0xb6: {  	_ =	sfence  }
0xb7: {  	s30 =	sld [smem:$0x0];
	_ =	sdelay $0x2  }
0xb8: {  	s31 =	sshll.u32 s1, $0xD;
	s1 =	sshrl.u32 s1, $0x2  }
0xb9: {  	s3 =	sand.u32 $0x4000, s31;
	s1 =	sadd.s32 s1, s30  }
0xba: {  	s0 =	sor.u32 s3, s0;
	s1 =	sshll.u32 s1, $0x11  }
0xbb: {  	s0 =	sor.u32 s1, s0  }
0xbc: {  	s0 =	sadd.s32 $0x8F2B, s0  }
0xbd: {  	[sflag:s0] =	ssyncadd.remote.s32 $0x1  }
0xbe: {  	_ =	sfence.sel $0xFFFF  }
0xbf: {  	[dreg:$0x0] =	wrdreg $0xFFFFFFFF;
	(pc) =	sbr.abs _section_cstart, $3  }
0xc0: {  	[dreg:$0x1] =	wrdreg $0xFFFFFFFF  }
0xc1: {  	_ =	task.clear_ibuf [dreg:s6], $0x2FFFF;
	_ =	strace $0x9FFFFFFF  }
0xc2: {  	(tm) =	ssettm $0x7FFFFFFF  }
0xc3: {  	_ =	shalt  }
tec
execute0_lowered:
.L_overlay_start_1:
0x0: {  	(tag) =	ssettag $0x1  }
0x1: {  	s4 =	rddreg [dreg:$0x0]  }
0x2: {  	s2 =	rddreg [dreg:$0x1]  }
0x3: {  	s1 =	srdreg.scid;
	s0 =	rddreg [dreg:$0x2]  }
0x4: {  	s3 =	simm.s32 $0x0;
	s10 =	simm.s32 $0x80;
	s11 =	simm.s32 $0x4F10  }
0x5: {  	s12 =	simm.s32 $0x4F90;
	s13 =	simm.s32 $0x2F10;
	s14 =	simm.s32 $0x5010  }
0x6: {  	s15 =	simm.s32 $0x3710;
	s16 =	simm.s32 $0x5090;
	s17 =	simm.s32 $0x3F10  }
0x7: {  	s18 =	simm.s32 $0x5110;
	s19 =	simm.s32 $0x4710;
	s5 =	sand.u32 $0x1, s1  }
0x8: {  	s20 =	simm.s32 $0x0;
	s1 =	stileid.u32;
	s7 =	smul.u32 $0x2800, s5  }
0x9: {  	[smem:$0x7FF] =	sst s3;
	s6 =	sshll.u32 s5, $0x4;
	s8 =	smul.u32 $0x280, s1  }
0xa: {  	_ =	strace $0x80000047;
	s30 =	smul.u32 $0xA00, s1;
	s6 =	sor.u32 s1, s6  }
0xb: {  	s5 =	ssub.s32 $0x2, s5;
	s6 =	smul.u32 $0x4E2, s6;
	s7 =	sadd.s32 s8, s7  }
0xc: {  	s31 =	sshrl.u32 s5, $0x1;
	s8 =	sshrl.u32 s30, $0x2;
	s7 =	sshrl.u32 s7, $0x3  }
0xd: {  	s9 =	ssub.s32 s5, s31;
	s6 =	sadd.s32 s6, s4;
	s7 =	sadd.s32 s7, s4  }
0xe: {  	s4 =	sadd.s32 s8, s2;
	s8 =	simm.s32 $0x2710;
	s5 =	sadd.s32 $0x1800, s6  }
0xf: {  	v0 =	vimm.f32 $0.0e+00;
	v1 =	vlaneseq.u32;
	v2 =	vimm.f32 $1.000000000e+00;
	s6 =	sadd.s32 $0xB600, s7;
	s7 =	smax.u32 s9, $0x1;
	s9 =	simm.s32 $0x1  }
.LBB2_1:
0x10: {  	s22 =	simm.s32 $0x2750  }
0x11: {  	[tilespmem:s22+$0xFFFFFFC0] =	vst v0  }
0x12: {  	[tilespmem:s22+$0x30] =	vst v0  }
0x13: {  	[tilespmem:s22+$0x20] =	vst v0  }
0x14: {  	[tilespmem:s22+$0x10] =	vst v0  }
0x15: {  	[tilespmem:s22+$0x0] =	vst v0  }
0x16: {  	[tilespmem:s22+$0xFFFFFFF0] =	vst v0  }
0x17: {  	s23 =	simm.s32 $0x0;
	s21 =	simm.s32 $0x4F50;
	[tilespmem:s22+$0xFFFFFFE0] =	vst v0  }
.LBB2_2:
0x18: {  	s23 =	sadd.s32 $0x8, s23;
	[tilespmem:s22+$0xFFFFFFD0] =	vst v0;
	s22 =	sadd.s32 $0x80, s22  }
0x19: {  	[tilespmem:s22+$0xFFFFFFC0] =	vst v0;
	p0 =	slt.u32 s23, $0x278  }
0x1a: {  	[tilespmem:s22+$0x30] =	vst v0  }
.Ltmp0:
0x1b: {  	[tilespmem:s22+$0x20] =	vst v0;
	(pc) =	sbr.rel @p0 .LBB2_2-.Ltmp0, $4  }
0x1c: {  	[tilespmem:s22+$0x10] =	vst v0  }
0x1d: {  	[tilespmem:s22+$0x0] =	vst v0  }
0x1e: {  	[tilespmem:s22+$0xFFFFFFF0] =	vst v0  }
0x1f: {  	[tilespmem:s22+$0xFFFFFFE0] =	vst v0  }
0x20: {  	s23 =	simm.s32 $0x70  }
0x21: {  	[tilespmem:s22+$0xFFFFFFD0] =	vst v0;
	s25 =	simm.s32 $0x10;
	v3 =	vor.u32 s23, v1  }
0x22: {  	s26 =	simm.s32 $0x20;
	v4 =	vor.u32 s25, v1;
	[tilespmem:s21+$0x30] =	vst v3  }
0x23: {  	s31 =	simm.s32 $0x60;
	[tilespmem:s21+$0xFFFFFFD0] =	vst v4;
	v3 =	vor.u32 s26, v1  }
0x24: {  	s28 =	simm.s32 $0x30;
	v4 =	vor.u32 s31, v1;
	[tilespmem:s21+$0xFFFFFFE0] =	vst v3  }
0x25: {  	s29 =	simm.s32 $0x40;
	v3 =	vor.u32 s28, v1;
	[tilespmem:s21+$0x20] =	vst v4  }
0x26: {  	s30 =	simm.s32 $0x50;
	[tilespmem:s21+$0xFFFFFFF0] =	vst v3;
	v3 =	vor.u32 s29, v1  }
0x27: {  	s25 =	simm.s32 $0x0;
	[tilespmem:s21+$0x0] =	vst v3;
	v3 =	vor.u32 s30, v1  }
0x28: {  	s22 =	simm.s32 $0x80;
	s24 =	simm.s32 $0xF0;
	s23 =	simm.s32 $0x100;
	[tilespmem:s21+$0x10] =	vst v3;
	v3 =	vor.u32 s25, v1  }
.LBB2_4:
0x29: {  	p0 =	sne.s32 s23, $0x200;
	s25 =	sadd.s32 $0x10, s22;
	v4 =	vor.u32 s24, v1;
	[tilespmem:s21+$0xFFFFFFC0] =	vst v3;
	s21 =	sadd.s32 $0x80, s21  }
0x2a: {  	s24 =	sadd.s32 $0x20, s22;
	v3 =	vor.u32 s25, v1;
	[tilespmem:s21+$0x30] =	vst v4  }
0x2b: {  	[tilespmem:s21+$0xFFFFFFD0] =	vst v3;
	v3 =	vor.u32 s24, v1;
	s24 =	sadd.s32 $0x30, s22  }
.Ltmp1:
0x2c: {  	[tilespmem:s21+$0xFFFFFFE0] =	vst v3;
	v3 =	vor.u32 s24, v1;
	s24 =	sadd.s32 $0x40, s22;
	(pc) =	sbr.rel @p0 .LBB2_4-.Ltmp1, $4  }
0x2d: {  	[tilespmem:s21+$0xFFFFFFF0] =	vst v3;
	v3 =	vor.u32 s24, v1;
	s24 =	sadd.s32 $0x50, s22  }
0x2e: {  	[tilespmem:s21+$0x0] =	vst v3;
	v3 =	vor.u32 s24, v1;
	s24 =	sadd.s32 $0x60, s22  }
0x2f: {  	[tilespmem:s21+$0x10] =	vst v3;
	v4 =	vor.u32 s24, v1  }
0x30: {  	s24 =	sadd.s32 $0x70, s23;
	v3 =	vor.u32 s22, v1;
	s22 =	smov.u32 s23;
	s23 =	sadd.s32 $0x80, s23;
	[tilespmem:s21+$0x20] =	vst v4  }
0x31: {  	v4 =	vor.u32 s24, v1;
	[tilespmem:s21+$0xFFFFFFC0] =	vst v3;
	s25 =	sadd.s32 $0x80, s21  }
0x32: {  	s23 =	sadd.s32 $0x10, s22;
	v63 =	vor.u32 s22, v1;
	[tilespmem:s25+$0x30] =	vst v4  }
0x33: {  	s26 =	sadd.s32 $0x20, s22;
	v3 =	vor.u32 s23, v1;
	[tilespmem:s25+$0xFFFFFFC0] =	vst v63  }
0x34: {  	s28 =	sadd.s32 $0x30, s22;
	[tilespmem:s25+$0xFFFFFFD0] =	vst v3;
	v3 =	vor.u32 s26, v1  }
0x35: {  	s29 =	sadd.s32 $0x40, s22;
	[tilespmem:s25+$0xFFFFFFE0] =	vst v3;
	v3 =	vor.u32 s28, v1  }
0x36: {  	s30 =	sadd.s32 $0x50, s22;
	[tilespmem:s25+$0xFFFFFFF0] =	vst v3;
	v3 =	vor.u32 s29, v1  }
0x37: {  	s31 =	sadd.s32 $0x60, s22;
	[tilespmem:s25+$0x0] =	vst v3;
	v3 =	vor.u32 s30, v1  }
0x38: {  	[tilespmem:s25+$0x10] =	vst v3;
	v3 =	vor.u32 s31, v1  }
0x39: {  	[tilespmem:s25+$0x20] =	vst v3  }
0x3a: {  	[spmem:s4] =	stream.linear.scatter [tilespmem:s8], [sflag:$0x1], $0x280, $0x38;
	[tilespmem:$0x5410] =	vst v63  }
0x3b: {  	_ =	swait.ge [sflag:s9], $0x280  }
0x3c: {  	[sflag:s9] =	ssyncset.done $0x0  }
0x3d: {  	[sflag:s9] =	ssyncadd.s32 $0xFFFFFD80  }
0x3e: {  	[tilespmem:s3], [sflag:$0x1] =	stream.linear.gather [hbm4b:s5+s3], $0x2710, $0x38;
	[tilespmem:$0x5410] =	vst v63  }
0x3f: {  	_ =	swait.ge [sflag:s9], $0x2710  }
0x40: {  	[sflag:s9] =	ssyncset.done $0x0  }
0x41: {  	[sflag:s9] =	ssyncadd.s32 $0xFFFFD8F0  }
0x42: {  	s21 =	simm.s32 $0xFFFFFFF8;
	s22 =	simm.s32 $0x40;
	[bflag:$0x0] =	sbarrier.arrive $0xFFFF  }
.LBB2_6:
0x43: {  	v3 =	vld [tilespmem:s22+$0xFFFFFFC0];
	_ =	sdelay $0x7  }
0x44: {  	[tilespmem:v3+s8+$0x0] =	vst.idx.add.f32.msk $0xffff, v2  }
0x45: {  	v3 =	vld [tilespmem:s22+$0xFFFFFFD0];
	_ =	sdelay $0x7  }
0x46: {  	[tilespmem:v3+s8+$0x0] =	vst.idx.add.f32.msk $0xffff, v2  }
0x47: {  	v3 =	vld [tilespmem:s22+$0xFFFFFFE0];
	_ =	sdelay $0x7  }
0x48: {  	[tilespmem:v3+s8+$0x0] =	vst.idx.add.f32.msk $0xffff, v2  }
0x49: {  	v3 =	vld [tilespmem:s22+$0xFFFFFFF0];
	_ =	sdelay $0x7  }
0x4a: {  	[tilespmem:v3+s8+$0x0] =	vst.idx.add.f32.msk $0xffff, v2  }
0x4b: {  	v3 =	vld [tilespmem:s22+$0x0];
	_ =	sdelay $0x7  }
0x4c: {  	[tilespmem:v3+s8+$0x0] =	vst.idx.add.f32.msk $0xffff, v2  }
0x4d: {  	v3 =	vld [tilespmem:s22+$0x10];
	_ =	sdelay $0x7  }
0x4e: {  	[tilespmem:v3+s8+$0x0] =	vst.idx.add.f32.msk $0xffff, v2  }
0x4f: {  	v3 =	vld [tilespmem:s22+$0x20];
	_ =	sdelay $0x7  }
0x50: {  	[tilespmem:v3+s8+$0x0] =	vst.idx.add.f32.msk $0xffff, v2  }
0x51: {  	v3 =	vld [tilespmem:s22+$0x30];
	_ =	sdelay $0x1  }
0x52: {  	s21 =	sadd.s32 $0x8, s21  }
0x53: {  	p0 =	slt.u32 s21, $0x268  }
.Ltmp2:
0x54: {  	_ = 	snop;
	(pc) =	sbr.rel @p0 .LBB2_6-.Ltmp2, $2  }
0x55: {  	_ =	sdelay $0x2  }
0x56: {  	s22 =	sadd.s32 $0x80, s22;
	[tilespmem:v3+s8+$0x0] =	vst.idx.add.f32.msk $0xffff, v2  }
0x57: {  	v3 =	vld [tilespmem:$0x2700];
	_ =	sdelay $0x7  }
0x58: {  	[tilespmem:v3+s8+$0x0] =	vst.idx.add.f32.msk $0xffff, v2  }
0x59: {  	[spmem:s2] =	stream.indirect.scatter.add.f32 [tilespmem:s8], [sflag:$0x1], $0x10, s11, s10, $0xb8;
	[tilespmem:$0x5410] =	vst v63  }
0x5a: {  	_ =	swait.ge [sflag:s9], $0x800  }
0x5b: {  	[sflag:s9] =	ssyncset.done $0x0  }
0x5c: {  	[sflag:s9] =	ssyncadd.s32 $0xFFFFF800  }
0x5d: {  	[spmem:s2] =	stream.indirect.scatter.add.f32 [tilespmem:s13], [sflag:$0x1], $0x10, s12, s10, $0xb8;
	[tilespmem:$0x5410] =	vst v63  }
0x5e: {  	_ =	swait.ge [sflag:s9], $0x800  }
0x5f: {  	[sflag:s9] =	ssyncset.done $0x0  }
0x60: {  	[sflag:s9] =	ssyncadd.s32 $0xFFFFF800  }
0x61: {  	[spmem:s2] =	stream.indirect.scatter.add.f32 [tilespmem:s15], [sflag:$0x1], $0x10, s14, s10, $0xb8;
	[tilespmem:$0x5410] =	vst v63  }
0x62: {  	_ =	swait.ge [sflag:s9], $0x800  }
0x63: {  	[sflag:s9] =	ssyncset.done $0x0  }
0x64: {  	[sflag:s9] =	ssyncadd.s32 $0xFFFFF800  }
0x65: {  	[spmem:s2] =	stream.indirect.scatter.add.f32 [tilespmem:s17], [sflag:$0x1], $0x10, s16, s10, $0xb8;
	[tilespmem:$0x5410] =	vst v63  }
0x66: {  	_ =	swait.ge [sflag:s9], $0x800  }
0x67: {  	[sflag:s9] =	ssyncset.done $0x0  }
0x68: {  	[sflag:s9] =	ssyncadd.s32 $0xFFFFF800  }
0x69: {  	[spmem:s2] =	stream.indirect.scatter.add.f32 [tilespmem:s19], [sflag:$0x1], $0x10, s18, s10, $0xb8;
	[tilespmem:$0x5410] =	vst v63  }
0x6a: {  	_ =	swait.ge [sflag:s9], $0x800  }
0x6b: {  	s21 =	sshll.u32 s1, $0x6;
	s20 =	sadd.s32 $0x1, s20;
	[sflag:s9] =	ssyncset.done $0x0  }
0x6c: {  	s22 =	sshrl.u32 s4, $0x3;
	p0 =	sne.s32 s20, s7;
	[sflag:s9] =	ssyncadd.s32 $0xFFFFF800  }
.Ltmp3:
0x6d: {  	s21 =	sor.u32 $0x1C01, s21;
	[bflag:$0x0] =	sbarrier.arrive $0xFFFF;
	(pc) =	sbr.rel @p0 .LBB2_1-.Ltmp3, $4  }
0x6e: {  	[hbm:s6], [sflag:s21] =	dma.local [spmem:s22], $0x50  }
0x6f: {  	_ =	swait.ge [sflag:s9], $0x50  }
0x70: {  	[sflag:s9] =	ssyncset.done $0x0  }
0x71: {  	[sflag:s9] =	ssyncadd.s32 $0xFFFFFFB0  }
0x72: {  	_ =	sfence.sel $0x180000  }
0x73: {  	[bflag:$0x0] =	sbarrier.arrive $0xFFFF  }
0x74: {  	p0 =	sne.s32 s1, $0x0;
	_ =	strace $0x90000047  }
0x75: {  	s0 =	sadd.s32 @!p0 $0x100000, s0;
	[bflag:$0x2] =	sbarrier.arrive $0xFFFF  }
0x76: {  	[sflag:s0] =	ssyncadd.tile.s32 @!p0 $0x1;
	_ =	shalt  }
.Lfunc_end2:
_tile_overlayer_lowered:
.L_overlay_start_2:
0x77: {  	(tag) =	ssettag $0x2  }
0x78: {  	s0 =	rddreg [dreg:$0x0];
	s2 =	stileid.u32  }
0x79: {  	s1 =	rddreg [dreg:$0x1];
	p0 =	sne.s32 s2, $0x0  }
0x7a: {  	s3 =	rddreg [dreg:$0x2];
	[bflag:$0x3] =	sbarrier.arrive $0xFFFF;
	s2 =	simm.s32 @!p0 $0x1C01  }
0x7b: {  	[timem:s3], [sflag:s2] =	dma.local @!p0 [hbm:s0], s1  }
0x7c: {  	s0 =	simm.s32 @!p0 $0x1  }
0x7d: {  	_ =	swait.ge @!p0 [sflag:s0], s1  }
0x7e: {  	s1 =	ssub.s32 @!p0 $0x0, s1;
	[sflag:s0] =	ssyncset.done @!p0 $0x0  }
0x7f: {  	[sflag:s0] =	ssyncadd.s32 @!p0 s1  }
0x80: {  	[bflag:$0x3] =	sbarrier.arrive $0xFFFF  }
0x81: {  	_ =	shalt  }

</sc_bundles>
